<compile_context>
chip_gen: v7x
topology: tpu7x:2x2x1
jax: 0.10.2.dev20260603
libtpu: 0.0.44.dev20260713+nightly
codegen_flags: <defaults>
</compile_context>

<pallas_src>
import functools

import jax
import jax.numpy as jnp
from jax import lax
from jax.experimental import pallas as pl
from jax.experimental.pallas import tpu as pltpu
from jax.experimental.pallas import tpu_sc as plsc

PH = 7
PW = 7
LANES = 16
CHUNK = 16
MAX_CHUNKS = 72
MAX_CELLS = MAX_CHUNKS * CHUNK
NSUB = 32
INT_MIN = -2147483648


def _lane(v, j):
    lanes = lax.broadcasted_iota(jnp.int32, (LANES,), 0)
    return jnp.max(jnp.where(lanes == j, v, INT_MIN))


def _round_half_even(x):
    t = x.astype(jnp.int32)
    d = x - t.astype(jnp.float32)
    up = (d > 0.5) | ((d == 0.5) & ((t & 1) == 1))
    return t + up.astype(jnp.int32)


def _make_sc_pool(N, C, W0):
    CH = C // LANES
    PER = -(-N // NSUB)
    GROUPS = -(-PER // LANES)
    sizes = [(W0 >> l) * (W0 >> l) for l in range(4)]
    b = [0, sizes[0], sizes[0] + sizes[1], sizes[0] + sizes[1] + sizes[2]]

    def body(feat_hbm, rois_hbm, out_hbm, rois_v, idx_v, win_v, obuf, sem):
        cid = lax.axis_index("c")
        sid = lax.axis_index("s")
        wid = sid * 2 + cid
        pltpu.sync_copy(rois_hbm, rois_v)
        lanes = lax.broadcasted_iota(jnp.int32, (LANES,), 0)
        base_roi = wid * PER

        for g in range(GROUPS):
            r0 = base_roi + g * LANES
            rows = jnp.minimum(r0 + lanes, N - 1)

            def gcol(j):
                return plsc.load_gather(rois_v, [rows * 5 + j])

            x1, y1, x2, y2 = gcol(1), gcol(2), gcol(3), gcol(4)
            wh = (x2 - x1 + 1.0) * (y2 - y1 + 1.0)
            lvl = ((wh >= 12544.0).astype(jnp.int32)
                   + (wh >= 50176.0).astype(jnp.int32)
                   + (wh >= 200704.0).astype(jnp.int32))
            scale = jnp.where(lvl == 0, 0.25,
                              jnp.where(lvl == 1, 0.125,
                                        jnp.where(lvl == 2, 0.0625, 0.03125)))
            sw = _round_half_even(x1 * scale)
            sh = _round_half_even(y1 * scale)
            ew = _round_half_even(x2 * scale)
            eh = _round_half_even(y2 * scale)
            Wv = jnp.int32(W0) >> lvl
            roi_w = jnp.clip(jnp.maximum(ew - sw + 1, 1), 0, Wv + 1)
            roi_h = jnp.clip(jnp.maximum(eh - sh + 1, 1), 0, Wv + 1)
            xw = ((roi_w == 29) | (roi_w == 58) | (roi_w == 116)
                  | (roi_w == 123)).astype(jnp.int32)
            xh = ((roi_h == 29) | (roi_h == 58) | (roi_h == 116)
                  | (roi_h == 123)).astype(jnp.int32)
            h0 = jnp.clip(sh, 0, Wv)
            w0 = jnp.clip(sw, 0, Wv)
            h1 = jnp.clip(sh + roi_h + xh, 0, Wv)
            w1 = jnp.clip(sw + roi_w + xw, 0, Wv)
            win_w = w1 - w0
            cells = jnp.minimum((h1 - h0) * win_w, MAX_CELLS)
            basev = jnp.where(lvl == 0, b[0],
                              jnp.where(lvl == 1, b[1],
                                        jnp.where(lvl == 2, b[2], b[3])))
            cnt = jnp.clip(N - r0, 0, LANES)

            def roi_body(j, _):
                sh_s, sw_s = _lane(sh, j), _lane(sw, j)
                rh_s, rw_s = _lane(roi_h, j), _lane(roi_w, j)
                xh_s, xw_s = _lane(xh, j), _lane(xw, j)
                h0_s, w0_s = _lane(h0, j), _lane(w0, j)
                ww_s = jnp.maximum(_lane(win_w, j), 1)
                cells_s = _lane(cells, j)
                base_s = _lane(basev, j)
                Wv_s = _lane(Wv, j)
                nch = (cells_s + (CHUNK - 1)) // CHUNK

                def gen(t, _):
                    lin = t * LANES + lanes
                    rr = lin // ww_s
                    cc = lin - rr * ww_s
                    idx = base_s + (h0_s + rr) * Wv_s + (w0_s + cc)
                    idx_v[pl.ds(t * LANES, LANES)] = jnp.where(
                        lin < cells_s, idx, 0)
                    return 0

                lax.fori_loop(0, nch * (CHUNK // LANES), gen, 0)

                def fire(jc, _):
                    pltpu.async_copy(
                        feat_hbm.at[idx_v.at[pl.ds(jc * CHUNK, CHUNK)]],
                        win_v.at[pl.ds(jc * CHUNK, CHUNK)],
                        sem)
                    return 0

                lax.fori_loop(0, nch, fire, 0)

                def drain(i, d):
                    pltpu.make_async_copy(
                        feat_hbm.at[pl.ds(0, CHUNK)],
                        win_v.at[pl.ds(0, CHUNK)],
                        sem).wait()
                    return d

                def ubody(u, drained):
                    hs = jnp.clip((u * rh_s) // 7 + sh_s, 0, Wv_s)
                    he = ((u + 1) * rh_s + 6) // 7 + jnp.where(u == 6, xh_s, 0)
                    he = jnp.clip(he + sh_s, 0, Wv_s)
                    need = jnp.minimum(
                        ((he - h0_s) * ww_s + (CHUNK - 1)) // CHUNK, nch)
                    lax.fori_loop(0, jnp.maximum(need - drained, 0), drain, 0)
                    drained = jnp.maximum(drained, need)

                    def vbody(v, _):
                        ws = jnp.clip((v * rw_s) // 7 + sw_s, 0, Wv_s)
                        we = (((v + 1) * rw_s + 6) // 7
                              + jnp.where(v == 6, xw_s, 0))
                        we = jnp.clip(we + sw_s, 0, Wv_s)
                        neg = jnp.full((LANES,), -jnp.inf, jnp.float32)

                        def rbody(r, accs):
                            rowoff = (r - h0_s) * ww_s - w0_s

                            def cbody(c, a):
                                cell = rowoff + c
                                return tuple(
                                    jnp.maximum(
                                        a[k],
                                        win_v[cell, pl.ds(k * LANES, LANES)])
                                    for k in range(CH))

                            return lax.fori_loop(ws, we, cbody, accs)

                        accs = lax.fori_loop(hs, he, rbody, (neg,) * CH)
                        valid = (he > hs) & (we > ws)
                        off = (u * PW + v) * C
                        for k in range(CH):
                            obuf[pl.ds(off + k * LANES, LANES)] = jnp.where(
                                valid, accs[k], 0.0)
                        return 0

                    lax.fori_loop(0, PW, vbody, 0)
                    return drained

                drained = lax.fori_loop(0, PH, ubody, 0)
                lax.fori_loop(0, nch - drained, drain, 0)
                pltpu.sync_copy(obuf, out_hbm.at[r0 + j])
                return 0

            lax.fori_loop(0, cnt, roi_body, 0)

    mesh = plsc.VectorSubcoreMesh(core_axis_name="c", subcore_axis_name="s")
    return pl.kernel(
        body,
        out_type=jax.ShapeDtypeStruct((N, PH * PW * C), jnp.float32),
        mesh=mesh,
        compiler_params=pltpu.CompilerParams(
            needs_layout_passes=False, use_tc_tiling_on_sc=False),
        scratch_types=[
            pltpu.VMEM((N * 5,), jnp.float32),
            pltpu.VMEM((MAX_CELLS,), jnp.int32),
            pltpu.VMEM((MAX_CELLS, C), jnp.float32),
            pltpu.VMEM((PH * PW * C,), jnp.float32),
            pltpu.SemaphoreType.DMA,
        ],
    )


def kernel(feat0, feat1, feat2, feat3, rois):
    feats = (feat0, feat1, feat2, feat3)
    C = feat0.shape[1]
    W0 = feat0.shape[3]
    N = rois.shape[0]
    flat = jnp.concatenate(
        [jnp.transpose(f[0], (1, 2, 0)).reshape(-1, C) for f in feats], axis=0)
    out = _make_sc_pool(N, C, W0)(flat, rois.reshape(-1))
    return out.reshape(N, PH, PW, C).transpose(0, 3, 1, 2)

# --- scband reference (transcript-rebuilt; emitter-appended) ---
"""Pipeline reference for scband-fpnro-ipool-841813590619 (READ-ONLY COPY).

The authoritative reference and input builder live on the scoring server;
editing this copy changes nothing except your own understanding.
"""

import jax, jax.numpy as jnp
import numpy as np

PH = 7
PW = 7
SCALES = [0.25, 0.125, 0.0625, 0.03125]


def _roi_pool_level(feat, rois, ph, pw, scale):
    # feat: jnp [B, C, H, W]; rois: jnp [n, 5] (batch_idx, x1, y1, x2, y2)
    B, C, H, W = feat.shape
    n = rois.shape[0]
    b_idx = jnp.clip(rois[:, 0].astype(jnp.int32), 0, B - 1)
    sw = jnp.round(rois[:, 1] * scale).astype(jnp.int32)
    sh = jnp.round(rois[:, 2] * scale).astype(jnp.int32)
    ew = jnp.round(rois[:, 3] * scale).astype(jnp.int32)
    eh = jnp.round(rois[:, 4] * scale).astype(jnp.int32)
    roi_w = jnp.clip(jnp.maximum(ew - sw + 1, 1), 0, W + 1)
    roi_h = jnp.clip(jnp.maximum(eh - sh + 1, 1), 0, H + 1)
    # float64 bin-edge tables over all possible integer roi extents
    bh = np.arange(H + 2).astype(np.float64) / ph
    bw = np.arange(W + 2).astype(np.float64) / pw
    Th = np.floor(np.arange(ph)[:, None] * bh[None, :]).astype(np.int64)
    Ch = np.ceil((np.arange(ph)[:, None] + 1) * bh[None, :]).astype(np.int64)
    Tw = np.floor(np.arange(pw)[:, None] * bw[None, :]).astype(np.int64)
    Cw = np.ceil((np.arange(pw)[:, None] + 1) * bw[None, :]).astype(np.int64)
    bins = []
    for u in range(ph):
        hstart = jnp.clip(jnp.asarray(Th[u])[roi_h] + sh, 0, H)
        hend = jnp.clip(jnp.asarray(Ch[u])[roi_h] + sh, 0, H)
        mh = max(int((Ch[u] - Th[u]).max()), 1)
        for v in range(pw):
            wstart = jnp.clip(jnp.asarray(Tw[v])[roi_w] + sw, 0, W)
            wend = jnp.clip(jnp.asarray(Cw[v])[roi_w] + sw, 0, W)
            mw = max(int((Cw[v] - Tw[v]).max()), 1)
            ih = hstart[:, None] + jnp.arange(mh)[None, :]
            iw = wstart[:, None] + jnp.arange(mw)[None, :]
            mask = (ih < hend[:, None])[:, :, None] & (iw < wend[:, None])[:, None, :]
            ihc = jnp.clip(ih, 0, H - 1)
            iwc = jnp.clip(iw, 0, W - 1)
            # gather: [n, mh, mw, C]
            vals = feat[b_idx[:, None, None], :, ihc[:, :, None], iwc[:, None, :]]
            masked = jnp.where(mask[:, :, :, None], vals, -jnp.inf)
            mx = masked.max(axis=(1, 2))  # [n, C]
            valid = mask.any(axis=(1, 2))  # [n]
            bins.append(jnp.where(valid[:, None], mx, 0.0))
    out = jnp.stack(bins, axis=-1)  # [n, C, ph*pw]
    return out.reshape(n, C, ph, pw)


def _forward(feat0, feat1, feat2, feat3, rois):
    feats = [feat0, feat1, feat2, feat3]
    w = rois[:, 3] - rois[:, 1] + 1
    h = rois[:, 4] - rois[:, 2] + 1
    feat_id = jnp.clip(jnp.floor(2 + jnp.log2(jnp.sqrt(w * h) / 224.0)), 0, 3)
    out = _roi_pool_level(feats[0], rois, PH, PW, SCALES[0])
    for i in range(1, 4):
        pool_i = _roi_pool_level(feats[i], rois, PH, PW, SCALES[i])
        out = jnp.where((feat_id == i)[:, None, None, None], pool_i, out)
    return out


def setup_inputs(seed: int = 0):
    key = jax.random.key(seed)
    ks = jax.random.split(key, 4)
    C = 96
    feat0 = jax.random.normal(ks[0], (1, C, 128, 128), dtype=jnp.float32)
    feat1 = jax.random.normal(ks[1], (1, C, 64, 64), dtype=jnp.float32)
    feat2 = jax.random.normal(ks[2], (1, C, 32, 32), dtype=jnp.float32)
    feat3 = jax.random.normal(ks[3], (1, C, 16, 16), dtype=jnp.float32)
    rng = np.random.RandomState(0)
    N = 1000
    img = 512.0
    s = np.exp(rng.uniform(np.log(32.0), np.log(440.0), N))
    ar = np.exp(rng.uniform(np.log(0.5), np.log(2.0), N))
    wb = s * np.sqrt(ar)
    hb = s / np.sqrt(ar)
    cx = rng.uniform(0.0, img, N)
    cy = rng.uniform(0.0, img, N)
    x1 = np.clip(cx - wb / 2, 0, img - 1)
    y1 = np.clip(cy - hb / 2, 0, img - 1)
    x2 = np.maximum(np.clip(cx + wb / 2, 0, img - 1), x1)
    y2 = np.maximum(np.clip(cy + hb / 2, 0, img - 1), y1)
    rois = np.stack([np.zeros(N), x1, y1, x2, y2], axis=1).astype(np.float32)
    return {"feat0": feat0, "feat1": feat1, "feat2": feat2, "feat3": feat3, "rois": jnp.asarray(rois)}


def reference(feat0, feat1, feat2, feat3, rois):
    return _forward(feat0, feat1, feat2, feat3, rois)

if __name__ == "__main__":
    import jax
    _d = setup_inputs()
    print(jax.jit(kernel)(*tuple(_d.values())))

</pallas_src>

<mosaic_0001>
#map = affine_map<(d0, d1) -> (0, 0)>
#map1 = affine_map<(d0, d1) -> (0)>
module attributes {stable_mosaic.version = 14 : i64} {
  func.func @body(%arg0: i32, %arg1: i32, %arg2: memref<21760x96xf32, #tpu.memory_space<hbm>>, %arg3: memref<5000xf32, #tpu.memory_space<hbm>>, %arg4: memref<1000x4704xf32, #tpu.memory_space<hbm>>, %arg5: memref<5000xf32, #tpu.memory_space<vmem>>, %arg6: memref<1152xi32, #tpu.memory_space<vmem>>, %arg7: memref<1152x96xf32, #tpu.memory_space<vmem>>, %arg8: memref<4704xf32, #tpu.memory_space<vmem>>, %arg9: memref<!tpu.dma_semaphore, #tpu.memory_space<semaphore_mem>>) attributes {dimension_semantics = [#tpu.dimension_semantics<core_parallel>, #tpu.dimension_semantics<subcore_parallel>], iteration_bounds = array<i64: 2, 16>, scalar_prefetch = 0 : i64, scratch_operands = 5 : i64, tpu.core_type = #tpu.core_type<sc_vector_subcore>, window_params = [{transform_indices = #map}, {transform_indices = #map1}, {transform_indices = #map}]} {
    %mul3A = arith.constant 2 : i32
    %mul3A_0 = arith.muli %arg1, %mul3A : i32
    %add3A = arith.addi %mul3A_0, %arg0 : i32
    "tpu.region"() ({
      %run_scoped3A = tpu.sem_alloc : memref<!tpu.dma_semaphore, #tpu.memory_space<semaphore_mem>>
      tpu.enqueue_dma source(%arg3 : memref<5000xf32, #tpu.memory_space<hbm>>) target(%arg5 : memref<5000xf32, #tpu.memory_space<vmem>>) target_semaphore(%run_scoped3A : memref<!tpu.dma_semaphore, #tpu.memory_space<semaphore_mem>>)
      tpu.wait_dma2 semaphore(%run_scoped3A : memref<!tpu.dma_semaphore, #tpu.memory_space<semaphore_mem>>) src(%arg3 : memref<5000xf32, #tpu.memory_space<hbm>>) dst(%arg5 : memref<5000xf32, #tpu.memory_space<vmem>>)
      tpu.yield
    }) : () -> ()
    %iota3A = tpu.iota {dimensions = array<i32: 0>} : vector<16xi32>
    %mul3A_1 = arith.constant 32 : i32
    %mul3A_2 = arith.muli %add3A, %mul3A_1 : i32
    %add3A_3 = arith.constant 0 : i32
    %add3A_4 = arith.addi %mul3A_2, %add3A_3 : i32
    %add3A_5 = vector.broadcast %add3A_4 : i32 to vector<16xi32>
    %add3A_6 = arith.addi %add3A_5, %iota3A : vector<16xi32>
    %min3A = arith.constant 999 : i32
    %min3A_7 = vector.broadcast %min3A : i32 to vector<16xi32>
    %min3A_8 = arith.minsi %add3A_6, %min3A_7 : vector<16xi32>
    %mul3A_9 = arith.constant 5 : i32
    %mul3A_10 = vector.broadcast %mul3A_9 : i32 to vector<16xi32>
    %mul3A_11 = arith.muli %min3A_8, %mul3A_10 : vector<16xi32>
    %add3A_12 = arith.constant 1 : i32
    %add3A_13 = vector.broadcast %add3A_12 : i32 to vector<16xi32>
    %add3A_14 = arith.addi %mul3A_11, %add3A_13 : vector<16xi32>
    %gather3A = tpu.vector_load_idx %arg5[%add3A_14] : memref<5000xf32, #tpu.memory_space<vmem>>[vector<16xi32>], vector<16xf32>,
    %mul3A_15 = arith.constant 5 : i32
    %mul3A_16 = vector.broadcast %mul3A_15 : i32 to vector<16xi32>
    %mul3A_17 = arith.muli %min3A_8, %mul3A_16 : vector<16xi32>
    %add3A_18 = arith.constant 2 : i32
    %add3A_19 = vector.broadcast %add3A_18 : i32 to vector<16xi32>
    %add3A_20 = arith.addi %mul3A_17, %add3A_19 : vector<16xi32>
    %gather3A_21 = tpu.vector_load_idx %arg5[%add3A_20] : memref<5000xf32, #tpu.memory_space<vmem>>[vector<16xi32>], vector<16xf32>,
    %mul3A_22 = arith.constant 5 : i32
    %mul3A_23 = vector.broadcast %mul3A_22 : i32 to vector<16xi32>
    %mul3A_24 = arith.muli %min3A_8, %mul3A_23 : vector<16xi32>
    %add3A_25 = arith.constant 3 : i32
    %add3A_26 = vector.broadcast %add3A_25 : i32 to vector<16xi32>
    %add3A_27 = arith.addi %mul3A_24, %add3A_26 : vector<16xi32>
    %gather3A_28 = tpu.vector_load_idx %arg5[%add3A_27] : memref<5000xf32, #tpu.memory_space<vmem>>[vector<16xi32>], vector<16xf32>,
    %mul3A_29 = arith.constant 5 : i32
    %mul3A_30 = vector.broadcast %mul3A_29 : i32 to vector<16xi32>
    %mul3A_31 = arith.muli %min3A_8, %mul3A_30 : vector<16xi32>
    %add3A_32 = arith.constant 4 : i32
    %add3A_33 = vector.broadcast %add3A_32 : i32 to vector<16xi32>
    %add3A_34 = arith.addi %mul3A_31, %add3A_33 : vector<16xi32>
    %gather3A_35 = tpu.vector_load_idx %arg5[%add3A_34] : memref<5000xf32, #tpu.memory_space<vmem>>[vector<16xi32>], vector<16xf32>,
    %sub3A = arith.subf %gather3A_28, %gather3A : vector<16xf32>
    %add3A_36 = arith.constant 1.000000e+00 : f32
    %add3A_37 = vector.broadcast %add3A_36 : f32 to vector<16xf32>
    %add3A_38 = arith.addf %sub3A, %add3A_37 : vector<16xf32>
    %sub3A_39 = arith.subf %gather3A_35, %gather3A_21 : vector<16xf32>
    %add3A_40 = arith.constant 1.000000e+00 : f32
    %add3A_41 = vector.broadcast %add3A_40 : f32 to vector<16xf32>
    %add3A_42 = arith.addf %sub3A_39, %add3A_41 : vector<16xf32>
    %mul3A_43 = arith.mulf %add3A_38, %add3A_42 : vector<16xf32>
    %ge3A = arith.constant 1.254400e+04 : f32
    %ge3A_44 = vector.broadcast %ge3A : f32 to vector<16xf32>
    %ge3A_45 = arith.cmpf oge, %mul3A_43, %ge3A_44 : vector<16xf32>
    %convert_element_type3A = arith.extui %ge3A_45 : vector<16xi1> to vector<16xi32>
    %ge3A_46 = arith.constant 5.017600e+04 : f32
    %ge3A_47 = vector.broadcast %ge3A_46 : f32 to vector<16xf32>
    %ge3A_48 = arith.cmpf oge, %mul3A_43, %ge3A_47 : vector<16xf32>
    %convert_element_type3A_49 = arith.extui %ge3A_48 : vector<16xi1> to vector<16xi32>
    %add3A_50 = arith.addi %convert_element_type3A, %convert_element_type3A_49 : vector<16xi32>
    %ge3A_51 = arith.constant 2.007040e+05 : f32
    %ge3A_52 = vector.broadcast %ge3A_51 : f32 to vector<16xf32>
    %ge3A_53 = arith.cmpf oge, %mul3A_43, %ge3A_52 : vector<16xf32>
    %convert_element_type3A_54 = arith.extui %ge3A_53 : vector<16xi1> to vector<16xi32>
    %add3A_55 = arith.addi %add3A_50, %convert_element_type3A_54 : vector<16xi32>
    %eq3A = arith.constant 0 : i32
    %eq3A_56 = vector.broadcast %eq3A : i32 to vector<16xi32>
    %eq3A_57 = arith.cmpi eq, %add3A_55, %eq3A_56 : vector<16xi32>
    %eq3A_58 = arith.constant 1 : i32
    %eq3A_59 = vector.broadcast %eq3A_58 : i32 to vector<16xi32>
    %eq3A_60 = arith.cmpi eq, %add3A_55, %eq3A_59 : vector<16xi32>
    %eq3A_61 = arith.constant 2 : i32
    %eq3A_62 = vector.broadcast %eq3A_61 : i32 to vector<16xi32>
    %eq3A_63 = arith.cmpi eq, %add3A_55, %eq3A_62 : vector<16xi32>
    %jit3A = arith.constant 6.250000e-02 : f32
    %jit3A_64 = arith.constant 3.125000e-02 : f32
    %broadcast_in_dim3A = vector.broadcast %jit3A : f32 to vector<16xf32>
    %broadcast_in_dim3A_65 = vector.broadcast %jit3A_64 : f32 to vector<16xf32>
    %select_n3A = arith.select %eq3A_63, %broadcast_in_dim3A, %broadcast_in_dim3A_65 : vector<16xi1>, vector<16xf32>
    %jit3A_66 = arith.constant 1.250000e-01 : f32
    %broadcast_in_dim3A_67 = vector.broadcast %jit3A_66 : f32 to vector<16xf32>
    %select_n3A_68 = arith.select %eq3A_60, %broadcast_in_dim3A_67, %select_n3A : vector<16xi1>, vector<16xf32>
    %jit3A_69 = arith.constant 2.500000e-01 : f32
    %broadcast_in_dim3A_70 = vector.broadcast %jit3A_69 : f32 to vector<16xf32>
    %select_n3A_71 = arith.select %eq3A_57, %broadcast_in_dim3A_70, %select_n3A_68 : vector<16xi1>, vector<16xf32>
    %mul3A_72 = arith.mulf %gather3A, %select_n3A_71 : vector<16xf32>
    %convert_element_type3A_73 = arith.fptosi %mul3A_72 : vector<16xf32> to vector<16xi32>
    %convert_element_type3A_74 = arith.sitofp %convert_element_type3A_73 : vector<16xi32> to vector<16xf32>
    %sub3A_75 = arith.subf %mul3A_72, %convert_element_type3A_74 : vector<16xf32>
    %gt3A = arith.constant 5.000000e-01 : f32
    %gt3A_76 = vector.broadcast %gt3A : f32 to vector<16xf32>
    %gt3A_77 = arith.cmpf ogt, %sub3A_75, %gt3A_76 : vector<16xf32>
    %eq3A_78 = arith.constant 5.000000e-01 : f32
    %eq3A_79 = vector.broadcast %eq3A_78 : f32 to vector<16xf32>
    %eq3A_80 = arith.cmpf oeq, %sub3A_75, %eq3A_79 : vector<16xf32>
    %and3A = arith.constant 1 : i32
    %and3A_81 = vector.broadcast %and3A : i32 to vector<16xi32>
    %and3A_82 = arith.andi %convert_element_type3A_73, %and3A_81 : vector<16xi32>
    %eq3A_83 = arith.constant 1 : i32
    %eq3A_84 = vector.broadcast %eq3A_83 : i32 to vector<16xi32>
    %eq3A_85 = arith.cmpi eq, %and3A_82, %eq3A_84 : vector<16xi32>
    %and3A_86 = arith.andi %eq3A_80, %eq3A_85 : vector<16xi1>
    %or3A = arith.ori %gt3A_77, %and3A_86 : vector<16xi1>
    %convert_element_type3A_87 = arith.extui %or3A : vector<16xi1> to vector<16xi32>
    %add3A_88 = arith.addi %convert_element_type3A_73, %convert_element_type3A_87 : vector<16xi32>
    %mul3A_89 = arith.mulf %gather3A_21, %select_n3A_71 : vector<16xf32>
    %convert_element_type3A_90 = arith.fptosi %mul3A_89 : vector<16xf32> to vector<16xi32>
    %convert_element_type3A_91 = arith.sitofp %convert_element_type3A_90 : vector<16xi32> to vector<16xf32>
    %sub3A_92 = arith.subf %mul3A_89, %convert_element_type3A_91 : vector<16xf32>
    %gt3A_93 = arith.constant 5.000000e-01 : f32
    %gt3A_94 = vector.broadcast %gt3A_93 : f32 to vector<16xf32>
    %gt3A_95 = arith.cmpf ogt, %sub3A_92, %gt3A_94 : vector<16xf32>
    %eq3A_96 = arith.constant 5.000000e-01 : f32
    %eq3A_97 = vector.broadcast %eq3A_96 : f32 to vector<16xf32>
    %eq3A_98 = arith.cmpf oeq, %sub3A_92, %eq3A_97 : vector<16xf32>
    %and3A_99 = arith.constant 1 : i32
    %and3A_100 = vector.broadcast %and3A_99 : i32 to vector<16xi32>
    %and3A_101 = arith.andi %convert_element_type3A_90, %and3A_100 : vector<16xi32>
    %eq3A_102 = arith.constant 1 : i32
    %eq3A_103 = vector.broadcast %eq3A_102 : i32 to vector<16xi32>
    %eq3A_104 = arith.cmpi eq, %and3A_101, %eq3A_103 : vector<16xi32>
    %and3A_105 = arith.andi %eq3A_98, %eq3A_104 : vector<16xi1>
    %or3A_106 = arith.ori %gt3A_95, %and3A_105 : vector<16xi1>
    %convert_element_type3A_107 = arith.extui %or3A_106 : vector<16xi1> to vector<16xi32>
    %add3A_108 = arith.addi %convert_element_type3A_90, %convert_element_type3A_107 : vector<16xi32>
    %mul3A_109 = arith.mulf %gather3A_28, %select_n3A_71 : vector<16xf32>
    %convert_element_type3A_110 = arith.fptosi %mul3A_109 : vector<16xf32> to vector<16xi32>
    %convert_element_type3A_111 = arith.sitofp %convert_element_type3A_110 : vector<16xi32> to vector<16xf32>
    %sub3A_112 = arith.subf %mul3A_109, %convert_element_type3A_111 : vector<16xf32>
    %gt3A_113 = arith.constant 5.000000e-01 : f32
    %gt3A_114 = vector.broadcast %gt3A_113 : f32 to vector<16xf32>
    %gt3A_115 = arith.cmpf ogt, %sub3A_112, %gt3A_114 : vector<16xf32>
    %eq3A_116 = arith.constant 5.000000e-01 : f32
    %eq3A_117 = vector.broadcast %eq3A_116 : f32 to vector<16xf32>
    %eq3A_118 = arith.cmpf oeq, %sub3A_112, %eq3A_117 : vector<16xf32>
    %and3A_119 = arith.constant 1 : i32
    %and3A_120 = vector.broadcast %and3A_119 : i32 to vector<16xi32>
    %and3A_121 = arith.andi %convert_element_type3A_110, %and3A_120 : vector<16xi32>
    %eq3A_122 = arith.constant 1 : i32
    %eq3A_123 = vector.broadcast %eq3A_122 : i32 to vector<16xi32>
    %eq3A_124 = arith.cmpi eq, %and3A_121, %eq3A_123 : vector<16xi32>
    %and3A_125 = arith.andi %eq3A_118, %eq3A_124 : vector<16xi1>
    %or3A_126 = arith.ori %gt3A_115, %and3A_125 : vector<16xi1>
    %convert_element_type3A_127 = arith.extui %or3A_126 : vector<16xi1> to vector<16xi32>
    %add3A_128 = arith.addi %convert_element_type3A_110, %convert_element_type3A_127 : vector<16xi32>
    %mul3A_129 = arith.mulf %gather3A_35, %select_n3A_71 : vector<16xf32>
    %convert_element_type3A_130 = arith.fptosi %mul3A_129 : vector<16xf32> to vector<16xi32>
    %convert_element_type3A_131 = arith.sitofp %convert_element_type3A_130 : vector<16xi32> to vector<16xf32>
    %sub3A_132 = arith.subf %mul3A_129, %convert_element_type3A_131 : vector<16xf32>
    %gt3A_133 = arith.constant 5.000000e-01 : f32
    %gt3A_134 = vector.broadcast %gt3A_133 : f32 to vector<16xf32>
    %gt3A_135 = arith.cmpf ogt, %sub3A_132, %gt3A_134 : vector<16xf32>
    %eq3A_136 = arith.constant 5.000000e-01 : f32
    %eq3A_137 = vector.broadcast %eq3A_136 : f32 to vector<16xf32>
    %eq3A_138 = arith.cmpf oeq, %sub3A_132, %eq3A_137 : vector<16xf32>
    %and3A_139 = arith.constant 1 : i32
    %and3A_140 = vector.broadcast %and3A_139 : i32 to vector<16xi32>
    %and3A_141 = arith.andi %convert_element_type3A_130, %and3A_140 : vector<16xi32>
    %eq3A_142 = arith.constant 1 : i32
    %eq3A_143 = vector.broadcast %eq3A_142 : i32 to vector<16xi32>
    %eq3A_144 = arith.cmpi eq, %and3A_141, %eq3A_143 : vector<16xi32>
    %and3A_145 = arith.andi %eq3A_138, %eq3A_144 : vector<16xi1>
    %or3A_146 = arith.ori %gt3A_135, %and3A_145 : vector<16xi1>
    %convert_element_type3A_147 = arith.extui %or3A_146 : vector<16xi1> to vector<16xi32>
    %add3A_148 = arith.addi %convert_element_type3A_130, %convert_element_type3A_147 : vector<16xi32>
    %shift_right_arithmetic3A = arith.constant 128 : i32
    %shift_right_arithmetic3A_149 = vector.broadcast %shift_right_arithmetic3A : i32 to vector<16xi32>
    %shift_right_arithmetic3A_150 = arith.shrsi %shift_right_arithmetic3A_149, %add3A_55 : vector<16xi32>
    %sub3A_151 = arith.subi %add3A_128, %add3A_88 : vector<16xi32>
    %add3A_152 = arith.constant 1 : i32
    %add3A_153 = vector.broadcast %add3A_152 : i32 to vector<16xi32>
    %add3A_154 = arith.addi %sub3A_151, %add3A_153 : vector<16xi32>
    %max3A = arith.constant 1 : i32
    %max3A_155 = vector.broadcast %max3A : i32 to vector<16xi32>
    %max3A_156 = arith.maxsi %add3A_154, %max3A_155 : vector<16xi32>
    %add3A_157 = arith.constant 1 : i32
    %add3A_158 = vector.broadcast %add3A_157 : i32 to vector<16xi32>
    %add3A_159 = arith.addi %shift_right_arithmetic3A_150, %add3A_158 : vector<16xi32>
    %jit3A_160 = arith.constant 0 : i32
    %max3A_161 = vector.broadcast %jit3A_160 : i32 to vector<16xi32>
    %max3A_162 = arith.maxsi %max3A_161, %max3A_156 : vector<16xi32>
    %min3A_163 = arith.minsi %add3A_159, %max3A_162 : vector<16xi32>
    %sub3A_164 = arith.subi %add3A_148, %add3A_108 : vector<16xi32>
    %add3A_165 = arith.constant 1 : i32
    %add3A_166 = vector.broadcast %add3A_165 : i32 to vector<16xi32>
    %add3A_167 = arith.addi %sub3A_164, %add3A_166 : vector<16xi32>
    %max3A_168 = arith.constant 1 : i32
    %max3A_169 = vector.broadcast %max3A_168 : i32 to vector<16xi32>
    %max3A_170 = arith.maxsi %add3A_167, %max3A_169 : vector<16xi32>
    %add3A_171 = arith.constant 1 : i32
    %add3A_172 = vector.broadcast %add3A_171 : i32 to vector<16xi32>
    %add3A_173 = arith.addi %shift_right_arithmetic3A_150, %add3A_172 : vector<16xi32>
    %jit3A_174 = arith.constant 0 : i32
    %max3A_175 = vector.broadcast %jit3A_174 : i32 to vector<16xi32>
    %max3A_176 = arith.maxsi %max3A_175, %max3A_170 : vector<16xi32>
    %min3A_177 = arith.minsi %add3A_173, %max3A_176 : vector<16xi32>
    %eq3A_178 = arith.constant 29 : i32
    %eq3A_179 = vector.broadcast %eq3A_178 : i32 to vector<16xi32>
    %eq3A_180 = arith.cmpi eq, %min3A_163, %eq3A_179 : vector<16xi32>
    %eq3A_181 = arith.constant 58 : i32
    %eq3A_182 = vector.broadcast %eq3A_181 : i32 to vector<16xi32>
    %eq3A_183 = arith.cmpi eq, %min3A_163, %eq3A_182 : vector<16xi32>
    %or3A_184 = arith.ori %eq3A_180, %eq3A_183 : vector<16xi1>
    %eq3A_185 = arith.constant 116 : i32
    %eq3A_186 = vector.broadcast %eq3A_185 : i32 to vector<16xi32>
    %eq3A_187 = arith.cmpi eq, %min3A_163, %eq3A_186 : vector<16xi32>
    %or3A_188 = arith.ori %or3A_184, %eq3A_187 : vector<16xi1>
    %eq3A_189 = arith.constant 123 : i32
    %eq3A_190 = vector.broadcast %eq3A_189 : i32 to vector<16xi32>
    %eq3A_191 = arith.cmpi eq, %min3A_163, %eq3A_190 : vector<16xi32>
    %or3A_192 = arith.ori %or3A_188, %eq3A_191 : vector<16xi1>
    %convert_element_type3A_193 = arith.extui %or3A_192 : vector<16xi1> to vector<16xi32>
    %eq3A_194 = arith.constant 29 : i32
    %eq3A_195 = vector.broadcast %eq3A_194 : i32 to vector<16xi32>
    %eq3A_196 = arith.cmpi eq, %min3A_177, %eq3A_195 : vector<16xi32>
    %eq3A_197 = arith.constant 58 : i32
    %eq3A_198 = vector.broadcast %eq3A_197 : i32 to vector<16xi32>
    %eq3A_199 = arith.cmpi eq, %min3A_177, %eq3A_198 : vector<16xi32>
    %or3A_200 = arith.ori %eq3A_196, %eq3A_199 : vector<16xi1>
    %eq3A_201 = arith.constant 116 : i32
    %eq3A_202 = vector.broadcast %eq3A_201 : i32 to vector<16xi32>
    %eq3A_203 = arith.cmpi eq, %min3A_177, %eq3A_202 : vector<16xi32>
    %or3A_204 = arith.ori %or3A_200, %eq3A_203 : vector<16xi1>
    %eq3A_205 = arith.constant 123 : i32
    %eq3A_206 = vector.broadcast %eq3A_205 : i32 to vector<16xi32>
    %eq3A_207 = arith.cmpi eq, %min3A_177, %eq3A_206 : vector<16xi32>
    %or3A_208 = arith.ori %or3A_204, %eq3A_207 : vector<16xi1>
    %convert_element_type3A_209 = arith.extui %or3A_208 : vector<16xi1> to vector<16xi32>
    %jit3A_210 = arith.constant 0 : i32
    %max3A_211 = vector.broadcast %jit3A_210 : i32 to vector<16xi32>
    %max3A_212 = arith.maxsi %max3A_211, %add3A_108 : vector<16xi32>
    %min3A_213 = arith.minsi %shift_right_arithmetic3A_150, %max3A_212 : vector<16xi32>
    %jit3A_214 = arith.constant 0 : i32
    %max3A_215 = vector.broadcast %jit3A_214 : i32 to vector<16xi32>
    %max3A_216 = arith.maxsi %max3A_215, %add3A_88 : vector<16xi32>
    %min3A_217 = arith.minsi %shift_right_arithmetic3A_150, %max3A_216 : vector<16xi32>
    %add3A_218 = arith.addi %add3A_108, %min3A_177 : vector<16xi32>
    %add3A_219 = arith.addi %add3A_218, %convert_element_type3A_209 : vector<16xi32>
    %jit3A_220 = arith.constant 0 : i32
    %max3A_221 = vector.broadcast %jit3A_220 : i32 to vector<16xi32>
    %max3A_222 = arith.maxsi %max3A_221, %add3A_219 : vector<16xi32>
    %min3A_223 = arith.minsi %shift_right_arithmetic3A_150, %max3A_222 : vector<16xi32>
    %add3A_224 = arith.addi %add3A_88, %min3A_163 : vector<16xi32>
    %add3A_225 = arith.addi %add3A_224, %convert_element_type3A_193 : vector<16xi32>
    %jit3A_226 = arith.constant 0 : i32
    %max3A_227 = vector.broadcast %jit3A_226 : i32 to vector<16xi32>
    %max3A_228 = arith.maxsi %max3A_227, %add3A_225 : vector<16xi32>
    %min3A_229 = arith.minsi %shift_right_arithmetic3A_150, %max3A_228 : vector<16xi32>
    %sub3A_230 = arith.subi %min3A_229, %min3A_217 : vector<16xi32>
    %sub3A_231 = arith.subi %min3A_223, %min3A_213 : vector<16xi32>
    %mul3A_232 = arith.muli %sub3A_231, %sub3A_230 : vector<16xi32>
    %min3A_233 = arith.constant 1152 : i32
    %min3A_234 = vector.broadcast %min3A_233 : i32 to vector<16xi32>
    %min3A_235 = arith.minsi %mul3A_232, %min3A_234 : vector<16xi32>
    %eq3A_236 = arith.constant 0 : i32
    %eq3A_237 = vector.broadcast %eq3A_236 : i32 to vector<16xi32>
    %eq3A_238 = arith.cmpi eq, %add3A_55, %eq3A_237 : vector<16xi32>
    %eq3A_239 = arith.constant 1 : i32
    %eq3A_240 = vector.broadcast %eq3A_239 : i32 to vector<16xi32>
    %eq3A_241 = arith.cmpi eq, %add3A_55, %eq3A_240 : vector<16xi32>
    %eq3A_242 = arith.constant 2 : i32
    %eq3A_243 = vector.broadcast %eq3A_242 : i32 to vector<16xi32>
    %eq3A_244 = arith.cmpi eq, %add3A_55, %eq3A_243 : vector<16xi32>
    %jit3A_245 = arith.constant 20480 : i32
    %jit3A_246 = arith.constant 21504 : i32
    %broadcast_in_dim3A_247 = vector.broadcast %jit3A_245 : i32 to vector<16xi32>
    %broadcast_in_dim3A_248 = vector.broadcast %jit3A_246 : i32 to vector<16xi32>
    %select_n3A_249 = arith.select %eq3A_244, %broadcast_in_dim3A_247, %broadcast_in_dim3A_248 : vector<16xi1>, vector<16xi32>
    %jit3A_250 = arith.constant 16384 : i32
    %broadcast_in_dim3A_251 = vector.broadcast %jit3A_250 : i32 to vector<16xi32>
    %select_n3A_252 = arith.select %eq3A_241, %broadcast_in_dim3A_251, %select_n3A_249 : vector<16xi1>, vector<16xi32>
    %jit3A_253 = arith.constant 0 : i32
    %broadcast_in_dim3A_254 = vector.broadcast %jit3A_253 : i32 to vector<16xi32>
    %select_n3A_255 = arith.select %eq3A_238, %broadcast_in_dim3A_254, %select_n3A_252 : vector<16xi1>, vector<16xi32>
    %sub3A_256 = arith.constant 1000 : i32
    %sub3A_257 = arith.subi %sub3A_256, %add3A_4 : i32
    %jit3A_258 = arith.constant 0 : i32
    %jit3A_259 = arith.constant 16 : i32
    %max3A_260 = arith.maxsi %jit3A_258, %sub3A_257 : i32
    %min3A_261 = arith.minsi %jit3A_259, %max3A_260 : i32
    %while3A = arith.constant 0 : i32
    %while3A_262 = arith.constant 0 : i32
    %while3A_263 = arith.subi %min3A_261, %while3A : i32
    %while3A_264 = arith.addi %while3A, %while3A_263 : i32
    %while3A_265 = arith.constant 1 : i32
    %while3A_266 = arith.divsi %while3A_263, %while3A_265 : i32
    %while3A_267 = arith.muli %while3A_266, %while3A_265 : i32
    %while3A_268 = arith.addi %while3A, %while3A_267 : i32
    %while3A_269 = arith.constant 1 : i32
    %while3A_270 = scf.for %while3A_558 = %while3A to %while3A_268 step %while3A_269 iter_args(%while3A_559 = %while3A_262) -> (i32)  : i32 {
      %iota3A_560 = tpu.iota {dimensions = array<i32: 0>} : vector<16xi32>
      %eq3A_561 = vector.broadcast %while3A_558 : i32 to vector<16xi32>
      %eq3A_562 = arith.cmpi eq, %iota3A_560, %eq3A_561 : vector<16xi32>
      %jit3A_563 = arith.constant -2147483648 : i32
      %broadcast_in_dim3A_564 = vector.broadcast %jit3A_563 : i32 to vector<16xi32>
      %select_n3A_565 = arith.select %eq3A_562, %add3A_108, %broadcast_in_dim3A_564 : vector<16xi1>, vector<16xi32>
      %reduce_max3A = arith.constant true
      %reduce_max3A_566 = vector.broadcast %reduce_max3A : i1 to vector<16xi1>
      %reduce_max3A_567 = arith.constant -2147483648 : i32
      %reduce_max3A_568 = vector.broadcast %reduce_max3A_567 : i32 to vector<16xi32>
      %reduce_max3A_569 = arith.xori %select_n3A_565, %reduce_max3A_568 : vector<16xi32>
      %reduce_max3A_570 = tpu.scan <max>, %reduce_max3A_569 masked %reduce_max3A_566 : vector<16xi32>, vector<16xi1> -> vector<16xi32>
      %reduce_max3A_571 = arith.xori %reduce_max3A_570, %reduce_max3A_568 : vector<16xi32>
      %reduce_max3A_572 = vector.extract %reduce_max3A_571[15] : i32 from vector<16xi32>
      %iota3A_573 = tpu.iota {dimensions = array<i32: 0>} : vector<16xi32>
      %eq3A_574 = vector.broadcast %while3A_558 : i32 to vector<16xi32>
      %eq3A_575 = arith.cmpi eq, %iota3A_573, %eq3A_574 : vector<16xi32>
      %jit3A_576 = arith.constant -2147483648 : i32
      %broadcast_in_dim3A_577 = vector.broadcast %jit3A_576 : i32 to vector<16xi32>
      %select_n3A_578 = arith.select %eq3A_575, %add3A_88, %broadcast_in_dim3A_577 : vector<16xi1>, vector<16xi32>
      %reduce_max3A_579 = arith.constant true
      %reduce_max3A_580 = vector.broadcast %reduce_max3A_579 : i1 to vector<16xi1>
      %reduce_max3A_581 = arith.constant -2147483648 : i32
      %reduce_max3A_582 = vector.broadcast %reduce_max3A_581 : i32 to vector<16xi32>
      %reduce_max3A_583 = arith.xori %select_n3A_578, %reduce_max3A_582 : vector<16xi32>
      %reduce_max3A_584 = tpu.scan <max>, %reduce_max3A_583 masked %reduce_max3A_580 : vector<16xi32>, vector<16xi1> -> vector<16xi32>
      %reduce_max3A_585 = arith.xori %reduce_max3A_584, %reduce_max3A_582 : vector<16xi32>
      %reduce_max3A_586 = vector.extract %reduce_max3A_585[15] : i32 from vector<16xi32>
      %iota3A_587 = tpu.iota {dimensions = array<i32: 0>} : vector<16xi32>
      %eq3A_588 = vector.broadcast %while3A_558 : i32 to vector<16xi32>
      %eq3A_589 = arith.cmpi eq, %iota3A_587, %eq3A_588 : vector<16xi32>
      %jit3A_590 = arith.constant -2147483648 : i32
      %broadcast_in_dim3A_591 = vector.broadcast %jit3A_590 : i32 to vector<16xi32>
      %select_n3A_592 = arith.select %eq3A_589, %min3A_177, %broadcast_in_dim3A_591 : vector<16xi1>, vector<16xi32>
      %reduce_max3A_593 = arith.constant true
      %reduce_max3A_594 = vector.broadcast %reduce_max3A_593 : i1 to vector<16xi1>
      %reduce_max3A_595 = arith.constant -2147483648 : i32
      %reduce_max3A_596 = vector.broadcast %reduce_max3A_595 : i32 to vector<16xi32>
      %reduce_max3A_597 = arith.xori %select_n3A_592, %reduce_max3A_596 : vector<16xi32>
      %reduce_max3A_598 = tpu.scan <max>, %reduce_max3A_597 masked %reduce_max3A_594 : vector<16xi32>, vector<16xi1> -> vector<16xi32>
      %reduce_max3A_599 = arith.xori %reduce_max3A_598, %reduce_max3A_596 : vector<16xi32>
      %reduce_max3A_600 = vector.extract %reduce_max3A_599[15] : i32 from vector<16xi32>
      %iota3A_601 = tpu.iota {dimensions = array<i32: 0>} : vector<16xi32>
      %eq3A_602 = vector.broadcast %while3A_558 : i32 to vector<16xi32>
      %eq3A_603 = arith.cmpi eq, %iota3A_601, %eq3A_602 : vector<16xi32>
      %jit3A_604 = arith.constant -2147483648 : i32
      %broadcast_in_dim3A_605 = vector.broadcast %jit3A_604 : i32 to vector<16xi32>
      %select_n3A_606 = arith.select %eq3A_603, %min3A_163, %broadcast_in_dim3A_605 : vector<16xi1>, vector<16xi32>
      %reduce_max3A_607 = arith.constant true
      %reduce_max3A_608 = vector.broadcast %reduce_max3A_607 : i1 to vector<16xi1>
      %reduce_max3A_609 = arith.constant -2147483648 : i32
      %reduce_max3A_610 = vector.broadcast %reduce_max3A_609 : i32 to vector<16xi32>
      %reduce_max3A_611 = arith.xori %select_n3A_606, %reduce_max3A_610 : vector<16xi32>
      %reduce_max3A_612 = tpu.scan <max>, %reduce_max3A_611 masked %reduce_max3A_608 : vector<16xi32>, vector<16xi1> -> vector<16xi32>
      %reduce_max3A_613 = arith.xori %reduce_max3A_612, %reduce_max3A_610 : vector<16xi32>
      %reduce_max3A_614 = vector.extract %reduce_max3A_613[15] : i32 from vector<16xi32>
      %iota3A_615 = tpu.iota {dimensions = array<i32: 0>} : vector<16xi32>
      %eq3A_616 = vector.broadcast %while3A_558 : i32 to vector<16xi32>
      %eq3A_617 = arith.cmpi eq, %iota3A_615, %eq3A_616 : vector<16xi32>
      %jit3A_618 = arith.constant -2147483648 : i32
      %broadcast_in_dim3A_619 = vector.broadcast %jit3A_618 : i32 to vector<16xi32>
      %select_n3A_620 = arith.select %eq3A_617, %convert_element_type3A_209, %broadcast_in_dim3A_619 : vector<16xi1>, vector<16xi32>
      %reduce_max3A_621 = arith.constant true
      %reduce_max3A_622 = vector.broadcast %reduce_max3A_621 : i1 to vector<16xi1>
      %reduce_max3A_623 = arith.constant -2147483648 : i32
      %reduce_max3A_624 = vector.broadcast %reduce_max3A_623 : i32 to vector<16xi32>
      %reduce_max3A_625 = arith.xori %select_n3A_620, %reduce_max3A_624 : vector<16xi32>
      %reduce_max3A_626 = tpu.scan <max>, %reduce_max3A_625 masked %reduce_max3A_622 : vector<16xi32>, vector<16xi1> -> vector<16xi32>
      %reduce_max3A_627 = arith.xori %reduce_max3A_626, %reduce_max3A_624 : vector<16xi32>
      %reduce_max3A_628 = vector.extract %reduce_max3A_627[15] : i32 from vector<16xi32>
      %iota3A_629 = tpu.iota {dimensions = array<i32: 0>} : vector<16xi32>
      %eq3A_630 = vector.broadcast %while3A_558 : i32 to vector<16xi32>
      %eq3A_631 = arith.cmpi eq, %iota3A_629, %eq3A_630 : vector<16xi32>
      %jit3A_632 = arith.constant -2147483648 : i32
      %broadcast_in_dim3A_633 = vector.broadcast %jit3A_632 : i32 to vector<16xi32>
      %select_n3A_634 = arith.select %eq3A_631, %convert_element_type3A_193, %broadcast_in_dim3A_633 : vector<16xi1>, vector<16xi32>
      %reduce_max3A_635 = arith.constant true
      %reduce_max3A_636 = vector.broadcast %reduce_max3A_635 : i1 to vector<16xi1>
      %reduce_max3A_637 = arith.constant -2147483648 : i32
      %reduce_max3A_638 = vector.broadcast %reduce_max3A_637 : i32 to vector<16xi32>
      %reduce_max3A_639 = arith.xori %select_n3A_634, %reduce_max3A_638 : vector<16xi32>
      %reduce_max3A_640 = tpu.scan <max>, %reduce_max3A_639 masked %reduce_max3A_636 : vector<16xi32>, vector<16xi1> -> vector<16xi32>
      %reduce_max3A_641 = arith.xori %reduce_max3A_640, %reduce_max3A_638 : vector<16xi32>
      %reduce_max3A_642 = vector.extract %reduce_max3A_641[15] : i32 from vector<16xi32>
      %iota3A_643 = tpu.iota {dimensions = array<i32: 0>} : vector<16xi32>
      %eq3A_644 = vector.broadcast %while3A_558 : i32 to vector<16xi32>
      %eq3A_645 = arith.cmpi eq, %iota3A_643, %eq3A_644 : vector<16xi32>
      %jit3A_646 = arith.constant -2147483648 : i32
      %broadcast_in_dim3A_647 = vector.broadcast %jit3A_646 : i32 to vector<16xi32>
      %select_n3A_648 = arith.select %eq3A_645, %min3A_213, %broadcast_in_dim3A_647 : vector<16xi1>, vector<16xi32>
      %reduce_max3A_649 = arith.constant true
      %reduce_max3A_650 = vector.broadcast %reduce_max3A_649 : i1 to vector<16xi1>
      %reduce_max3A_651 = arith.constant -2147483648 : i32
      %reduce_max3A_652 = vector.broadcast %reduce_max3A_651 : i32 to vector<16xi32>
      %reduce_max3A_653 = arith.xori %select_n3A_648, %reduce_max3A_652 : vector<16xi32>
      %reduce_max3A_654 = tpu.scan <max>, %reduce_max3A_653 masked %reduce_max3A_650 : vector<16xi32>, vector<16xi1> -> vector<16xi32>
      %reduce_max3A_655 = arith.xori %reduce_max3A_654, %reduce_max3A_652 : vector<16xi32>
      %reduce_max3A_656 = vector.extract %reduce_max3A_655[15] : i32 from vector<16xi32>
      %iota3A_657 = tpu.iota {dimensions = array<i32: 0>} : vector<16xi32>
      %eq3A_658 = vector.broadcast %while3A_558 : i32 to vector<16xi32>
      %eq3A_659 = arith.cmpi eq, %iota3A_657, %eq3A_658 : vector<16xi32>
      %jit3A_660 = arith.constant -2147483648 : i32
      %broadcast_in_dim3A_661 = vector.broadcast %jit3A_660 : i32 to vector<16xi32>
      %select_n3A_662 = arith.select %eq3A_659, %min3A_217, %broadcast_in_dim3A_661 : vector<16xi1>, vector<16xi32>
      %reduce_max3A_663 = arith.constant true
      %reduce_max3A_664 = vector.broadcast %reduce_max3A_663 : i1 to vector<16xi1>
      %reduce_max3A_665 = arith.constant -2147483648 : i32
      %reduce_max3A_666 = vector.broadcast %reduce_max3A_665 : i32 to vector<16xi32>
      %reduce_max3A_667 = arith.xori %select_n3A_662, %reduce_max3A_666 : vector<16xi32>
      %reduce_max3A_668 = tpu.scan <max>, %reduce_max3A_667 masked %reduce_max3A_664 : vector<16xi32>, vector<16xi1> -> vector<16xi32>
      %reduce_max3A_669 = arith.xori %reduce_max3A_668, %reduce_max3A_666 : vector<16xi32>
      %reduce_max3A_670 = vector.extract %reduce_max3A_669[15] : i32 from vector<16xi32>
      %iota3A_671 = tpu.iota {dimensions = array<i32: 0>} : vector<16xi32>
      %eq3A_672 = vector.broadcast %while3A_558 : i32 to vector<16xi32>
      %eq3A_673 = arith.cmpi eq, %iota3A_671, %eq3A_672 : vector<16xi32>
      %jit3A_674 = arith.constant -2147483648 : i32
      %broadcast_in_dim3A_675 = vector.broadcast %jit3A_674 : i32 to vector<16xi32>
      %select_n3A_676 = arith.select %eq3A_673, %sub3A_230, %broadcast_in_dim3A_675 : vector<16xi1>, vector<16xi32>
      %reduce_max3A_677 = arith.constant true
      %reduce_max3A_678 = vector.broadcast %reduce_max3A_677 : i1 to vector<16xi1>
      %reduce_max3A_679 = arith.constant -2147483648 : i32
      %reduce_max3A_680 = vector.broadcast %reduce_max3A_679 : i32 to vector<16xi32>
      %reduce_max3A_681 = arith.xori %select_n3A_676, %reduce_max3A_680 : vector<16xi32>
      %reduce_max3A_682 = tpu.scan <max>, %reduce_max3A_681 masked %reduce_max3A_678 : vector<16xi32>, vector<16xi1> -> vector<16xi32>
      %reduce_max3A_683 = arith.xori %reduce_max3A_682, %reduce_max3A_680 : vector<16xi32>
      %reduce_max3A_684 = vector.extract %reduce_max3A_683[15] : i32 from vector<16xi32>
      %max3A_685 = arith.constant 1 : i32
      %max3A_686 = arith.maxsi %reduce_max3A_684, %max3A_685 : i32
      %iota3A_687 = tpu.iota {dimensions = array<i32: 0>} : vector<16xi32>
      %eq3A_688 = vector.broadcast %while3A_558 : i32 to vector<16xi32>
      %eq3A_689 = arith.cmpi eq, %iota3A_687, %eq3A_688 : vector<16xi32>
      %jit3A_690 = arith.constant -2147483648 : i32
      %broadcast_in_dim3A_691 = vector.broadcast %jit3A_690 : i32 to vector<16xi32>
      %select_n3A_692 = arith.select %eq3A_689, %min3A_235, %broadcast_in_dim3A_691 : vector<16xi1>, vector<16xi32>
      %reduce_max3A_693 = arith.constant true
      %reduce_max3A_694 = vector.broadcast %reduce_max3A_693 : i1 to vector<16xi1>
      %reduce_max3A_695 = arith.constant -2147483648 : i32
      %reduce_max3A_696 = vector.broadcast %reduce_max3A_695 : i32 to vector<16xi32>
      %reduce_max3A_697 = arith.xori %select_n3A_692, %reduce_max3A_696 : vector<16xi32>
      %reduce_max3A_698 = tpu.scan <max>, %reduce_max3A_697 masked %reduce_max3A_694 : vector<16xi32>, vector<16xi1> -> vector<16xi32>
      %reduce_max3A_699 = arith.xori %reduce_max3A_698, %reduce_max3A_696 : vector<16xi32>
      %reduce_max3A_700 = vector.extract %reduce_max3A_699[15] : i32 from vector<16xi32>
      %iota3A_701 = tpu.iota {dimensions = array<i32: 0>} : vector<16xi32>
      %eq3A_702 = vector.broadcast %while3A_558 : i32 to vector<16xi32>
      %eq3A_703 = arith.cmpi eq, %iota3A_701, %eq3A_702 : vector<16xi32>
      %jit3A_704 = arith.constant -2147483648 : i32
      %broadcast_in_dim3A_705 = vector.broadcast %jit3A_704 : i32 to vector<16xi32>
      %select_n3A_706 = arith.select %eq3A_703, %select_n3A_255, %broadcast_in_dim3A_705 : vector<16xi1>, vector<16xi32>
      %reduce_max3A_707 = arith.constant true
      %reduce_max3A_708 = vector.broadcast %reduce_max3A_707 : i1 to vector<16xi1>
      %reduce_max3A_709 = arith.constant -2147483648 : i32
      %reduce_max3A_710 = vector.broadcast %reduce_max3A_709 : i32 to vector<16xi32>
      %reduce_max3A_711 = arith.xori %select_n3A_706, %reduce_max3A_710 : vector<16xi32>
      %reduce_max3A_712 = tpu.scan <max>, %reduce_max3A_711 masked %reduce_max3A_708 : vector<16xi32>, vector<16xi1> -> vector<16xi32>
      %reduce_max3A_713 = arith.xori %reduce_max3A_712, %reduce_max3A_710 : vector<16xi32>
      %reduce_max3A_714 = vector.extract %reduce_max3A_713[15] : i32 from vector<16xi32>
      %iota3A_715 = tpu.iota {dimensions = array<i32: 0>} : vector<16xi32>
      %eq3A_716 = vector.broadcast %while3A_558 : i32 to vector<16xi32>
      %eq3A_717 = arith.cmpi eq, %iota3A_715, %eq3A_716 : vector<16xi32>
      %jit3A_718 = arith.constant -2147483648 : i32
      %broadcast_in_dim3A_719 = vector.broadcast %jit3A_718 : i32 to vector<16xi32>
      %select_n3A_720 = arith.select %eq3A_717, %shift_right_arithmetic3A_150, %broadcast_in_dim3A_719 : vector<16xi1>, vector<16xi32>
      %reduce_max3A_721 = arith.constant true
      %reduce_max3A_722 = vector.broadcast %reduce_max3A_721 : i1 to vector<16xi1>
      %reduce_max3A_723 = arith.constant -2147483648 : i32
      %reduce_max3A_724 = vector.broadcast %reduce_max3A_723 : i32 to vector<16xi32>
      %reduce_max3A_725 = arith.xori %select_n3A_720, %reduce_max3A_724 : vector<16xi32>
      %reduce_max3A_726 = tpu.scan <max>, %reduce_max3A_725 masked %reduce_max3A_722 : vector<16xi32>, vector<16xi1> -> vector<16xi32>
      %reduce_max3A_727 = arith.xori %reduce_max3A_726, %reduce_max3A_724 : vector<16xi32>
      %reduce_max3A_728 = vector.extract %reduce_max3A_727[15] : i32 from vector<16xi32>
      %add3A_729 = arith.constant 15 : i32
      %add3A_730 = arith.addi %reduce_max3A_700, %add3A_729 : i32
      %jit3A_731 = arith.constant 16 : i32
      %div3A = arith.divsi %add3A_730, %jit3A_731 : i32
      %sign3A = arith.constant 0 : i32
      %sign3A_732 = arith.cmpi sgt, %add3A_730, %sign3A : i32
      %sign3A_733 = arith.extui %sign3A_732 : i1 to i32
      %sign3A_734 = arith.constant 0 : i32
      %sign3A_735 = arith.cmpi slt, %add3A_730, %sign3A_734 : i32
      %sign3A_736 = arith.extui %sign3A_735 : i1 to i32
      %sign3A_737 = arith.subi %sign3A_733, %sign3A_736 : i32
      %sign3A_738 = arith.constant 0 : i32
      %sign3A_739 = arith.cmpi sgt, %jit3A_731, %sign3A_738 : i32
      %sign3A_740 = arith.extui %sign3A_739 : i1 to i32
      %sign3A_741 = arith.constant 0 : i32
      %sign3A_742 = arith.cmpi slt, %jit3A_731, %sign3A_741 : i32
      %sign3A_743 = arith.extui %sign3A_742 : i1 to i32
      %sign3A_744 = arith.subi %sign3A_740, %sign3A_743 : i32
      %ne3A = arith.cmpi ne, %sign3A_737, %sign3A_744 : i32
      %rem3A = arith.remsi %add3A_730, %jit3A_731 : i32
      %ne3A_745 = arith.constant 0 : i32
      %ne3A_746 = arith.cmpi ne, %rem3A, %ne3A_745 : i32
      %and3A_747 = arith.andi %ne3A, %ne3A_746 : i1
      %sub3A_748 = arith.constant 1 : i32
      %sub3A_749 = arith.subi %div3A, %sub3A_748 : i32
      %select_n3A_750 = arith.select %and3A_747, %sub3A_749, %div3A : i32
      %mul3A_751 = arith.constant 1 : i32
      %mul3A_752 = arith.muli %select_n3A_750, %mul3A_751 : i32
      %while3A_753 = arith.constant 0 : i32
      %while3A_754 = arith.constant 0 : i32
      %while3A_755 = arith.subi %mul3A_752, %while3A_753 : i32
      %while3A_756 = arith.addi %while3A_753, %while3A_755 : i32
      %while3A_757 = arith.constant 1 : i32
      %while3A_758 = arith.divsi %while3A_755, %while3A_757 : i32
      %while3A_759 = arith.muli %while3A_758, %while3A_757 : i32
      %while3A_760 = arith.addi %while3A_753, %while3A_759 : i32
      %while3A_761 = arith.constant 1 : i32
      %while3A_762 = scf.for %while3A_796 = %while3A_753 to %while3A_760 step %while3A_761 iter_args(%while3A_797 = %while3A_754) -> (i32)  : i32 {
        %mul3A_798 = arith.constant 16 : i32
        %mul3A_799 = arith.muli %while3A_796, %mul3A_798 : i32
        %add3A_800 = vector.broadcast %mul3A_799 : i32 to vector<16xi32>
        %add3A_801 = arith.addi %add3A_800, %iota3A : vector<16xi32>
        %div3A_802 = vector.broadcast %max3A_686 : i32 to vector<16xi32>
        %div3A_803 = arith.divsi %add3A_801, %div3A_802 : vector<16xi32>
        %sign3A_804 = arith.constant 0 : i32
        %sign3A_805 = vector.broadcast %sign3A_804 : i32 to vector<16xi32>
        %sign3A_806 = arith.cmpi sgt, %add3A_801, %sign3A_805 : vector<16xi32>
        %sign3A_807 = arith.extui %sign3A_806 : vector<16xi1> to vector<16xi32>
        %sign3A_808 = arith.constant 0 : i32
        %sign3A_809 = vector.broadcast %sign3A_808 : i32 to vector<16xi32>
        %sign3A_810 = arith.cmpi slt, %add3A_801, %sign3A_809 : vector<16xi32>
        %sign3A_811 = arith.extui %sign3A_810 : vector<16xi1> to vector<16xi32>
        %sign3A_812 = arith.subi %sign3A_807, %sign3A_811 : vector<16xi32>
        %sign3A_813 = arith.constant 0 : i32
        %sign3A_814 = arith.cmpi sgt, %max3A_686, %sign3A_813 : i32
        %sign3A_815 = arith.extui %sign3A_814 : i1 to i32
        %sign3A_816 = arith.constant 0 : i32
        %sign3A_817 = arith.cmpi slt, %max3A_686, %sign3A_816 : i32
        %sign3A_818 = arith.extui %sign3A_817 : i1 to i32
        %sign3A_819 = arith.subi %sign3A_815, %sign3A_818 : i32
        %ne3A_820 = vector.broadcast %sign3A_819 : i32 to vector<16xi32>
        %ne3A_821 = arith.cmpi ne, %sign3A_812, %ne3A_820 : vector<16xi32>
        %rem3A_822 = vector.broadcast %max3A_686 : i32 to vector<16xi32>
        %rem3A_823 = arith.remsi %add3A_801, %rem3A_822 : vector<16xi32>
        %ne3A_824 = arith.constant 0 : i32
        %ne3A_825 = vector.broadcast %ne3A_824 : i32 to vector<16xi32>
        %ne3A_826 = arith.cmpi ne, %rem3A_823, %ne3A_825 : vector<16xi32>
        %and3A_827 = arith.andi %ne3A_821, %ne3A_826 : vector<16xi1>
        %sub3A_828 = arith.constant 1 : i32
        %sub3A_829 = vector.broadcast %sub3A_828 : i32 to vector<16xi32>
        %sub3A_830 = arith.subi %div3A_803, %sub3A_829 : vector<16xi32>
        %select_n3A_831 = arith.select %and3A_827, %sub3A_830, %div3A_803 : vector<16xi1>, vector<16xi32>
        %mul3A_832 = vector.broadcast %max3A_686 : i32 to vector<16xi32>
        %mul3A_833 = arith.muli %select_n3A_831, %mul3A_832 : vector<16xi32>
        %sub3A_834 = arith.subi %add3A_801, %mul3A_833 : vector<16xi32>
        %add3A_835 = vector.broadcast %reduce_max3A_656 : i32 to vector<16xi32>
        %add3A_836 = arith.addi %add3A_835, %select_n3A_831 : vector<16xi32>
        %mul3A_837 = vector.broadcast %reduce_max3A_728 : i32 to vector<16xi32>
        %mul3A_838 = arith.muli %add3A_836, %mul3A_837 : vector<16xi32>
        %add3A_839 = vector.broadcast %reduce_max3A_714 : i32 to vector<16xi32>
        %add3A_840 = arith.addi %add3A_839, %mul3A_838 : vector<16xi32>
        %add3A_841 = vector.broadcast %reduce_max3A_670 : i32 to vector<16xi32>
        %add3A_842 = arith.addi %add3A_841, %sub3A_834 : vector<16xi32>
        %add3A_843 = arith.addi %add3A_840, %add3A_842 : vector<16xi32>
        %lt3A = vector.broadcast %reduce_max3A_700 : i32 to vector<16xi32>
        %lt3A_844 = arith.cmpi slt, %add3A_801, %lt3A : vector<16xi32>
        %jit3A_845 = arith.constant 0 : i32
        %broadcast_in_dim3A_846 = vector.broadcast %jit3A_845 : i32 to vector<16xi32>
        %select_n3A_847 = arith.select %lt3A_844, %add3A_843, %broadcast_in_dim3A_846 : vector<16xi1>, vector<16xi32>
        %mul3A_848 = arith.constant 16 : i32
        %mul3A_849 = arith.muli %while3A_796, %mul3A_848 : i32
        %swap3A = arith.index_cast %mul3A_849 : i32 to index
        %swap3A_850 = tpu.vector_load %arg6[%swap3A] {strides = array<i32>} : memref<1152xi32, #tpu.memory_space<vmem>>, vector<16xi32>,
        tpu.vector_store %arg6[%swap3A], %select_n3A_847 {strides = array<i32>} : memref<1152xi32, #tpu.memory_space<vmem>>, vector<16xi32>,
        %while3A_851 = arith.constant 0 : i32
        scf.yield %while3A_851 : i32
      }
      %while3A_763 = arith.constant 1 : i32
      %while3A_764 = scf.for %while3A_796 = %while3A_760 to %while3A_756 step %while3A_763 iter_args(%while3A_797 = %while3A_762) -> (i32)  : i32 {
        %mul3A_798 = arith.constant 16 : i32
        %mul3A_799 = arith.muli %while3A_796, %mul3A_798 : i32
        %add3A_800 = vector.broadcast %mul3A_799 : i32 to vector<16xi32>
        %add3A_801 = arith.addi %add3A_800, %iota3A : vector<16xi32>
        %div3A_802 = vector.broadcast %max3A_686 : i32 to vector<16xi32>
        %div3A_803 = arith.divsi %add3A_801, %div3A_802 : vector<16xi32>
        %sign3A_804 = arith.constant 0 : i32
        %sign3A_805 = vector.broadcast %sign3A_804 : i32 to vector<16xi32>
        %sign3A_806 = arith.cmpi sgt, %add3A_801, %sign3A_805 : vector<16xi32>
        %sign3A_807 = arith.extui %sign3A_806 : vector<16xi1> to vector<16xi32>
        %sign3A_808 = arith.constant 0 : i32
        %sign3A_809 = vector.broadcast %sign3A_808 : i32 to vector<16xi32>
        %sign3A_810 = arith.cmpi slt, %add3A_801, %sign3A_809 : vector<16xi32>
        %sign3A_811 = arith.extui %sign3A_810 : vector<16xi1> to vector<16xi32>
        %sign3A_812 = arith.subi %sign3A_807, %sign3A_811 : vector<16xi32>
        %sign3A_813 = arith.constant 0 : i32
        %sign3A_814 = arith.cmpi sgt, %max3A_686, %sign3A_813 : i32
        %sign3A_815 = arith.extui %sign3A_814 : i1 to i32
        %sign3A_816 = arith.constant 0 : i32
        %sign3A_817 = arith.cmpi slt, %max3A_686, %sign3A_816 : i32
        %sign3A_818 = arith.extui %sign3A_817 : i1 to i32
        %sign3A_819 = arith.subi %sign3A_815, %sign3A_818 : i32
        %ne3A_820 = vector.broadcast %sign3A_819 : i32 to vector<16xi32>
        %ne3A_821 = arith.cmpi ne, %sign3A_812, %ne3A_820 : vector<16xi32>
        %rem3A_822 = vector.broadcast %max3A_686 : i32 to vector<16xi32>
        %rem3A_823 = arith.remsi %add3A_801, %rem3A_822 : vector<16xi32>
        %ne3A_824 = arith.constant 0 : i32
        %ne3A_825 = vector.broadcast %ne3A_824 : i32 to vector<16xi32>
        %ne3A_826 = arith.cmpi ne, %rem3A_823, %ne3A_825 : vector<16xi32>
        %and3A_827 = arith.andi %ne3A_821, %ne3A_826 : vector<16xi1>
        %sub3A_828 = arith.constant 1 : i32
        %sub3A_829 = vector.broadcast %sub3A_828 : i32 to vector<16xi32>
        %sub3A_830 = arith.subi %div3A_803, %sub3A_829 : vector<16xi32>
        %select_n3A_831 = arith.select %and3A_827, %sub3A_830, %div3A_803 : vector<16xi1>, vector<16xi32>
        %mul3A_832 = vector.broadcast %max3A_686 : i32 to vector<16xi32>
        %mul3A_833 = arith.muli %select_n3A_831, %mul3A_832 : vector<16xi32>
        %sub3A_834 = arith.subi %add3A_801, %mul3A_833 : vector<16xi32>
        %add3A_835 = vector.broadcast %reduce_max3A_656 : i32 to vector<16xi32>
        %add3A_836 = arith.addi %add3A_835, %select_n3A_831 : vector<16xi32>
        %mul3A_837 = vector.broadcast %reduce_max3A_728 : i32 to vector<16xi32>
        %mul3A_838 = arith.muli %add3A_836, %mul3A_837 : vector<16xi32>
        %add3A_839 = vector.broadcast %reduce_max3A_714 : i32 to vector<16xi32>
        %add3A_840 = arith.addi %add3A_839, %mul3A_838 : vector<16xi32>
        %add3A_841 = vector.broadcast %reduce_max3A_670 : i32 to vector<16xi32>
        %add3A_842 = arith.addi %add3A_841, %sub3A_834 : vector<16xi32>
        %add3A_843 = arith.addi %add3A_840, %add3A_842 : vector<16xi32>
        %lt3A = vector.broadcast %reduce_max3A_700 : i32 to vector<16xi32>
        %lt3A_844 = arith.cmpi slt, %add3A_801, %lt3A : vector<16xi32>
        %jit3A_845 = arith.constant 0 : i32
        %broadcast_in_dim3A_846 = vector.broadcast %jit3A_845 : i32 to vector<16xi32>
        %select_n3A_847 = arith.select %lt3A_844, %add3A_843, %broadcast_in_dim3A_846 : vector<16xi1>, vector<16xi32>
        %mul3A_848 = arith.constant 16 : i32
        %mul3A_849 = arith.muli %while3A_796, %mul3A_848 : i32
        %swap3A = arith.index_cast %mul3A_849 : i32 to index
        %swap3A_850 = tpu.vector_load %arg6[%swap3A] {strides = array<i32>} : memref<1152xi32, #tpu.memory_space<vmem>>, vector<16xi32>,
        tpu.vector_store %arg6[%swap3A], %select_n3A_847 {strides = array<i32>} : memref<1152xi32, #tpu.memory_space<vmem>>, vector<16xi32>,
        %while3A_851 = arith.constant 0 : i32
        scf.yield %while3A_851 : i32
      }
      %while3A_765 = arith.constant 0 : i32
      %while3A_766 = arith.constant 0 : i32
      %while3A_767 = arith.subi %select_n3A_750, %while3A_765 : i32
      %while3A_768 = arith.addi %while3A_765, %while3A_767 : i32
      %while3A_769 = arith.constant 1 : i32
      %while3A_770 = arith.divsi %while3A_767, %while3A_769 : i32
      %while3A_771 = arith.muli %while3A_770, %while3A_769 : i32
      %while3A_772 = arith.addi %while3A_765, %while3A_771 : i32
      %while3A_773 = arith.constant 1 : i32
      %while3A_774 = scf.for %while3A_796 = %while3A_765 to %while3A_772 step %while3A_773 iter_args(%while3A_797 = %while3A_766) -> (i32)  : i32 {
        %mul3A_798 = arith.constant 16 : i32
        %mul3A_799 = arith.muli %while3A_796, %mul3A_798 : i32
        %mul3A_800 = arith.constant 16 : i32
        %mul3A_801 = arith.muli %while3A_796, %mul3A_800 : i32
        %dma_start3A = arith.constant 0 : i32
        %dma_start3A_802 = tpu.memref_slice %arg7[%mul3A_801, %dma_start3A] : memref<1152x96xf32, #tpu.memory_space<vmem>> -> memref<16x96xf32, #tpu.memory_space<vmem>>
        %dma_start3A_803 = tpu.memref_slice %arg6[%mul3A_799] : memref<1152xi32, #tpu.memory_space<vmem>> -> memref<16xi32, #tpu.memory_space<vmem>>
        %dma_start3A_804 = arith.constant 0 : i32
        %dma_start3A_805 = arith.constant 0 : i32
        %dma_start3A_806 = tpu.memref_slice %arg2[%dma_start3A_804, %dma_start3A_805] : memref<21760x96xf32, #tpu.memory_space<hbm>> -> memref<21760x96xf32, #tpu.memory_space<hbm>>
        tpu.enqueue_indirect_dma source(%dma_start3A_806 : memref<21760x96xf32, #tpu.memory_space<hbm>>) target(%dma_start3A_802 : memref<16x96xf32, #tpu.memory_space<vmem>>) offsets(%dma_start3A_803 : memref<16xi32, #tpu.memory_space<vmem>>) semaphore(%arg9 : memref<!tpu.dma_semaphore, #tpu.memory_space<semaphore_mem>>)
        %while3A_807 = arith.constant 0 : i32
        scf.yield %while3A_807 : i32
      }
      %while3A_775 = arith.constant 1 : i32
      %while3A_776 = scf.for %while3A_796 = %while3A_772 to %while3A_768 step %while3A_775 iter_args(%while3A_797 = %while3A_774) -> (i32)  : i32 {
        %mul3A_798 = arith.constant 16 : i32
        %mul3A_799 = arith.muli %while3A_796, %mul3A_798 : i32
        %mul3A_800 = arith.constant 16 : i32
        %mul3A_801 = arith.muli %while3A_796, %mul3A_800 : i32
        %dma_start3A = arith.constant 0 : i32
        %dma_start3A_802 = tpu.memref_slice %arg7[%mul3A_801, %dma_start3A] : memref<1152x96xf32, #tpu.memory_space<vmem>> -> memref<16x96xf32, #tpu.memory_space<vmem>>
        %dma_start3A_803 = tpu.memref_slice %arg6[%mul3A_799] : memref<1152xi32, #tpu.memory_space<vmem>> -> memref<16xi32, #tpu.memory_space<vmem>>
        %dma_start3A_804 = arith.constant 0 : i32
        %dma_start3A_805 = arith.constant 0 : i32
        %dma_start3A_806 = tpu.memref_slice %arg2[%dma_start3A_804, %dma_start3A_805] : memref<21760x96xf32, #tpu.memory_space<hbm>> -> memref<21760x96xf32, #tpu.memory_space<hbm>>
        tpu.enqueue_indirect_dma source(%dma_start3A_806 : memref<21760x96xf32, #tpu.memory_space<hbm>>) target(%dma_start3A_802 : memref<16x96xf32, #tpu.memory_space<vmem>>) offsets(%dma_start3A_803 : memref<16xi32, #tpu.memory_space<vmem>>) semaphore(%arg9 : memref<!tpu.dma_semaphore, #tpu.memory_space<semaphore_mem>>)
        %while3A_807 = arith.constant 0 : i32
        scf.yield %while3A_807 : i32
      }
      %scan3A = arith.constant 0 : i32
      %scan3A_777 = arith.constant 0 : i32
      %scan3A_778 = arith.constant 7 : i32
      %scan3A_779 = arith.addi %scan3A_777, %scan3A_778 : i32
      %scan3A_780 = arith.constant 1 : i32
      %scan3A_781 = scf.for %scan3A_796 = %scan3A_777 to %scan3A_779 step %scan3A_780 iter_args(%scan3A_797 = %scan3A) -> (i32)  : i32 {
        %mul3A_798 = arith.muli %scan3A_796, %reduce_max3A_600 : i32
        %jit3A_799 = arith.constant 7 : i32
        %div3A_800 = arith.divsi %mul3A_798, %jit3A_799 : i32
        %sign3A_801 = arith.constant 0 : i32
        %sign3A_802 = arith.cmpi sgt, %mul3A_798, %sign3A_801 : i32
        %sign3A_803 = arith.extui %sign3A_802 : i1 to i32
        %sign3A_804 = arith.constant 0 : i32
        %sign3A_805 = arith.cmpi slt, %mul3A_798, %sign3A_804 : i32
        %sign3A_806 = arith.extui %sign3A_805 : i1 to i32
        %sign3A_807 = arith.subi %sign3A_803, %sign3A_806 : i32
        %sign3A_808 = arith.constant 0 : i32
        %sign3A_809 = arith.cmpi sgt, %jit3A_799, %sign3A_808 : i32
        %sign3A_810 = arith.extui %sign3A_809 : i1 to i32
        %sign3A_811 = arith.constant 0 : i32
        %sign3A_812 = arith.cmpi slt, %jit3A_799, %sign3A_811 : i32
        %sign3A_813 = arith.extui %sign3A_812 : i1 to i32
        %sign3A_814 = arith.subi %sign3A_810, %sign3A_813 : i32
        %ne3A_815 = arith.cmpi ne, %sign3A_807, %sign3A_814 : i32
        %rem3A_816 = arith.remsi %mul3A_798, %jit3A_799 : i32
        %ne3A_817 = arith.constant 0 : i32
        %ne3A_818 = arith.cmpi ne, %rem3A_816, %ne3A_817 : i32
        %and3A_819 = arith.andi %ne3A_815, %ne3A_818 : i1
        %sub3A_820 = arith.constant 1 : i32
        %sub3A_821 = arith.subi %div3A_800, %sub3A_820 : i32
        %select_n3A_822 = arith.select %and3A_819, %sub3A_821, %div3A_800 : i32
        %add3A_823 = arith.addi %select_n3A_822, %reduce_max3A_572 : i32
        %jit3A_824 = arith.constant 0 : i32
        %max3A_825 = arith.maxsi %jit3A_824, %add3A_823 : i32
        %min3A_826 = arith.minsi %reduce_max3A_728, %max3A_825 : i32
        %add3A_827 = arith.constant 1 : i32
        %add3A_828 = arith.addi %scan3A_796, %add3A_827 : i32
        %mul3A_829 = arith.muli %add3A_828, %reduce_max3A_600 : i32
        %add3A_830 = arith.constant 6 : i32
        %add3A_831 = arith.addi %mul3A_829, %add3A_830 : i32
        %jit3A_832 = arith.constant 7 : i32
        %div3A_833 = arith.divsi %add3A_831, %jit3A_832 : i32
        %sign3A_834 = arith.constant 0 : i32
        %sign3A_835 = arith.cmpi sgt, %add3A_831, %sign3A_834 : i32
        %sign3A_836 = arith.extui %sign3A_835 : i1 to i32
        %sign3A_837 = arith.constant 0 : i32
        %sign3A_838 = arith.cmpi slt, %add3A_831, %sign3A_837 : i32
        %sign3A_839 = arith.extui %sign3A_838 : i1 to i32
        %sign3A_840 = arith.subi %sign3A_836, %sign3A_839 : i32
        %sign3A_841 = arith.constant 0 : i32
        %sign3A_842 = arith.cmpi sgt, %jit3A_832, %sign3A_841 : i32
        %sign3A_843 = arith.extui %sign3A_842 : i1 to i32
        %sign3A_844 = arith.constant 0 : i32
        %sign3A_845 = arith.cmpi slt, %jit3A_832, %sign3A_844 : i32
        %sign3A_846 = arith.extui %sign3A_845 : i1 to i32
        %sign3A_847 = arith.subi %sign3A_843, %sign3A_846 : i32
        %ne3A_848 = arith.cmpi ne, %sign3A_840, %sign3A_847 : i32
        %rem3A_849 = arith.remsi %add3A_831, %jit3A_832 : i32
        %ne3A_850 = arith.constant 0 : i32
        %ne3A_851 = arith.cmpi ne, %rem3A_849, %ne3A_850 : i32
        %and3A_852 = arith.andi %ne3A_848, %ne3A_851 : i1
        %sub3A_853 = arith.constant 1 : i32
        %sub3A_854 = arith.subi %div3A_833, %sub3A_853 : i32
        %select_n3A_855 = arith.select %and3A_852, %sub3A_854, %div3A_833 : i32
        %eq3A_856 = arith.constant 6 : i32
        %eq3A_857 = arith.cmpi eq, %scan3A_796, %eq3A_856 : i32
        %jit3A_858 = arith.constant 0 : i32
        %select_n3A_859 = arith.select %eq3A_857, %reduce_max3A_628, %jit3A_858 : i32
        %add3A_860 = arith.addi %select_n3A_855, %select_n3A_859 : i32
        %add3A_861 = arith.addi %add3A_860, %reduce_max3A_572 : i32
        %jit3A_862 = arith.constant 0 : i32
        %max3A_863 = arith.maxsi %jit3A_862, %add3A_861 : i32
        %min3A_864 = arith.minsi %reduce_max3A_728, %max3A_863 : i32
        %sub3A_865 = arith.subi %min3A_864, %reduce_max3A_656 : i32
        %mul3A_866 = arith.muli %sub3A_865, %max3A_686 : i32
        %add3A_867 = arith.constant 15 : i32
        %add3A_868 = arith.addi %mul3A_866, %add3A_867 : i32
        %jit3A_869 = arith.constant 16 : i32
        %div3A_870 = arith.divsi %add3A_868, %jit3A_869 : i32
        %sign3A_871 = arith.constant 0 : i32
        %sign3A_872 = arith.cmpi sgt, %add3A_868, %sign3A_871 : i32
        %sign3A_873 = arith.extui %sign3A_872 : i1 to i32
        %sign3A_874 = arith.constant 0 : i32
        %sign3A_875 = arith.cmpi slt, %add3A_868, %sign3A_874 : i32
        %sign3A_876 = arith.extui %sign3A_875 : i1 to i32
        %sign3A_877 = arith.subi %sign3A_873, %sign3A_876 : i32
        %sign3A_878 = arith.constant 0 : i32
        %sign3A_879 = arith.cmpi sgt, %jit3A_869, %sign3A_878 : i32
        %sign3A_880 = arith.extui %sign3A_879 : i1 to i32
        %sign3A_881 = arith.constant 0 : i32
        %sign3A_882 = arith.cmpi slt, %jit3A_869, %sign3A_881 : i32
        %sign3A_883 = arith.extui %sign3A_882 : i1 to i32
        %sign3A_884 = arith.subi %sign3A_880, %sign3A_883 : i32
        %ne3A_885 = arith.cmpi ne, %sign3A_877, %sign3A_884 : i32
        %rem3A_886 = arith.remsi %add3A_868, %jit3A_869 : i32
        %ne3A_887 = arith.constant 0 : i32
        %ne3A_888 = arith.cmpi ne, %rem3A_886, %ne3A_887 : i32
        %and3A_889 = arith.andi %ne3A_885, %ne3A_888 : i1
        %sub3A_890 = arith.constant 1 : i32
        %sub3A_891 = arith.subi %div3A_870, %sub3A_890 : i32
        %select_n3A_892 = arith.select %and3A_889, %sub3A_891, %div3A_870 : i32
        %min3A_893 = arith.minsi %select_n3A_892, %select_n3A_750 : i32
        %sub3A_894 = arith.subi %min3A_893, %scan3A_797 : i32
        %max3A_895 = arith.constant 0 : i32
        %max3A_896 = arith.maxsi %sub3A_894, %max3A_895 : i32
        %while3A_897 = arith.constant 0 : i32
        %while3A_898 = arith.constant 0 : i32
        %while3A_899 = arith.subi %max3A_896, %while3A_898 : i32
        %while3A_900 = arith.addi %while3A_898, %while3A_899 : i32
        %while3A_901 = arith.constant 1 : i32
        %while3A_902 = arith.divsi %while3A_899, %while3A_901 : i32
        %while3A_903 = arith.muli %while3A_902, %while3A_901 : i32
        %while3A_904 = arith.addi %while3A_898, %while3A_903 : i32
        %while3A_905 = arith.constant 1 : i32
        scf.for %while3A_915 = %while3A_898 to %while3A_904 step %while3A_905  : i32 {
          %dma_wait3A = arith.constant 0 : i32
          %dma_wait3A_916 = arith.constant 0 : i32
          %dma_wait3A_917 = tpu.memref_slice %arg7[%dma_wait3A, %dma_wait3A_916] : memref<1152x96xf32, #tpu.memory_space<vmem>> -> memref<16x96xf32, #tpu.memory_space<vmem>>
          %dma_wait3A_918 = arith.constant 0 : i32
          %dma_wait3A_919 = arith.constant 0 : i32
          %dma_wait3A_920 = tpu.memref_slice %arg2[%dma_wait3A_918, %dma_wait3A_919] : memref<21760x96xf32, #tpu.memory_space<hbm>> -> memref<16x96xf32, #tpu.memory_space<hbm>>
          %dma_wait3A_921 = arith.constant 0 : i32
          %dma_wait3A_922 = arith.constant 0 : i32
          %dma_wait3A_923 = tpu.memref_slice %arg7[%dma_wait3A_921, %dma_wait3A_922] : memref<1152x96xf32, #tpu.memory_space<vmem>> -> memref<16x96xf32, #tpu.memory_space<vmem>>
          %dma_wait3A_924 = arith.constant 0 : i32
          %dma_wait3A_925 = arith.constant 0 : i32
          %dma_wait3A_926 = tpu.memref_slice %arg2[%dma_wait3A_924, %dma_wait3A_925] : memref<21760x96xf32, #tpu.memory_space<hbm>> -> memref<16x96xf32, #tpu.memory_space<hbm>>
          tpu.wait_dma2 semaphore(%arg9 : memref<!tpu.dma_semaphore, #tpu.memory_space<semaphore_mem>>) src(%dma_wait3A_926 : memref<16x96xf32, #tpu.memory_space<hbm>>) dst(%dma_wait3A_923 : memref<16x96xf32, #tpu.memory_space<vmem>>)
        }
        %while3A_906 = arith.constant 1 : i32
        scf.for %while3A_915 = %while3A_904 to %while3A_900 step %while3A_906  : i32 {
          %dma_wait3A = arith.constant 0 : i32
          %dma_wait3A_916 = arith.constant 0 : i32
          %dma_wait3A_917 = tpu.memref_slice %arg7[%dma_wait3A, %dma_wait3A_916] : memref<1152x96xf32, #tpu.memory_space<vmem>> -> memref<16x96xf32, #tpu.memory_space<vmem>>
          %dma_wait3A_918 = arith.constant 0 : i32
          %dma_wait3A_919 = arith.constant 0 : i32
          %dma_wait3A_920 = tpu.memref_slice %arg2[%dma_wait3A_918, %dma_wait3A_919] : memref<21760x96xf32, #tpu.memory_space<hbm>> -> memref<16x96xf32, #tpu.memory_space<hbm>>
          %dma_wait3A_921 = arith.constant 0 : i32
          %dma_wait3A_922 = arith.constant 0 : i32
          %dma_wait3A_923 = tpu.memref_slice %arg7[%dma_wait3A_921, %dma_wait3A_922] : memref<1152x96xf32, #tpu.memory_space<vmem>> -> memref<16x96xf32, #tpu.memory_space<vmem>>
          %dma_wait3A_924 = arith.constant 0 : i32
          %dma_wait3A_925 = arith.constant 0 : i32
          %dma_wait3A_926 = tpu.memref_slice %arg2[%dma_wait3A_924, %dma_wait3A_925] : memref<21760x96xf32, #tpu.memory_space<hbm>> -> memref<16x96xf32, #tpu.memory_space<hbm>>
          tpu.wait_dma2 semaphore(%arg9 : memref<!tpu.dma_semaphore, #tpu.memory_space<semaphore_mem>>) src(%dma_wait3A_926 : memref<16x96xf32, #tpu.memory_space<hbm>>) dst(%dma_wait3A_923 : memref<16x96xf32, #tpu.memory_space<vmem>>)
        }
        %max3A_907 = arith.maxsi %scan3A_797, %min3A_893 : i32
        %scan3A_908 = arith.constant 0 : i32
        %scan3A_909 = arith.constant 0 : i32
        %scan3A_910 = arith.constant 7 : i32
        %scan3A_911 = arith.addi %scan3A_909, %scan3A_910 : i32
        %scan3A_912 = arith.constant 1 : i32
        %scan3A_913 = scf.for %scan3A_915 = %scan3A_909 to %scan3A_911 step %scan3A_912 iter_args(%scan3A_916 = %scan3A_908) -> (i32)  : i32 {
          %mul3A_917 = arith.muli %scan3A_915, %reduce_max3A_614 : i32
          %jit3A_918 = arith.constant 7 : i32
          %div3A_919 = arith.divsi %mul3A_917, %jit3A_918 : i32
          %sign3A_920 = arith.constant 0 : i32
          %sign3A_921 = arith.cmpi sgt, %mul3A_917, %sign3A_920 : i32
          %sign3A_922 = arith.extui %sign3A_921 : i1 to i32
          %sign3A_923 = arith.constant 0 : i32
          %sign3A_924 = arith.cmpi slt, %mul3A_917, %sign3A_923 : i32
          %sign3A_925 = arith.extui %sign3A_924 : i1 to i32
          %sign3A_926 = arith.subi %sign3A_922, %sign3A_925 : i32
          %sign3A_927 = arith.constant 0 : i32
          %sign3A_928 = arith.cmpi sgt, %jit3A_918, %sign3A_927 : i32
          %sign3A_929 = arith.extui %sign3A_928 : i1 to i32
          %sign3A_930 = arith.constant 0 : i32
          %sign3A_931 = arith.cmpi slt, %jit3A_918, %sign3A_930 : i32
          %sign3A_932 = arith.extui %sign3A_931 : i1 to i32
          %sign3A_933 = arith.subi %sign3A_929, %sign3A_932 : i32
          %ne3A_934 = arith.cmpi ne, %sign3A_926, %sign3A_933 : i32
          %rem3A_935 = arith.remsi %mul3A_917, %jit3A_918 : i32
          %ne3A_936 = arith.constant 0 : i32
          %ne3A_937 = arith.cmpi ne, %rem3A_935, %ne3A_936 : i32
          %and3A_938 = arith.andi %ne3A_934, %ne3A_937 : i1
          %sub3A_939 = arith.constant 1 : i32
          %sub3A_940 = arith.subi %div3A_919, %sub3A_939 : i32
          %select_n3A_941 = arith.select %and3A_938, %sub3A_940, %div3A_919 : i32
          %add3A_942 = arith.addi %select_n3A_941, %reduce_max3A_586 : i32
          %jit3A_943 = arith.constant 0 : i32
          %max3A_944 = arith.maxsi %jit3A_943, %add3A_942 : i32
          %min3A_945 = arith.minsi %reduce_max3A_728, %max3A_944 : i32
          %add3A_946 = arith.constant 1 : i32
          %add3A_947 = arith.addi %scan3A_915, %add3A_946 : i32
          %mul3A_948 = arith.muli %add3A_947, %reduce_max3A_614 : i32
          %add3A_949 = arith.constant 6 : i32
          %add3A_950 = arith.addi %mul3A_948, %add3A_949 : i32
          %jit3A_951 = arith.constant 7 : i32
          %div3A_952 = arith.divsi %add3A_950, %jit3A_951 : i32
          %sign3A_953 = arith.constant 0 : i32
          %sign3A_954 = arith.cmpi sgt, %add3A_950, %sign3A_953 : i32
          %sign3A_955 = arith.extui %sign3A_954 : i1 to i32
          %sign3A_956 = arith.constant 0 : i32
          %sign3A_957 = arith.cmpi slt, %add3A_950, %sign3A_956 : i32
          %sign3A_958 = arith.extui %sign3A_957 : i1 to i32
          %sign3A_959 = arith.subi %sign3A_955, %sign3A_958 : i32
          %sign3A_960 = arith.constant 0 : i32
          %sign3A_961 = arith.cmpi sgt, %jit3A_951, %sign3A_960 : i32
          %sign3A_962 = arith.extui %sign3A_961 : i1 to i32
          %sign3A_963 = arith.constant 0 : i32
          %sign3A_964 = arith.cmpi slt, %jit3A_951, %sign3A_963 : i32
          %sign3A_965 = arith.extui %sign3A_964 : i1 to i32
          %sign3A_966 = arith.subi %sign3A_962, %sign3A_965 : i32
          %ne3A_967 = arith.cmpi ne, %sign3A_959, %sign3A_966 : i32
          %rem3A_968 = arith.remsi %add3A_950, %jit3A_951 : i32
          %ne3A_969 = arith.constant 0 : i32
          %ne3A_970 = arith.cmpi ne, %rem3A_968, %ne3A_969 : i32
          %and3A_971 = arith.andi %ne3A_967, %ne3A_970 : i1
          %sub3A_972 = arith.constant 1 : i32
          %sub3A_973 = arith.subi %div3A_952, %sub3A_972 : i32
          %select_n3A_974 = arith.select %and3A_971, %sub3A_973, %div3A_952 : i32
          %eq3A_975 = arith.constant 6 : i32
          %eq3A_976 = arith.cmpi eq, %scan3A_915, %eq3A_975 : i32
          %jit3A_977 = arith.constant 0 : i32
          %select_n3A_978 = arith.select %eq3A_976, %reduce_max3A_642, %jit3A_977 : i32
          %add3A_979 = arith.addi %select_n3A_974, %select_n3A_978 : i32
          %add3A_980 = arith.addi %add3A_979, %reduce_max3A_586 : i32
          %jit3A_981 = arith.constant 0 : i32
          %max3A_982 = arith.maxsi %jit3A_981, %add3A_980 : i32
          %min3A_983 = arith.minsi %reduce_max3A_728, %max3A_982 : i32
          %broadcast_in_dim3A_984 = arith.constant 0xFF800000 : f32
          %broadcast_in_dim3A_985 = vector.broadcast %broadcast_in_dim3A_984 : f32 to vector<16xf32>
          %while3A_986 = arith.subi %min3A_864, %min3A_826 : i32
          %while3A_987 = arith.addi %min3A_826, %while3A_986 : i32
          %while3A_988 = arith.constant 1 : i32
          %while3A_989 = arith.divsi %while3A_986, %while3A_988 : i32
          %while3A_990 = arith.muli %while3A_989, %while3A_988 : i32
          %while3A_991 = arith.addi %min3A_826, %while3A_990 : i32
          %while3A_992 = arith.constant 1 : i32
          %while3A_993:6 = scf.for %while3A_1046 = %min3A_826 to %while3A_991 step %while3A_992 iter_args(%while3A_1047 = %broadcast_in_dim3A_985, %while3A_1048 = %broadcast_in_dim3A_985, %while3A_1049 = %broadcast_in_dim3A_985, %while3A_1050 = %broadcast_in_dim3A_985, %while3A_1051 = %broadcast_in_dim3A_985, %while3A_1052 = %broadcast_in_dim3A_985) -> (vector<16xf32>, vector<16xf32>, vector<16xf32>, vector<16xf32>, vector<16xf32>, vector<16xf32>)  : i32 {
            %sub3A_1053 = arith.subi %while3A_1046, %reduce_max3A_656 : i32
            %mul3A_1054 = arith.muli %sub3A_1053, %max3A_686 : i32
            %sub3A_1055 = arith.subi %mul3A_1054, %reduce_max3A_670 : i32
            %while3A_1056 = arith.subi %min3A_983, %min3A_945 : i32
            %while3A_1057 = arith.addi %min3A_945, %while3A_1056 : i32
            %while3A_1058 = arith.constant 1 : i32
            %while3A_1059 = arith.divsi %while3A_1056, %while3A_1058 : i32
            %while3A_1060 = arith.muli %while3A_1059, %while3A_1058 : i32
            %while3A_1061 = arith.addi %min3A_945, %while3A_1060 : i32
            %while3A_1062 = arith.constant 1 : i32
            %while3A_1063:6 = scf.for %while3A_1066 = %min3A_945 to %while3A_1061 step %while3A_1062 iter_args(%while3A_1067 = %while3A_1047, %while3A_1068 = %while3A_1048, %while3A_1069 = %while3A_1049, %while3A_1070 = %while3A_1050, %while3A_1071 = %while3A_1051, %while3A_1072 = %while3A_1052) -> (vector<16xf32>, vector<16xf32>, vector<16xf32>, vector<16xf32>, vector<16xf32>, vector<16xf32>)  : i32 {
              %add3A_1073 = arith.addi %sub3A_1055, %while3A_1066 : i32
              %get3A = arith.index_cast %add3A_1073 : i32 to index
              %get3A_1074 = arith.constant 0 : index
              %get3A_1075 = tpu.vector_load %arg7[%get3A, %get3A_1074] {strides = array<i32>} : memref<1152x96xf32, #tpu.memory_space<vmem>>, vector<16xf32>,
              %max3A_1076 = arith.maximumf %while3A_1067, %get3A_1075 : vector<16xf32>
              %get3A_1077 = arith.index_cast %add3A_1073 : i32 to index
              %get3A_1078 = arith.constant 16 : index
              %get3A_1079 = tpu.vector_load %arg7[%get3A_1077, %get3A_1078] {strides = array<i32>} : memref<1152x96xf32, #tpu.memory_space<vmem>>, vector<16xf32>,
              %max3A_1080 = arith.maximumf %while3A_1068, %get3A_1079 : vector<16xf32>
              %get3A_1081 = arith.index_cast %add3A_1073 : i32 to index
              %get3A_1082 = arith.constant 32 : index
              %get3A_1083 = tpu.vector_load %arg7[%get3A_1081, %get3A_1082] {strides = array<i32>} : memref<1152x96xf32, #tpu.memory_space<vmem>>, vector<16xf32>,
              %max3A_1084 = arith.maximumf %while3A_1069, %get3A_1083 : vector<16xf32>
              %get3A_1085 = arith.index_cast %add3A_1073 : i32 to index
              %get3A_1086 = arith.constant 48 : index
              %get3A_1087 = tpu.vector_load %arg7[%get3A_1085, %get3A_1086] {strides = array<i32>} : memref<1152x96xf32, #tpu.memory_space<vmem>>, vector<16xf32>,
              %max3A_1088 = arith.maximumf %while3A_1070, %get3A_1087 : vector<16xf32>
              %get3A_1089 = arith.index_cast %add3A_1073 : i32 to index
              %get3A_1090 = arith.constant 64 : index
              %get3A_1091 = tpu.vector_load %arg7[%get3A_1089, %get3A_1090] {strides = array<i32>} : memref<1152x96xf32, #tpu.memory_space<vmem>>, vector<16xf32>,
              %max3A_1092 = arith.maximumf %while3A_1071, %get3A_1091 : vector<16xf32>
              %get3A_1093 = arith.index_cast %add3A_1073 : i32 to index
              %get3A_1094 = arith.constant 80 : index
              %get3A_1095 = tpu.vector_load %arg7[%get3A_1093, %get3A_1094] {strides = array<i32>} : memref<1152x96xf32, #tpu.memory_space<vmem>>, vector<16xf32>,
              %max3A_1096 = arith.maximumf %while3A_1072, %get3A_1095 : vector<16xf32>
              scf.yield %max3A_1076, %max3A_1080, %max3A_1084, %max3A_1088, %max3A_1092, %max3A_1096 : vector<16xf32>, vector<16xf32>, vector<16xf32>, vector<16xf32>, vector<16xf32>, vector<16xf32>
            }
            %while3A_1064 = arith.constant 1 : i32
            %while3A_1065:6 = scf.for %while3A_1066 = %while3A_1061 to %while3A_1057 step %while3A_1064 iter_args(%while3A_1067 = %while3A_1063#0, %while3A_1068 = %while3A_1063#1, %while3A_1069 = %while3A_1063#2, %while3A_1070 = %while3A_1063#3, %while3A_1071 = %while3A_1063#4, %while3A_1072 = %while3A_1063#5) -> (vector<16xf32>, vector<16xf32>, vector<16xf32>, vector<16xf32>, vector<16xf32>, vector<16xf32>)  : i32 {
              %add3A_1073 = arith.addi %sub3A_1055, %while3A_1066 : i32
              %get3A = arith.index_cast %add3A_1073 : i32 to index
              %get3A_1074 = arith.constant 0 : index
              %get3A_1075 = tpu.vector_load %arg7[%get3A, %get3A_1074] {strides = array<i32>} : memref<1152x96xf32, #tpu.memory_space<vmem>>, vector<16xf32>,
              %max3A_1076 = arith.maximumf %while3A_1067, %get3A_1075 : vector<16xf32>
              %get3A_1077 = arith.index_cast %add3A_1073 : i32 to index
              %get3A_1078 = arith.constant 16 : index
              %get3A_1079 = tpu.vector_load %arg7[%get3A_1077, %get3A_1078] {strides = array<i32>} : memref<1152x96xf32, #tpu.memory_space<vmem>>, vector<16xf32>,
              %max3A_1080 = arith.maximumf %while3A_1068, %get3A_1079 : vector<16xf32>
              %get3A_1081 = arith.index_cast %add3A_1073 : i32 to index
              %get3A_1082 = arith.constant 32 : index
              %get3A_1083 = tpu.vector_load %arg7[%get3A_1081, %get3A_1082] {strides = array<i32>} : memref<1152x96xf32, #tpu.memory_space<vmem>>, vector<16xf32>,
              %max3A_1084 = arith.maximumf %while3A_1069, %get3A_1083 : vector<16xf32>
              %get3A_1085 = arith.index_cast %add3A_1073 : i32 to index
              %get3A_1086 = arith.constant 48 : index
              %get3A_1087 = tpu.vector_load %arg7[%get3A_1085, %get3A_1086] {strides = array<i32>} : memref<1152x96xf32, #tpu.memory_space<vmem>>, vector<16xf32>,
              %max3A_1088 = arith.maximumf %while3A_1070, %get3A_1087 : vector<16xf32>
              %get3A_1089 = arith.index_cast %add3A_1073 : i32 to index
              %get3A_1090 = arith.constant 64 : index
              %get3A_1091 = tpu.vector_load %arg7[%get3A_1089, %get3A_1090] {strides = array<i32>} : memref<1152x96xf32, #tpu.memory_space<vmem>>, vector<16xf32>,
              %max3A_1092 = arith.maximumf %while3A_1071, %get3A_1091 : vector<16xf32>
              %get3A_1093 = arith.index_cast %add3A_1073 : i32 to index
              %get3A_1094 = arith.constant 80 : index
              %get3A_1095 = tpu.vector_load %arg7[%get3A_1093, %get3A_1094] {strides = array<i32>} : memref<1152x96xf32, #tpu.memory_space<vmem>>, vector<16xf32>,
              %max3A_1096 = arith.maximumf %while3A_1072, %get3A_1095 : vector<16xf32>
              scf.yield %max3A_1076, %max3A_1080, %max3A_1084, %max3A_1088, %max3A_1092, %max3A_1096 : vector<16xf32>, vector<16xf32>, vector<16xf32>, vector<16xf32>, vector<16xf32>, vector<16xf32>
            }
            scf.yield %while3A_1065#0, %while3A_1065#1, %while3A_1065#2, %while3A_1065#3, %while3A_1065#4, %while3A_1065#5 : vector<16xf32>, vector<16xf32>, vector<16xf32>, vector<16xf32>, vector<16xf32>, vector<16xf32>
          }
          %while3A_994 = arith.constant 1 : i32
          %while3A_995:6 = scf.for %while3A_1046 = %while3A_991 to %while3A_987 step %while3A_994 iter_args(%while3A_1047 = %while3A_993#0, %while3A_1048 = %while3A_993#1, %while3A_1049 = %while3A_993#2, %while3A_1050 = %while3A_993#3, %while3A_1051 = %while3A_993#4, %while3A_1052 = %while3A_993#5) -> (vector<16xf32>, vector<16xf32>, vector<16xf32>, vector<16xf32>, vector<16xf32>, vector<16xf32>)  : i32 {
            %sub3A_1053 = arith.subi %while3A_1046, %reduce_max3A_656 : i32
            %mul3A_1054 = arith.muli %sub3A_1053, %max3A_686 : i32
            %sub3A_1055 = arith.subi %mul3A_1054, %reduce_max3A_670 : i32
            %while3A_1056 = arith.subi %min3A_983, %min3A_945 : i32
            %while3A_1057 = arith.addi %min3A_945, %while3A_1056 : i32
            %while3A_1058 = arith.constant 1 : i32
            %while3A_1059 = arith.divsi %while3A_1056, %while3A_1058 : i32
            %while3A_1060 = arith.muli %while3A_1059, %while3A_1058 : i32
            %while3A_1061 = arith.addi %min3A_945, %while3A_1060 : i32
            %while3A_1062 = arith.constant 1 : i32
            %while3A_1063:6 = scf.for %while3A_1066 = %min3A_945 to %while3A_1061 step %while3A_1062 iter_args(%while3A_1067 = %while3A_1047, %while3A_1068 = %while3A_1048, %while3A_1069 = %while3A_1049, %while3A_1070 = %while3A_1050, %while3A_1071 = %while3A_1051, %while3A_1072 = %while3A_1052) -> (vector<16xf32>, vector<16xf32>, vector<16xf32>, vector<16xf32>, vector<16xf32>, vector<16xf32>)  : i32 {
              %add3A_1073 = arith.addi %sub3A_1055, %while3A_1066 : i32
              %get3A = arith.index_cast %add3A_1073 : i32 to index
              %get3A_1074 = arith.constant 0 : index
              %get3A_1075 = tpu.vector_load %arg7[%get3A, %get3A_1074] {strides = array<i32>} : memref<1152x96xf32, #tpu.memory_space<vmem>>, vector<16xf32>,
              %max3A_1076 = arith.maximumf %while3A_1067, %get3A_1075 : vector<16xf32>
              %get3A_1077 = arith.index_cast %add3A_1073 : i32 to index
              %get3A_1078 = arith.constant 16 : index
              %get3A_1079 = tpu.vector_load %arg7[%get3A_1077, %get3A_1078] {strides = array<i32>} : memref<1152x96xf32, #tpu.memory_space<vmem>>, vector<16xf32>,
              %max3A_1080 = arith.maximumf %while3A_1068, %get3A_1079 : vector<16xf32>
              %get3A_1081 = arith.index_cast %add3A_1073 : i32 to index
              %get3A_1082 = arith.constant 32 : index
              %get3A_1083 = tpu.vector_load %arg7[%get3A_1081, %get3A_1082] {strides = array<i32>} : memref<1152x96xf32, #tpu.memory_space<vmem>>, vector<16xf32>,
              %max3A_1084 = arith.maximumf %while3A_1069, %get3A_1083 : vector<16xf32>
              %get3A_1085 = arith.index_cast %add3A_1073 : i32 to index
              %get3A_1086 = arith.constant 48 : index
              %get3A_1087 = tpu.vector_load %arg7[%get3A_1085, %get3A_1086] {strides = array<i32>} : memref<1152x96xf32, #tpu.memory_space<vmem>>, vector<16xf32>,
              %max3A_1088 = arith.maximumf %while3A_1070, %get3A_1087 : vector<16xf32>
              %get3A_1089 = arith.index_cast %add3A_1073 : i32 to index
              %get3A_1090 = arith.constant 64 : index
              %get3A_1091 = tpu.vector_load %arg7[%get3A_1089, %get3A_1090] {strides = array<i32>} : memref<1152x96xf32, #tpu.memory_space<vmem>>, vector<16xf32>,
              %max3A_1092 = arith.maximumf %while3A_1071, %get3A_1091 : vector<16xf32>
              %get3A_1093 = arith.index_cast %add3A_1073 : i32 to index
              %get3A_1094 = arith.constant 80 : index
              %get3A_1095 = tpu.vector_load %arg7[%get3A_1093, %get3A_1094] {strides = array<i32>} : memref<1152x96xf32, #tpu.memory_space<vmem>>, vector<16xf32>,
              %max3A_1096 = arith.maximumf %while3A_1072, %get3A_1095 : vector<16xf32>
              scf.yield %max3A_1076, %max3A_1080, %max3A_1084, %max3A_1088, %max3A_1092, %max3A_1096 : vector<16xf32>, vector<16xf32>, vector<16xf32>, vector<16xf32>, vector<16xf32>, vector<16xf32>
            }
            %while3A_1064 = arith.constant 1 : i32
            %while3A_1065:6 = scf.for %while3A_1066 = %while3A_1061 to %while3A_1057 step %while3A_1064 iter_args(%while3A_1067 = %while3A_1063#0, %while3A_1068 = %while3A_1063#1, %while3A_1069 = %while3A_1063#2, %while3A_1070 = %while3A_1063#3, %while3A_1071 = %while3A_1063#4, %while3A_1072 = %while3A_1063#5) -> (vector<16xf32>, vector<16xf32>, vector<16xf32>, vector<16xf32>, vector<16xf32>, vector<16xf32>)  : i32 {
              %add3A_1073 = arith.addi %sub3A_1055, %while3A_1066 : i32
              %get3A = arith.index_cast %add3A_1073 : i32 to index
              %get3A_1074 = arith.constant 0 : index
              %get3A_1075 = tpu.vector_load %arg7[%get3A, %get3A_1074] {strides = array<i32>} : memref<1152x96xf32, #tpu.memory_space<vmem>>, vector<16xf32>,
              %max3A_1076 = arith.maximumf %while3A_1067, %get3A_1075 : vector<16xf32>
              %get3A_1077 = arith.index_cast %add3A_1073 : i32 to index
              %get3A_1078 = arith.constant 16 : index
              %get3A_1079 = tpu.vector_load %arg7[%get3A_1077, %get3A_1078] {strides = array<i32>} : memref<1152x96xf32, #tpu.memory_space<vmem>>, vector<16xf32>,
              %max3A_1080 = arith.maximumf %while3A_1068, %get3A_1079 : vector<16xf32>
              %get3A_1081 = arith.index_cast %add3A_1073 : i32 to index
              %get3A_1082 = arith.constant 32 : index
              %get3A_1083 = tpu.vector_load %arg7[%get3A_1081, %get3A_1082] {strides = array<i32>} : memref<1152x96xf32, #tpu.memory_space<vmem>>, vector<16xf32>,
              %max3A_1084 = arith.maximumf %while3A_1069, %get3A_1083 : vector<16xf32>
              %get3A_1085 = arith.index_cast %add3A_1073 : i32 to index
              %get3A_1086 = arith.constant 48 : index
              %get3A_1087 = tpu.vector_load %arg7[%get3A_1085, %get3A_1086] {strides = array<i32>} : memref<1152x96xf32, #tpu.memory_space<vmem>>, vector<16xf32>,
              %max3A_1088 = arith.maximumf %while3A_1070, %get3A_1087 : vector<16xf32>
              %get3A_1089 = arith.index_cast %add3A_1073 : i32 to index
              %get3A_1090 = arith.constant 64 : index
              %get3A_1091 = tpu.vector_load %arg7[%get3A_1089, %get3A_1090] {strides = array<i32>} : memref<1152x96xf32, #tpu.memory_space<vmem>>, vector<16xf32>,
              %max3A_1092 = arith.maximumf %while3A_1071, %get3A_1091 : vector<16xf32>
              %get3A_1093 = arith.index_cast %add3A_1073 : i32 to index
              %get3A_1094 = arith.constant 80 : index
              %get3A_1095 = tpu.vector_load %arg7[%get3A_1093, %get3A_1094] {strides = array<i32>} : memref<1152x96xf32, #tpu.memory_space<vmem>>, vector<16xf32>,
              %max3A_1096 = arith.maximumf %while3A_1072, %get3A_1095 : vector<16xf32>
              scf.yield %max3A_1076, %max3A_1080, %max3A_1084, %max3A_1088, %max3A_1092, %max3A_1096 : vector<16xf32>, vector<16xf32>, vector<16xf32>, vector<16xf32>, vector<16xf32>, vector<16xf32>
            }
            scf.yield %while3A_1065#0, %while3A_1065#1, %while3A_1065#2, %while3A_1065#3, %while3A_1065#4, %while3A_1065#5 : vector<16xf32>, vector<16xf32>, vector<16xf32>, vector<16xf32>, vector<16xf32>, vector<16xf32>
          }
          %gt3A_996 = arith.cmpi sgt, %min3A_864, %min3A_826 : i32
          %gt3A_997 = arith.cmpi sgt, %min3A_983, %min3A_945 : i32
          %and3A_998 = arith.andi %gt3A_996, %gt3A_997 : i1
          %mul3A_999 = arith.constant 7 : i32
          %mul3A_1000 = arith.muli %scan3A_796, %mul3A_999 : i32
          %add3A_1001 = arith.addi %mul3A_1000, %scan3A_915 : i32
          %mul3A_1002 = arith.constant 96 : i32
          %mul3A_1003 = arith.muli %add3A_1001, %mul3A_1002 : i32
          %jit3A_1004 = arith.constant 0.000000e+00 : f32
          %broadcast_in_dim3A_1005 = vector.broadcast %jit3A_1004 : f32 to vector<16xf32>
          %select_n3A_1006 = arith.select %and3A_998, %while3A_995#0, %broadcast_in_dim3A_1005 : vector<16xf32>
          %add3A_1007 = arith.constant 0 : i32
          %add3A_1008 = arith.addi %mul3A_1003, %add3A_1007 : i32
          %swap3A = arith.index_cast %add3A_1008 : i32 to index
          %swap3A_1009 = tpu.vector_load %arg8[%swap3A] {strides = array<i32>} : memref<4704xf32, #tpu.memory_space<vmem>>, vector<16xf32>,
          tpu.vector_store %arg8[%swap3A], %select_n3A_1006 {strides = array<i32>} : memref<4704xf32, #tpu.memory_space<vmem>>, vector<16xf32>,
          %jit3A_1010 = arith.constant 0.000000e+00 : f32
          %broadcast_in_dim3A_1011 = vector.broadcast %jit3A_1010 : f32 to vector<16xf32>
          %select_n3A_1012 = arith.select %and3A_998, %while3A_995#1, %broadcast_in_dim3A_1011 : vector<16xf32>
          %add3A_1013 = arith.constant 16 : i32
          %add3A_1014 = arith.addi %mul3A_1003, %add3A_1013 : i32
          %swap3A_1015 = arith.index_cast %add3A_1014 : i32 to index
          %swap3A_1016 = tpu.vector_load %arg8[%swap3A_1015] {strides = array<i32>} : memref<4704xf32, #tpu.memory_space<vmem>>, vector<16xf32>,
          tpu.vector_store %arg8[%swap3A_1015], %select_n3A_1012 {strides = array<i32>} : memref<4704xf32, #tpu.memory_space<vmem>>, vector<16xf32>,
          %jit3A_1017 = arith.constant 0.000000e+00 : f32
          %broadcast_in_dim3A_1018 = vector.broadcast %jit3A_1017 : f32 to vector<16xf32>
          %select_n3A_1019 = arith.select %and3A_998, %while3A_995#2, %broadcast_in_dim3A_1018 : vector<16xf32>
          %add3A_1020 = arith.constant 32 : i32
          %add3A_1021 = arith.addi %mul3A_1003, %add3A_1020 : i32
          %swap3A_1022 = arith.index_cast %add3A_1021 : i32 to index
          %swap3A_1023 = tpu.vector_load %arg8[%swap3A_1022] {strides = array<i32>} : memref<4704xf32, #tpu.memory_space<vmem>>, vector<16xf32>,
          tpu.vector_store %arg8[%swap3A_1022], %select_n3A_1019 {strides = array<i32>} : memref<4704xf32, #tpu.memory_space<vmem>>, vector<16xf32>,
          %jit3A_1024 = arith.constant 0.000000e+00 : f32
          %broadcast_in_dim3A_1025 = vector.broadcast %jit3A_1024 : f32 to vector<16xf32>
          %select_n3A_1026 = arith.select %and3A_998, %while3A_995#3, %broadcast_in_dim3A_1025 : vector<16xf32>
          %add3A_1027 = arith.constant 48 : i32
          %add3A_1028 = arith.addi %mul3A_1003, %add3A_1027 : i32
          %swap3A_1029 = arith.index_cast %add3A_1028 : i32 to index
          %swap3A_1030 = tpu.vector_load %arg8[%swap3A_1029] {strides = array<i32>} : memref<4704xf32, #tpu.memory_space<vmem>>, vector<16xf32>,
          tpu.vector_store %arg8[%swap3A_1029], %select_n3A_1026 {strides = array<i32>} : memref<4704xf32, #tpu.memory_space<vmem>>, vector<16xf32>,
          %jit3A_1031 = arith.constant 0.000000e+00 : f32
          %broadcast_in_dim3A_1032 = vector.broadcast %jit3A_1031 : f32 to vector<16xf32>
          %select_n3A_1033 = arith.select %and3A_998, %while3A_995#4, %broadcast_in_dim3A_1032 : vector<16xf32>
          %add3A_1034 = arith.constant 64 : i32
          %add3A_1035 = arith.addi %mul3A_1003, %add3A_1034 : i32
          %swap3A_1036 = arith.index_cast %add3A_1035 : i32 to index
          %swap3A_1037 = tpu.vector_load %arg8[%swap3A_1036] {strides = array<i32>} : memref<4704xf32, #tpu.memory_space<vmem>>, vector<16xf32>,
          tpu.vector_store %arg8[%swap3A_1036], %select_n3A_1033 {strides = array<i32>} : memref<4704xf32, #tpu.memory_space<vmem>>, vector<16xf32>,
          %jit3A_1038 = arith.constant 0.000000e+00 : f32
          %broadcast_in_dim3A_1039 = vector.broadcast %jit3A_1038 : f32 to vector<16xf32>
          %select_n3A_1040 = arith.select %and3A_998, %while3A_995#5, %broadcast_in_dim3A_1039 : vector<16xf32>
          %add3A_1041 = arith.constant 80 : i32
          %add3A_1042 = arith.addi %mul3A_1003, %add3A_1041 : i32
          %swap3A_1043 = arith.index_cast %add3A_1042 : i32 to index
          %swap3A_1044 = tpu.vector_load %arg8[%swap3A_1043] {strides = array<i32>} : memref<4704xf32, #tpu.memory_space<vmem>>, vector<16xf32>,
          tpu.vector_store %arg8[%swap3A_1043], %select_n3A_1040 {strides = array<i32>} : memref<4704xf32, #tpu.memory_space<vmem>>, vector<16xf32>,
          %scan3A_1045 = arith.constant 0 : i32
          scf.yield %scan3A_1045 : i32
        }
        %scan3A_914 = arith.constant 7 : i32
        scf.yield %max3A_907 : i32
      }
      %scan3A_782 = arith.constant 7 : i32
      %sub3A_783 = arith.subi %select_n3A_750, %scan3A_781 : i32
      %while3A_784 = arith.constant 0 : i32
      %while3A_785 = arith.constant 0 : i32
      %while3A_786 = arith.subi %sub3A_783, %while3A_785 : i32
      %while3A_787 = arith.addi %while3A_785, %while3A_786 : i32
      %while3A_788 = arith.constant 1 : i32
      %while3A_789 = arith.divsi %while3A_786, %while3A_788 : i32
      %while3A_790 = arith.muli %while3A_789, %while3A_788 : i32
      %while3A_791 = arith.addi %while3A_785, %while3A_790 : i32
      %while3A_792 = arith.constant 1 : i32
      scf.for %while3A_796 = %while3A_785 to %while3A_791 step %while3A_792  : i32 {
        %dma_wait3A = arith.constant 0 : i32
        %dma_wait3A_797 = arith.constant 0 : i32
        %dma_wait3A_798 = tpu.memref_slice %arg7[%dma_wait3A, %dma_wait3A_797] : memref<1152x96xf32, #tpu.memory_space<vmem>> -> memref<16x96xf32, #tpu.memory_space<vmem>>
        %dma_wait3A_799 = arith.constant 0 : i32
        %dma_wait3A_800 = arith.constant 0 : i32
        %dma_wait3A_801 = tpu.memref_slice %arg2[%dma_wait3A_799, %dma_wait3A_800] : memref<21760x96xf32, #tpu.memory_space<hbm>> -> memref<16x96xf32, #tpu.memory_space<hbm>>
        %dma_wait3A_802 = arith.constant 0 : i32
        %dma_wait3A_803 = arith.constant 0 : i32
        %dma_wait3A_804 = tpu.memref_slice %arg7[%dma_wait3A_802, %dma_wait3A_803] : memref<1152x96xf32, #tpu.memory_space<vmem>> -> memref<16x96xf32, #tpu.memory_space<vmem>>
        %dma_wait3A_805 = arith.constant 0 : i32
        %dma_wait3A_806 = arith.constant 0 : i32
        %dma_wait3A_807 = tpu.memref_slice %arg2[%dma_wait3A_805, %dma_wait3A_806] : memref<21760x96xf32, #tpu.memory_space<hbm>> -> memref<16x96xf32, #tpu.memory_space<hbm>>
        tpu.wait_dma2 semaphore(%arg9 : memref<!tpu.dma_semaphore, #tpu.memory_space<semaphore_mem>>) src(%dma_wait3A_807 : memref<16x96xf32, #tpu.memory_space<hbm>>) dst(%dma_wait3A_804 : memref<16x96xf32, #tpu.memory_space<vmem>>)
      }
      %while3A_793 = arith.constant 1 : i32
      scf.for %while3A_796 = %while3A_791 to %while3A_787 step %while3A_793  : i32 {
        %dma_wait3A = arith.constant 0 : i32
        %dma_wait3A_797 = arith.constant 0 : i32
        %dma_wait3A_798 = tpu.memref_slice %arg7[%dma_wait3A, %dma_wait3A_797] : memref<1152x96xf32, #tpu.memory_space<vmem>> -> memref<16x96xf32, #tpu.memory_space<vmem>>
        %dma_wait3A_799 = arith.constant 0 : i32
        %dma_wait3A_800 = arith.constant 0 : i32
        %dma_wait3A_801 = tpu.memref_slice %arg2[%dma_wait3A_799, %dma_wait3A_800] : memref<21760x96xf32, #tpu.memory_space<hbm>> -> memref<16x96xf32, #tpu.memory_space<hbm>>
        %dma_wait3A_802 = arith.constant 0 : i32
        %dma_wait3A_803 = arith.constant 0 : i32
        %dma_wait3A_804 = tpu.memref_slice %arg7[%dma_wait3A_802, %dma_wait3A_803] : memref<1152x96xf32, #tpu.memory_space<vmem>> -> memref<16x96xf32, #tpu.memory_space<vmem>>
        %dma_wait3A_805 = arith.constant 0 : i32
        %dma_wait3A_806 = arith.constant 0 : i32
        %dma_wait3A_807 = tpu.memref_slice %arg2[%dma_wait3A_805, %dma_wait3A_806] : memref<21760x96xf32, #tpu.memory_space<hbm>> -> memref<16x96xf32, #tpu.memory_space<hbm>>
        tpu.wait_dma2 semaphore(%arg9 : memref<!tpu.dma_semaphore, #tpu.memory_space<semaphore_mem>>) src(%dma_wait3A_807 : memref<16x96xf32, #tpu.memory_space<hbm>>) dst(%dma_wait3A_804 : memref<16x96xf32, #tpu.memory_space<vmem>>)
      }
      %add3A_794 = arith.addi %add3A_4, %while3A_558 : i32
      "tpu.region"() ({
        %run_scoped3A = tpu.sem_alloc : memref<!tpu.dma_semaphore, #tpu.memory_space<semaphore_mem>>
        %dma_start3A = arith.constant 0 : i32
        %dma_start3A_796 = tpu.memref_slice %arg4[%add3A_794, %dma_start3A] : memref<1000x4704xf32, #tpu.memory_space<hbm>> -> memref<1x4704xf32, #tpu.memory_space<hbm>>
        %dma_start3A_797 = tpu.memref_squeeze %dma_start3A_796 : memref<1x4704xf32, #tpu.memory_space<hbm>> -> memref<4704xf32, #tpu.memory_space<hbm>>
        %dma_start3A_798 = arith.constant 0 : i32
        %dma_start3A_799 = tpu.memref_slice %arg4[%add3A_794, %dma_start3A_798] : memref<1000x4704xf32, #tpu.memory_space<hbm>> -> memref<1x4704xf32, #tpu.memory_space<hbm>>
        %dma_start3A_800 = tpu.memref_squeeze %dma_start3A_799 : memref<1x4704xf32, #tpu.memory_space<hbm>> -> memref<4704xf32, #tpu.memory_space<hbm>>
        tpu.enqueue_dma source(%arg8 : memref<4704xf32, #tpu.memory_space<vmem>>) target(%dma_start3A_800 : memref<4704xf32, #tpu.memory_space<hbm>>) target_semaphore(%run_scoped3A : memref<!tpu.dma_semaphore, #tpu.memory_space<semaphore_mem>>)
        %dma_wait3A = arith.constant 0 : i32
        %dma_wait3A_801 = tpu.memref_slice %arg4[%add3A_794, %dma_wait3A] : memref<1000x4704xf32, #tpu.memory_space<hbm>> -> memref<1x4704xf32, #tpu.memory_space<hbm>>
        %dma_wait3A_802 = tpu.memref_squeeze %dma_wait3A_801 : memref<1x4704xf32, #tpu.memory_space<hbm>> -> memref<4704xf32, #tpu.memory_space<hbm>>
        %dma_wait3A_803 = arith.constant 0 : i32
        %dma_wait3A_804 = tpu.memref_slice %arg4[%add3A_794, %dma_wait3A_803] : memref<1000x4704xf32, #tpu.memory_space<hbm>> -> memref<1x4704xf32, #tpu.memory_space<hbm>>
        %dma_wait3A_805 = tpu.memref_squeeze %dma_wait3A_804 : memref<1x4704xf32, #tpu.memory_space<hbm>> -> memref<4704xf32, #tpu.memory_space<hbm>>
        tpu.wait_dma2 semaphore(%run_scoped3A : memref<!tpu.dma_semaphore, #tpu.memory_space<semaphore_mem>>) src(%arg8 : memref<4704xf32, #tpu.memory_space<vmem>>) dst(%dma_wait3A_805 : memref<4704xf32, #tpu.memory_space<hbm>>)
        tpu.yield
      }) : () -> ()
      %while3A_795 = arith.constant 0 : i32
      scf.yield %while3A_795 : i32
    }
    %while3A_271 = arith.constant 1 : i32
    %while3A_272 = scf.for %while3A_558 = %while3A_268 to %while3A_264 step %while3A_271 iter_args(%while3A_559 = %while3A_270) -> (i32)  : i32 {
      %iota3A_560 = tpu.iota {dimensions = array<i32: 0>} : vector<16xi32>
      %eq3A_561 = vector.broadcast %while3A_558 : i32 to vector<16xi32>
      %eq3A_562 = arith.cmpi eq, %iota3A_560, %eq3A_561 : vector<16xi32>
      %jit3A_563 = arith.constant -2147483648 : i32
      %broadcast_in_dim3A_564 = vector.broadcast %jit3A_563 : i32 to vector<16xi32>
      %select_n3A_565 = arith.select %eq3A_562, %add3A_108, %broadcast_in_dim3A_564 : vector<16xi1>, vector<16xi32>
      %reduce_max3A = arith.constant true
      %reduce_max3A_566 = vector.broadcast %reduce_max3A : i1 to vector<16xi1>
      %reduce_max3A_567 = arith.constant -2147483648 : i32
      %reduce_max3A_568 = vector.broadcast %reduce_max3A_567 : i32 to vector<16xi32>
      %reduce_max3A_569 = arith.xori %select_n3A_565, %reduce_max3A_568 : vector<16xi32>
      %reduce_max3A_570 = tpu.scan <max>, %reduce_max3A_569 masked %reduce_max3A_566 : vector<16xi32>, vector<16xi1> -> vector<16xi32>
      %reduce_max3A_571 = arith.xori %reduce_max3A_570, %reduce_max3A_568 : vector<16xi32>
      %reduce_max3A_572 = vector.extract %reduce_max3A_571[15] : i32 from vector<16xi32>
      %iota3A_573 = tpu.iota {dimensions = array<i32: 0>} : vector<16xi32>
      %eq3A_574 = vector.broadcast %while3A_558 : i32 to vector<16xi32>
      %eq3A_575 = arith.cmpi eq, %iota3A_573, %eq3A_574 : vector<16xi32>
      %jit3A_576 = arith.constant -2147483648 : i32
      %broadcast_in_dim3A_577 = vector.broadcast %jit3A_576 : i32 to vector<16xi32>
      %select_n3A_578 = arith.select %eq3A_575, %add3A_88, %broadcast_in_dim3A_577 : vector<16xi1>, vector<16xi32>
      %reduce_max3A_579 = arith.constant true
      %reduce_max3A_580 = vector.broadcast %reduce_max3A_579 : i1 to vector<16xi1>
      %reduce_max3A_581 = arith.constant -2147483648 : i32
      %reduce_max3A_582 = vector.broadcast %reduce_max3A_581 : i32 to vector<16xi32>
      %reduce_max3A_583 = arith.xori %select_n3A_578, %reduce_max3A_582 : vector<16xi32>
      %reduce_max3A_584 = tpu.scan <max>, %reduce_max3A_583 masked %reduce_max3A_580 : vector<16xi32>, vector<16xi1> -> vector<16xi32>
      %reduce_max3A_585 = arith.xori %reduce_max3A_584, %reduce_max3A_582 : vector<16xi32>
      %reduce_max3A_586 = vector.extract %reduce_max3A_585[15] : i32 from vector<16xi32>
      %iota3A_587 = tpu.iota {dimensions = array<i32: 0>} : vector<16xi32>
      %eq3A_588 = vector.broadcast %while3A_558 : i32 to vector<16xi32>
      %eq3A_589 = arith.cmpi eq, %iota3A_587, %eq3A_588 : vector<16xi32>
      %jit3A_590 = arith.constant -2147483648 : i32
      %broadcast_in_dim3A_591 = vector.broadcast %jit3A_590 : i32 to vector<16xi32>
      %select_n3A_592 = arith.select %eq3A_589, %min3A_177, %broadcast_in_dim3A_591 : vector<16xi1>, vector<16xi32>
      %reduce_max3A_593 = arith.constant true
      %reduce_max3A_594 = vector.broadcast %reduce_max3A_593 : i1 to vector<16xi1>
      %reduce_max3A_595 = arith.constant -2147483648 : i32
      %reduce_max3A_596 = vector.broadcast %reduce_max3A_595 : i32 to vector<16xi32>
      %reduce_max3A_597 = arith.xori %select_n3A_592, %reduce_max3A_596 : vector<16xi32>
      %reduce_max3A_598 = tpu.scan <max>, %reduce_max3A_597 masked %reduce_max3A_594 : vector<16xi32>, vector<16xi1> -> vector<16xi32>
      %reduce_max3A_599 = arith.xori %reduce_max3A_598, %reduce_max3A_596 : vector<16xi32>
      %reduce_max3A_600 = vector.extract %reduce_max3A_599[15] : i32 from vector<16xi32>
      %iota3A_601 = tpu.iota {dimensions = array<i32: 0>} : vector<16xi32>
      %eq3A_602 = vector.broadcast %while3A_558 : i32 to vector<16xi32>
      %eq3A_603 = arith.cmpi eq, %iota3A_601, %eq3A_602 : vector<16xi32>
      %jit3A_604 = arith.constant -2147483648 : i32
      %broadcast_in_dim3A_605 = vector.broadcast %jit3A_604 : i32 to vector<16xi32>
      %select_n3A_606 = arith.select %eq3A_603, %min3A_163, %broadcast_in_dim3A_605 : vector<16xi1>, vector<16xi32>
      %reduce_max3A_607 = arith.constant true
      %reduce_max3A_608 = vector.broadcast %reduce_max3A_607 : i1 to vector<16xi1>
      %reduce_max3A_609 = arith.constant -2147483648 : i32
      %reduce_max3A_610 = vector.broadcast %reduce_max3A_609 : i32 to vector<16xi32>
      %reduce_max3A_611 = arith.xori %select_n3A_606, %reduce_max3A_610 : vector<16xi32>
      %reduce_max3A_612 = tpu.scan <max>, %reduce_max3A_611 masked %reduce_max3A_608 : vector<16xi32>, vector<16xi1> -> vector<16xi32>
      %reduce_max3A_613 = arith.xori %reduce_max3A_612, %reduce_max3A_610 : vector<16xi32>
      %reduce_max3A_614 = vector.extract %reduce_max3A_613[15] : i32 from vector<16xi32>
      %iota3A_615 = tpu.iota {dimensions = array<i32: 0>} : vector<16xi32>
      %eq3A_616 = vector.broadcast %while3A_558 : i32 to vector<16xi32>
      %eq3A_617 = arith.cmpi eq, %iota3A_615, %eq3A_616 : vector<16xi32>
      %jit3A_618 = arith.constant -2147483648 : i32
      %broadcast_in_dim3A_619 = vector.broadcast %jit3A_618 : i32 to vector<16xi32>
      %select_n3A_620 = arith.select %eq3A_617, %convert_element_type3A_209, %broadcast_in_dim3A_619 : vector<16xi1>, vector<16xi32>
      %reduce_max3A_621 = arith.constant true
      %reduce_max3A_622 = vector.broadcast %reduce_max3A_621 : i1 to vector<16xi1>
      %reduce_max3A_623 = arith.constant -2147483648 : i32
      %reduce_max3A_624 = vector.broadcast %reduce_max3A_623 : i32 to vector<16xi32>
      %reduce_max3A_625 = arith.xori %select_n3A_620, %reduce_max3A_624 : vector<16xi32>
      %reduce_max3A_626 = tpu.scan <max>, %reduce_max3A_625 masked %reduce_max3A_622 : vector<16xi32>, vector<16xi1> -> vector<16xi32>
      %reduce_max3A_627 = arith.xori %reduce_max3A_626, %reduce_max3A_624 : vector<16xi32>
      %reduce_max3A_628 = vector.extract %reduce_max3A_627[15] : i32 from vector<16xi32>
      %iota3A_629 = tpu.iota {dimensions = array<i32: 0>} : vector<16xi32>
      %eq3A_630 = vector.broadcast %while3A_558 : i32 to vector<16xi32>
      %eq3A_631 = arith.cmpi eq, %iota3A_629, %eq3A_630 : vector<16xi32>
      %jit3A_632 = arith.constant -2147483648 : i32
      %broadcast_in_dim3A_633 = vector.broadcast %jit3A_632 : i32 to vector<16xi32>
      %select_n3A_634 = arith.select %eq3A_631, %convert_element_type3A_193, %broadcast_in_dim3A_633 : vector<16xi1>, vector<16xi32>
      %reduce_max3A_635 = arith.constant true
      %reduce_max3A_636 = vector.broadcast %reduce_max3A_635 : i1 to vector<16xi1>
      %reduce_max3A_637 = arith.constant -2147483648 : i32
      %reduce_max3A_638 = vector.broadcast %reduce_max3A_637 : i32 to vector<16xi32>
      %reduce_max3A_639 = arith.xori %select_n3A_634, %reduce_max3A_638 : vector<16xi32>
      %reduce_max3A_640 = tpu.scan <max>, %reduce_max3A_639 masked %reduce_max3A_636 : vector<16xi32>, vector<16xi1> -> vector<16xi32>
      %reduce_max3A_641 = arith.xori %reduce_max3A_640, %reduce_max3A_638 : vector<16xi32>
      %reduce_max3A_642 = vector.extract %reduce_max3A_641[15] : i32 from vector<16xi32>
      %iota3A_643 = tpu.iota {dimensions = array<i32: 0>} : vector<16xi32>
      %eq3A_644 = vector.broadcast %while3A_558 : i32 to vector<16xi32>
      %eq3A_645 = arith.cmpi eq, %iota3A_643, %eq3A_644 : vector<16xi32>
      %jit3A_646 = arith.constant -2147483648 : i32
      %broadcast_in_dim3A_647 = vector.broadcast %jit3A_646 : i32 to vector<16xi32>
      %select_n3A_648 = arith.select %eq3A_645, %min3A_213, %broadcast_in_dim3A_647 : vector<16xi1>, vector<16xi32>
      %reduce_max3A_649 = arith.constant true
      %reduce_max3A_650 = vector.broadcast %reduce_max3A_649 : i1 to vector<16xi1>
      %reduce_max3A_651 = arith.constant -2147483648 : i32
      %reduce_max3A_652 = vector.broadcast %reduce_max3A_651 : i32 to vector<16xi32>
      %reduce_max3A_653 = arith.xori %select_n3A_648, %reduce_max3A_652 : vector<16xi32>
      %reduce_max3A_654 = tpu.scan <max>, %reduce_max3A_653 masked %reduce_max3A_650 : vector<16xi32>, vector<16xi1> -> vector<16xi32>
      %reduce_max3A_655 = arith.xori %reduce_max3A_654, %reduce_max3A_652 : vector<16xi32>
      %reduce_max3A_656 = vector.extract %reduce_max3A_655[15] : i32 from vector<16xi32>
      %iota3A_657 = tpu.iota {dimensions = array<i32: 0>} : vector<16xi32>
      %eq3A_658 = vector.broadcast %while3A_558 : i32 to vector<16xi32>
      %eq3A_659 = arith.cmpi eq, %iota3A_657, %eq3A_658 : vector<16xi32>
      %jit3A_660 = arith.constant -2147483648 : i32
      %broadcast_in_dim3A_661 = vector.broadcast %jit3A_660 : i32 to vector<16xi32>
      %select_n3A_662 = arith.select %eq3A_659, %min3A_217, %broadcast_in_dim3A_661 : vector<16xi1>, vector<16xi32>
      %reduce_max3A_663 = arith.constant true
      %reduce_max3A_664 = vector.broadcast %reduce_max3A_663 : i1 to vector<16xi1>
      %reduce_max3A_665 = arith.constant -2147483648 : i32
      %reduce_max3A_666 = vector.broadcast %reduce_max3A_665 : i32 to vector<16xi32>
      %reduce_max3A_667 = arith.xori %select_n3A_662, %reduce_max3A_666 : vector<16xi32>
      %reduce_max3A_668 = tpu.scan <max>, %reduce_max3A_667 masked %reduce_max3A_664 : vector<16xi32>, vector<16xi1> -> vector<16xi32>
      %reduce_max3A_669 = arith.xori %reduce_max3A_668, %reduce_max3A_666 : vector<16xi32>
      %reduce_max3A_670 = vector.extract %reduce_max3A_669[15] : i32 from vector<16xi32>
      %iota3A_671 = tpu.iota {dimensions = array<i32: 0>} : vector<16xi32>
      %eq3A_672 = vector.broadcast %while3A_558 : i32 to vector<16xi32>
      %eq3A_673 = arith.cmpi eq, %iota3A_671, %eq3A_672 : vector<16xi32>
      %jit3A_674 = arith.constant -2147483648 : i32
      %broadcast_in_dim3A_675 = vector.broadcast %jit3A_674 : i32 to vector<16xi32>
      %select_n3A_676 = arith.select %eq3A_673, %sub3A_230, %broadcast_in_dim3A_675 : vector<16xi1>, vector<16xi32>
      %reduce_max3A_677 = arith.constant true
      %reduce_max3A_678 = vector.broadcast %reduce_max3A_677 : i1 to vector<16xi1>
      %reduce_max3A_679 = arith.constant -2147483648 : i32
      %reduce_max3A_680 = vector.broadcast %reduce_max3A_679 : i32 to vector<16xi32>
      %reduce_max3A_681 = arith.xori %select_n3A_676, %reduce_max3A_680 : vector<16xi32>
      %reduce_max3A_682 = tpu.scan <max>, %reduce_max3A_681 masked %reduce_max3A_678 : vector<16xi32>, vector<16xi1> -> vector<16xi32>
      %reduce_max3A_683 = arith.xori %reduce_max3A_682, %reduce_max3A_680 : vector<16xi32>
      %reduce_max3A_684 = vector.extract %reduce_max3A_683[15] : i32 from vector<16xi32>
      %max3A_685 = arith.constant 1 : i32
      %max3A_686 = arith.maxsi %reduce_max3A_684, %max3A_685 : i32
      %iota3A_687 = tpu.iota {dimensions = array<i32: 0>} : vector<16xi32>
      %eq3A_688 = vector.broadcast %while3A_558 : i32 to vector<16xi32>
      %eq3A_689 = arith.cmpi eq, %iota3A_687, %eq3A_688 : vector<16xi32>
      %jit3A_690 = arith.constant -2147483648 : i32
      %broadcast_in_dim3A_691 = vector.broadcast %jit3A_690 : i32 to vector<16xi32>
      %select_n3A_692 = arith.select %eq3A_689, %min3A_235, %broadcast_in_dim3A_691 : vector<16xi1>, vector<16xi32>
      %reduce_max3A_693 = arith.constant true
      %reduce_max3A_694 = vector.broadcast %reduce_max3A_693 : i1 to vector<16xi1>
      %reduce_max3A_695 = arith.constant -2147483648 : i32
      %reduce_max3A_696 = vector.broadcast %reduce_max3A_695 : i32 to vector<16xi32>
      %reduce_max3A_697 = arith.xori %select_n3A_692, %reduce_max3A_696 : vector<16xi32>
      %reduce_max3A_698 = tpu.scan <max>, %reduce_max3A_697 masked %reduce_max3A_694 : vector<16xi32>, vector<16xi1> -> vector<16xi32>
      %reduce_max3A_699 = arith.xori %reduce_max3A_698, %reduce_max3A_696 : vector<16xi32>
      %reduce_max3A_700 = vector.extract %reduce_max3A_699[15] : i32 from vector<16xi32>
      %iota3A_701 = tpu.iota {dimensions = array<i32: 0>} : vector<16xi32>
      %eq3A_702 = vector.broadcast %while3A_558 : i32 to vector<16xi32>
      %eq3A_703 = arith.cmpi eq, %iota3A_701, %eq3A_702 : vector<16xi32>
      %jit3A_704 = arith.constant -2147483648 : i32
      %broadcast_in_dim3A_705 = vector.broadcast %jit3A_704 : i32 to vector<16xi32>
      %select_n3A_706 = arith.select %eq3A_703, %select_n3A_255, %broadcast_in_dim3A_705 : vector<16xi1>, vector<16xi32>
      %reduce_max3A_707 = arith.constant true
      %reduce_max3A_708 = vector.broadcast %reduce_max3A_707 : i1 to vector<16xi1>
      %reduce_max3A_709 = arith.constant -2147483648 : i32
      %reduce_max3A_710 = vector.broadcast %reduce_max3A_709 : i32 to vector<16xi32>
      %reduce_max3A_711 = arith.xori %select_n3A_706, %reduce_max3A_710 : vector<16xi32>
      %reduce_max3A_712 = tpu.scan <max>, %reduce_max3A_711 masked %reduce_max3A_708 : vector<16xi32>, vector<16xi1> -> vector<16xi32>
      %reduce_max3A_713 = arith.xori %reduce_max3A_712, %reduce_max3A_710 : vector<16xi32>
      %reduce_max3A_714 = vector.extract %reduce_max3A_713[15] : i32 from vector<16xi32>
      %iota3A_715 = tpu.iota {dimensions = array<i32: 0>} : vector<16xi32>
      %eq3A_716 = vector.broadcast %while3A_558 : i32 to vector<16xi32>
      %eq3A_717 = arith.cmpi eq, %iota3A_715, %eq3A_716 : vector<16xi32>
      %jit3A_718 = arith.constant -2147483648 : i32
      %broadcast_in_dim3A_719 = vector.broadcast %jit3A_718 : i32 to vector<16xi32>
      %select_n3A_720 = arith.select %eq3A_717, %shift_right_arithmetic3A_150, %broadcast_in_dim3A_719 : vector<16xi1>, vector<16xi32>
      %reduce_max3A_721 = arith.constant true
      %reduce_max3A_722 = vector.broadcast %reduce_max3A_721 : i1 to vector<16xi1>
      %reduce_max3A_723 = arith.constant -2147483648 : i32
      %reduce_max3A_724 = vector.broadcast %reduce_max3A_723 : i32 to vector<16xi32>
      %reduce_max3A_725 = arith.xori %select_n3A_720, %reduce_max3A_724 : vector<16xi32>
      %reduce_max3A_726 = tpu.scan <max>, %reduce_max3A_725 masked %reduce_max3A_722 : vector<16xi32>, vector<16xi1> -> vector<16xi32>
      %reduce_max3A_727 = arith.xori %reduce_max3A_726, %reduce_max3A_724 : vector<16xi32>
      %reduce_max3A_728 = vector.extract %reduce_max3A_727[15] : i32 from vector<16xi32>
      %add3A_729 = arith.constant 15 : i32
      %add3A_730 = arith.addi %reduce_max3A_700, %add3A_729 : i32
      %jit3A_731 = arith.constant 16 : i32
      %div3A = arith.divsi %add3A_730, %jit3A_731 : i32
      %sign3A = arith.constant 0 : i32
      %sign3A_732 = arith.cmpi sgt, %add3A_730, %sign3A : i32
      %sign3A_733 = arith.extui %sign3A_732 : i1 to i32
      %sign3A_734 = arith.constant 0 : i32
      %sign3A_735 = arith.cmpi slt, %add3A_730, %sign3A_734 : i32
      %sign3A_736 = arith.extui %sign3A_735 : i1 to i32
      %sign3A_737 = arith.subi %sign3A_733, %sign3A_736 : i32
      %sign3A_738 = arith.constant 0 : i32
      %sign3A_739 = arith.cmpi sgt, %jit3A_731, %sign3A_738 : i32
      %sign3A_740 = arith.extui %sign3A_739 : i1 to i32
      %sign3A_741 = arith.constant 0 : i32
      %sign3A_742 = arith.cmpi slt, %jit3A_731, %sign3A_741 : i32
      %sign3A_743 = arith.extui %sign3A_742 : i1 to i32
      %sign3A_744 = arith.subi %sign3A_740, %sign3A_743 : i32
      %ne3A = arith.cmpi ne, %sign3A_737, %sign3A_744 : i32
      %rem3A = arith.remsi %add3A_730, %jit3A_731 : i32
      %ne3A_745 = arith.constant 0 : i32
      %ne3A_746 = arith.cmpi ne, %rem3A, %ne3A_745 : i32
      %and3A_747 = arith.andi %ne3A, %ne3A_746 : i1
      %sub3A_748 = arith.constant 1 : i32
      %sub3A_749 = arith.subi %div3A, %sub3A_748 : i32
      %select_n3A_750 = arith.select %and3A_747, %sub3A_749, %div3A : i32
      %mul3A_751 = arith.constant 1 : i32
      %mul3A_752 = arith.muli %select_n3A_750, %mul3A_751 : i32
      %while3A_753 = arith.constant 0 : i32
      %while3A_754 = arith.constant 0 : i32
      %while3A_755 = arith.subi %mul3A_752, %while3A_753 : i32
      %while3A_756 = arith.addi %while3A_753, %while3A_755 : i32
      %while3A_757 = arith.constant 1 : i32
      %while3A_758 = arith.divsi %while3A_755, %while3A_757 : i32
      %while3A_759 = arith.muli %while3A_758, %while3A_757 : i32
      %while3A_760 = arith.addi %while3A_753, %while3A_759 : i32
      %while3A_761 = arith.constant 1 : i32
      %while3A_762 = scf.for %while3A_796 = %while3A_753 to %while3A_760 step %while3A_761 iter_args(%while3A_797 = %while3A_754) -> (i32)  : i32 {
        %mul3A_798 = arith.constant 16 : i32
        %mul3A_799 = arith.muli %while3A_796, %mul3A_798 : i32
        %add3A_800 = vector.broadcast %mul3A_799 : i32 to vector<16xi32>
        %add3A_801 = arith.addi %add3A_800, %iota3A : vector<16xi32>
        %div3A_802 = vector.broadcast %max3A_686 : i32 to vector<16xi32>
        %div3A_803 = arith.divsi %add3A_801, %div3A_802 : vector<16xi32>
        %sign3A_804 = arith.constant 0 : i32
        %sign3A_805 = vector.broadcast %sign3A_804 : i32 to vector<16xi32>
        %sign3A_806 = arith.cmpi sgt, %add3A_801, %sign3A_805 : vector<16xi32>
        %sign3A_807 = arith.extui %sign3A_806 : vector<16xi1> to vector<16xi32>
        %sign3A_808 = arith.constant 0 : i32
        %sign3A_809 = vector.broadcast %sign3A_808 : i32 to vector<16xi32>
        %sign3A_810 = arith.cmpi slt, %add3A_801, %sign3A_809 : vector<16xi32>
        %sign3A_811 = arith.extui %sign3A_810 : vector<16xi1> to vector<16xi32>
        %sign3A_812 = arith.subi %sign3A_807, %sign3A_811 : vector<16xi32>
        %sign3A_813 = arith.constant 0 : i32
        %sign3A_814 = arith.cmpi sgt, %max3A_686, %sign3A_813 : i32
        %sign3A_815 = arith.extui %sign3A_814 : i1 to i32
        %sign3A_816 = arith.constant 0 : i32
        %sign3A_817 = arith.cmpi slt, %max3A_686, %sign3A_816 : i32
        %sign3A_818 = arith.extui %sign3A_817 : i1 to i32
        %sign3A_819 = arith.subi %sign3A_815, %sign3A_818 : i32
        %ne3A_820 = vector.broadcast %sign3A_819 : i32 to vector<16xi32>
        %ne3A_821 = arith.cmpi ne, %sign3A_812, %ne3A_820 : vector<16xi32>
        %rem3A_822 = vector.broadcast %max3A_686 : i32 to vector<16xi32>
        %rem3A_823 = arith.remsi %add3A_801, %rem3A_822 : vector<16xi32>
        %ne3A_824 = arith.constant 0 : i32
        %ne3A_825 = vector.broadcast %ne3A_824 : i32 to vector<16xi32>
        %ne3A_826 = arith.cmpi ne, %rem3A_823, %ne3A_825 : vector<16xi32>
        %and3A_827 = arith.andi %ne3A_821, %ne3A_826 : vector<16xi1>
        %sub3A_828 = arith.constant 1 : i32
        %sub3A_829 = vector.broadcast %sub3A_828 : i32 to vector<16xi32>
        %sub3A_830 = arith.subi %div3A_803, %sub3A_829 : vector<16xi32>
        %select_n3A_831 = arith.select %and3A_827, %sub3A_830, %div3A_803 : vector<16xi1>, vector<16xi32>
        %mul3A_832 = vector.broadcast %max3A_686 : i32 to vector<16xi32>
        %mul3A_833 = arith.muli %select_n3A_831, %mul3A_832 : vector<16xi32>
        %sub3A_834 = arith.subi %add3A_801, %mul3A_833 : vector<16xi32>
        %add3A_835 = vector.broadcast %reduce_max3A_656 : i32 to vector<16xi32>
        %add3A_836 = arith.addi %add3A_835, %select_n3A_831 : vector<16xi32>
        %mul3A_837 = vector.broadcast %reduce_max3A_728 : i32 to vector<16xi32>
        %mul3A_838 = arith.muli %add3A_836, %mul3A_837 : vector<16xi32>
        %add3A_839 = vector.broadcast %reduce_max3A_714 : i32 to vector<16xi32>
        %add3A_840 = arith.addi %add3A_839, %mul3A_838 : vector<16xi32>
        %add3A_841 = vector.broadcast %reduce_max3A_670 : i32 to vector<16xi32>
        %add3A_842 = arith.addi %add3A_841, %sub3A_834 : vector<16xi32>
        %add3A_843 = arith.addi %add3A_840, %add3A_842 : vector<16xi32>
        %lt3A = vector.broadcast %reduce_max3A_700 : i32 to vector<16xi32>
        %lt3A_844 = arith.cmpi slt, %add3A_801, %lt3A : vector<16xi32>
        %jit3A_845 = arith.constant 0 : i32
        %broadcast_in_dim3A_846 = vector.broadcast %jit3A_845 : i32 to vector<16xi32>
        %select_n3A_847 = arith.select %lt3A_844, %add3A_843, %broadcast_in_dim3A_846 : vector<16xi1>, vector<16xi32>
        %mul3A_848 = arith.constant 16 : i32
        %mul3A_849 = arith.muli %while3A_796, %mul3A_848 : i32
        %swap3A = arith.index_cast %mul3A_849 : i32 to index
        %swap3A_850 = tpu.vector_load %arg6[%swap3A] {strides = array<i32>} : memref<1152xi32, #tpu.memory_space<vmem>>, vector<16xi32>,
        tpu.vector_store %arg6[%swap3A], %select_n3A_847 {strides = array<i32>} : memref<1152xi32, #tpu.memory_space<vmem>>, vector<16xi32>,
        %while3A_851 = arith.constant 0 : i32
        scf.yield %while3A_851 : i32
      }
      %while3A_763 = arith.constant 1 : i32
      %while3A_764 = scf.for %while3A_796 = %while3A_760 to %while3A_756 step %while3A_763 iter_args(%while3A_797 = %while3A_762) -> (i32)  : i32 {
        %mul3A_798 = arith.constant 16 : i32
        %mul3A_799 = arith.muli %while3A_796, %mul3A_798 : i32
        %add3A_800 = vector.broadcast %mul3A_799 : i32 to vector<16xi32>
        %add3A_801 = arith.addi %add3A_800, %iota3A : vector<16xi32>
        %div3A_802 = vector.broadcast %max3A_686 : i32 to vector<16xi32>
        %div3A_803 = arith.divsi %add3A_801, %div3A_802 : vector<16xi32>
        %sign3A_804 = arith.constant 0 : i32
        %sign3A_805 = vector.broadcast %sign3A_804 : i32 to vector<16xi32>
        %sign3A_806 = arith.cmpi sgt, %add3A_801, %sign3A_805 : vector<16xi32>
        %sign3A_807 = arith.extui %sign3A_806 : vector<16xi1> to vector<16xi32>
        %sign3A_808 = arith.constant 0 : i32
        %sign3A_809 = vector.broadcast %sign3A_808 : i32 to vector<16xi32>
        %sign3A_810 = arith.cmpi slt, %add3A_801, %sign3A_809 : vector<16xi32>
        %sign3A_811 = arith.extui %sign3A_810 : vector<16xi1> to vector<16xi32>
        %sign3A_812 = arith.subi %sign3A_807, %sign3A_811 : vector<16xi32>
        %sign3A_813 = arith.constant 0 : i32
        %sign3A_814 = arith.cmpi sgt, %max3A_686, %sign3A_813 : i32
        %sign3A_815 = arith.extui %sign3A_814 : i1 to i32
        %sign3A_816 = arith.constant 0 : i32
        %sign3A_817 = arith.cmpi slt, %max3A_686, %sign3A_816 : i32
        %sign3A_818 = arith.extui %sign3A_817 : i1 to i32
        %sign3A_819 = arith.subi %sign3A_815, %sign3A_818 : i32
        %ne3A_820 = vector.broadcast %sign3A_819 : i32 to vector<16xi32>
        %ne3A_821 = arith.cmpi ne, %sign3A_812, %ne3A_820 : vector<16xi32>
        %rem3A_822 = vector.broadcast %max3A_686 : i32 to vector<16xi32>
        %rem3A_823 = arith.remsi %add3A_801, %rem3A_822 : vector<16xi32>
        %ne3A_824 = arith.constant 0 : i32
        %ne3A_825 = vector.broadcast %ne3A_824 : i32 to vector<16xi32>
        %ne3A_826 = arith.cmpi ne, %rem3A_823, %ne3A_825 : vector<16xi32>
        %and3A_827 = arith.andi %ne3A_821, %ne3A_826 : vector<16xi1>
        %sub3A_828 = arith.constant 1 : i32
        %sub3A_829 = vector.broadcast %sub3A_828 : i32 to vector<16xi32>
        %sub3A_830 = arith.subi %div3A_803, %sub3A_829 : vector<16xi32>
        %select_n3A_831 = arith.select %and3A_827, %sub3A_830, %div3A_803 : vector<16xi1>, vector<16xi32>
        %mul3A_832 = vector.broadcast %max3A_686 : i32 to vector<16xi32>
        %mul3A_833 = arith.muli %select_n3A_831, %mul3A_832 : vector<16xi32>
        %sub3A_834 = arith.subi %add3A_801, %mul3A_833 : vector<16xi32>
        %add3A_835 = vector.broadcast %reduce_max3A_656 : i32 to vector<16xi32>
        %add3A_836 = arith.addi %add3A_835, %select_n3A_831 : vector<16xi32>
        %mul3A_837 = vector.broadcast %reduce_max3A_728 : i32 to vector<16xi32>
        %mul3A_838 = arith.muli %add3A_836, %mul3A_837 : vector<16xi32>
        %add3A_839 = vector.broadcast %reduce_max3A_714 : i32 to vector<16xi32>
        %add3A_840 = arith.addi %add3A_839, %mul3A_838 : vector<16xi32>
        %add3A_841 = vector.broadcast %reduce_max3A_670 : i32 to vector<16xi32>
        %add3A_842 = arith.addi %add3A_841, %sub3A_834 : vector<16xi32>
        %add3A_843 = arith.addi %add3A_840, %add3A_842 : vector<16xi32>
        %lt3A = vector.broadcast %reduce_max3A_700 : i32 to vector<16xi32>
        %lt3A_844 = arith.cmpi slt, %add3A_801, %lt3A : vector<16xi32>
        %jit3A_845 = arith.constant 0 : i32
        %broadcast_in_dim3A_846 = vector.broadcast %jit3A_845 : i32 to vector<16xi32>
        %select_n3A_847 = arith.select %lt3A_844, %add3A_843, %broadcast_in_dim3A_846 : vector<16xi1>, vector<16xi32>
        %mul3A_848 = arith.constant 16 : i32
        %mul3A_849 = arith.muli %while3A_796, %mul3A_848 : i32
        %swap3A = arith.index_cast %mul3A_849 : i32 to index
        %swap3A_850 = tpu.vector_load %arg6[%swap3A] {strides = array<i32>} : memref<1152xi32, #tpu.memory_space<vmem>>, vector<16xi32>,
        tpu.vector_store %arg6[%swap3A], %select_n3A_847 {strides = array<i32>} : memref<1152xi32, #tpu.memory_space<vmem>>, vector<16xi32>,
        %while3A_851 = arith.constant 0 : i32
        scf.yield %while3A_851 : i32
      }
      %while3A_765 = arith.constant 0 : i32
      %while3A_766 = arith.constant 0 : i32
      %while3A_767 = arith.subi %select_n3A_750, %while3A_765 : i32
      %while3A_768 = arith.addi %while3A_765, %while3A_767 : i32
      %while3A_769 = arith.constant 1 : i32
      %while3A_770 = arith.divsi %while3A_767, %while3A_769 : i32
      %while3A_771 = arith.muli %while3A_770, %while3A_769 : i32
      %while3A_772 = arith.addi %while3A_765, %while3A_771 : i32
      %while3A_773 = arith.constant 1 : i32
      %while3A_774 = scf.for %while3A_796 = %while3A_765 to %while3A_772 step %while3A_773 iter_args(%while3A_797 = %while3A_766) -> (i32)  : i32 {
        %mul3A_798 = arith.constant 16 : i32
        %mul3A_799 = arith.muli %while3A_796, %mul3A_798 : i32
        %mul3A_800 = arith.constant 16 : i32
        %mul3A_801 = arith.muli %while3A_796, %mul3A_800 : i32
        %dma_start3A = arith.constant 0 : i32
        %dma_start3A_802 = tpu.memref_slice %arg7[%mul3A_801, %dma_start3A] : memref<1152x96xf32, #tpu.memory_space<vmem>> -> memref<16x96xf32, #tpu.memory_space<vmem>>
        %dma_start3A_803 = tpu.memref_slice %arg6[%mul3A_799] : memref<1152xi32, #tpu.memory_space<vmem>> -> memref<16xi32, #tpu.memory_space<vmem>>
        %dma_start3A_804 = arith.constant 0 : i32
        %dma_start3A_805 = arith.constant 0 : i32
        %dma_start3A_806 = tpu.memref_slice %arg2[%dma_start3A_804, %dma_start3A_805] : memref<21760x96xf32, #tpu.memory_space<hbm>> -> memref<21760x96xf32, #tpu.memory_space<hbm>>
        tpu.enqueue_indirect_dma source(%dma_start3A_806 : memref<21760x96xf32, #tpu.memory_space<hbm>>) target(%dma_start3A_802 : memref<16x96xf32, #tpu.memory_space<vmem>>) offsets(%dma_start3A_803 : memref<16xi32, #tpu.memory_space<vmem>>) semaphore(%arg9 : memref<!tpu.dma_semaphore, #tpu.memory_space<semaphore_mem>>)
        %while3A_807 = arith.constant 0 : i32
        scf.yield %while3A_807 : i32
      }
      %while3A_775 = arith.constant 1 : i32
      %while3A_776 = scf.for %while3A_796 = %while3A_772 to %while3A_768 step %while3A_775 iter_args(%while3A_797 = %while3A_774) -> (i32)  : i32 {
        %mul3A_798 = arith.constant 16 : i32
        %mul3A_799 = arith.muli %while3A_796, %mul3A_798 : i32
        %mul3A_800 = arith.constant 16 : i32
        %mul3A_801 = arith.muli %while3A_796, %mul3A_800 : i32
        %dma_start3A = arith.constant 0 : i32
        %dma_start3A_802 = tpu.memref_slice %arg7[%mul3A_801, %dma_start3A] : memref<1152x96xf32, #tpu.memory_space<vmem>> -> memref<16x96xf32, #tpu.memory_space<vmem>>
        %dma_start3A_803 = tpu.memref_slice %arg6[%mul3A_799] : memref<1152xi32, #tpu.memory_space<vmem>> -> memref<16xi32, #tpu.memory_space<vmem>>
        %dma_start3A_804 = arith.constant 0 : i32
        %dma_start3A_805 = arith.constant 0 : i32
        %dma_start3A_806 = tpu.memref_slice %arg2[%dma_start3A_804, %dma_start3A_805] : memref<21760x96xf32, #tpu.memory_space<hbm>> -> memref<21760x96xf32, #tpu.memory_space<hbm>>
        tpu.enqueue_indirect_dma source(%dma_start3A_806 : memref<21760x96xf32, #tpu.memory_space<hbm>>) target(%dma_start3A_802 : memref<16x96xf32, #tpu.memory_space<vmem>>) offsets(%dma_start3A_803 : memref<16xi32, #tpu.memory_space<vmem>>) semaphore(%arg9 : memref<!tpu.dma_semaphore, #tpu.memory_space<semaphore_mem>>)
        %while3A_807 = arith.constant 0 : i32
        scf.yield %while3A_807 : i32
      }
      %scan3A = arith.constant 0 : i32
      %scan3A_777 = arith.constant 0 : i32
      %scan3A_778 = arith.constant 7 : i32
      %scan3A_779 = arith.addi %scan3A_777, %scan3A_778 : i32
      %scan3A_780 = arith.constant 1 : i32
      %scan3A_781 = scf.for %scan3A_796 = %scan3A_777 to %scan3A_779 step %scan3A_780 iter_args(%scan3A_797 = %scan3A) -> (i32)  : i32 {
        %mul3A_798 = arith.muli %scan3A_796, %reduce_max3A_600 : i32
        %jit3A_799 = arith.constant 7 : i32
        %div3A_800 = arith.divsi %mul3A_798, %jit3A_799 : i32
        %sign3A_801 = arith.constant 0 : i32
        %sign3A_802 = arith.cmpi sgt, %mul3A_798, %sign3A_801 : i32
        %sign3A_803 = arith.extui %sign3A_802 : i1 to i32
        %sign3A_804 = arith.constant 0 : i32
        %sign3A_805 = arith.cmpi slt, %mul3A_798, %sign3A_804 : i32
        %sign3A_806 = arith.extui %sign3A_805 : i1 to i32
        %sign3A_807 = arith.subi %sign3A_803, %sign3A_806 : i32
        %sign3A_808 = arith.constant 0 : i32
        %sign3A_809 = arith.cmpi sgt, %jit3A_799, %sign3A_808 : i32
        %sign3A_810 = arith.extui %sign3A_809 : i1 to i32
        %sign3A_811 = arith.constant 0 : i32
        %sign3A_812 = arith.cmpi slt, %jit3A_799, %sign3A_811 : i32
        %sign3A_813 = arith.extui %sign3A_812 : i1 to i32
        %sign3A_814 = arith.subi %sign3A_810, %sign3A_813 : i32
        %ne3A_815 = arith.cmpi ne, %sign3A_807, %sign3A_814 : i32
        %rem3A_816 = arith.remsi %mul3A_798, %jit3A_799 : i32
        %ne3A_817 = arith.constant 0 : i32
        %ne3A_818 = arith.cmpi ne, %rem3A_816, %ne3A_817 : i32
        %and3A_819 = arith.andi %ne3A_815, %ne3A_818 : i1
        %sub3A_820 = arith.constant 1 : i32
        %sub3A_821 = arith.subi %div3A_800, %sub3A_820 : i32
        %select_n3A_822 = arith.select %and3A_819, %sub3A_821, %div3A_800 : i32
        %add3A_823 = arith.addi %select_n3A_822, %reduce_max3A_572 : i32
        %jit3A_824 = arith.constant 0 : i32
        %max3A_825 = arith.maxsi %jit3A_824, %add3A_823 : i32
        %min3A_826 = arith.minsi %reduce_max3A_728, %max3A_825 : i32
        %add3A_827 = arith.constant 1 : i32
        %add3A_828 = arith.addi %scan3A_796, %add3A_827 : i32
        %mul3A_829 = arith.muli %add3A_828, %reduce_max3A_600 : i32
        %add3A_830 = arith.constant 6 : i32
        %add3A_831 = arith.addi %mul3A_829, %add3A_830 : i32
        %jit3A_832 = arith.constant 7 : i32
        %div3A_833 = arith.divsi %add3A_831, %jit3A_832 : i32
        %sign3A_834 = arith.constant 0 : i32
        %sign3A_835 = arith.cmpi sgt, %add3A_831, %sign3A_834 : i32
        %sign3A_836 = arith.extui %sign3A_835 : i1 to i32
        %sign3A_837 = arith.constant 0 : i32
        %sign3A_838 = arith.cmpi slt, %add3A_831, %sign3A_837 : i32
        %sign3A_839 = arith.extui %sign3A_838 : i1 to i32
        %sign3A_840 = arith.subi %sign3A_836, %sign3A_839 : i32
        %sign3A_841 = arith.constant 0 : i32
        %sign3A_842 = arith.cmpi sgt, %jit3A_832, %sign3A_841 : i32
        %sign3A_843 = arith.extui %sign3A_842 : i1 to i32
        %sign3A_844 = arith.constant 0 : i32
        %sign3A_845 = arith.cmpi slt, %jit3A_832, %sign3A_844 : i32
        %sign3A_846 = arith.extui %sign3A_845 : i1 to i32
        %sign3A_847 = arith.subi %sign3A_843, %sign3A_846 : i32
        %ne3A_848 = arith.cmpi ne, %sign3A_840, %sign3A_847 : i32
        %rem3A_849 = arith.remsi %add3A_831, %jit3A_832 : i32
        %ne3A_850 = arith.constant 0 : i32
        %ne3A_851 = arith.cmpi ne, %rem3A_849, %ne3A_850 : i32
        %and3A_852 = arith.andi %ne3A_848, %ne3A_851 : i1
        %sub3A_853 = arith.constant 1 : i32
        %sub3A_854 = arith.subi %div3A_833, %sub3A_853 : i32
        %select_n3A_855 = arith.select %and3A_852, %sub3A_854, %div3A_833 : i32
        %eq3A_856 = arith.constant 6 : i32
        %eq3A_857 = arith.cmpi eq, %scan3A_796, %eq3A_856 : i32
        %jit3A_858 = arith.constant 0 : i32
        %select_n3A_859 = arith.select %eq3A_857, %reduce_max3A_628, %jit3A_858 : i32
        %add3A_860 = arith.addi %select_n3A_855, %select_n3A_859 : i32
        %add3A_861 = arith.addi %add3A_860, %reduce_max3A_572 : i32
        %jit3A_862 = arith.constant 0 : i32
        %max3A_863 = arith.maxsi %jit3A_862, %add3A_861 : i32
        %min3A_864 = arith.minsi %reduce_max3A_728, %max3A_863 : i32
        %sub3A_865 = arith.subi %min3A_864, %reduce_max3A_656 : i32
        %mul3A_866 = arith.muli %sub3A_865, %max3A_686 : i32
        %add3A_867 = arith.constant 15 : i32
        %add3A_868 = arith.addi %mul3A_866, %add3A_867 : i32
        %jit3A_869 = arith.constant 16 : i32
        %div3A_870 = arith.divsi %add3A_868, %jit3A_869 : i32
        %sign3A_871 = arith.constant 0 : i32
        %sign3A_872 = arith.cmpi sgt, %add3A_868, %sign3A_871 : i32
        %sign3A_873 = arith.extui %sign3A_872 : i1 to i32
        %sign3A_874 = arith.constant 0 : i32
        %sign3A_875 = arith.cmpi slt, %add3A_868, %sign3A_874 : i32
        %sign3A_876 = arith.extui %sign3A_875 : i1 to i32
        %sign3A_877 = arith.subi %sign3A_873, %sign3A_876 : i32
        %sign3A_878 = arith.constant 0 : i32
        %sign3A_879 = arith.cmpi sgt, %jit3A_869, %sign3A_878 : i32
        %sign3A_880 = arith.extui %sign3A_879 : i1 to i32
        %sign3A_881 = arith.constant 0 : i32
        %sign3A_882 = arith.cmpi slt, %jit3A_869, %sign3A_881 : i32
        %sign3A_883 = arith.extui %sign3A_882 : i1 to i32
        %sign3A_884 = arith.subi %sign3A_880, %sign3A_883 : i32
        %ne3A_885 = arith.cmpi ne, %sign3A_877, %sign3A_884 : i32
        %rem3A_886 = arith.remsi %add3A_868, %jit3A_869 : i32
        %ne3A_887 = arith.constant 0 : i32
        %ne3A_888 = arith.cmpi ne, %rem3A_886, %ne3A_887 : i32
        %and3A_889 = arith.andi %ne3A_885, %ne3A_888 : i1
        %sub3A_890 = arith.constant 1 : i32
        %sub3A_891 = arith.subi %div3A_870, %sub3A_890 : i32
        %select_n3A_892 = arith.select %and3A_889, %sub3A_891, %div3A_870 : i32
        %min3A_893 = arith.minsi %select_n3A_892, %select_n3A_750 : i32
        %sub3A_894 = arith.subi %min3A_893, %scan3A_797 : i32
        %max3A_895 = arith.constant 0 : i32
        %max3A_896 = arith.maxsi %sub3A_894, %max3A_895 : i32
        %while3A_897 = arith.constant 0 : i32
        %while3A_898 = arith.constant 0 : i32
        %while3A_899 = arith.subi %max3A_896, %while3A_898 : i32
        %while3A_900 = arith.addi %while3A_898, %while3A_899 : i32
        %while3A_901 = arith.constant 1 : i32
        %while3A_902 = arith.divsi %while3A_899, %while3A_901 : i32
        %while3A_903 = arith.muli %while3A_902, %while3A_901 : i32
        %while3A_904 = arith.addi %while3A_898, %while3A_903 : i32
        %while3A_905 = arith.constant 1 : i32
        scf.for %while3A_915 = %while3A_898 to %while3A_904 step %while3A_905  : i32 {
          %dma_wait3A = arith.constant 0 : i32
          %dma_wait3A_916 = arith.constant 0 : i32
          %dma_wait3A_917 = tpu.memref_slice %arg7[%dma_wait3A, %dma_wait3A_916] : memref<1152x96xf32, #tpu.memory_space<vmem>> -> memref<16x96xf32, #tpu.memory_space<vmem>>
          %dma_wait3A_918 = arith.constant 0 : i32
          %dma_wait3A_919 = arith.constant 0 : i32
          %dma_wait3A_920 = tpu.memref_slice %arg2[%dma_wait3A_918, %dma_wait3A_919] : memref<21760x96xf32, #tpu.memory_space<hbm>> -> memref<16x96xf32, #tpu.memory_space<hbm>>
          %dma_wait3A_921 = arith.constant 0 : i32
          %dma_wait3A_922 = arith.constant 0 : i32
          %dma_wait3A_923 = tpu.memref_slice %arg7[%dma_wait3A_921, %dma_wait3A_922] : memref<1152x96xf32, #tpu.memory_space<vmem>> -> memref<16x96xf32, #tpu.memory_space<vmem>>
          %dma_wait3A_924 = arith.constant 0 : i32
          %dma_wait3A_925 = arith.constant 0 : i32
          %dma_wait3A_926 = tpu.memref_slice %arg2[%dma_wait3A_924, %dma_wait3A_925] : memref<21760x96xf32, #tpu.memory_space<hbm>> -> memref<16x96xf32, #tpu.memory_space<hbm>>
          tpu.wait_dma2 semaphore(%arg9 : memref<!tpu.dma_semaphore, #tpu.memory_space<semaphore_mem>>) src(%dma_wait3A_926 : memref<16x96xf32, #tpu.memory_space<hbm>>) dst(%dma_wait3A_923 : memref<16x96xf32, #tpu.memory_space<vmem>>)
        }
        %while3A_906 = arith.constant 1 : i32
        scf.for %while3A_915 = %while3A_904 to %while3A_900 step %while3A_906  : i32 {
          %dma_wait3A = arith.constant 0 : i32
          %dma_wait3A_916 = arith.constant 0 : i32
          %dma_wait3A_917 = tpu.memref_slice %arg7[%dma_wait3A, %dma_wait3A_916] : memref<1152x96xf32, #tpu.memory_space<vmem>> -> memref<16x96xf32, #tpu.memory_space<vmem>>
          %dma_wait3A_918 = arith.constant 0 : i32
          %dma_wait3A_919 = arith.constant 0 : i32
          %dma_wait3A_920 = tpu.memref_slice %arg2[%dma_wait3A_918, %dma_wait3A_919] : memref<21760x96xf32, #tpu.memory_space<hbm>> -> memref<16x96xf32, #tpu.memory_space<hbm>>
          %dma_wait3A_921 = arith.constant 0 : i32
          %dma_wait3A_922 = arith.constant 0 : i32
          %dma_wait3A_923 = tpu.memref_slice %arg7[%dma_wait3A_921, %dma_wait3A_922] : memref<1152x96xf32, #tpu.memory_space<vmem>> -> memref<16x96xf32, #tpu.memory_space<vmem>>
          %dma_wait3A_924 = arith.constant 0 : i32
          %dma_wait3A_925 = arith.constant 0 : i32
          %dma_wait3A_926 = tpu.memref_slice %arg2[%dma_wait3A_924, %dma_wait3A_925] : memref<21760x96xf32, #tpu.memory_space<hbm>> -> memref<16x96xf32, #tpu.memory_space<hbm>>
          tpu.wait_dma2 semaphore(%arg9 : memref<!tpu.dma_semaphore, #tpu.memory_space<semaphore_mem>>) src(%dma_wait3A_926 : memref<16x96xf32, #tpu.memory_space<hbm>>) dst(%dma_wait3A_923 : memref<16x96xf32, #tpu.memory_space<vmem>>)
        }
        %max3A_907 = arith.maxsi %scan3A_797, %min3A_893 : i32
        %scan3A_908 = arith.constant 0 : i32
        %scan3A_909 = arith.constant 0 : i32
        %scan3A_910 = arith.constant 7 : i32
        %scan3A_911 = arith.addi %scan3A_909, %scan3A_910 : i32
        %scan3A_912 = arith.constant 1 : i32
        %scan3A_913 = scf.for %scan3A_915 = %scan3A_909 to %scan3A_911 step %scan3A_912 iter_args(%scan3A_916 = %scan3A_908) -> (i32)  : i32 {
          %mul3A_917 = arith.muli %scan3A_915, %reduce_max3A_614 : i32
          %jit3A_918 = arith.constant 7 : i32
          %div3A_919 = arith.divsi %mul3A_917, %jit3A_918 : i32
          %sign3A_920 = arith.constant 0 : i32
          %sign3A_921 = arith.cmpi sgt, %mul3A_917, %sign3A_920 : i32
          %sign3A_922 = arith.extui %sign3A_921 : i1 to i32
          %sign3A_923 = arith.constant 0 : i32
          %sign3A_924 = arith.cmpi slt, %mul3A_917, %sign3A_923 : i32
          %sign3A_925 = arith.extui %sign3A_924 : i1 to i32
          %sign3A_926 = arith.subi %sign3A_922, %sign3A_925 : i32
          %sign3A_927 = arith.constant 0 : i32
          %sign3A_928 = arith.cmpi sgt, %jit3A_918, %sign3A_927 : i32
          %sign3A_929 = arith.extui %sign3A_928 : i1 to i32
          %sign3A_930 = arith.constant 0 : i32
          %sign3A_931 = arith.cmpi slt, %jit3A_918, %sign3A_930 : i32
          %sign3A_932 = arith.extui %sign3A_931 : i1 to i32
          %sign3A_933 = arith.subi %sign3A_929, %sign3A_932 : i32
          %ne3A_934 = arith.cmpi ne, %sign3A_926, %sign3A_933 : i32
          %rem3A_935 = arith.remsi %mul3A_917, %jit3A_918 : i32
          %ne3A_936 = arith.constant 0 : i32
          %ne3A_937 = arith.cmpi ne, %rem3A_935, %ne3A_936 : i32
          %and3A_938 = arith.andi %ne3A_934, %ne3A_937 : i1
          %sub3A_939 = arith.constant 1 : i32
          %sub3A_940 = arith.subi %div3A_919, %sub3A_939 : i32
          %select_n3A_941 = arith.select %and3A_938, %sub3A_940, %div3A_919 : i32
          %add3A_942 = arith.addi %select_n3A_941, %reduce_max3A_586 : i32
          %jit3A_943 = arith.constant 0 : i32
          %max3A_944 = arith.maxsi %jit3A_943, %add3A_942 : i32
          %min3A_945 = arith.minsi %reduce_max3A_728, %max3A_944 : i32
          %add3A_946 = arith.constant 1 : i32
          %add3A_947 = arith.addi %scan3A_915, %add3A_946 : i32
          %mul3A_948 = arith.muli %add3A_947, %reduce_max3A_614 : i32
          %add3A_949 = arith.constant 6 : i32
          %add3A_950 = arith.addi %mul3A_948, %add3A_949 : i32
          %jit3A_951 = arith.constant 7 : i32
          %div3A_952 = arith.divsi %add3A_950, %jit3A_951 : i32
          %sign3A_953 = arith.constant 0 : i32
          %sign3A_954 = arith.cmpi sgt, %add3A_950, %sign3A_953 : i32
          %sign3A_955 = arith.extui %sign3A_954 : i1 to i32
          %sign3A_956 = arith.constant 0 : i32
          %sign3A_957 = arith.cmpi slt, %add3A_950, %sign3A_956 : i32
          %sign3A_958 = arith.extui %sign3A_957 : i1 to i32
          %sign3A_959 = arith.subi %sign3A_955, %sign3A_958 : i32
          %sign3A_960 = arith.constant 0 : i32
          %sign3A_961 = arith.cmpi sgt, %jit3A_951, %sign3A_960 : i32
          %sign3A_962 = arith.extui %sign3A_961 : i1 to i32
          %sign3A_963 = arith.constant 0 : i32
          %sign3A_964 = arith.cmpi slt, %jit3A_951, %sign3A_963 : i32
          %sign3A_965 = arith.extui %sign3A_964 : i1 to i32
          %sign3A_966 = arith.subi %sign3A_962, %sign3A_965 : i32
          %ne3A_967 = arith.cmpi ne, %sign3A_959, %sign3A_966 : i32
          %rem3A_968 = arith.remsi %add3A_950, %jit3A_951 : i32
          %ne3A_969 = arith.constant 0 : i32
          %ne3A_970 = arith.cmpi ne, %rem3A_968, %ne3A_969 : i32
          %and3A_971 = arith.andi %ne3A_967, %ne3A_970 : i1
          %sub3A_972 = arith.constant 1 : i32
          %sub3A_973 = arith.subi %div3A_952, %sub3A_972 : i32
          %select_n3A_974 = arith.select %and3A_971, %sub3A_973, %div3A_952 : i32
          %eq3A_975 = arith.constant 6 : i32
          %eq3A_976 = arith.cmpi eq, %scan3A_915, %eq3A_975 : i32
          %jit3A_977 = arith.constant 0 : i32
          %select_n3A_978 = arith.select %eq3A_976, %reduce_max3A_642, %jit3A_977 : i32
          %add3A_979 = arith.addi %select_n3A_974, %select_n3A_978 : i32
          %add3A_980 = arith.addi %add3A_979, %reduce_max3A_586 : i32
          %jit3A_981 = arith.constant 0 : i32
          %max3A_982 = arith.maxsi %jit3A_981, %add3A_980 : i32
          %min3A_983 = arith.minsi %reduce_max3A_728, %max3A_982 : i32
          %broadcast_in_dim3A_984 = arith.constant 0xFF800000 : f32
          %broadcast_in_dim3A_985 = vector.broadcast %broadcast_in_dim3A_984 : f32 to vector<16xf32>
          %while3A_986 = arith.subi %min3A_864, %min3A_826 : i32
          %while3A_987 = arith.addi %min3A_826, %while3A_986 : i32
          %while3A_988 = arith.constant 1 : i32
          %while3A_989 = arith.divsi %while3A_986, %while3A_988 : i32
          %while3A_990 = arith.muli %while3A_989, %while3A_988 : i32
          %while3A_991 = arith.addi %min3A_826, %while3A_990 : i32
          %while3A_992 = arith.constant 1 : i32
          %while3A_993:6 = scf.for %while3A_1046 = %min3A_826 to %while3A_991 step %while3A_992 iter_args(%while3A_1047 = %broadcast_in_dim3A_985, %while3A_1048 = %broadcast_in_dim3A_985, %while3A_1049 = %broadcast_in_dim3A_985, %while3A_1050 = %broadcast_in_dim3A_985, %while3A_1051 = %broadcast_in_dim3A_985, %while3A_1052 = %broadcast_in_dim3A_985) -> (vector<16xf32>, vector<16xf32>, vector<16xf32>, vector<16xf32>, vector<16xf32>, vector<16xf32>)  : i32 {
            %sub3A_1053 = arith.subi %while3A_1046, %reduce_max3A_656 : i32
            %mul3A_1054 = arith.muli %sub3A_1053, %max3A_686 : i32
            %sub3A_1055 = arith.subi %mul3A_1054, %reduce_max3A_670 : i32
            %while3A_1056 = arith.subi %min3A_983, %min3A_945 : i32
            %while3A_1057 = arith.addi %min3A_945, %while3A_1056 : i32
            %while3A_1058 = arith.constant 1 : i32
            %while3A_1059 = arith.divsi %while3A_1056, %while3A_1058 : i32
            %while3A_1060 = arith.muli %while3A_1059, %while3A_1058 : i32
            %while3A_1061 = arith.addi %min3A_945, %while3A_1060 : i32
            %while3A_1062 = arith.constant 1 : i32
            %while3A_1063:6 = scf.for %while3A_1066 = %min3A_945 to %while3A_1061 step %while3A_1062 iter_args(%while3A_1067 = %while3A_1047, %while3A_1068 = %while3A_1048, %while3A_1069 = %while3A_1049, %while3A_1070 = %while3A_1050, %while3A_1071 = %while3A_1051, %while3A_1072 = %while3A_1052) -> (vector<16xf32>, vector<16xf32>, vector<16xf32>, vector<16xf32>, vector<16xf32>, vector<16xf32>)  : i32 {
              %add3A_1073 = arith.addi %sub3A_1055, %while3A_1066 : i32
              %get3A = arith.index_cast %add3A_1073 : i32 to index
              %get3A_1074 = arith.constant 0 : index
              %get3A_1075 = tpu.vector_load %arg7[%get3A, %get3A_1074] {strides = array<i32>} : memref<1152x96xf32, #tpu.memory_space<vmem>>, vector<16xf32>,
              %max3A_1076 = arith.maximumf %while3A_1067, %get3A_1075 : vector<16xf32>
              %get3A_1077 = arith.index_cast %add3A_1073 : i32 to index
              %get3A_1078 = arith.constant 16 : index
              %get3A_1079 = tpu.vector_load %arg7[%get3A_1077, %get3A_1078] {strides = array<i32>} : memref<1152x96xf32, #tpu.memory_space<vmem>>, vector<16xf32>,
              %max3A_1080 = arith.maximumf %while3A_1068, %get3A_1079 : vector<16xf32>
              %get3A_1081 = arith.index_cast %add3A_1073 : i32 to index
              %get3A_1082 = arith.constant 32 : index
              %get3A_1083 = tpu.vector_load %arg7[%get3A_1081, %get3A_1082] {strides = array<i32>} : memref<1152x96xf32, #tpu.memory_space<vmem>>, vector<16xf32>,
              %max3A_1084 = arith.maximumf %while3A_1069, %get3A_1083 : vector<16xf32>
              %get3A_1085 = arith.index_cast %add3A_1073 : i32 to index
              %get3A_1086 = arith.constant 48 : index
              %get3A_1087 = tpu.vector_load %arg7[%get3A_1085, %get3A_1086] {strides = array<i32>} : memref<1152x96xf32, #tpu.memory_space<vmem>>, vector<16xf32>,
              %max3A_1088 = arith.maximumf %while3A_1070, %get3A_1087 : vector<16xf32>
              %get3A_1089 = arith.index_cast %add3A_1073 : i32 to index
              %get3A_1090 = arith.constant 64 : index
              %get3A_1091 = tpu.vector_load %arg7[%get3A_1089, %get3A_1090] {strides = array<i32>} : memref<1152x96xf32, #tpu.memory_space<vmem>>, vector<16xf32>,
              %max3A_1092 = arith.maximumf %while3A_1071, %get3A_1091 : vector<16xf32>
              %get3A_1093 = arith.index_cast %add3A_1073 : i32 to index
              %get3A_1094 = arith.constant 80 : index
              %get3A_1095 = tpu.vector_load %arg7[%get3A_1093, %get3A_1094] {strides = array<i32>} : memref<1152x96xf32, #tpu.memory_space<vmem>>, vector<16xf32>,
              %max3A_1096 = arith.maximumf %while3A_1072, %get3A_1095 : vector<16xf32>
              scf.yield %max3A_1076, %max3A_1080, %max3A_1084, %max3A_1088, %max3A_1092, %max3A_1096 : vector<16xf32>, vector<16xf32>, vector<16xf32>, vector<16xf32>, vector<16xf32>, vector<16xf32>
            }
            %while3A_1064 = arith.constant 1 : i32
            %while3A_1065:6 = scf.for %while3A_1066 = %while3A_1061 to %while3A_1057 step %while3A_1064 iter_args(%while3A_1067 = %while3A_1063#0, %while3A_1068 = %while3A_1063#1, %while3A_1069 = %while3A_1063#2, %while3A_1070 = %while3A_1063#3, %while3A_1071 = %while3A_1063#4, %while3A_1072 = %while3A_1063#5) -> (vector<16xf32>, vector<16xf32>, vector<16xf32>, vector<16xf32>, vector<16xf32>, vector<16xf32>)  : i32 {
              %add3A_1073 = arith.addi %sub3A_1055, %while3A_1066 : i32
              %get3A = arith.index_cast %add3A_1073 : i32 to index
              %get3A_1074 = arith.constant 0 : index
              %get3A_1075 = tpu.vector_load %arg7[%get3A, %get3A_1074] {strides = array<i32>} : memref<1152x96xf32, #tpu.memory_space<vmem>>, vector<16xf32>,
              %max3A_1076 = arith.maximumf %while3A_1067, %get3A_1075 : vector<16xf32>
              %get3A_1077 = arith.index_cast %add3A_1073 : i32 to index
              %get3A_1078 = arith.constant 16 : index
              %get3A_1079 = tpu.vector_load %arg7[%get3A_1077, %get3A_1078] {strides = array<i32>} : memref<1152x96xf32, #tpu.memory_space<vmem>>, vector<16xf32>,
              %max3A_1080 = arith.maximumf %while3A_1068, %get3A_1079 : vector<16xf32>
              %get3A_1081 = arith.index_cast %add3A_1073 : i32 to index
              %get3A_1082 = arith.constant 32 : index
              %get3A_1083 = tpu.vector_load %arg7[%get3A_1081, %get3A_1082] {strides = array<i32>} : memref<1152x96xf32, #tpu.memory_space<vmem>>, vector<16xf32>,
              %max3A_1084 = arith.maximumf %while3A_1069, %get3A_1083 : vector<16xf32>
              %get3A_1085 = arith.index_cast %add3A_1073 : i32 to index
              %get3A_1086 = arith.constant 48 : index
              %get3A_1087 = tpu.vector_load %arg7[%get3A_1085, %get3A_1086] {strides = array<i32>} : memref<1152x96xf32, #tpu.memory_space<vmem>>, vector<16xf32>,
              %max3A_1088 = arith.maximumf %while3A_1070, %get3A_1087 : vector<16xf32>
              %get3A_1089 = arith.index_cast %add3A_1073 : i32 to index
              %get3A_1090 = arith.constant 64 : index
              %get3A_1091 = tpu.vector_load %arg7[%get3A_1089, %get3A_1090] {strides = array<i32>} : memref<1152x96xf32, #tpu.memory_space<vmem>>, vector<16xf32>,
              %max3A_1092 = arith.maximumf %while3A_1071, %get3A_1091 : vector<16xf32>
              %get3A_1093 = arith.index_cast %add3A_1073 : i32 to index
              %get3A_1094 = arith.constant 80 : index
              %get3A_1095 = tpu.vector_load %arg7[%get3A_1093, %get3A_1094] {strides = array<i32>} : memref<1152x96xf32, #tpu.memory_space<vmem>>, vector<16xf32>,
              %max3A_1096 = arith.maximumf %while3A_1072, %get3A_1095 : vector<16xf32>
              scf.yield %max3A_1076, %max3A_1080, %max3A_1084, %max3A_1088, %max3A_1092, %max3A_1096 : vector<16xf32>, vector<16xf32>, vector<16xf32>, vector<16xf32>, vector<16xf32>, vector<16xf32>
            }
            scf.yield %while3A_1065#0, %while3A_1065#1, %while3A_1065#2, %while3A_1065#3, %while3A_1065#4, %while3A_1065#5 : vector<16xf32>, vector<16xf32>, vector<16xf32>, vector<16xf32>, vector<16xf32>, vector<16xf32>
          }
          %while3A_994 = arith.constant 1 : i32
          %while3A_995:6 = scf.for %while3A_1046 = %while3A_991 to %while3A_987 step %while3A_994 iter_args(%while3A_1047 = %while3A_993#0, %while3A_1048 = %while3A_993#1, %while3A_1049 = %while3A_993#2, %while3A_1050 = %while3A_993#3, %while3A_1051 = %while3A_993#4, %while3A_1052 = %while3A_993#5) -> (vector<16xf32>, vector<16xf32>, vector<16xf32>, vector<16xf32>, vector<16xf32>, vector<16xf32>)  : i32 {
            %sub3A_1053 = arith.subi %while3A_1046, %reduce_max3A_656 : i32
            %mul3A_1054 = arith.muli %sub3A_1053, %max3A_686 : i32
            %sub3A_1055 = arith.subi %mul3A_1054, %reduce_max3A_670 : i32
            %while3A_1056 = arith.subi %min3A_983, %min3A_945 : i32
            %while3A_1057 = arith.addi %min3A_945, %while3A_1056 : i32
            %while3A_1058 = arith.constant 1 : i32
            %while3A_1059 = arith.divsi %while3A_1056, %while3A_1058 : i32
            %while3A_1060 = arith.muli %while3A_1059, %while3A_1058 : i32
            %while3A_1061 = arith.addi %min3A_945, %while3A_1060 : i32
            %while3A_1062 = arith.constant 1 : i32
            %while3A_1063:6 = scf.for %while3A_1066 = %min3A_945 to %while3A_1061 step %while3A_1062 iter_args(%while3A_1067 = %while3A_1047, %while3A_1068 = %while3A_1048, %while3A_1069 = %while3A_1049, %while3A_1070 = %while3A_1050, %while3A_1071 = %while3A_1051, %while3A_1072 = %while3A_1052) -> (vector<16xf32>, vector<16xf32>, vector<16xf32>, vector<16xf32>, vector<16xf32>, vector<16xf32>)  : i32 {
              %add3A_1073 = arith.addi %sub3A_1055, %while3A_1066 : i32
              %get3A = arith.index_cast %add3A_1073 : i32 to index
              %get3A_1074 = arith.constant 0 : index
              %get3A_1075 = tpu.vector_load %arg7[%get3A, %get3A_1074] {strides = array<i32>} : memref<1152x96xf32, #tpu.memory_space<vmem>>, vector<16xf32>,
              %max3A_1076 = arith.maximumf %while3A_1067, %get3A_1075 : vector<16xf32>
              %get3A_1077 = arith.index_cast %add3A_1073 : i32 to index
              %get3A_1078 = arith.constant 16 : index
              %get3A_1079 = tpu.vector_load %arg7[%get3A_1077, %get3A_1078] {strides = array<i32>} : memref<1152x96xf32, #tpu.memory_space<vmem>>, vector<16xf32>,
              %max3A_1080 = arith.maximumf %while3A_1068, %get3A_1079 : vector<16xf32>
              %get3A_1081 = arith.index_cast %add3A_1073 : i32 to index
              %get3A_1082 = arith.constant 32 : index
              %get3A_1083 = tpu.vector_load %arg7[%get3A_1081, %get3A_1082] {strides = array<i32>} : memref<1152x96xf32, #tpu.memory_space<vmem>>, vector<16xf32>,
              %max3A_1084 = arith.maximumf %while3A_1069, %get3A_1083 : vector<16xf32>
              %get3A_1085 = arith.index_cast %add3A_1073 : i32 to index
              %get3A_1086 = arith.constant 48 : index
              %get3A_1087 = tpu.vector_load %arg7[%get3A_1085, %get3A_1086] {strides = array<i32>} : memref<1152x96xf32, #tpu.memory_space<vmem>>, vector<16xf32>,
              %max3A_1088 = arith.maximumf %while3A_1070, %get3A_1087 : vector<16xf32>
              %get3A_1089 = arith.index_cast %add3A_1073 : i32 to index
              %get3A_1090 = arith.constant 64 : index
              %get3A_1091 = tpu.vector_load %arg7[%get3A_1089, %get3A_1090] {strides = array<i32>} : memref<1152x96xf32, #tpu.memory_space<vmem>>, vector<16xf32>,
              %max3A_1092 = arith.maximumf %while3A_1071, %get3A_1091 : vector<16xf32>
              %get3A_1093 = arith.index_cast %add3A_1073 : i32 to index
              %get3A_1094 = arith.constant 80 : index
              %get3A_1095 = tpu.vector_load %arg7[%get3A_1093, %get3A_1094] {strides = array<i32>} : memref<1152x96xf32, #tpu.memory_space<vmem>>, vector<16xf32>,
              %max3A_1096 = arith.maximumf %while3A_1072, %get3A_1095 : vector<16xf32>
              scf.yield %max3A_1076, %max3A_1080, %max3A_1084, %max3A_1088, %max3A_1092, %max3A_1096 : vector<16xf32>, vector<16xf32>, vector<16xf32>, vector<16xf32>, vector<16xf32>, vector<16xf32>
            }
            %while3A_1064 = arith.constant 1 : i32
            %while3A_1065:6 = scf.for %while3A_1066 = %while3A_1061 to %while3A_1057 step %while3A_1064 iter_args(%while3A_1067 = %while3A_1063#0, %while3A_1068 = %while3A_1063#1, %while3A_1069 = %while3A_1063#2, %while3A_1070 = %while3A_1063#3, %while3A_1071 = %while3A_1063#4, %while3A_1072 = %while3A_1063#5) -> (vector<16xf32>, vector<16xf32>, vector<16xf32>, vector<16xf32>, vector<16xf32>, vector<16xf32>)  : i32 {
              %add3A_1073 = arith.addi %sub3A_1055, %while3A_1066 : i32
              %get3A = arith.index_cast %add3A_1073 : i32 to index
              %get3A_1074 = arith.constant 0 : index
              %get3A_1075 = tpu.vector_load %arg7[%get3A, %get3A_1074] {strides = array<i32>} : memref<1152x96xf32, #tpu.memory_space<vmem>>, vector<16xf32>,
              %max3A_1076 = arith.maximumf %while3A_1067, %get3A_1075 : vector<16xf32>
              %get3A_1077 = arith.index_cast %add3A_1073 : i32 to index
              %get3A_1078 = arith.constant 16 : index
              %get3A_1079 = tpu.vector_load %arg7[%get3A_1077, %get3A_1078] {strides = array<i32>} : memref<1152x96xf32, #tpu.memory_space<vmem>>, vector<16xf32>,
              %max3A_1080 = arith.maximumf %while3A_1068, %get3A_1079 : vector<16xf32>
              %get3A_1081 = arith.index_cast %add3A_1073 : i32 to index
              %get3A_1082 = arith.constant 32 : index
              %get3A_1083 = tpu.vector_load %arg7[%get3A_1081, %get3A_1082] {strides = array<i32>} : memref<1152x96xf32, #tpu.memory_space<vmem>>, vector<16xf32>,
              %max3A_1084 = arith.maximumf %while3A_1069, %get3A_1083 : vector<16xf32>
              %get3A_1085 = arith.index_cast %add3A_1073 : i32 to index
              %get3A_1086 = arith.constant 48 : index
              %get3A_1087 = tpu.vector_load %arg7[%get3A_1085, %get3A_1086] {strides = array<i32>} : memref<1152x96xf32, #tpu.memory_space<vmem>>, vector<16xf32>,
              %max3A_1088 = arith.maximumf %while3A_1070, %get3A_1087 : vector<16xf32>
              %get3A_1089 = arith.index_cast %add3A_1073 : i32 to index
              %get3A_1090 = arith.constant 64 : index
              %get3A_1091 = tpu.vector_load %arg7[%get3A_1089, %get3A_1090] {strides = array<i32>} : memref<1152x96xf32, #tpu.memory_space<vmem>>, vector<16xf32>,
              %max3A_1092 = arith.maximumf %while3A_1071, %get3A_1091 : vector<16xf32>
              %get3A_1093 = arith.index_cast %add3A_1073 : i32 to index
              %get3A_1094 = arith.constant 80 : index
              %get3A_1095 = tpu.vector_load %arg7[%get3A_1093, %get3A_1094] {strides = array<i32>} : memref<1152x96xf32, #tpu.memory_space<vmem>>, vector<16xf32>,
              %max3A_1096 = arith.maximumf %while3A_1072, %get3A_1095 : vector<16xf32>
              scf.yield %max3A_1076, %max3A_1080, %max3A_1084, %max3A_1088, %max3A_1092, %max3A_1096 : vector<16xf32>, vector<16xf32>, vector<16xf32>, vector<16xf32>, vector<16xf32>, vector<16xf32>
            }
            scf.yield %while3A_1065#0, %while3A_1065#1, %while3A_1065#2, %while3A_1065#3, %while3A_1065#4, %while3A_1065#5 : vector<16xf32>, vector<16xf32>, vector<16xf32>, vector<16xf32>, vector<16xf32>, vector<16xf32>
          }
          %gt3A_996 = arith.cmpi sgt, %min3A_864, %min3A_826 : i32
          %gt3A_997 = arith.cmpi sgt, %min3A_983, %min3A_945 : i32
          %and3A_998 = arith.andi %gt3A_996, %gt3A_997 : i1
          %mul3A_999 = arith.constant 7 : i32
          %mul3A_1000 = arith.muli %scan3A_796, %mul3A_999 : i32
          %add3A_1001 = arith.addi %mul3A_1000, %scan3A_915 : i32
          %mul3A_1002 = arith.constant 96 : i32
          %mul3A_1003 = arith.muli %add3A_1001, %mul3A_1002 : i32
          %jit3A_1004 = arith.constant 0.000000e+00 : f32
          %broadcast_in_dim3A_1005 = vector.broadcast %jit3A_1004 : f32 to vector<16xf32>
          %select_n3A_1006 = arith.select %and3A_998, %while3A_995#0, %broadcast_in_dim3A_1005 : vector<16xf32>
          %add3A_1007 = arith.constant 0 : i32
          %add3A_1008 = arith.addi %mul3A_1003, %add3A_1007 : i32
          %swap3A = arith.index_cast %add3A_1008 : i32 to index
          %swap3A_1009 = tpu.vector_load %arg8[%swap3A] {strides = array<i32>} : memref<4704xf32, #tpu.memory_space<vmem>>, vector<16xf32>,
          tpu.vector_store %arg8[%swap3A], %select_n3A_1006 {strides = array<i32>} : memref<4704xf32, #tpu.memory_space<vmem>>, vector<16xf32>,
          %jit3A_1010 = arith.constant 0.000000e+00 : f32
          %broadcast_in_dim3A_1011 = vector.broadcast %jit3A_1010 : f32 to vector<16xf32>
          %select_n3A_1012 = arith.select %and3A_998, %while3A_995#1, %broadcast_in_dim3A_1011 : vector<16xf32>
          %add3A_1013 = arith.constant 16 : i32
          %add3A_1014 = arith.addi %mul3A_1003, %add3A_1013 : i32
          %swap3A_1015 = arith.index_cast %add3A_1014 : i32 to index
          %swap3A_1016 = tpu.vector_load %arg8[%swap3A_1015] {strides = array<i32>} : memref<4704xf32, #tpu.memory_space<vmem>>, vector<16xf32>,
          tpu.vector_store %arg8[%swap3A_1015], %select_n3A_1012 {strides = array<i32>} : memref<4704xf32, #tpu.memory_space<vmem>>, vector<16xf32>,
          %jit3A_1017 = arith.constant 0.000000e+00 : f32
          %broadcast_in_dim3A_1018 = vector.broadcast %jit3A_1017 : f32 to vector<16xf32>
          %select_n3A_1019 = arith.select %and3A_998, %while3A_995#2, %broadcast_in_dim3A_1018 : vector<16xf32>
          %add3A_1020 = arith.constant 32 : i32
          %add3A_1021 = arith.addi %mul3A_1003, %add3A_1020 : i32
          %swap3A_1022 = arith.index_cast %add3A_1021 : i32 to index
          %swap3A_1023 = tpu.vector_load %arg8[%swap3A_1022] {strides = array<i32>} : memref<4704xf32, #tpu.memory_space<vmem>>, vector<16xf32>,
          tpu.vector_store %arg8[%swap3A_1022], %select_n3A_1019 {strides = array<i32>} : memref<4704xf32, #tpu.memory_space<vmem>>, vector<16xf32>,
          %jit3A_1024 = arith.constant 0.000000e+00 : f32
          %broadcast_in_dim3A_1025 = vector.broadcast %jit3A_1024 : f32 to vector<16xf32>
          %select_n3A_1026 = arith.select %and3A_998, %while3A_995#3, %broadcast_in_dim3A_1025 : vector<16xf32>
          %add3A_1027 = arith.constant 48 : i32
          %add3A_1028 = arith.addi %mul3A_1003, %add3A_1027 : i32
          %swap3A_1029 = arith.index_cast %add3A_1028 : i32 to index
          %swap3A_1030 = tpu.vector_load %arg8[%swap3A_1029] {strides = array<i32>} : memref<4704xf32, #tpu.memory_space<vmem>>, vector<16xf32>,
          tpu.vector_store %arg8[%swap3A_1029], %select_n3A_1026 {strides = array<i32>} : memref<4704xf32, #tpu.memory_space<vmem>>, vector<16xf32>,
          %jit3A_1031 = arith.constant 0.000000e+00 : f32
          %broadcast_in_dim3A_1032 = vector.broadcast %jit3A_1031 : f32 to vector<16xf32>
          %select_n3A_1033 = arith.select %and3A_998, %while3A_995#4, %broadcast_in_dim3A_1032 : vector<16xf32>
          %add3A_1034 = arith.constant 64 : i32
          %add3A_1035 = arith.addi %mul3A_1003, %add3A_1034 : i32
          %swap3A_1036 = arith.index_cast %add3A_1035 : i32 to index
          %swap3A_1037 = tpu.vector_load %arg8[%swap3A_1036] {strides = array<i32>} : memref<4704xf32, #tpu.memory_space<vmem>>, vector<16xf32>,
          tpu.vector_store %arg8[%swap3A_1036], %select_n3A_1033 {strides = array<i32>} : memref<4704xf32, #tpu.memory_space<vmem>>, vector<16xf32>,
          %jit3A_1038 = arith.constant 0.000000e+00 : f32
          %broadcast_in_dim3A_1039 = vector.broadcast %jit3A_1038 : f32 to vector<16xf32>
          %select_n3A_1040 = arith.select %and3A_998, %while3A_995#5, %broadcast_in_dim3A_1039 : vector<16xf32>
          %add3A_1041 = arith.constant 80 : i32
          %add3A_1042 = arith.addi %mul3A_1003, %add3A_1041 : i32
          %swap3A_1043 = arith.index_cast %add3A_1042 : i32 to index
          %swap3A_1044 = tpu.vector_load %arg8[%swap3A_1043] {strides = array<i32>} : memref<4704xf32, #tpu.memory_space<vmem>>, vector<16xf32>,
          tpu.vector_store %arg8[%swap3A_1043], %select_n3A_1040 {strides = array<i32>} : memref<4704xf32, #tpu.memory_space<vmem>>, vector<16xf32>,
          %scan3A_1045 = arith.constant 0 : i32
          scf.yield %scan3A_1045 : i32
        }
        %scan3A_914 = arith.constant 7 : i32
        scf.yield %max3A_907 : i32
      }
      %scan3A_782 = arith.constant 7 : i32
      %sub3A_783 = arith.subi %select_n3A_750, %scan3A_781 : i32
      %while3A_784 = arith.constant 0 : i32
      %while3A_785 = arith.constant 0 : i32
      %while3A_786 = arith.subi %sub3A_783, %while3A_785 : i32
      %while3A_787 = arith.addi %while3A_785, %while3A_786 : i32
      %while3A_788 = arith.constant 1 : i32
      %while3A_789 = arith.divsi %while3A_786, %while3A_788 : i32
      %while3A_790 = arith.muli %while3A_789, %while3A_788 : i32
      %while3A_791 = arith.addi %while3A_785, %while3A_790 : i32
      %while3A_792 = arith.constant 1 : i32
      scf.for %while3A_796 = %while3A_785 to %while3A_791 step %while3A_792  : i32 {
        %dma_wait3A = arith.constant 0 : i32
        %dma_wait3A_797 = arith.constant 0 : i32
        %dma_wait3A_798 = tpu.memref_slice %arg7[%dma_wait3A, %dma_wait3A_797] : memref<1152x96xf32, #tpu.memory_space<vmem>> -> memref<16x96xf32, #tpu.memory_space<vmem>>
        %dma_wait3A_799 = arith.constant 0 : i32
        %dma_wait3A_800 = arith.constant 0 : i32
        %dma_wait3A_801 = tpu.memref_slice %arg2[%dma_wait3A_799, %dma_wait3A_800] : memref<21760x96xf32, #tpu.memory_space<hbm>> -> memref<16x96xf32, #tpu.memory_space<hbm>>
        %dma_wait3A_802 = arith.constant 0 : i32
        %dma_wait3A_803 = arith.constant 0 : i32
        %dma_wait3A_804 = tpu.memref_slice %arg7[%dma_wait3A_802, %dma_wait3A_803] : memref<1152x96xf32, #tpu.memory_space<vmem>> -> memref<16x96xf32, #tpu.memory_space<vmem>>
        %dma_wait3A_805 = arith.constant 0 : i32
        %dma_wait3A_806 = arith.constant 0 : i32
        %dma_wait3A_807 = tpu.memref_slice %arg2[%dma_wait3A_805, %dma_wait3A_806] : memref<21760x96xf32, #tpu.memory_space<hbm>> -> memref<16x96xf32, #tpu.memory_space<hbm>>
        tpu.wait_dma2 semaphore(%arg9 : memref<!tpu.dma_semaphore, #tpu.memory_space<semaphore_mem>>) src(%dma_wait3A_807 : memref<16x96xf32, #tpu.memory_space<hbm>>) dst(%dma_wait3A_804 : memref<16x96xf32, #tpu.memory_space<vmem>>)
      }
      %while3A_793 = arith.constant 1 : i32
      scf.for %while3A_796 = %while3A_791 to %while3A_787 step %while3A_793  : i32 {
        %dma_wait3A = arith.constant 0 : i32
        %dma_wait3A_797 = arith.constant 0 : i32
        %dma_wait3A_798 = tpu.memref_slice %arg7[%dma_wait3A, %dma_wait3A_797] : memref<1152x96xf32, #tpu.memory_space<vmem>> -> memref<16x96xf32, #tpu.memory_space<vmem>>
        %dma_wait3A_799 = arith.constant 0 : i32
        %dma_wait3A_800 = arith.constant 0 : i32
        %dma_wait3A_801 = tpu.memref_slice %arg2[%dma_wait3A_799, %dma_wait3A_800] : memref<21760x96xf32, #tpu.memory_space<hbm>> -> memref<16x96xf32, #tpu.memory_space<hbm>>
        %dma_wait3A_802 = arith.constant 0 : i32
        %dma_wait3A_803 = arith.constant 0 : i32
        %dma_wait3A_804 = tpu.memref_slice %arg7[%dma_wait3A_802, %dma_wait3A_803] : memref<1152x96xf32, #tpu.memory_space<vmem>> -> memref<16x96xf32, #tpu.memory_space<vmem>>
        %dma_wait3A_805 = arith.constant 0 : i32
        %dma_wait3A_806 = arith.constant 0 : i32
        %dma_wait3A_807 = tpu.memref_slice %arg2[%dma_wait3A_805, %dma_wait3A_806] : memref<21760x96xf32, #tpu.memory_space<hbm>> -> memref<16x96xf32, #tpu.memory_space<hbm>>
        tpu.wait_dma2 semaphore(%arg9 : memref<!tpu.dma_semaphore, #tpu.memory_space<semaphore_mem>>) src(%dma_wait3A_807 : memref<16x96xf32, #tpu.memory_space<hbm>>) dst(%dma_wait3A_804 : memref<16x96xf32, #tpu.memory_space<vmem>>)
      }
      %add3A_794 = arith.addi %add3A_4, %while3A_558 : i32
      "tpu.region"() ({
        %run_scoped3A = tpu.sem_alloc : memref<!tpu.dma_semaphore, #tpu.memory_space<semaphore_mem>>
        %dma_start3A = arith.constant 0 : i32
        %dma_start3A_796 = tpu.memref_slice %arg4[%add3A_794, %dma_start3A] : memref<1000x4704xf32, #tpu.memory_space<hbm>> -> memref<1x4704xf32, #tpu.memory_space<hbm>>
        %dma_start3A_797 = tpu.memref_squeeze %dma_start3A_796 : memref<1x4704xf32, #tpu.memory_space<hbm>> -> memref<4704xf32, #tpu.memory_space<hbm>>
        %dma_start3A_798 = arith.constant 0 : i32
        %dma_start3A_799 = tpu.memref_slice %arg4[%add3A_794, %dma_start3A_798] : memref<1000x4704xf32, #tpu.memory_space<hbm>> -> memref<1x4704xf32, #tpu.memory_space<hbm>>
        %dma_start3A_800 = tpu.memref_squeeze %dma_start3A_799 : memref<1x4704xf32, #tpu.memory_space<hbm>> -> memref<4704xf32, #tpu.memory_space<hbm>>
        tpu.enqueue_dma source(%arg8 : memref<4704xf32, #tpu.memory_space<vmem>>) target(%dma_start3A_800 : memref<4704xf32, #tpu.memory_space<hbm>>) target_semaphore(%run_scoped3A : memref<!tpu.dma_semaphore, #tpu.memory_space<semaphore_mem>>)
        %dma_wait3A = arith.constant 0 : i32
        %dma_wait3A_801 = tpu.memref_slice %arg4[%add3A_794, %dma_wait3A] : memref<1000x4704xf32, #tpu.memory_space<hbm>> -> memref<1x4704xf32, #tpu.memory_space<hbm>>
        %dma_wait3A_802 = tpu.memref_squeeze %dma_wait3A_801 : memref<1x4704xf32, #tpu.memory_space<hbm>> -> memref<4704xf32, #tpu.memory_space<hbm>>
        %dma_wait3A_803 = arith.constant 0 : i32
        %dma_wait3A_804 = tpu.memref_slice %arg4[%add3A_794, %dma_wait3A_803] : memref<1000x4704xf32, #tpu.memory_space<hbm>> -> memref<1x4704xf32, #tpu.memory_space<hbm>>
        %dma_wait3A_805 = tpu.memref_squeeze %dma_wait3A_804 : memref<1x4704xf32, #tpu.memory_space<hbm>> -> memref<4704xf32, #tpu.memory_space<hbm>>
        tpu.wait_dma2 semaphore(%run_scoped3A : memref<!tpu.dma_semaphore, #tpu.memory_space<semaphore_mem>>) src(%arg8 : memref<4704xf32, #tpu.memory_space<vmem>>) dst(%dma_wait3A_805 : memref<4704xf32, #tpu.memory_space<hbm>>)
        tpu.yield
      }) : () -> ()
      %while3A_795 = arith.constant 0 : i32
      scf.yield %while3A_795 : i32
    }
    %add3A_273 = arith.constant 16 : i32
    %add3A_274 = arith.addi %mul3A_2, %add3A_273 : i32
    %add3A_275 = vector.broadcast %add3A_274 : i32 to vector<16xi32>
    %add3A_276 = arith.addi %add3A_275, %iota3A : vector<16xi32>
    %min3A_277 = arith.constant 999 : i32
    %min3A_278 = vector.broadcast %min3A_277 : i32 to vector<16xi32>
    %min3A_279 = arith.minsi %add3A_276, %min3A_278 : vector<16xi32>
    %mul3A_280 = arith.constant 5 : i32
    %mul3A_281 = vector.broadcast %mul3A_280 : i32 to vector<16xi32>
    %mul3A_282 = arith.muli %min3A_279, %mul3A_281 : vector<16xi32>
    %add3A_283 = arith.constant 1 : i32
    %add3A_284 = vector.broadcast %add3A_283 : i32 to vector<16xi32>
    %add3A_285 = arith.addi %mul3A_282, %add3A_284 : vector<16xi32>
    %gather3A_286 = tpu.vector_load_idx %arg5[%add3A_285] : memref<5000xf32, #tpu.memory_space<vmem>>[vector<16xi32>], vector<16xf32>,
    %mul3A_287 = arith.constant 5 : i32
    %mul3A_288 = vector.broadcast %mul3A_287 : i32 to vector<16xi32>
    %mul3A_289 = arith.muli %min3A_279, %mul3A_288 : vector<16xi32>
    %add3A_290 = arith.constant 2 : i32
    %add3A_291 = vector.broadcast %add3A_290 : i32 to vector<16xi32>
    %add3A_292 = arith.addi %mul3A_289, %add3A_291 : vector<16xi32>
    %gather3A_293 = tpu.vector_load_idx %arg5[%add3A_292] : memref<5000xf32, #tpu.memory_space<vmem>>[vector<16xi32>], vector<16xf32>,
    %mul3A_294 = arith.constant 5 : i32
    %mul3A_295 = vector.broadcast %mul3A_294 : i32 to vector<16xi32>
    %mul3A_296 = arith.muli %min3A_279, %mul3A_295 : vector<16xi32>
    %add3A_297 = arith.constant 3 : i32
    %add3A_298 = vector.broadcast %add3A_297 : i32 to vector<16xi32>
    %add3A_299 = arith.addi %mul3A_296, %add3A_298 : vector<16xi32>
    %gather3A_300 = tpu.vector_load_idx %arg5[%add3A_299] : memref<5000xf32, #tpu.memory_space<vmem>>[vector<16xi32>], vector<16xf32>,
    %mul3A_301 = arith.constant 5 : i32
    %mul3A_302 = vector.broadcast %mul3A_301 : i32 to vector<16xi32>
    %mul3A_303 = arith.muli %min3A_279, %mul3A_302 : vector<16xi32>
    %add3A_304 = arith.constant 4 : i32
    %add3A_305 = vector.broadcast %add3A_304 : i32 to vector<16xi32>
    %add3A_306 = arith.addi %mul3A_303, %add3A_305 : vector<16xi32>
    %gather3A_307 = tpu.vector_load_idx %arg5[%add3A_306] : memref<5000xf32, #tpu.memory_space<vmem>>[vector<16xi32>], vector<16xf32>,
    %sub3A_308 = arith.subf %gather3A_300, %gather3A_286 : vector<16xf32>
    %add3A_309 = arith.constant 1.000000e+00 : f32
    %add3A_310 = vector.broadcast %add3A_309 : f32 to vector<16xf32>
    %add3A_311 = arith.addf %sub3A_308, %add3A_310 : vector<16xf32>
    %sub3A_312 = arith.subf %gather3A_307, %gather3A_293 : vector<16xf32>
    %add3A_313 = arith.constant 1.000000e+00 : f32
    %add3A_314 = vector.broadcast %add3A_313 : f32 to vector<16xf32>
    %add3A_315 = arith.addf %sub3A_312, %add3A_314 : vector<16xf32>
    %mul3A_316 = arith.mulf %add3A_311, %add3A_315 : vector<16xf32>
    %ge3A_317 = arith.constant 1.254400e+04 : f32
    %ge3A_318 = vector.broadcast %ge3A_317 : f32 to vector<16xf32>
    %ge3A_319 = arith.cmpf oge, %mul3A_316, %ge3A_318 : vector<16xf32>
    %convert_element_type3A_320 = arith.extui %ge3A_319 : vector<16xi1> to vector<16xi32>
    %ge3A_321 = arith.constant 5.017600e+04 : f32
    %ge3A_322 = vector.broadcast %ge3A_321 : f32 to vector<16xf32>
    %ge3A_323 = arith.cmpf oge, %mul3A_316, %ge3A_322 : vector<16xf32>
    %convert_element_type3A_324 = arith.extui %ge3A_323 : vector<16xi1> to vector<16xi32>
    %add3A_325 = arith.addi %convert_element_type3A_320, %convert_element_type3A_324 : vector<16xi32>
    %ge3A_326 = arith.constant 2.007040e+05 : f32
    %ge3A_327 = vector.broadcast %ge3A_326 : f32 to vector<16xf32>
    %ge3A_328 = arith.cmpf oge, %mul3A_316, %ge3A_327 : vector<16xf32>
    %convert_element_type3A_329 = arith.extui %ge3A_328 : vector<16xi1> to vector<16xi32>
    %add3A_330 = arith.addi %add3A_325, %convert_element_type3A_329 : vector<16xi32>
    %eq3A_331 = arith.constant 0 : i32
    %eq3A_332 = vector.broadcast %eq3A_331 : i32 to vector<16xi32>
    %eq3A_333 = arith.cmpi eq, %add3A_330, %eq3A_332 : vector<16xi32>
    %eq3A_334 = arith.constant 1 : i32
    %eq3A_335 = vector.broadcast %eq3A_334 : i32 to vector<16xi32>
    %eq3A_336 = arith.cmpi eq, %add3A_330, %eq3A_335 : vector<16xi32>
    %eq3A_337 = arith.constant 2 : i32
    %eq3A_338 = vector.broadcast %eq3A_337 : i32 to vector<16xi32>
    %eq3A_339 = arith.cmpi eq, %add3A_330, %eq3A_338 : vector<16xi32>
    %jit3A_340 = arith.constant 6.250000e-02 : f32
    %jit3A_341 = arith.constant 3.125000e-02 : f32
    %broadcast_in_dim3A_342 = vector.broadcast %jit3A_340 : f32 to vector<16xf32>
    %broadcast_in_dim3A_343 = vector.broadcast %jit3A_341 : f32 to vector<16xf32>
    %select_n3A_344 = arith.select %eq3A_339, %broadcast_in_dim3A_342, %broadcast_in_dim3A_343 : vector<16xi1>, vector<16xf32>
    %jit3A_345 = arith.constant 1.250000e-01 : f32
    %broadcast_in_dim3A_346 = vector.broadcast %jit3A_345 : f32 to vector<16xf32>
    %select_n3A_347 = arith.select %eq3A_336, %broadcast_in_dim3A_346, %select_n3A_344 : vector<16xi1>, vector<16xf32>
    %jit3A_348 = arith.constant 2.500000e-01 : f32
    %broadcast_in_dim3A_349 = vector.broadcast %jit3A_348 : f32 to vector<16xf32>
    %select_n3A_350 = arith.select %eq3A_333, %broadcast_in_dim3A_349, %select_n3A_347 : vector<16xi1>, vector<16xf32>
    %mul3A_351 = arith.mulf %gather3A_286, %select_n3A_350 : vector<16xf32>
    %convert_element_type3A_352 = arith.fptosi %mul3A_351 : vector<16xf32> to vector<16xi32>
    %convert_element_type3A_353 = arith.sitofp %convert_element_type3A_352 : vector<16xi32> to vector<16xf32>
    %sub3A_354 = arith.subf %mul3A_351, %convert_element_type3A_353 : vector<16xf32>
    %gt3A_355 = arith.constant 5.000000e-01 : f32
    %gt3A_356 = vector.broadcast %gt3A_355 : f32 to vector<16xf32>
    %gt3A_357 = arith.cmpf ogt, %sub3A_354, %gt3A_356 : vector<16xf32>
    %eq3A_358 = arith.constant 5.000000e-01 : f32
    %eq3A_359 = vector.broadcast %eq3A_358 : f32 to vector<16xf32>
    %eq3A_360 = arith.cmpf oeq, %sub3A_354, %eq3A_359 : vector<16xf32>
    %and3A_361 = arith.constant 1 : i32
    %and3A_362 = vector.broadcast %and3A_361 : i32 to vector<16xi32>
    %and3A_363 = arith.andi %convert_element_type3A_352, %and3A_362 : vector<16xi32>
    %eq3A_364 = arith.constant 1 : i32
    %eq3A_365 = vector.broadcast %eq3A_364 : i32 to vector<16xi32>
    %eq3A_366 = arith.cmpi eq, %and3A_363, %eq3A_365 : vector<16xi32>
    %and3A_367 = arith.andi %eq3A_360, %eq3A_366 : vector<16xi1>
    %or3A_368 = arith.ori %gt3A_357, %and3A_367 : vector<16xi1>
    %convert_element_type3A_369 = arith.extui %or3A_368 : vector<16xi1> to vector<16xi32>
    %add3A_370 = arith.addi %convert_element_type3A_352, %convert_element_type3A_369 : vector<16xi32>
    %mul3A_371 = arith.mulf %gather3A_293, %select_n3A_350 : vector<16xf32>
    %convert_element_type3A_372 = arith.fptosi %mul3A_371 : vector<16xf32> to vector<16xi32>
    %convert_element_type3A_373 = arith.sitofp %convert_element_type3A_372 : vector<16xi32> to vector<16xf32>
    %sub3A_374 = arith.subf %mul3A_371, %convert_element_type3A_373 : vector<16xf32>
    %gt3A_375 = arith.constant 5.000000e-01 : f32
    %gt3A_376 = vector.broadcast %gt3A_375 : f32 to vector<16xf32>
    %gt3A_377 = arith.cmpf ogt, %sub3A_374, %gt3A_376 : vector<16xf32>
    %eq3A_378 = arith.constant 5.000000e-01 : f32
    %eq3A_379 = vector.broadcast %eq3A_378 : f32 to vector<16xf32>
    %eq3A_380 = arith.cmpf oeq, %sub3A_374, %eq3A_379 : vector<16xf32>
    %and3A_381 = arith.constant 1 : i32
    %and3A_382 = vector.broadcast %and3A_381 : i32 to vector<16xi32>
    %and3A_383 = arith.andi %convert_element_type3A_372, %and3A_382 : vector<16xi32>
    %eq3A_384 = arith.constant 1 : i32
    %eq3A_385 = vector.broadcast %eq3A_384 : i32 to vector<16xi32>
    %eq3A_386 = arith.cmpi eq, %and3A_383, %eq3A_385 : vector<16xi32>
    %and3A_387 = arith.andi %eq3A_380, %eq3A_386 : vector<16xi1>
    %or3A_388 = arith.ori %gt3A_377, %and3A_387 : vector<16xi1>
    %convert_element_type3A_389 = arith.extui %or3A_388 : vector<16xi1> to vector<16xi32>
    %add3A_390 = arith.addi %convert_element_type3A_372, %convert_element_type3A_389 : vector<16xi32>
    %mul3A_391 = arith.mulf %gather3A_300, %select_n3A_350 : vector<16xf32>
    %convert_element_type3A_392 = arith.fptosi %mul3A_391 : vector<16xf32> to vector<16xi32>
    %convert_element_type3A_393 = arith.sitofp %convert_element_type3A_392 : vector<16xi32> to vector<16xf32>
    %sub3A_394 = arith.subf %mul3A_391, %convert_element_type3A_393 : vector<16xf32>
    %gt3A_395 = arith.constant 5.000000e-01 : f32
    %gt3A_396 = vector.broadcast %gt3A_395 : f32 to vector<16xf32>
    %gt3A_397 = arith.cmpf ogt, %sub3A_394, %gt3A_396 : vector<16xf32>
    %eq3A_398 = arith.constant 5.000000e-01 : f32
    %eq3A_399 = vector.broadcast %eq3A_398 : f32 to vector<16xf32>
    %eq3A_400 = arith.cmpf oeq, %sub3A_394, %eq3A_399 : vector<16xf32>
    %and3A_401 = arith.constant 1 : i32
    %and3A_402 = vector.broadcast %and3A_401 : i32 to vector<16xi32>
    %and3A_403 = arith.andi %convert_element_type3A_392, %and3A_402 : vector<16xi32>
    %eq3A_404 = arith.constant 1 : i32
    %eq3A_405 = vector.broadcast %eq3A_404 : i32 to vector<16xi32>
    %eq3A_406 = arith.cmpi eq, %and3A_403, %eq3A_405 : vector<16xi32>
    %and3A_407 = arith.andi %eq3A_400, %eq3A_406 : vector<16xi1>
    %or3A_408 = arith.ori %gt3A_397, %and3A_407 : vector<16xi1>
    %convert_element_type3A_409 = arith.extui %or3A_408 : vector<16xi1> to vector<16xi32>
    %add3A_410 = arith.addi %convert_element_type3A_392, %convert_element_type3A_409 : vector<16xi32>
    %mul3A_411 = arith.mulf %gather3A_307, %select_n3A_350 : vector<16xf32>
    %convert_element_type3A_412 = arith.fptosi %mul3A_411 : vector<16xf32> to vector<16xi32>
    %convert_element_type3A_413 = arith.sitofp %convert_element_type3A_412 : vector<16xi32> to vector<16xf32>
    %sub3A_414 = arith.subf %mul3A_411, %convert_element_type3A_413 : vector<16xf32>
    %gt3A_415 = arith.constant 5.000000e-01 : f32
    %gt3A_416 = vector.broadcast %gt3A_415 : f32 to vector<16xf32>
    %gt3A_417 = arith.cmpf ogt, %sub3A_414, %gt3A_416 : vector<16xf32>
    %eq3A_418 = arith.constant 5.000000e-01 : f32
    %eq3A_419 = vector.broadcast %eq3A_418 : f32 to vector<16xf32>
    %eq3A_420 = arith.cmpf oeq, %sub3A_414, %eq3A_419 : vector<16xf32>
    %and3A_421 = arith.constant 1 : i32
    %and3A_422 = vector.broadcast %and3A_421 : i32 to vector<16xi32>
    %and3A_423 = arith.andi %convert_element_type3A_412, %and3A_422 : vector<16xi32>
    %eq3A_424 = arith.constant 1 : i32
    %eq3A_425 = vector.broadcast %eq3A_424 : i32 to vector<16xi32>
    %eq3A_426 = arith.cmpi eq, %and3A_423, %eq3A_425 : vector<16xi32>
    %and3A_427 = arith.andi %eq3A_420, %eq3A_426 : vector<16xi1>
    %or3A_428 = arith.ori %gt3A_417, %and3A_427 : vector<16xi1>
    %convert_element_type3A_429 = arith.extui %or3A_428 : vector<16xi1> to vector<16xi32>
    %add3A_430 = arith.addi %convert_element_type3A_412, %convert_element_type3A_429 : vector<16xi32>
    %shift_right_arithmetic3A_431 = arith.constant 128 : i32
    %shift_right_arithmetic3A_432 = vector.broadcast %shift_right_arithmetic3A_431 : i32 to vector<16xi32>
    %shift_right_arithmetic3A_433 = arith.shrsi %shift_right_arithmetic3A_432, %add3A_330 : vector<16xi32>
    %sub3A_434 = arith.subi %add3A_410, %add3A_370 : vector<16xi32>
    %add3A_435 = arith.constant 1 : i32
    %add3A_436 = vector.broadcast %add3A_435 : i32 to vector<16xi32>
    %add3A_437 = arith.addi %sub3A_434, %add3A_436 : vector<16xi32>
    %max3A_438 = arith.constant 1 : i32
    %max3A_439 = vector.broadcast %max3A_438 : i32 to vector<16xi32>
    %max3A_440 = arith.maxsi %add3A_437, %max3A_439 : vector<16xi32>
    %add3A_441 = arith.constant 1 : i32
    %add3A_442 = vector.broadcast %add3A_441 : i32 to vector<16xi32>
    %add3A_443 = arith.addi %shift_right_arithmetic3A_433, %add3A_442 : vector<16xi32>
    %jit3A_444 = arith.constant 0 : i32
    %max3A_445 = vector.broadcast %jit3A_444 : i32 to vector<16xi32>
    %max3A_446 = arith.maxsi %max3A_445, %max3A_440 : vector<16xi32>
    %min3A_447 = arith.minsi %add3A_443, %max3A_446 : vector<16xi32>
    %sub3A_448 = arith.subi %add3A_430, %add3A_390 : vector<16xi32>
    %add3A_449 = arith.constant 1 : i32
    %add3A_450 = vector.broadcast %add3A_449 : i32 to vector<16xi32>
    %add3A_451 = arith.addi %sub3A_448, %add3A_450 : vector<16xi32>
    %max3A_452 = arith.constant 1 : i32
    %max3A_453 = vector.broadcast %max3A_452 : i32 to vector<16xi32>
    %max3A_454 = arith.maxsi %add3A_451, %max3A_453 : vector<16xi32>
    %add3A_455 = arith.constant 1 : i32
    %add3A_456 = vector.broadcast %add3A_455 : i32 to vector<16xi32>
    %add3A_457 = arith.addi %shift_right_arithmetic3A_433, %add3A_456 : vector<16xi32>
    %jit3A_458 = arith.constant 0 : i32
    %max3A_459 = vector.broadcast %jit3A_458 : i32 to vector<16xi32>
    %max3A_460 = arith.maxsi %max3A_459, %max3A_454 : vector<16xi32>
    %min3A_461 = arith.minsi %add3A_457, %max3A_460 : vector<16xi32>
    %eq3A_462 = arith.constant 29 : i32
    %eq3A_463 = vector.broadcast %eq3A_462 : i32 to vector<16xi32>
    %eq3A_464 = arith.cmpi eq, %min3A_447, %eq3A_463 : vector<16xi32>
    %eq3A_465 = arith.constant 58 : i32
    %eq3A_466 = vector.broadcast %eq3A_465 : i32 to vector<16xi32>
    %eq3A_467 = arith.cmpi eq, %min3A_447, %eq3A_466 : vector<16xi32>
    %or3A_468 = arith.ori %eq3A_464, %eq3A_467 : vector<16xi1>
    %eq3A_469 = arith.constant 116 : i32
    %eq3A_470 = vector.broadcast %eq3A_469 : i32 to vector<16xi32>
    %eq3A_471 = arith.cmpi eq, %min3A_447, %eq3A_470 : vector<16xi32>
    %or3A_472 = arith.ori %or3A_468, %eq3A_471 : vector<16xi1>
    %eq3A_473 = arith.constant 123 : i32
    %eq3A_474 = vector.broadcast %eq3A_473 : i32 to vector<16xi32>
    %eq3A_475 = arith.cmpi eq, %min3A_447, %eq3A_474 : vector<16xi32>
    %or3A_476 = arith.ori %or3A_472, %eq3A_475 : vector<16xi1>
    %convert_element_type3A_477 = arith.extui %or3A_476 : vector<16xi1> to vector<16xi32>
    %eq3A_478 = arith.constant 29 : i32
    %eq3A_479 = vector.broadcast %eq3A_478 : i32 to vector<16xi32>
    %eq3A_480 = arith.cmpi eq, %min3A_461, %eq3A_479 : vector<16xi32>
    %eq3A_481 = arith.constant 58 : i32
    %eq3A_482 = vector.broadcast %eq3A_481 : i32 to vector<16xi32>
    %eq3A_483 = arith.cmpi eq, %min3A_461, %eq3A_482 : vector<16xi32>
    %or3A_484 = arith.ori %eq3A_480, %eq3A_483 : vector<16xi1>
    %eq3A_485 = arith.constant 116 : i32
    %eq3A_486 = vector.broadcast %eq3A_485 : i32 to vector<16xi32>
    %eq3A_487 = arith.cmpi eq, %min3A_461, %eq3A_486 : vector<16xi32>
    %or3A_488 = arith.ori %or3A_484, %eq3A_487 : vector<16xi1>
    %eq3A_489 = arith.constant 123 : i32
    %eq3A_490 = vector.broadcast %eq3A_489 : i32 to vector<16xi32>
    %eq3A_491 = arith.cmpi eq, %min3A_461, %eq3A_490 : vector<16xi32>
    %or3A_492 = arith.ori %or3A_488, %eq3A_491 : vector<16xi1>
    %convert_element_type3A_493 = arith.extui %or3A_492 : vector<16xi1> to vector<16xi32>
    %jit3A_494 = arith.constant 0 : i32
    %max3A_495 = vector.broadcast %jit3A_494 : i32 to vector<16xi32>
    %max3A_496 = arith.maxsi %max3A_495, %add3A_390 : vector<16xi32>
    %min3A_497 = arith.minsi %shift_right_arithmetic3A_433, %max3A_496 : vector<16xi32>
    %jit3A_498 = arith.constant 0 : i32
    %max3A_499 = vector.broadcast %jit3A_498 : i32 to vector<16xi32>
    %max3A_500 = arith.maxsi %max3A_499, %add3A_370 : vector<16xi32>
    %min3A_501 = arith.minsi %shift_right_arithmetic3A_433, %max3A_500 : vector<16xi32>
    %add3A_502 = arith.addi %add3A_390, %min3A_461 : vector<16xi32>
    %add3A_503 = arith.addi %add3A_502, %convert_element_type3A_493 : vector<16xi32>
    %jit3A_504 = arith.constant 0 : i32
    %max3A_505 = vector.broadcast %jit3A_504 : i32 to vector<16xi32>
    %max3A_506 = arith.maxsi %max3A_505, %add3A_503 : vector<16xi32>
    %min3A_507 = arith.minsi %shift_right_arithmetic3A_433, %max3A_506 : vector<16xi32>
    %add3A_508 = arith.addi %add3A_370, %min3A_447 : vector<16xi32>
    %add3A_509 = arith.addi %add3A_508, %convert_element_type3A_477 : vector<16xi32>
    %jit3A_510 = arith.constant 0 : i32
    %max3A_511 = vector.broadcast %jit3A_510 : i32 to vector<16xi32>
    %max3A_512 = arith.maxsi %max3A_511, %add3A_509 : vector<16xi32>
    %min3A_513 = arith.minsi %shift_right_arithmetic3A_433, %max3A_512 : vector<16xi32>
    %sub3A_514 = arith.subi %min3A_513, %min3A_501 : vector<16xi32>
    %sub3A_515 = arith.subi %min3A_507, %min3A_497 : vector<16xi32>
    %mul3A_516 = arith.muli %sub3A_515, %sub3A_514 : vector<16xi32>
    %min3A_517 = arith.constant 1152 : i32
    %min3A_518 = vector.broadcast %min3A_517 : i32 to vector<16xi32>
    %min3A_519 = arith.minsi %mul3A_516, %min3A_518 : vector<16xi32>
    %eq3A_520 = arith.constant 0 : i32
    %eq3A_521 = vector.broadcast %eq3A_520 : i32 to vector<16xi32>
    %eq3A_522 = arith.cmpi eq, %add3A_330, %eq3A_521 : vector<16xi32>
    %eq3A_523 = arith.constant 1 : i32
    %eq3A_524 = vector.broadcast %eq3A_523 : i32 to vector<16xi32>
    %eq3A_525 = arith.cmpi eq, %add3A_330, %eq3A_524 : vector<16xi32>
    %eq3A_526 = arith.constant 2 : i32
    %eq3A_527 = vector.broadcast %eq3A_526 : i32 to vector<16xi32>
    %eq3A_528 = arith.cmpi eq, %add3A_330, %eq3A_527 : vector<16xi32>
    %jit3A_529 = arith.constant 20480 : i32
    %jit3A_530 = arith.constant 21504 : i32
    %broadcast_in_dim3A_531 = vector.broadcast %jit3A_529 : i32 to vector<16xi32>
    %broadcast_in_dim3A_532 = vector.broadcast %jit3A_530 : i32 to vector<16xi32>
    %select_n3A_533 = arith.select %eq3A_528, %broadcast_in_dim3A_531, %broadcast_in_dim3A_532 : vector<16xi1>, vector<16xi32>
    %jit3A_534 = arith.constant 16384 : i32
    %broadcast_in_dim3A_535 = vector.broadcast %jit3A_534 : i32 to vector<16xi32>
    %select_n3A_536 = arith.select %eq3A_525, %broadcast_in_dim3A_535, %select_n3A_533 : vector<16xi1>, vector<16xi32>
    %jit3A_537 = arith.constant 0 : i32
    %broadcast_in_dim3A_538 = vector.broadcast %jit3A_537 : i32 to vector<16xi32>
    %select_n3A_539 = arith.select %eq3A_522, %broadcast_in_dim3A_538, %select_n3A_536 : vector<16xi1>, vector<16xi32>
    %sub3A_540 = arith.constant 1000 : i32
    %sub3A_541 = arith.subi %sub3A_540, %add3A_274 : i32
    %jit3A_542 = arith.constant 0 : i32
    %jit3A_543 = arith.constant 16 : i32
    %max3A_544 = arith.maxsi %jit3A_542, %sub3A_541 : i32
    %min3A_545 = arith.minsi %jit3A_543, %max3A_544 : i32
    %while3A_546 = arith.constant 0 : i32
    %while3A_547 = arith.constant 0 : i32
    %while3A_548 = arith.subi %min3A_545, %while3A_546 : i32
    %while3A_549 = arith.addi %while3A_546, %while3A_548 : i32
    %while3A_550 = arith.constant 1 : i32
    %while3A_551 = arith.divsi %while3A_548, %while3A_550 : i32
    %while3A_552 = arith.muli %while3A_551, %while3A_550 : i32
    %while3A_553 = arith.addi %while3A_546, %while3A_552 : i32
    %while3A_554 = arith.constant 1 : i32
    %while3A_555 = scf.for %while3A_558 = %while3A_546 to %while3A_553 step %while3A_554 iter_args(%while3A_559 = %while3A_547) -> (i32)  : i32 {
      %iota3A_560 = tpu.iota {dimensions = array<i32: 0>} : vector<16xi32>
      %eq3A_561 = vector.broadcast %while3A_558 : i32 to vector<16xi32>
      %eq3A_562 = arith.cmpi eq, %iota3A_560, %eq3A_561 : vector<16xi32>
      %jit3A_563 = arith.constant -2147483648 : i32
      %broadcast_in_dim3A_564 = vector.broadcast %jit3A_563 : i32 to vector<16xi32>
      %select_n3A_565 = arith.select %eq3A_562, %add3A_390, %broadcast_in_dim3A_564 : vector<16xi1>, vector<16xi32>
      %reduce_max3A = arith.constant true
      %reduce_max3A_566 = vector.broadcast %reduce_max3A : i1 to vector<16xi1>
      %reduce_max3A_567 = arith.constant -2147483648 : i32
      %reduce_max3A_568 = vector.broadcast %reduce_max3A_567 : i32 to vector<16xi32>
      %reduce_max3A_569 = arith.xori %select_n3A_565, %reduce_max3A_568 : vector<16xi32>
      %reduce_max3A_570 = tpu.scan <max>, %reduce_max3A_569 masked %reduce_max3A_566 : vector<16xi32>, vector<16xi1> -> vector<16xi32>
      %reduce_max3A_571 = arith.xori %reduce_max3A_570, %reduce_max3A_568 : vector<16xi32>
      %reduce_max3A_572 = vector.extract %reduce_max3A_571[15] : i32 from vector<16xi32>
      %iota3A_573 = tpu.iota {dimensions = array<i32: 0>} : vector<16xi32>
      %eq3A_574 = vector.broadcast %while3A_558 : i32 to vector<16xi32>
      %eq3A_575 = arith.cmpi eq, %iota3A_573, %eq3A_574 : vector<16xi32>
      %jit3A_576 = arith.constant -2147483648 : i32
      %broadcast_in_dim3A_577 = vector.broadcast %jit3A_576 : i32 to vector<16xi32>
      %select_n3A_578 = arith.select %eq3A_575, %add3A_370, %broadcast_in_dim3A_577 : vector<16xi1>, vector<16xi32>
      %reduce_max3A_579 = arith.constant true
      %reduce_max3A_580 = vector.broadcast %reduce_max3A_579 : i1 to vector<16xi1>
      %reduce_max3A_581 = arith.constant -2147483648 : i32
      %reduce_max3A_582 = vector.broadcast %reduce_max3A_581 : i32 to vector<16xi32>
      %reduce_max3A_583 = arith.xori %select_n3A_578, %reduce_max3A_582 : vector<16xi32>
      %reduce_max3A_584 = tpu.scan <max>, %reduce_max3A_583 masked %reduce_max3A_580 : vector<16xi32>, vector<16xi1> -> vector<16xi32>
      %reduce_max3A_585 = arith.xori %reduce_max3A_584, %reduce_max3A_582 : vector<16xi32>
      %reduce_max3A_586 = vector.extract %reduce_max3A_585[15] : i32 from vector<16xi32>
      %iota3A_587 = tpu.iota {dimensions = array<i32: 0>} : vector<16xi32>
      %eq3A_588 = vector.broadcast %while3A_558 : i32 to vector<16xi32>
      %eq3A_589 = arith.cmpi eq, %iota3A_587, %eq3A_588 : vector<16xi32>
      %jit3A_590 = arith.constant -2147483648 : i32
      %broadcast_in_dim3A_591 = vector.broadcast %jit3A_590 : i32 to vector<16xi32>
      %select_n3A_592 = arith.select %eq3A_589, %min3A_461, %broadcast_in_dim3A_591 : vector<16xi1>, vector<16xi32>
      %reduce_max3A_593 = arith.constant true
      %reduce_max3A_594 = vector.broadcast %reduce_max3A_593 : i1 to vector<16xi1>
      %reduce_max3A_595 = arith.constant -2147483648 : i32
      %reduce_max3A_596 = vector.broadcast %reduce_max3A_595 : i32 to vector<16xi32>
      %reduce_max3A_597 = arith.xori %select_n3A_592, %reduce_max3A_596 : vector<16xi32>
      %reduce_max3A_598 = tpu.scan <max>, %reduce_max3A_597 masked %reduce_max3A_594 : vector<16xi32>, vector<16xi1> -> vector<16xi32>
      %reduce_max3A_599 = arith.xori %reduce_max3A_598, %reduce_max3A_596 : vector<16xi32>
      %reduce_max3A_600 = vector.extract %reduce_max3A_599[15] : i32 from vector<16xi32>
      %iota3A_601 = tpu.iota {dimensions = array<i32: 0>} : vector<16xi32>
      %eq3A_602 = vector.broadcast %while3A_558 : i32 to vector<16xi32>
      %eq3A_603 = arith.cmpi eq, %iota3A_601, %eq3A_602 : vector<16xi32>
      %jit3A_604 = arith.constant -2147483648 : i32
      %broadcast_in_dim3A_605 = vector.broadcast %jit3A_604 : i32 to vector<16xi32>
      %select_n3A_606 = arith.select %eq3A_603, %min3A_447, %broadcast_in_dim3A_605 : vector<16xi1>, vector<16xi32>
      %reduce_max3A_607 = arith.constant true
      %reduce_max3A_608 = vector.broadcast %reduce_max3A_607 : i1 to vector<16xi1>
      %reduce_max3A_609 = arith.constant -2147483648 : i32
      %reduce_max3A_610 = vector.broadcast %reduce_max3A_609 : i32 to vector<16xi32>
      %reduce_max3A_611 = arith.xori %select_n3A_606, %reduce_max3A_610 : vector<16xi32>
      %reduce_max3A_612 = tpu.scan <max>, %reduce_max3A_611 masked %reduce_max3A_608 : vector<16xi32>, vector<16xi1> -> vector<16xi32>
      %reduce_max3A_613 = arith.xori %reduce_max3A_612, %reduce_max3A_610 : vector<16xi32>
      %reduce_max3A_614 = vector.extract %reduce_max3A_613[15] : i32 from vector<16xi32>
      %iota3A_615 = tpu.iota {dimensions = array<i32: 0>} : vector<16xi32>
      %eq3A_616 = vector.broadcast %while3A_558 : i32 to vector<16xi32>
      %eq3A_617 = arith.cmpi eq, %iota3A_615, %eq3A_616 : vector<16xi32>
      %jit3A_618 = arith.constant -2147483648 : i32
      %broadcast_in_dim3A_619 = vector.broadcast %jit3A_618 : i32 to vector<16xi32>
      %select_n3A_620 = arith.select %eq3A_617, %convert_element_type3A_493, %broadcast_in_dim3A_619 : vector<16xi1>, vector<16xi32>
      %reduce_max3A_621 = arith.constant true
      %reduce_max3A_622 = vector.broadcast %reduce_max3A_621 : i1 to vector<16xi1>
      %reduce_max3A_623 = arith.constant -2147483648 : i32
      %reduce_max3A_624 = vector.broadcast %reduce_max3A_623 : i32 to vector<16xi32>
      %reduce_max3A_625 = arith.xori %select_n3A_620, %reduce_max3A_624 : vector<16xi32>
      %reduce_max3A_626 = tpu.scan <max>, %reduce_max3A_625 masked %reduce_max3A_622 : vector<16xi32>, vector<16xi1> -> vector<16xi32>
      %reduce_max3A_627 = arith.xori %reduce_max3A_626, %reduce_max3A_624 : vector<16xi32>
      %reduce_max3A_628 = vector.extract %reduce_max3A_627[15] : i32 from vector<16xi32>
      %iota3A_629 = tpu.iota {dimensions = array<i32: 0>} : vector<16xi32>
      %eq3A_630 = vector.broadcast %while3A_558 : i32 to vector<16xi32>
      %eq3A_631 = arith.cmpi eq, %iota3A_629, %eq3A_630 : vector<16xi32>
      %jit3A_632 = arith.constant -2147483648 : i32
      %broadcast_in_dim3A_633 = vector.broadcast %jit3A_632 : i32 to vector<16xi32>
      %select_n3A_634 = arith.select %eq3A_631, %convert_element_type3A_477, %broadcast_in_dim3A_633 : vector<16xi1>, vector<16xi32>
      %reduce_max3A_635 = arith.constant true
      %reduce_max3A_636 = vector.broadcast %reduce_max3A_635 : i1 to vector<16xi1>
      %reduce_max3A_637 = arith.constant -2147483648 : i32
      %reduce_max3A_638 = vector.broadcast %reduce_max3A_637 : i32 to vector<16xi32>
      %reduce_max3A_639 = arith.xori %select_n3A_634, %reduce_max3A_638 : vector<16xi32>
      %reduce_max3A_640 = tpu.scan <max>, %reduce_max3A_639 masked %reduce_max3A_636 : vector<16xi32>, vector<16xi1> -> vector<16xi32>
      %reduce_max3A_641 = arith.xori %reduce_max3A_640, %reduce_max3A_638 : vector<16xi32>
      %reduce_max3A_642 = vector.extract %reduce_max3A_641[15] : i32 from vector<16xi32>
      %iota3A_643 = tpu.iota {dimensions = array<i32: 0>} : vector<16xi32>
      %eq3A_644 = vector.broadcast %while3A_558 : i32 to vector<16xi32>
      %eq3A_645 = arith.cmpi eq, %iota3A_643, %eq3A_644 : vector<16xi32>
      %jit3A_646 = arith.constant -2147483648 : i32
      %broadcast_in_dim3A_647 = vector.broadcast %jit3A_646 : i32 to vector<16xi32>
      %select_n3A_648 = arith.select %eq3A_645, %min3A_497, %broadcast_in_dim3A_647 : vector<16xi1>, vector<16xi32>
      %reduce_max3A_649 = arith.constant true
      %reduce_max3A_650 = vector.broadcast %reduce_max3A_649 : i1 to vector<16xi1>
      %reduce_max3A_651 = arith.constant -2147483648 : i32
      %reduce_max3A_652 = vector.broadcast %reduce_max3A_651 : i32 to vector<16xi32>
      %reduce_max3A_653 = arith.xori %select_n3A_648, %reduce_max3A_652 : vector<16xi32>
      %reduce_max3A_654 = tpu.scan <max>, %reduce_max3A_653 masked %reduce_max3A_650 : vector<16xi32>, vector<16xi1> -> vector<16xi32>
      %reduce_max3A_655 = arith.xori %reduce_max3A_654, %reduce_max3A_652 : vector<16xi32>
      %reduce_max3A_656 = vector.extract %reduce_max3A_655[15] : i32 from vector<16xi32>
      %iota3A_657 = tpu.iota {dimensions = array<i32: 0>} : vector<16xi32>
      %eq3A_658 = vector.broadcast %while3A_558 : i32 to vector<16xi32>
      %eq3A_659 = arith.cmpi eq, %iota3A_657, %eq3A_658 : vector<16xi32>
      %jit3A_660 = arith.constant -2147483648 : i32
      %broadcast_in_dim3A_661 = vector.broadcast %jit3A_660 : i32 to vector<16xi32>
      %select_n3A_662 = arith.select %eq3A_659, %min3A_501, %broadcast_in_dim3A_661 : vector<16xi1>, vector<16xi32>
      %reduce_max3A_663 = arith.constant true
      %reduce_max3A_664 = vector.broadcast %reduce_max3A_663 : i1 to vector<16xi1>
      %reduce_max3A_665 = arith.constant -2147483648 : i32
      %reduce_max3A_666 = vector.broadcast %reduce_max3A_665 : i32 to vector<16xi32>
      %reduce_max3A_667 = arith.xori %select_n3A_662, %reduce_max3A_666 : vector<16xi32>
      %reduce_max3A_668 = tpu.scan <max>, %reduce_max3A_667 masked %reduce_max3A_664 : vector<16xi32>, vector<16xi1> -> vector<16xi32>
      %reduce_max3A_669 = arith.xori %reduce_max3A_668, %reduce_max3A_666 : vector<16xi32>
      %reduce_max3A_670 = vector.extract %reduce_max3A_669[15] : i32 from vector<16xi32>
      %iota3A_671 = tpu.iota {dimensions = array<i32: 0>} : vector<16xi32>
      %eq3A_672 = vector.broadcast %while3A_558 : i32 to vector<16xi32>
      %eq3A_673 = arith.cmpi eq, %iota3A_671, %eq3A_672 : vector<16xi32>
      %jit3A_674 = arith.constant -2147483648 : i32
      %broadcast_in_dim3A_675 = vector.broadcast %jit3A_674 : i32 to vector<16xi32>
      %select_n3A_676 = arith.select %eq3A_673, %sub3A_514, %broadcast_in_dim3A_675 : vector<16xi1>, vector<16xi32>
      %reduce_max3A_677 = arith.constant true
      %reduce_max3A_678 = vector.broadcast %reduce_max3A_677 : i1 to vector<16xi1>
      %reduce_max3A_679 = arith.constant -2147483648 : i32
      %reduce_max3A_680 = vector.broadcast %reduce_max3A_679 : i32 to vector<16xi32>
      %reduce_max3A_681 = arith.xori %select_n3A_676, %reduce_max3A_680 : vector<16xi32>
      %reduce_max3A_682 = tpu.scan <max>, %reduce_max3A_681 masked %reduce_max3A_678 : vector<16xi32>, vector<16xi1> -> vector<16xi32>
      %reduce_max3A_683 = arith.xori %reduce_max3A_682, %reduce_max3A_680 : vector<16xi32>
      %reduce_max3A_684 = vector.extract %reduce_max3A_683[15] : i32 from vector<16xi32>
      %max3A_685 = arith.constant 1 : i32
      %max3A_686 = arith.maxsi %reduce_max3A_684, %max3A_685 : i32
      %iota3A_687 = tpu.iota {dimensions = array<i32: 0>} : vector<16xi32>
      %eq3A_688 = vector.broadcast %while3A_558 : i32 to vector<16xi32>
      %eq3A_689 = arith.cmpi eq, %iota3A_687, %eq3A_688 : vector<16xi32>
      %jit3A_690 = arith.constant -2147483648 : i32
      %broadcast_in_dim3A_691 = vector.broadcast %jit3A_690 : i32 to vector<16xi32>
      %select_n3A_692 = arith.select %eq3A_689, %min3A_519, %broadcast_in_dim3A_691 : vector<16xi1>, vector<16xi32>
      %reduce_max3A_693 = arith.constant true
      %reduce_max3A_694 = vector.broadcast %reduce_max3A_693 : i1 to vector<16xi1>
      %reduce_max3A_695 = arith.constant -2147483648 : i32
      %reduce_max3A_696 = vector.broadcast %reduce_max3A_695 : i32 to vector<16xi32>
      %reduce_max3A_697 = arith.xori %select_n3A_692, %reduce_max3A_696 : vector<16xi32>
      %reduce_max3A_698 = tpu.scan <max>, %reduce_max3A_697 masked %reduce_max3A_694 : vector<16xi32>, vector<16xi1> -> vector<16xi32>
      %reduce_max3A_699 = arith.xori %reduce_max3A_698, %reduce_max3A_696 : vector<16xi32>
      %reduce_max3A_700 = vector.extract %reduce_max3A_699[15] : i32 from vector<16xi32>
      %iota3A_701 = tpu.iota {dimensions = array<i32: 0>} : vector<16xi32>
      %eq3A_702 = vector.broadcast %while3A_558 : i32 to vector<16xi32>
      %eq3A_703 = arith.cmpi eq, %iota3A_701, %eq3A_702 : vector<16xi32>
      %jit3A_704 = arith.constant -2147483648 : i32
      %broadcast_in_dim3A_705 = vector.broadcast %jit3A_704 : i32 to vector<16xi32>
      %select_n3A_706 = arith.select %eq3A_703, %select_n3A_539, %broadcast_in_dim3A_705 : vector<16xi1>, vector<16xi32>
      %reduce_max3A_707 = arith.constant true
      %reduce_max3A_708 = vector.broadcast %reduce_max3A_707 : i1 to vector<16xi1>
      %reduce_max3A_709 = arith.constant -2147483648 : i32
      %reduce_max3A_710 = vector.broadcast %reduce_max3A_709 : i32 to vector<16xi32>
      %reduce_max3A_711 = arith.xori %select_n3A_706, %reduce_max3A_710 : vector<16xi32>
      %reduce_max3A_712 = tpu.scan <max>, %reduce_max3A_711 masked %reduce_max3A_708 : vector<16xi32>, vector<16xi1> -> vector<16xi32>
      %reduce_max3A_713 = arith.xori %reduce_max3A_712, %reduce_max3A_710 : vector<16xi32>
      %reduce_max3A_714 = vector.extract %reduce_max3A_713[15] : i32 from vector<16xi32>
      %iota3A_715 = tpu.iota {dimensions = array<i32: 0>} : vector<16xi32>
      %eq3A_716 = vector.broadcast %while3A_558 : i32 to vector<16xi32>
      %eq3A_717 = arith.cmpi eq, %iota3A_715, %eq3A_716 : vector<16xi32>
      %jit3A_718 = arith.constant -2147483648 : i32
      %broadcast_in_dim3A_719 = vector.broadcast %jit3A_718 : i32 to vector<16xi32>
      %select_n3A_720 = arith.select %eq3A_717, %shift_right_arithmetic3A_433, %broadcast_in_dim3A_719 : vector<16xi1>, vector<16xi32>
      %reduce_max3A_721 = arith.constant true
      %reduce_max3A_722 = vector.broadcast %reduce_max3A_721 : i1 to vector<16xi1>
      %reduce_max3A_723 = arith.constant -2147483648 : i32
      %reduce_max3A_724 = vector.broadcast %reduce_max3A_723 : i32 to vector<16xi32>
      %reduce_max3A_725 = arith.xori %select_n3A_720, %reduce_max3A_724 : vector<16xi32>
      %reduce_max3A_726 = tpu.scan <max>, %reduce_max3A_725 masked %reduce_max3A_722 : vector<16xi32>, vector<16xi1> -> vector<16xi32>
      %reduce_max3A_727 = arith.xori %reduce_max3A_726, %reduce_max3A_724 : vector<16xi32>
      %reduce_max3A_728 = vector.extract %reduce_max3A_727[15] : i32 from vector<16xi32>
      %add3A_729 = arith.constant 15 : i32
      %add3A_730 = arith.addi %reduce_max3A_700, %add3A_729 : i32
      %jit3A_731 = arith.constant 16 : i32
      %div3A = arith.divsi %add3A_730, %jit3A_731 : i32
      %sign3A = arith.constant 0 : i32
      %sign3A_732 = arith.cmpi sgt, %add3A_730, %sign3A : i32
      %sign3A_733 = arith.extui %sign3A_732 : i1 to i32
      %sign3A_734 = arith.constant 0 : i32
      %sign3A_735 = arith.cmpi slt, %add3A_730, %sign3A_734 : i32
      %sign3A_736 = arith.extui %sign3A_735 : i1 to i32
      %sign3A_737 = arith.subi %sign3A_733, %sign3A_736 : i32
      %sign3A_738 = arith.constant 0 : i32
      %sign3A_739 = arith.cmpi sgt, %jit3A_731, %sign3A_738 : i32
      %sign3A_740 = arith.extui %sign3A_739 : i1 to i32
      %sign3A_741 = arith.constant 0 : i32
      %sign3A_742 = arith.cmpi slt, %jit3A_731, %sign3A_741 : i32
      %sign3A_743 = arith.extui %sign3A_742 : i1 to i32
      %sign3A_744 = arith.subi %sign3A_740, %sign3A_743 : i32
      %ne3A = arith.cmpi ne, %sign3A_737, %sign3A_744 : i32
      %rem3A = arith.remsi %add3A_730, %jit3A_731 : i32
      %ne3A_745 = arith.constant 0 : i32
      %ne3A_746 = arith.cmpi ne, %rem3A, %ne3A_745 : i32
      %and3A_747 = arith.andi %ne3A, %ne3A_746 : i1
      %sub3A_748 = arith.constant 1 : i32
      %sub3A_749 = arith.subi %div3A, %sub3A_748 : i32
      %select_n3A_750 = arith.select %and3A_747, %sub3A_749, %div3A : i32
      %mul3A_751 = arith.constant 1 : i32
      %mul3A_752 = arith.muli %select_n3A_750, %mul3A_751 : i32
      %while3A_753 = arith.constant 0 : i32
      %while3A_754 = arith.constant 0 : i32
      %while3A_755 = arith.subi %mul3A_752, %while3A_753 : i32
      %while3A_756 = arith.addi %while3A_753, %while3A_755 : i32
      %while3A_757 = arith.constant 1 : i32
      %while3A_758 = arith.divsi %while3A_755, %while3A_757 : i32
      %while3A_759 = arith.muli %while3A_758, %while3A_757 : i32
      %while3A_760 = arith.addi %while3A_753, %while3A_759 : i32
      %while3A_761 = arith.constant 1 : i32
      %while3A_762 = scf.for %while3A_796 = %while3A_753 to %while3A_760 step %while3A_761 iter_args(%while3A_797 = %while3A_754) -> (i32)  : i32 {
        %mul3A_798 = arith.constant 16 : i32
        %mul3A_799 = arith.muli %while3A_796, %mul3A_798 : i32
        %add3A_800 = vector.broadcast %mul3A_799 : i32 to vector<16xi32>
        %add3A_801 = arith.addi %add3A_800, %iota3A : vector<16xi32>
        %div3A_802 = vector.broadcast %max3A_686 : i32 to vector<16xi32>
        %div3A_803 = arith.divsi %add3A_801, %div3A_802 : vector<16xi32>
        %sign3A_804 = arith.constant 0 : i32
        %sign3A_805 = vector.broadcast %sign3A_804 : i32 to vector<16xi32>
        %sign3A_806 = arith.cmpi sgt, %add3A_801, %sign3A_805 : vector<16xi32>
        %sign3A_807 = arith.extui %sign3A_806 : vector<16xi1> to vector<16xi32>
        %sign3A_808 = arith.constant 0 : i32
        %sign3A_809 = vector.broadcast %sign3A_808 : i32 to vector<16xi32>
        %sign3A_810 = arith.cmpi slt, %add3A_801, %sign3A_809 : vector<16xi32>
        %sign3A_811 = arith.extui %sign3A_810 : vector<16xi1> to vector<16xi32>
        %sign3A_812 = arith.subi %sign3A_807, %sign3A_811 : vector<16xi32>
        %sign3A_813 = arith.constant 0 : i32
        %sign3A_814 = arith.cmpi sgt, %max3A_686, %sign3A_813 : i32
        %sign3A_815 = arith.extui %sign3A_814 : i1 to i32
        %sign3A_816 = arith.constant 0 : i32
        %sign3A_817 = arith.cmpi slt, %max3A_686, %sign3A_816 : i32
        %sign3A_818 = arith.extui %sign3A_817 : i1 to i32
        %sign3A_819 = arith.subi %sign3A_815, %sign3A_818 : i32
        %ne3A_820 = vector.broadcast %sign3A_819 : i32 to vector<16xi32>
        %ne3A_821 = arith.cmpi ne, %sign3A_812, %ne3A_820 : vector<16xi32>
        %rem3A_822 = vector.broadcast %max3A_686 : i32 to vector<16xi32>
        %rem3A_823 = arith.remsi %add3A_801, %rem3A_822 : vector<16xi32>
        %ne3A_824 = arith.constant 0 : i32
        %ne3A_825 = vector.broadcast %ne3A_824 : i32 to vector<16xi32>
        %ne3A_826 = arith.cmpi ne, %rem3A_823, %ne3A_825 : vector<16xi32>
        %and3A_827 = arith.andi %ne3A_821, %ne3A_826 : vector<16xi1>
        %sub3A_828 = arith.constant 1 : i32
        %sub3A_829 = vector.broadcast %sub3A_828 : i32 to vector<16xi32>
        %sub3A_830 = arith.subi %div3A_803, %sub3A_829 : vector<16xi32>
        %select_n3A_831 = arith.select %and3A_827, %sub3A_830, %div3A_803 : vector<16xi1>, vector<16xi32>
        %mul3A_832 = vector.broadcast %max3A_686 : i32 to vector<16xi32>
        %mul3A_833 = arith.muli %select_n3A_831, %mul3A_832 : vector<16xi32>
        %sub3A_834 = arith.subi %add3A_801, %mul3A_833 : vector<16xi32>
        %add3A_835 = vector.broadcast %reduce_max3A_656 : i32 to vector<16xi32>
        %add3A_836 = arith.addi %add3A_835, %select_n3A_831 : vector<16xi32>
        %mul3A_837 = vector.broadcast %reduce_max3A_728 : i32 to vector<16xi32>
        %mul3A_838 = arith.muli %add3A_836, %mul3A_837 : vector<16xi32>
        %add3A_839 = vector.broadcast %reduce_max3A_714 : i32 to vector<16xi32>
        %add3A_840 = arith.addi %add3A_839, %mul3A_838 : vector<16xi32>
        %add3A_841 = vector.broadcast %reduce_max3A_670 : i32 to vector<16xi32>
        %add3A_842 = arith.addi %add3A_841, %sub3A_834 : vector<16xi32>
        %add3A_843 = arith.addi %add3A_840, %add3A_842 : vector<16xi32>
        %lt3A = vector.broadcast %reduce_max3A_700 : i32 to vector<16xi32>
        %lt3A_844 = arith.cmpi slt, %add3A_801, %lt3A : vector<16xi32>
        %jit3A_845 = arith.constant 0 : i32
        %broadcast_in_dim3A_846 = vector.broadcast %jit3A_845 : i32 to vector<16xi32>
        %select_n3A_847 = arith.select %lt3A_844, %add3A_843, %broadcast_in_dim3A_846 : vector<16xi1>, vector<16xi32>
        %mul3A_848 = arith.constant 16 : i32
        %mul3A_849 = arith.muli %while3A_796, %mul3A_848 : i32
        %swap3A = arith.index_cast %mul3A_849 : i32 to index
        %swap3A_850 = tpu.vector_load %arg6[%swap3A] {strides = array<i32>} : memref<1152xi32, #tpu.memory_space<vmem>>, vector<16xi32>,
        tpu.vector_store %arg6[%swap3A], %select_n3A_847 {strides = array<i32>} : memref<1152xi32, #tpu.memory_space<vmem>>, vector<16xi32>,
        %while3A_851 = arith.constant 0 : i32
        scf.yield %while3A_851 : i32
      }
      %while3A_763 = arith.constant 1 : i32
      %while3A_764 = scf.for %while3A_796 = %while3A_760 to %while3A_756 step %while3A_763 iter_args(%while3A_797 = %while3A_762) -> (i32)  : i32 {
        %mul3A_798 = arith.constant 16 : i32
        %mul3A_799 = arith.muli %while3A_796, %mul3A_798 : i32
        %add3A_800 = vector.broadcast %mul3A_799 : i32 to vector<16xi32>
        %add3A_801 = arith.addi %add3A_800, %iota3A : vector<16xi32>
        %div3A_802 = vector.broadcast %max3A_686 : i32 to vector<16xi32>
        %div3A_803 = arith.divsi %add3A_801, %div3A_802 : vector<16xi32>
        %sign3A_804 = arith.constant 0 : i32
        %sign3A_805 = vector.broadcast %sign3A_804 : i32 to vector<16xi32>
        %sign3A_806 = arith.cmpi sgt, %add3A_801, %sign3A_805 : vector<16xi32>
        %sign3A_807 = arith.extui %sign3A_806 : vector<16xi1> to vector<16xi32>
        %sign3A_808 = arith.constant 0 : i32
        %sign3A_809 = vector.broadcast %sign3A_808 : i32 to vector<16xi32>
        %sign3A_810 = arith.cmpi slt, %add3A_801, %sign3A_809 : vector<16xi32>
        %sign3A_811 = arith.extui %sign3A_810 : vector<16xi1> to vector<16xi32>
        %sign3A_812 = arith.subi %sign3A_807, %sign3A_811 : vector<16xi32>
        %sign3A_813 = arith.constant 0 : i32
        %sign3A_814 = arith.cmpi sgt, %max3A_686, %sign3A_813 : i32
        %sign3A_815 = arith.extui %sign3A_814 : i1 to i32
        %sign3A_816 = arith.constant 0 : i32
        %sign3A_817 = arith.cmpi slt, %max3A_686, %sign3A_816 : i32
        %sign3A_818 = arith.extui %sign3A_817 : i1 to i32
        %sign3A_819 = arith.subi %sign3A_815, %sign3A_818 : i32
        %ne3A_820 = vector.broadcast %sign3A_819 : i32 to vector<16xi32>
        %ne3A_821 = arith.cmpi ne, %sign3A_812, %ne3A_820 : vector<16xi32>
        %rem3A_822 = vector.broadcast %max3A_686 : i32 to vector<16xi32>
        %rem3A_823 = arith.remsi %add3A_801, %rem3A_822 : vector<16xi32>
        %ne3A_824 = arith.constant 0 : i32
        %ne3A_825 = vector.broadcast %ne3A_824 : i32 to vector<16xi32>
        %ne3A_826 = arith.cmpi ne, %rem3A_823, %ne3A_825 : vector<16xi32>
        %and3A_827 = arith.andi %ne3A_821, %ne3A_826 : vector<16xi1>
        %sub3A_828 = arith.constant 1 : i32
        %sub3A_829 = vector.broadcast %sub3A_828 : i32 to vector<16xi32>
        %sub3A_830 = arith.subi %div3A_803, %sub3A_829 : vector<16xi32>
        %select_n3A_831 = arith.select %and3A_827, %sub3A_830, %div3A_803 : vector<16xi1>, vector<16xi32>
        %mul3A_832 = vector.broadcast %max3A_686 : i32 to vector<16xi32>
        %mul3A_833 = arith.muli %select_n3A_831, %mul3A_832 : vector<16xi32>
        %sub3A_834 = arith.subi %add3A_801, %mul3A_833 : vector<16xi32>
        %add3A_835 = vector.broadcast %reduce_max3A_656 : i32 to vector<16xi32>
        %add3A_836 = arith.addi %add3A_835, %select_n3A_831 : vector<16xi32>
        %mul3A_837 = vector.broadcast %reduce_max3A_728 : i32 to vector<16xi32>
        %mul3A_838 = arith.muli %add3A_836, %mul3A_837 : vector<16xi32>
        %add3A_839 = vector.broadcast %reduce_max3A_714 : i32 to vector<16xi32>
        %add3A_840 = arith.addi %add3A_839, %mul3A_838 : vector<16xi32>
        %add3A_841 = vector.broadcast %reduce_max3A_670 : i32 to vector<16xi32>
        %add3A_842 = arith.addi %add3A_841, %sub3A_834 : vector<16xi32>
        %add3A_843 = arith.addi %add3A_840, %add3A_842 : vector<16xi32>
        %lt3A = vector.broadcast %reduce_max3A_700 : i32 to vector<16xi32>
        %lt3A_844 = arith.cmpi slt, %add3A_801, %lt3A : vector<16xi32>
        %jit3A_845 = arith.constant 0 : i32
        %broadcast_in_dim3A_846 = vector.broadcast %jit3A_845 : i32 to vector<16xi32>
        %select_n3A_847 = arith.select %lt3A_844, %add3A_843, %broadcast_in_dim3A_846 : vector<16xi1>, vector<16xi32>
        %mul3A_848 = arith.constant 16 : i32
        %mul3A_849 = arith.muli %while3A_796, %mul3A_848 : i32
        %swap3A = arith.index_cast %mul3A_849 : i32 to index
        %swap3A_850 = tpu.vector_load %arg6[%swap3A] {strides = array<i32>} : memref<1152xi32, #tpu.memory_space<vmem>>, vector<16xi32>,
        tpu.vector_store %arg6[%swap3A], %select_n3A_847 {strides = array<i32>} : memref<1152xi32, #tpu.memory_space<vmem>>, vector<16xi32>,
        %while3A_851 = arith.constant 0 : i32
        scf.yield %while3A_851 : i32
      }
      %while3A_765 = arith.constant 0 : i32
      %while3A_766 = arith.constant 0 : i32
      %while3A_767 = arith.subi %select_n3A_750, %while3A_765 : i32
      %while3A_768 = arith.addi %while3A_765, %while3A_767 : i32
      %while3A_769 = arith.constant 1 : i32
      %while3A_770 = arith.divsi %while3A_767, %while3A_769 : i32
      %while3A_771 = arith.muli %while3A_770, %while3A_769 : i32
      %while3A_772 = arith.addi %while3A_765, %while3A_771 : i32
      %while3A_773 = arith.constant 1 : i32
      %while3A_774 = scf.for %while3A_796 = %while3A_765 to %while3A_772 step %while3A_773 iter_args(%while3A_797 = %while3A_766) -> (i32)  : i32 {
        %mul3A_798 = arith.constant 16 : i32
        %mul3A_799 = arith.muli %while3A_796, %mul3A_798 : i32
        %mul3A_800 = arith.constant 16 : i32
        %mul3A_801 = arith.muli %while3A_796, %mul3A_800 : i32
        %dma_start3A = arith.constant 0 : i32
        %dma_start3A_802 = tpu.memref_slice %arg7[%mul3A_801, %dma_start3A] : memref<1152x96xf32, #tpu.memory_space<vmem>> -> memref<16x96xf32, #tpu.memory_space<vmem>>
        %dma_start3A_803 = tpu.memref_slice %arg6[%mul3A_799] : memref<1152xi32, #tpu.memory_space<vmem>> -> memref<16xi32, #tpu.memory_space<vmem>>
        %dma_start3A_804 = arith.constant 0 : i32
        %dma_start3A_805 = arith.constant 0 : i32
        %dma_start3A_806 = tpu.memref_slice %arg2[%dma_start3A_804, %dma_start3A_805] : memref<21760x96xf32, #tpu.memory_space<hbm>> -> memref<21760x96xf32, #tpu.memory_space<hbm>>
        tpu.enqueue_indirect_dma source(%dma_start3A_806 : memref<21760x96xf32, #tpu.memory_space<hbm>>) target(%dma_start3A_802 : memref<16x96xf32, #tpu.memory_space<vmem>>) offsets(%dma_start3A_803 : memref<16xi32, #tpu.memory_space<vmem>>) semaphore(%arg9 : memref<!tpu.dma_semaphore, #tpu.memory_space<semaphore_mem>>)
        %while3A_807 = arith.constant 0 : i32
        scf.yield %while3A_807 : i32
      }
      %while3A_775 = arith.constant 1 : i32
      %while3A_776 = scf.for %while3A_796 = %while3A_772 to %while3A_768 step %while3A_775 iter_args(%while3A_797 = %while3A_774) -> (i32)  : i32 {
        %mul3A_798 = arith.constant 16 : i32
        %mul3A_799 = arith.muli %while3A_796, %mul3A_798 : i32
        %mul3A_800 = arith.constant 16 : i32
        %mul3A_801 = arith.muli %while3A_796, %mul3A_800 : i32
        %dma_start3A = arith.constant 0 : i32
        %dma_start3A_802 = tpu.memref_slice %arg7[%mul3A_801, %dma_start3A] : memref<1152x96xf32, #tpu.memory_space<vmem>> -> memref<16x96xf32, #tpu.memory_space<vmem>>
        %dma_start3A_803 = tpu.memref_slice %arg6[%mul3A_799] : memref<1152xi32, #tpu.memory_space<vmem>> -> memref<16xi32, #tpu.memory_space<vmem>>
        %dma_start3A_804 = arith.constant 0 : i32
        %dma_start3A_805 = arith.constant 0 : i32
        %dma_start3A_806 = tpu.memref_slice %arg2[%dma_start3A_804, %dma_start3A_805] : memref<21760x96xf32, #tpu.memory_space<hbm>> -> memref<21760x96xf32, #tpu.memory_space<hbm>>
        tpu.enqueue_indirect_dma source(%dma_start3A_806 : memref<21760x96xf32, #tpu.memory_space<hbm>>) target(%dma_start3A_802 : memref<16x96xf32, #tpu.memory_space<vmem>>) offsets(%dma_start3A_803 : memref<16xi32, #tpu.memory_space<vmem>>) semaphore(%arg9 : memref<!tpu.dma_semaphore, #tpu.memory_space<semaphore_mem>>)
        %while3A_807 = arith.constant 0 : i32
        scf.yield %while3A_807 : i32
      }
      %scan3A = arith.constant 0 : i32
      %scan3A_777 = arith.constant 0 : i32
      %scan3A_778 = arith.constant 7 : i32
      %scan3A_779 = arith.addi %scan3A_777, %scan3A_778 : i32
      %scan3A_780 = arith.constant 1 : i32
      %scan3A_781 = scf.for %scan3A_796 = %scan3A_777 to %scan3A_779 step %scan3A_780 iter_args(%scan3A_797 = %scan3A) -> (i32)  : i32 {
        %mul3A_798 = arith.muli %scan3A_796, %reduce_max3A_600 : i32
        %jit3A_799 = arith.constant 7 : i32
        %div3A_800 = arith.divsi %mul3A_798, %jit3A_799 : i32
        %sign3A_801 = arith.constant 0 : i32
        %sign3A_802 = arith.cmpi sgt, %mul3A_798, %sign3A_801 : i32
        %sign3A_803 = arith.extui %sign3A_802 : i1 to i32
        %sign3A_804 = arith.constant 0 : i32
        %sign3A_805 = arith.cmpi slt, %mul3A_798, %sign3A_804 : i32
        %sign3A_806 = arith.extui %sign3A_805 : i1 to i32
        %sign3A_807 = arith.subi %sign3A_803, %sign3A_806 : i32
        %sign3A_808 = arith.constant 0 : i32
        %sign3A_809 = arith.cmpi sgt, %jit3A_799, %sign3A_808 : i32
        %sign3A_810 = arith.extui %sign3A_809 : i1 to i32
        %sign3A_811 = arith.constant 0 : i32
        %sign3A_812 = arith.cmpi slt, %jit3A_799, %sign3A_811 : i32
        %sign3A_813 = arith.extui %sign3A_812 : i1 to i32
        %sign3A_814 = arith.subi %sign3A_810, %sign3A_813 : i32
        %ne3A_815 = arith.cmpi ne, %sign3A_807, %sign3A_814 : i32
        %rem3A_816 = arith.remsi %mul3A_798, %jit3A_799 : i32
        %ne3A_817 = arith.constant 0 : i32
        %ne3A_818 = arith.cmpi ne, %rem3A_816, %ne3A_817 : i32
        %and3A_819 = arith.andi %ne3A_815, %ne3A_818 : i1
        %sub3A_820 = arith.constant 1 : i32
        %sub3A_821 = arith.subi %div3A_800, %sub3A_820 : i32
        %select_n3A_822 = arith.select %and3A_819, %sub3A_821, %div3A_800 : i32
        %add3A_823 = arith.addi %select_n3A_822, %reduce_max3A_572 : i32
        %jit3A_824 = arith.constant 0 : i32
        %max3A_825 = arith.maxsi %jit3A_824, %add3A_823 : i32
        %min3A_826 = arith.minsi %reduce_max3A_728, %max3A_825 : i32
        %add3A_827 = arith.constant 1 : i32
        %add3A_828 = arith.addi %scan3A_796, %add3A_827 : i32
        %mul3A_829 = arith.muli %add3A_828, %reduce_max3A_600 : i32
        %add3A_830 = arith.constant 6 : i32
        %add3A_831 = arith.addi %mul3A_829, %add3A_830 : i32
        %jit3A_832 = arith.constant 7 : i32
        %div3A_833 = arith.divsi %add3A_831, %jit3A_832 : i32
        %sign3A_834 = arith.constant 0 : i32
        %sign3A_835 = arith.cmpi sgt, %add3A_831, %sign3A_834 : i32
        %sign3A_836 = arith.extui %sign3A_835 : i1 to i32
        %sign3A_837 = arith.constant 0 : i32
        %sign3A_838 = arith.cmpi slt, %add3A_831, %sign3A_837 : i32
        %sign3A_839 = arith.extui %sign3A_838 : i1 to i32
        %sign3A_840 = arith.subi %sign3A_836, %sign3A_839 : i32
        %sign3A_841 = arith.constant 0 : i32
        %sign3A_842 = arith.cmpi sgt, %jit3A_832, %sign3A_841 : i32
        %sign3A_843 = arith.extui %sign3A_842 : i1 to i32
        %sign3A_844 = arith.constant 0 : i32
        %sign3A_845 = arith.cmpi slt, %jit3A_832, %sign3A_844 : i32
        %sign3A_846 = arith.extui %sign3A_845 : i1 to i32
        %sign3A_847 = arith.subi %sign3A_843, %sign3A_846 : i32
        %ne3A_848 = arith.cmpi ne, %sign3A_840, %sign3A_847 : i32
        %rem3A_849 = arith.remsi %add3A_831, %jit3A_832 : i32
        %ne3A_850 = arith.constant 0 : i32
        %ne3A_851 = arith.cmpi ne, %rem3A_849, %ne3A_850 : i32
        %and3A_852 = arith.andi %ne3A_848, %ne3A_851 : i1
        %sub3A_853 = arith.constant 1 : i32
        %sub3A_854 = arith.subi %div3A_833, %sub3A_853 : i32
        %select_n3A_855 = arith.select %and3A_852, %sub3A_854, %div3A_833 : i32
        %eq3A_856 = arith.constant 6 : i32
        %eq3A_857 = arith.cmpi eq, %scan3A_796, %eq3A_856 : i32
        %jit3A_858 = arith.constant 0 : i32
        %select_n3A_859 = arith.select %eq3A_857, %reduce_max3A_628, %jit3A_858 : i32
        %add3A_860 = arith.addi %select_n3A_855, %select_n3A_859 : i32
        %add3A_861 = arith.addi %add3A_860, %reduce_max3A_572 : i32
        %jit3A_862 = arith.constant 0 : i32
        %max3A_863 = arith.maxsi %jit3A_862, %add3A_861 : i32
        %min3A_864 = arith.minsi %reduce_max3A_728, %max3A_863 : i32
        %sub3A_865 = arith.subi %min3A_864, %reduce_max3A_656 : i32
        %mul3A_866 = arith.muli %sub3A_865, %max3A_686 : i32
        %add3A_867 = arith.constant 15 : i32
        %add3A_868 = arith.addi %mul3A_866, %add3A_867 : i32
        %jit3A_869 = arith.constant 16 : i32
        %div3A_870 = arith.divsi %add3A_868, %jit3A_869 : i32
        %sign3A_871 = arith.constant 0 : i32
        %sign3A_872 = arith.cmpi sgt, %add3A_868, %sign3A_871 : i32
        %sign3A_873 = arith.extui %sign3A_872 : i1 to i32
        %sign3A_874 = arith.constant 0 : i32
        %sign3A_875 = arith.cmpi slt, %add3A_868, %sign3A_874 : i32
        %sign3A_876 = arith.extui %sign3A_875 : i1 to i32
        %sign3A_877 = arith.subi %sign3A_873, %sign3A_876 : i32
        %sign3A_878 = arith.constant 0 : i32
        %sign3A_879 = arith.cmpi sgt, %jit3A_869, %sign3A_878 : i32
        %sign3A_880 = arith.extui %sign3A_879 : i1 to i32
        %sign3A_881 = arith.constant 0 : i32
        %sign3A_882 = arith.cmpi slt, %jit3A_869, %sign3A_881 : i32
        %sign3A_883 = arith.extui %sign3A_882 : i1 to i32
        %sign3A_884 = arith.subi %sign3A_880, %sign3A_883 : i32
        %ne3A_885 = arith.cmpi ne, %sign3A_877, %sign3A_884 : i32
        %rem3A_886 = arith.remsi %add3A_868, %jit3A_869 : i32
        %ne3A_887 = arith.constant 0 : i32
        %ne3A_888 = arith.cmpi ne, %rem3A_886, %ne3A_887 : i32
        %and3A_889 = arith.andi %ne3A_885, %ne3A_888 : i1
        %sub3A_890 = arith.constant 1 : i32
        %sub3A_891 = arith.subi %div3A_870, %sub3A_890 : i32
        %select_n3A_892 = arith.select %and3A_889, %sub3A_891, %div3A_870 : i32
        %min3A_893 = arith.minsi %select_n3A_892, %select_n3A_750 : i32
        %sub3A_894 = arith.subi %min3A_893, %scan3A_797 : i32
        %max3A_895 = arith.constant 0 : i32
        %max3A_896 = arith.maxsi %sub3A_894, %max3A_895 : i32
        %while3A_897 = arith.constant 0 : i32
        %while3A_898 = arith.constant 0 : i32
        %while3A_899 = arith.subi %max3A_896, %while3A_898 : i32
        %while3A_900 = arith.addi %while3A_898, %while3A_899 : i32
        %while3A_901 = arith.constant 1 : i32
        %while3A_902 = arith.divsi %while3A_899, %while3A_901 : i32
        %while3A_903 = arith.muli %while3A_902, %while3A_901 : i32
        %while3A_904 = arith.addi %while3A_898, %while3A_903 : i32
        %while3A_905 = arith.constant 1 : i32
        scf.for %while3A_915 = %while3A_898 to %while3A_904 step %while3A_905  : i32 {
          %dma_wait3A = arith.constant 0 : i32
          %dma_wait3A_916 = arith.constant 0 : i32
          %dma_wait3A_917 = tpu.memref_slice %arg7[%dma_wait3A, %dma_wait3A_916] : memref<1152x96xf32, #tpu.memory_space<vmem>> -> memref<16x96xf32, #tpu.memory_space<vmem>>
          %dma_wait3A_918 = arith.constant 0 : i32
          %dma_wait3A_919 = arith.constant 0 : i32
          %dma_wait3A_920 = tpu.memref_slice %arg2[%dma_wait3A_918, %dma_wait3A_919] : memref<21760x96xf32, #tpu.memory_space<hbm>> -> memref<16x96xf32, #tpu.memory_space<hbm>>
          %dma_wait3A_921 = arith.constant 0 : i32
          %dma_wait3A_922 = arith.constant 0 : i32
          %dma_wait3A_923 = tpu.memref_slice %arg7[%dma_wait3A_921, %dma_wait3A_922] : memref<1152x96xf32, #tpu.memory_space<vmem>> -> memref<16x96xf32, #tpu.memory_space<vmem>>
          %dma_wait3A_924 = arith.constant 0 : i32
          %dma_wait3A_925 = arith.constant 0 : i32
          %dma_wait3A_926 = tpu.memref_slice %arg2[%dma_wait3A_924, %dma_wait3A_925] : memref<21760x96xf32, #tpu.memory_space<hbm>> -> memref<16x96xf32, #tpu.memory_space<hbm>>
          tpu.wait_dma2 semaphore(%arg9 : memref<!tpu.dma_semaphore, #tpu.memory_space<semaphore_mem>>) src(%dma_wait3A_926 : memref<16x96xf32, #tpu.memory_space<hbm>>) dst(%dma_wait3A_923 : memref<16x96xf32, #tpu.memory_space<vmem>>)
        }
        %while3A_906 = arith.constant 1 : i32
        scf.for %while3A_915 = %while3A_904 to %while3A_900 step %while3A_906  : i32 {
          %dma_wait3A = arith.constant 0 : i32
          %dma_wait3A_916 = arith.constant 0 : i32
          %dma_wait3A_917 = tpu.memref_slice %arg7[%dma_wait3A, %dma_wait3A_916] : memref<1152x96xf32, #tpu.memory_space<vmem>> -> memref<16x96xf32, #tpu.memory_space<vmem>>
          %dma_wait3A_918 = arith.constant 0 : i32
          %dma_wait3A_919 = arith.constant 0 : i32
          %dma_wait3A_920 = tpu.memref_slice %arg2[%dma_wait3A_918, %dma_wait3A_919] : memref<21760x96xf32, #tpu.memory_space<hbm>> -> memref<16x96xf32, #tpu.memory_space<hbm>>
          %dma_wait3A_921 = arith.constant 0 : i32
          %dma_wait3A_922 = arith.constant 0 : i32
          %dma_wait3A_923 = tpu.memref_slice %arg7[%dma_wait3A_921, %dma_wait3A_922] : memref<1152x96xf32, #tpu.memory_space<vmem>> -> memref<16x96xf32, #tpu.memory_space<vmem>>
          %dma_wait3A_924 = arith.constant 0 : i32
          %dma_wait3A_925 = arith.constant 0 : i32
          %dma_wait3A_926 = tpu.memref_slice %arg2[%dma_wait3A_924, %dma_wait3A_925] : memref<21760x96xf32, #tpu.memory_space<hbm>> -> memref<16x96xf32, #tpu.memory_space<hbm>>
          tpu.wait_dma2 semaphore(%arg9 : memref<!tpu.dma_semaphore, #tpu.memory_space<semaphore_mem>>) src(%dma_wait3A_926 : memref<16x96xf32, #tpu.memory_space<hbm>>) dst(%dma_wait3A_923 : memref<16x96xf32, #tpu.memory_space<vmem>>)
        }
        %max3A_907 = arith.maxsi %scan3A_797, %min3A_893 : i32
        %scan3A_908 = arith.constant 0 : i32
        %scan3A_909 = arith.constant 0 : i32
        %scan3A_910 = arith.constant 7 : i32
        %scan3A_911 = arith.addi %scan3A_909, %scan3A_910 : i32
        %scan3A_912 = arith.constant 1 : i32
        %scan3A_913 = scf.for %scan3A_915 = %scan3A_909 to %scan3A_911 step %scan3A_912 iter_args(%scan3A_916 = %scan3A_908) -> (i32)  : i32 {
          %mul3A_917 = arith.muli %scan3A_915, %reduce_max3A_614 : i32
          %jit3A_918 = arith.constant 7 : i32
          %div3A_919 = arith.divsi %mul3A_917, %jit3A_918 : i32
          %sign3A_920 = arith.constant 0 : i32
          %sign3A_921 = arith.cmpi sgt, %mul3A_917, %sign3A_920 : i32
          %sign3A_922 = arith.extui %sign3A_921 : i1 to i32
          %sign3A_923 = arith.constant 0 : i32
          %sign3A_924 = arith.cmpi slt, %mul3A_917, %sign3A_923 : i32
          %sign3A_925 = arith.extui %sign3A_924 : i1 to i32
          %sign3A_926 = arith.subi %sign3A_922, %sign3A_925 : i32
          %sign3A_927 = arith.constant 0 : i32
          %sign3A_928 = arith.cmpi sgt, %jit3A_918, %sign3A_927 : i32
          %sign3A_929 = arith.extui %sign3A_928 : i1 to i32
          %sign3A_930 = arith.constant 0 : i32
          %sign3A_931 = arith.cmpi slt, %jit3A_918, %sign3A_930 : i32
          %sign3A_932 = arith.extui %sign3A_931 : i1 to i32
          %sign3A_933 = arith.subi %sign3A_929, %sign3A_932 : i32
          %ne3A_934 = arith.cmpi ne, %sign3A_926, %sign3A_933 : i32
          %rem3A_935 = arith.remsi %mul3A_917, %jit3A_918 : i32
          %ne3A_936 = arith.constant 0 : i32
          %ne3A_937 = arith.cmpi ne, %rem3A_935, %ne3A_936 : i32
          %and3A_938 = arith.andi %ne3A_934, %ne3A_937 : i1
          %sub3A_939 = arith.constant 1 : i32
          %sub3A_940 = arith.subi %div3A_919, %sub3A_939 : i32
          %select_n3A_941 = arith.select %and3A_938, %sub3A_940, %div3A_919 : i32
          %add3A_942 = arith.addi %select_n3A_941, %reduce_max3A_586 : i32
          %jit3A_943 = arith.constant 0 : i32
          %max3A_944 = arith.maxsi %jit3A_943, %add3A_942 : i32
          %min3A_945 = arith.minsi %reduce_max3A_728, %max3A_944 : i32
          %add3A_946 = arith.constant 1 : i32
          %add3A_947 = arith.addi %scan3A_915, %add3A_946 : i32
          %mul3A_948 = arith.muli %add3A_947, %reduce_max3A_614 : i32
          %add3A_949 = arith.constant 6 : i32
          %add3A_950 = arith.addi %mul3A_948, %add3A_949 : i32
          %jit3A_951 = arith.constant 7 : i32
          %div3A_952 = arith.divsi %add3A_950, %jit3A_951 : i32
          %sign3A_953 = arith.constant 0 : i32
          %sign3A_954 = arith.cmpi sgt, %add3A_950, %sign3A_953 : i32
          %sign3A_955 = arith.extui %sign3A_954 : i1 to i32
          %sign3A_956 = arith.constant 0 : i32
          %sign3A_957 = arith.cmpi slt, %add3A_950, %sign3A_956 : i32
          %sign3A_958 = arith.extui %sign3A_957 : i1 to i32
          %sign3A_959 = arith.subi %sign3A_955, %sign3A_958 : i32
          %sign3A_960 = arith.constant 0 : i32
          %sign3A_961 = arith.cmpi sgt, %jit3A_951, %sign3A_960 : i32
          %sign3A_962 = arith.extui %sign3A_961 : i1 to i32
          %sign3A_963 = arith.constant 0 : i32
          %sign3A_964 = arith.cmpi slt, %jit3A_951, %sign3A_963 : i32
          %sign3A_965 = arith.extui %sign3A_964 : i1 to i32
          %sign3A_966 = arith.subi %sign3A_962, %sign3A_965 : i32
          %ne3A_967 = arith.cmpi ne, %sign3A_959, %sign3A_966 : i32
          %rem3A_968 = arith.remsi %add3A_950, %jit3A_951 : i32
          %ne3A_969 = arith.constant 0 : i32
          %ne3A_970 = arith.cmpi ne, %rem3A_968, %ne3A_969 : i32
          %and3A_971 = arith.andi %ne3A_967, %ne3A_970 : i1
          %sub3A_972 = arith.constant 1 : i32
          %sub3A_973 = arith.subi %div3A_952, %sub3A_972 : i32
          %select_n3A_974 = arith.select %and3A_971, %sub3A_973, %div3A_952 : i32
          %eq3A_975 = arith.constant 6 : i32
          %eq3A_976 = arith.cmpi eq, %scan3A_915, %eq3A_975 : i32
          %jit3A_977 = arith.constant 0 : i32
          %select_n3A_978 = arith.select %eq3A_976, %reduce_max3A_642, %jit3A_977 : i32
          %add3A_979 = arith.addi %select_n3A_974, %select_n3A_978 : i32
          %add3A_980 = arith.addi %add3A_979, %reduce_max3A_586 : i32
          %jit3A_981 = arith.constant 0 : i32
          %max3A_982 = arith.maxsi %jit3A_981, %add3A_980 : i32
          %min3A_983 = arith.minsi %reduce_max3A_728, %max3A_982 : i32
          %broadcast_in_dim3A_984 = arith.constant 0xFF800000 : f32
          %broadcast_in_dim3A_985 = vector.broadcast %broadcast_in_dim3A_984 : f32 to vector<16xf32>
          %while3A_986 = arith.subi %min3A_864, %min3A_826 : i32
          %while3A_987 = arith.addi %min3A_826, %while3A_986 : i32
          %while3A_988 = arith.constant 1 : i32
          %while3A_989 = arith.divsi %while3A_986, %while3A_988 : i32
          %while3A_990 = arith.muli %while3A_989, %while3A_988 : i32
          %while3A_991 = arith.addi %min3A_826, %while3A_990 : i32
          %while3A_992 = arith.constant 1 : i32
          %while3A_993:6 = scf.for %while3A_1046 = %min3A_826 to %while3A_991 step %while3A_992 iter_args(%while3A_1047 = %broadcast_in_dim3A_985, %while3A_1048 = %broadcast_in_dim3A_985, %while3A_1049 = %broadcast_in_dim3A_985, %while3A_1050 = %broadcast_in_dim3A_985, %while3A_1051 = %broadcast_in_dim3A_985, %while3A_1052 = %broadcast_in_dim3A_985) -> (vector<16xf32>, vector<16xf32>, vector<16xf32>, vector<16xf32>, vector<16xf32>, vector<16xf32>)  : i32 {
            %sub3A_1053 = arith.subi %while3A_1046, %reduce_max3A_656 : i32
            %mul3A_1054 = arith.muli %sub3A_1053, %max3A_686 : i32
            %sub3A_1055 = arith.subi %mul3A_1054, %reduce_max3A_670 : i32
            %while3A_1056 = arith.subi %min3A_983, %min3A_945 : i32
            %while3A_1057 = arith.addi %min3A_945, %while3A_1056 : i32
            %while3A_1058 = arith.constant 1 : i32
            %while3A_1059 = arith.divsi %while3A_1056, %while3A_1058 : i32
            %while3A_1060 = arith.muli %while3A_1059, %while3A_1058 : i32
            %while3A_1061 = arith.addi %min3A_945, %while3A_1060 : i32
            %while3A_1062 = arith.constant 1 : i32
            %while3A_1063:6 = scf.for %while3A_1066 = %min3A_945 to %while3A_1061 step %while3A_1062 iter_args(%while3A_1067 = %while3A_1047, %while3A_1068 = %while3A_1048, %while3A_1069 = %while3A_1049, %while3A_1070 = %while3A_1050, %while3A_1071 = %while3A_1051, %while3A_1072 = %while3A_1052) -> (vector<16xf32>, vector<16xf32>, vector<16xf32>, vector<16xf32>, vector<16xf32>, vector<16xf32>)  : i32 {
              %add3A_1073 = arith.addi %sub3A_1055, %while3A_1066 : i32
              %get3A = arith.index_cast %add3A_1073 : i32 to index
              %get3A_1074 = arith.constant 0 : index
              %get3A_1075 = tpu.vector_load %arg7[%get3A, %get3A_1074] {strides = array<i32>} : memref<1152x96xf32, #tpu.memory_space<vmem>>, vector<16xf32>,
              %max3A_1076 = arith.maximumf %while3A_1067, %get3A_1075 : vector<16xf32>
              %get3A_1077 = arith.index_cast %add3A_1073 : i32 to index
              %get3A_1078 = arith.constant 16 : index
              %get3A_1079 = tpu.vector_load %arg7[%get3A_1077, %get3A_1078] {strides = array<i32>} : memref<1152x96xf32, #tpu.memory_space<vmem>>, vector<16xf32>,
              %max3A_1080 = arith.maximumf %while3A_1068, %get3A_1079 : vector<16xf32>
              %get3A_1081 = arith.index_cast %add3A_1073 : i32 to index
              %get3A_1082 = arith.constant 32 : index
              %get3A_1083 = tpu.vector_load %arg7[%get3A_1081, %get3A_1082] {strides = array<i32>} : memref<1152x96xf32, #tpu.memory_space<vmem>>, vector<16xf32>,
              %max3A_1084 = arith.maximumf %while3A_1069, %get3A_1083 : vector<16xf32>
              %get3A_1085 = arith.index_cast %add3A_1073 : i32 to index
              %get3A_1086 = arith.constant 48 : index
              %get3A_1087 = tpu.vector_load %arg7[%get3A_1085, %get3A_1086] {strides = array<i32>} : memref<1152x96xf32, #tpu.memory_space<vmem>>, vector<16xf32>,
              %max3A_1088 = arith.maximumf %while3A_1070, %get3A_1087 : vector<16xf32>
              %get3A_1089 = arith.index_cast %add3A_1073 : i32 to index
              %get3A_1090 = arith.constant 64 : index
              %get3A_1091 = tpu.vector_load %arg7[%get3A_1089, %get3A_1090] {strides = array<i32>} : memref<1152x96xf32, #tpu.memory_space<vmem>>, vector<16xf32>,
              %max3A_1092 = arith.maximumf %while3A_1071, %get3A_1091 : vector<16xf32>
              %get3A_1093 = arith.index_cast %add3A_1073 : i32 to index
              %get3A_1094 = arith.constant 80 : index
              %get3A_1095 = tpu.vector_load %arg7[%get3A_1093, %get3A_1094] {strides = array<i32>} : memref<1152x96xf32, #tpu.memory_space<vmem>>, vector<16xf32>,
              %max3A_1096 = arith.maximumf %while3A_1072, %get3A_1095 : vector<16xf32>
              scf.yield %max3A_1076, %max3A_1080, %max3A_1084, %max3A_1088, %max3A_1092, %max3A_1096 : vector<16xf32>, vector<16xf32>, vector<16xf32>, vector<16xf32>, vector<16xf32>, vector<16xf32>
            }
            %while3A_1064 = arith.constant 1 : i32
            %while3A_1065:6 = scf.for %while3A_1066 = %while3A_1061 to %while3A_1057 step %while3A_1064 iter_args(%while3A_1067 = %while3A_1063#0, %while3A_1068 = %while3A_1063#1, %while3A_1069 = %while3A_1063#2, %while3A_1070 = %while3A_1063#3, %while3A_1071 = %while3A_1063#4, %while3A_1072 = %while3A_1063#5) -> (vector<16xf32>, vector<16xf32>, vector<16xf32>, vector<16xf32>, vector<16xf32>, vector<16xf32>)  : i32 {
              %add3A_1073 = arith.addi %sub3A_1055, %while3A_1066 : i32
              %get3A = arith.index_cast %add3A_1073 : i32 to index
              %get3A_1074 = arith.constant 0 : index
              %get3A_1075 = tpu.vector_load %arg7[%get3A, %get3A_1074] {strides = array<i32>} : memref<1152x96xf32, #tpu.memory_space<vmem>>, vector<16xf32>,
              %max3A_1076 = arith.maximumf %while3A_1067, %get3A_1075 : vector<16xf32>
              %get3A_1077 = arith.index_cast %add3A_1073 : i32 to index
              %get3A_1078 = arith.constant 16 : index
              %get3A_1079 = tpu.vector_load %arg7[%get3A_1077, %get3A_1078] {strides = array<i32>} : memref<1152x96xf32, #tpu.memory_space<vmem>>, vector<16xf32>,
              %max3A_1080 = arith.maximumf %while3A_1068, %get3A_1079 : vector<16xf32>
              %get3A_1081 = arith.index_cast %add3A_1073 : i32 to index
              %get3A_1082 = arith.constant 32 : index
              %get3A_1083 = tpu.vector_load %arg7[%get3A_1081, %get3A_1082] {strides = array<i32>} : memref<1152x96xf32, #tpu.memory_space<vmem>>, vector<16xf32>,
              %max3A_1084 = arith.maximumf %while3A_1069, %get3A_1083 : vector<16xf32>
              %get3A_1085 = arith.index_cast %add3A_1073 : i32 to index
              %get3A_1086 = arith.constant 48 : index
              %get3A_1087 = tpu.vector_load %arg7[%get3A_1085, %get3A_1086] {strides = array<i32>} : memref<1152x96xf32, #tpu.memory_space<vmem>>, vector<16xf32>,
              %max3A_1088 = arith.maximumf %while3A_1070, %get3A_1087 : vector<16xf32>
              %get3A_1089 = arith.index_cast %add3A_1073 : i32 to index
              %get3A_1090 = arith.constant 64 : index
              %get3A_1091 = tpu.vector_load %arg7[%get3A_1089, %get3A_1090] {strides = array<i32>} : memref<1152x96xf32, #tpu.memory_space<vmem>>, vector<16xf32>,
              %max3A_1092 = arith.maximumf %while3A_1071, %get3A_1091 : vector<16xf32>
              %get3A_1093 = arith.index_cast %add3A_1073 : i32 to index
              %get3A_1094 = arith.constant 80 : index
              %get3A_1095 = tpu.vector_load %arg7[%get3A_1093, %get3A_1094] {strides = array<i32>} : memref<1152x96xf32, #tpu.memory_space<vmem>>, vector<16xf32>,
              %max3A_1096 = arith.maximumf %while3A_1072, %get3A_1095 : vector<16xf32>
              scf.yield %max3A_1076, %max3A_1080, %max3A_1084, %max3A_1088, %max3A_1092, %max3A_1096 : vector<16xf32>, vector<16xf32>, vector<16xf32>, vector<16xf32>, vector<16xf32>, vector<16xf32>
            }
            scf.yield %while3A_1065#0, %while3A_1065#1, %while3A_1065#2, %while3A_1065#3, %while3A_1065#4, %while3A_1065#5 : vector<16xf32>, vector<16xf32>, vector<16xf32>, vector<16xf32>, vector<16xf32>, vector<16xf32>
          }
          %while3A_994 = arith.constant 1 : i32
          %while3A_995:6 = scf.for %while3A_1046 = %while3A_991 to %while3A_987 step %while3A_994 iter_args(%while3A_1047 = %while3A_993#0, %while3A_1048 = %while3A_993#1, %while3A_1049 = %while3A_993#2, %while3A_1050 = %while3A_993#3, %while3A_1051 = %while3A_993#4, %while3A_1052 = %while3A_993#5) -> (vector<16xf32>, vector<16xf32>, vector<16xf32>, vector<16xf32>, vector<16xf32>, vector<16xf32>)  : i32 {
            %sub3A_1053 = arith.subi %while3A_1046, %reduce_max3A_656 : i32
            %mul3A_1054 = arith.muli %sub3A_1053, %max3A_686 : i32
            %sub3A_1055 = arith.subi %mul3A_1054, %reduce_max3A_670 : i32
            %while3A_1056 = arith.subi %min3A_983, %min3A_945 : i32
            %while3A_1057 = arith.addi %min3A_945, %while3A_1056 : i32
            %while3A_1058 = arith.constant 1 : i32
            %while3A_1059 = arith.divsi %while3A_1056, %while3A_1058 : i32
            %while3A_1060 = arith.muli %while3A_1059, %while3A_1058 : i32
            %while3A_1061 = arith.addi %min3A_945, %while3A_1060 : i32
            %while3A_1062 = arith.constant 1 : i32
            %while3A_1063:6 = scf.for %while3A_1066 = %min3A_945 to %while3A_1061 step %while3A_1062 iter_args(%while3A_1067 = %while3A_1047, %while3A_1068 = %while3A_1048, %while3A_1069 = %while3A_1049, %while3A_1070 = %while3A_1050, %while3A_1071 = %while3A_1051, %while3A_1072 = %while3A_1052) -> (vector<16xf32>, vector<16xf32>, vector<16xf32>, vector<16xf32>, vector<16xf32>, vector<16xf32>)  : i32 {
              %add3A_1073 = arith.addi %sub3A_1055, %while3A_1066 : i32
              %get3A = arith.index_cast %add3A_1073 : i32 to index
              %get3A_1074 = arith.constant 0 : index
              %get3A_1075 = tpu.vector_load %arg7[%get3A, %get3A_1074] {strides = array<i32>} : memref<1152x96xf32, #tpu.memory_space<vmem>>, vector<16xf32>,
              %max3A_1076 = arith.maximumf %while3A_1067, %get3A_1075 : vector<16xf32>
              %get3A_1077 = arith.index_cast %add3A_1073 : i32 to index
              %get3A_1078 = arith.constant 16 : index
              %get3A_1079 = tpu.vector_load %arg7[%get3A_1077, %get3A_1078] {strides = array<i32>} : memref<1152x96xf32, #tpu.memory_space<vmem>>, vector<16xf32>,
              %max3A_1080 = arith.maximumf %while3A_1068, %get3A_1079 : vector<16xf32>
              %get3A_1081 = arith.index_cast %add3A_1073 : i32 to index
              %get3A_1082 = arith.constant 32 : index
              %get3A_1083 = tpu.vector_load %arg7[%get3A_1081, %get3A_1082] {strides = array<i32>} : memref<1152x96xf32, #tpu.memory_space<vmem>>, vector<16xf32>,
              %max3A_1084 = arith.maximumf %while3A_1069, %get3A_1083 : vector<16xf32>
              %get3A_1085 = arith.index_cast %add3A_1073 : i32 to index
              %get3A_1086 = arith.constant 48 : index
              %get3A_1087 = tpu.vector_load %arg7[%get3A_1085, %get3A_1086] {strides = array<i32>} : memref<1152x96xf32, #tpu.memory_space<vmem>>, vector<16xf32>,
              %max3A_1088 = arith.maximumf %while3A_1070, %get3A_1087 : vector<16xf32>
              %get3A_1089 = arith.index_cast %add3A_1073 : i32 to index
              %get3A_1090 = arith.constant 64 : index
              %get3A_1091 = tpu.vector_load %arg7[%get3A_1089, %get3A_1090] {strides = array<i32>} : memref<1152x96xf32, #tpu.memory_space<vmem>>, vector<16xf32>,
              %max3A_1092 = arith.maximumf %while3A_1071, %get3A_1091 : vector<16xf32>
              %get3A_1093 = arith.index_cast %add3A_1073 : i32 to index
              %get3A_1094 = arith.constant 80 : index
              %get3A_1095 = tpu.vector_load %arg7[%get3A_1093, %get3A_1094] {strides = array<i32>} : memref<1152x96xf32, #tpu.memory_space<vmem>>, vector<16xf32>,
              %max3A_1096 = arith.maximumf %while3A_1072, %get3A_1095 : vector<16xf32>
              scf.yield %max3A_1076, %max3A_1080, %max3A_1084, %max3A_1088, %max3A_1092, %max3A_1096 : vector<16xf32>, vector<16xf32>, vector<16xf32>, vector<16xf32>, vector<16xf32>, vector<16xf32>
            }
            %while3A_1064 = arith.constant 1 : i32
            %while3A_1065:6 = scf.for %while3A_1066 = %while3A_1061 to %while3A_1057 step %while3A_1064 iter_args(%while3A_1067 = %while3A_1063#0, %while3A_1068 = %while3A_1063#1, %while3A_1069 = %while3A_1063#2, %while3A_1070 = %while3A_1063#3, %while3A_1071 = %while3A_1063#4, %while3A_1072 = %while3A_1063#5) -> (vector<16xf32>, vector<16xf32>, vector<16xf32>, vector<16xf32>, vector<16xf32>, vector<16xf32>)  : i32 {
              %add3A_1073 = arith.addi %sub3A_1055, %while3A_1066 : i32
              %get3A = arith.index_cast %add3A_1073 : i32 to index
              %get3A_1074 = arith.constant 0 : index
              %get3A_1075 = tpu.vector_load %arg7[%get3A, %get3A_1074] {strides = array<i32>} : memref<1152x96xf32, #tpu.memory_space<vmem>>, vector<16xf32>,
              %max3A_1076 = arith.maximumf %while3A_1067, %get3A_1075 : vector<16xf32>
              %get3A_1077 = arith.index_cast %add3A_1073 : i32 to index
              %get3A_1078 = arith.constant 16 : index
              %get3A_1079 = tpu.vector_load %arg7[%get3A_1077, %get3A_1078] {strides = array<i32>} : memref<1152x96xf32, #tpu.memory_space<vmem>>, vector<16xf32>,
              %max3A_1080 = arith.maximumf %while3A_1068, %get3A_1079 : vector<16xf32>
              %get3A_1081 = arith.index_cast %add3A_1073 : i32 to index
              %get3A_1082 = arith.constant 32 : index
              %get3A_1083 = tpu.vector_load %arg7[%get3A_1081, %get3A_1082] {strides = array<i32>} : memref<1152x96xf32, #tpu.memory_space<vmem>>, vector<16xf32>,
              %max3A_1084 = arith.maximumf %while3A_1069, %get3A_1083 : vector<16xf32>
              %get3A_1085 = arith.index_cast %add3A_1073 : i32 to index
              %get3A_1086 = arith.constant 48 : index
              %get3A_1087 = tpu.vector_load %arg7[%get3A_1085, %get3A_1086] {strides = array<i32>} : memref<1152x96xf32, #tpu.memory_space<vmem>>, vector<16xf32>,
              %max3A_1088 = arith.maximumf %while3A_1070, %get3A_1087 : vector<16xf32>
              %get3A_1089 = arith.index_cast %add3A_1073 : i32 to index
              %get3A_1090 = arith.constant 64 : index
              %get3A_1091 = tpu.vector_load %arg7[%get3A_1089, %get3A_1090] {strides = array<i32>} : memref<1152x96xf32, #tpu.memory_space<vmem>>, vector<16xf32>,
              %max3A_1092 = arith.maximumf %while3A_1071, %get3A_1091 : vector<16xf32>
              %get3A_1093 = arith.index_cast %add3A_1073 : i32 to index
              %get3A_1094 = arith.constant 80 : index
              %get3A_1095 = tpu.vector_load %arg7[%get3A_1093, %get3A_1094] {strides = array<i32>} : memref<1152x96xf32, #tpu.memory_space<vmem>>, vector<16xf32>,
              %max3A_1096 = arith.maximumf %while3A_1072, %get3A_1095 : vector<16xf32>
              scf.yield %max3A_1076, %max3A_1080, %max3A_1084, %max3A_1088, %max3A_1092, %max3A_1096 : vector<16xf32>, vector<16xf32>, vector<16xf32>, vector<16xf32>, vector<16xf32>, vector<16xf32>
            }
            scf.yield %while3A_1065#0, %while3A_1065#1, %while3A_1065#2, %while3A_1065#3, %while3A_1065#4, %while3A_1065#5 : vector<16xf32>, vector<16xf32>, vector<16xf32>, vector<16xf32>, vector<16xf32>, vector<16xf32>
          }
          %gt3A_996 = arith.cmpi sgt, %min3A_864, %min3A_826 : i32
          %gt3A_997 = arith.cmpi sgt, %min3A_983, %min3A_945 : i32
          %and3A_998 = arith.andi %gt3A_996, %gt3A_997 : i1
          %mul3A_999 = arith.constant 7 : i32
          %mul3A_1000 = arith.muli %scan3A_796, %mul3A_999 : i32
          %add3A_1001 = arith.addi %mul3A_1000, %scan3A_915 : i32
          %mul3A_1002 = arith.constant 96 : i32
          %mul3A_1003 = arith.muli %add3A_1001, %mul3A_1002 : i32
          %jit3A_1004 = arith.constant 0.000000e+00 : f32
          %broadcast_in_dim3A_1005 = vector.broadcast %jit3A_1004 : f32 to vector<16xf32>
          %select_n3A_1006 = arith.select %and3A_998, %while3A_995#0, %broadcast_in_dim3A_1005 : vector<16xf32>
          %add3A_1007 = arith.constant 0 : i32
          %add3A_1008 = arith.addi %mul3A_1003, %add3A_1007 : i32
          %swap3A = arith.index_cast %add3A_1008 : i32 to index
          %swap3A_1009 = tpu.vector_load %arg8[%swap3A] {strides = array<i32>} : memref<4704xf32, #tpu.memory_space<vmem>>, vector<16xf32>,
          tpu.vector_store %arg8[%swap3A], %select_n3A_1006 {strides = array<i32>} : memref<4704xf32, #tpu.memory_space<vmem>>, vector<16xf32>,
          %jit3A_1010 = arith.constant 0.000000e+00 : f32
          %broadcast_in_dim3A_1011 = vector.broadcast %jit3A_1010 : f32 to vector<16xf32>
          %select_n3A_1012 = arith.select %and3A_998, %while3A_995#1, %broadcast_in_dim3A_1011 : vector<16xf32>
          %add3A_1013 = arith.constant 16 : i32
          %add3A_1014 = arith.addi %mul3A_1003, %add3A_1013 : i32
          %swap3A_1015 = arith.index_cast %add3A_1014 : i32 to index
          %swap3A_1016 = tpu.vector_load %arg8[%swap3A_1015] {strides = array<i32>} : memref<4704xf32, #tpu.memory_space<vmem>>, vector<16xf32>,
          tpu.vector_store %arg8[%swap3A_1015], %select_n3A_1012 {strides = array<i32>} : memref<4704xf32, #tpu.memory_space<vmem>>, vector<16xf32>,
          %jit3A_1017 = arith.constant 0.000000e+00 : f32
          %broadcast_in_dim3A_1018 = vector.broadcast %jit3A_1017 : f32 to vector<16xf32>
          %select_n3A_1019 = arith.select %and3A_998, %while3A_995#2, %broadcast_in_dim3A_1018 : vector<16xf32>
          %add3A_1020 = arith.constant 32 : i32
          %add3A_1021 = arith.addi %mul3A_1003, %add3A_1020 : i32
          %swap3A_1022 = arith.index_cast %add3A_1021 : i32 to index
          %swap3A_1023 = tpu.vector_load %arg8[%swap3A_1022] {strides = array<i32>} : memref<4704xf32, #tpu.memory_space<vmem>>, vector<16xf32>,
          tpu.vector_store %arg8[%swap3A_1022], %select_n3A_1019 {strides = array<i32>} : memref<4704xf32, #tpu.memory_space<vmem>>, vector<16xf32>,
          %jit3A_1024 = arith.constant 0.000000e+00 : f32
          %broadcast_in_dim3A_1025 = vector.broadcast %jit3A_1024 : f32 to vector<16xf32>
          %select_n3A_1026 = arith.select %and3A_998, %while3A_995#3, %broadcast_in_dim3A_1025 : vector<16xf32>
          %add3A_1027 = arith.constant 48 : i32
          %add3A_1028 = arith.addi %mul3A_1003, %add3A_1027 : i32
          %swap3A_1029 = arith.index_cast %add3A_1028 : i32 to index
          %swap3A_1030 = tpu.vector_load %arg8[%swap3A_1029] {strides = array<i32>} : memref<4704xf32, #tpu.memory_space<vmem>>, vector<16xf32>,
          tpu.vector_store %arg8[%swap3A_1029], %select_n3A_1026 {strides = array<i32>} : memref<4704xf32, #tpu.memory_space<vmem>>, vector<16xf32>,
          %jit3A_1031 = arith.constant 0.000000e+00 : f32
          %broadcast_in_dim3A_1032 = vector.broadcast %jit3A_1031 : f32 to vector<16xf32>
          %select_n3A_1033 = arith.select %and3A_998, %while3A_995#4, %broadcast_in_dim3A_1032 : vector<16xf32>
          %add3A_1034 = arith.constant 64 : i32
          %add3A_1035 = arith.addi %mul3A_1003, %add3A_1034 : i32
          %swap3A_1036 = arith.index_cast %add3A_1035 : i32 to index
          %swap3A_1037 = tpu.vector_load %arg8[%swap3A_1036] {strides = array<i32>} : memref<4704xf32, #tpu.memory_space<vmem>>, vector<16xf32>,
          tpu.vector_store %arg8[%swap3A_1036], %select_n3A_1033 {strides = array<i32>} : memref<4704xf32, #tpu.memory_space<vmem>>, vector<16xf32>,
          %jit3A_1038 = arith.constant 0.000000e+00 : f32
          %broadcast_in_dim3A_1039 = vector.broadcast %jit3A_1038 : f32 to vector<16xf32>
          %select_n3A_1040 = arith.select %and3A_998, %while3A_995#5, %broadcast_in_dim3A_1039 : vector<16xf32>
          %add3A_1041 = arith.constant 80 : i32
          %add3A_1042 = arith.addi %mul3A_1003, %add3A_1041 : i32
          %swap3A_1043 = arith.index_cast %add3A_1042 : i32 to index
          %swap3A_1044 = tpu.vector_load %arg8[%swap3A_1043] {strides = array<i32>} : memref<4704xf32, #tpu.memory_space<vmem>>, vector<16xf32>,
          tpu.vector_store %arg8[%swap3A_1043], %select_n3A_1040 {strides = array<i32>} : memref<4704xf32, #tpu.memory_space<vmem>>, vector<16xf32>,
          %scan3A_1045 = arith.constant 0 : i32
          scf.yield %scan3A_1045 : i32
        }
        %scan3A_914 = arith.constant 7 : i32
        scf.yield %max3A_907 : i32
      }
      %scan3A_782 = arith.constant 7 : i32
      %sub3A_783 = arith.subi %select_n3A_750, %scan3A_781 : i32
      %while3A_784 = arith.constant 0 : i32
      %while3A_785 = arith.constant 0 : i32
      %while3A_786 = arith.subi %sub3A_783, %while3A_785 : i32
      %while3A_787 = arith.addi %while3A_785, %while3A_786 : i32
      %while3A_788 = arith.constant 1 : i32
      %while3A_789 = arith.divsi %while3A_786, %while3A_788 : i32
      %while3A_790 = arith.muli %while3A_789, %while3A_788 : i32
      %while3A_791 = arith.addi %while3A_785, %while3A_790 : i32
      %while3A_792 = arith.constant 1 : i32
      scf.for %while3A_796 = %while3A_785 to %while3A_791 step %while3A_792  : i32 {
        %dma_wait3A = arith.constant 0 : i32
        %dma_wait3A_797 = arith.constant 0 : i32
        %dma_wait3A_798 = tpu.memref_slice %arg7[%dma_wait3A, %dma_wait3A_797] : memref<1152x96xf32, #tpu.memory_space<vmem>> -> memref<16x96xf32, #tpu.memory_space<vmem>>
        %dma_wait3A_799 = arith.constant 0 : i32
        %dma_wait3A_800 = arith.constant 0 : i32
        %dma_wait3A_801 = tpu.memref_slice %arg2[%dma_wait3A_799, %dma_wait3A_800] : memref<21760x96xf32, #tpu.memory_space<hbm>> -> memref<16x96xf32, #tpu.memory_space<hbm>>
        %dma_wait3A_802 = arith.constant 0 : i32
        %dma_wait3A_803 = arith.constant 0 : i32
        %dma_wait3A_804 = tpu.memref_slice %arg7[%dma_wait3A_802, %dma_wait3A_803] : memref<1152x96xf32, #tpu.memory_space<vmem>> -> memref<16x96xf32, #tpu.memory_space<vmem>>
        %dma_wait3A_805 = arith.constant 0 : i32
        %dma_wait3A_806 = arith.constant 0 : i32
        %dma_wait3A_807 = tpu.memref_slice %arg2[%dma_wait3A_805, %dma_wait3A_806] : memref<21760x96xf32, #tpu.memory_space<hbm>> -> memref<16x96xf32, #tpu.memory_space<hbm>>
        tpu.wait_dma2 semaphore(%arg9 : memref<!tpu.dma_semaphore, #tpu.memory_space<semaphore_mem>>) src(%dma_wait3A_807 : memref<16x96xf32, #tpu.memory_space<hbm>>) dst(%dma_wait3A_804 : memref<16x96xf32, #tpu.memory_space<vmem>>)
      }
      %while3A_793 = arith.constant 1 : i32
      scf.for %while3A_796 = %while3A_791 to %while3A_787 step %while3A_793  : i32 {
        %dma_wait3A = arith.constant 0 : i32
        %dma_wait3A_797 = arith.constant 0 : i32
        %dma_wait3A_798 = tpu.memref_slice %arg7[%dma_wait3A, %dma_wait3A_797] : memref<1152x96xf32, #tpu.memory_space<vmem>> -> memref<16x96xf32, #tpu.memory_space<vmem>>
        %dma_wait3A_799 = arith.constant 0 : i32
        %dma_wait3A_800 = arith.constant 0 : i32
        %dma_wait3A_801 = tpu.memref_slice %arg2[%dma_wait3A_799, %dma_wait3A_800] : memref<21760x96xf32, #tpu.memory_space<hbm>> -> memref<16x96xf32, #tpu.memory_space<hbm>>
        %dma_wait3A_802 = arith.constant 0 : i32
        %dma_wait3A_803 = arith.constant 0 : i32
        %dma_wait3A_804 = tpu.memref_slice %arg7[%dma_wait3A_802, %dma_wait3A_803] : memref<1152x96xf32, #tpu.memory_space<vmem>> -> memref<16x96xf32, #tpu.memory_space<vmem>>
        %dma_wait3A_805 = arith.constant 0 : i32
        %dma_wait3A_806 = arith.constant 0 : i32
        %dma_wait3A_807 = tpu.memref_slice %arg2[%dma_wait3A_805, %dma_wait3A_806] : memref<21760x96xf32, #tpu.memory_space<hbm>> -> memref<16x96xf32, #tpu.memory_space<hbm>>
        tpu.wait_dma2 semaphore(%arg9 : memref<!tpu.dma_semaphore, #tpu.memory_space<semaphore_mem>>) src(%dma_wait3A_807 : memref<16x96xf32, #tpu.memory_space<hbm>>) dst(%dma_wait3A_804 : memref<16x96xf32, #tpu.memory_space<vmem>>)
      }
      %add3A_794 = arith.addi %add3A_274, %while3A_558 : i32
      "tpu.region"() ({
        %run_scoped3A = tpu.sem_alloc : memref<!tpu.dma_semaphore, #tpu.memory_space<semaphore_mem>>
        %dma_start3A = arith.constant 0 : i32
        %dma_start3A_796 = tpu.memref_slice %arg4[%add3A_794, %dma_start3A] : memref<1000x4704xf32, #tpu.memory_space<hbm>> -> memref<1x4704xf32, #tpu.memory_space<hbm>>
        %dma_start3A_797 = tpu.memref_squeeze %dma_start3A_796 : memref<1x4704xf32, #tpu.memory_space<hbm>> -> memref<4704xf32, #tpu.memory_space<hbm>>
        %dma_start3A_798 = arith.constant 0 : i32
        %dma_start3A_799 = tpu.memref_slice %arg4[%add3A_794, %dma_start3A_798] : memref<1000x4704xf32, #tpu.memory_space<hbm>> -> memref<1x4704xf32, #tpu.memory_space<hbm>>
        %dma_start3A_800 = tpu.memref_squeeze %dma_start3A_799 : memref<1x4704xf32, #tpu.memory_space<hbm>> -> memref<4704xf32, #tpu.memory_space<hbm>>
        tpu.enqueue_dma source(%arg8 : memref<4704xf32, #tpu.memory_space<vmem>>) target(%dma_start3A_800 : memref<4704xf32, #tpu.memory_space<hbm>>) target_semaphore(%run_scoped3A : memref<!tpu.dma_semaphore, #tpu.memory_space<semaphore_mem>>)
        %dma_wait3A = arith.constant 0 : i32
        %dma_wait3A_801 = tpu.memref_slice %arg4[%add3A_794, %dma_wait3A] : memref<1000x4704xf32, #tpu.memory_space<hbm>> -> memref<1x4704xf32, #tpu.memory_space<hbm>>
        %dma_wait3A_802 = tpu.memref_squeeze %dma_wait3A_801 : memref<1x4704xf32, #tpu.memory_space<hbm>> -> memref<4704xf32, #tpu.memory_space<hbm>>
        %dma_wait3A_803 = arith.constant 0 : i32
        %dma_wait3A_804 = tpu.memref_slice %arg4[%add3A_794, %dma_wait3A_803] : memref<1000x4704xf32, #tpu.memory_space<hbm>> -> memref<1x4704xf32, #tpu.memory_space<hbm>>
        %dma_wait3A_805 = tpu.memref_squeeze %dma_wait3A_804 : memref<1x4704xf32, #tpu.memory_space<hbm>> -> memref<4704xf32, #tpu.memory_space<hbm>>
        tpu.wait_dma2 semaphore(%run_scoped3A : memref<!tpu.dma_semaphore, #tpu.memory_space<semaphore_mem>>) src(%arg8 : memref<4704xf32, #tpu.memory_space<vmem>>) dst(%dma_wait3A_805 : memref<4704xf32, #tpu.memory_space<hbm>>)
        tpu.yield
      }) : () -> ()
      %while3A_795 = arith.constant 0 : i32
      scf.yield %while3A_795 : i32
    }
    %while3A_556 = arith.constant 1 : i32
    %while3A_557 = scf.for %while3A_558 = %while3A_553 to %while3A_549 step %while3A_556 iter_args(%while3A_559 = %while3A_555) -> (i32)  : i32 {
      %iota3A_560 = tpu.iota {dimensions = array<i32: 0>} : vector<16xi32>
      %eq3A_561 = vector.broadcast %while3A_558 : i32 to vector<16xi32>
      %eq3A_562 = arith.cmpi eq, %iota3A_560, %eq3A_561 : vector<16xi32>
      %jit3A_563 = arith.constant -2147483648 : i32
      %broadcast_in_dim3A_564 = vector.broadcast %jit3A_563 : i32 to vector<16xi32>
      %select_n3A_565 = arith.select %eq3A_562, %add3A_390, %broadcast_in_dim3A_564 : vector<16xi1>, vector<16xi32>
      %reduce_max3A = arith.constant true
      %reduce_max3A_566 = vector.broadcast %reduce_max3A : i1 to vector<16xi1>
      %reduce_max3A_567 = arith.constant -2147483648 : i32
      %reduce_max3A_568 = vector.broadcast %reduce_max3A_567 : i32 to vector<16xi32>
      %reduce_max3A_569 = arith.xori %select_n3A_565, %reduce_max3A_568 : vector<16xi32>
      %reduce_max3A_570 = tpu.scan <max>, %reduce_max3A_569 masked %reduce_max3A_566 : vector<16xi32>, vector<16xi1> -> vector<16xi32>
      %reduce_max3A_571 = arith.xori %reduce_max3A_570, %reduce_max3A_568 : vector<16xi32>
      %reduce_max3A_572 = vector.extract %reduce_max3A_571[15] : i32 from vector<16xi32>
      %iota3A_573 = tpu.iota {dimensions = array<i32: 0>} : vector<16xi32>
      %eq3A_574 = vector.broadcast %while3A_558 : i32 to vector<16xi32>
      %eq3A_575 = arith.cmpi eq, %iota3A_573, %eq3A_574 : vector<16xi32>
      %jit3A_576 = arith.constant -2147483648 : i32
      %broadcast_in_dim3A_577 = vector.broadcast %jit3A_576 : i32 to vector<16xi32>
      %select_n3A_578 = arith.select %eq3A_575, %add3A_370, %broadcast_in_dim3A_577 : vector<16xi1>, vector<16xi32>
      %reduce_max3A_579 = arith.constant true
      %reduce_max3A_580 = vector.broadcast %reduce_max3A_579 : i1 to vector<16xi1>
      %reduce_max3A_581 = arith.constant -2147483648 : i32
      %reduce_max3A_582 = vector.broadcast %reduce_max3A_581 : i32 to vector<16xi32>
      %reduce_max3A_583 = arith.xori %select_n3A_578, %reduce_max3A_582 : vector<16xi32>
      %reduce_max3A_584 = tpu.scan <max>, %reduce_max3A_583 masked %reduce_max3A_580 : vector<16xi32>, vector<16xi1> -> vector<16xi32>
      %reduce_max3A_585 = arith.xori %reduce_max3A_584, %reduce_max3A_582 : vector<16xi32>
      %reduce_max3A_586 = vector.extract %reduce_max3A_585[15] : i32 from vector<16xi32>
      %iota3A_587 = tpu.iota {dimensions = array<i32: 0>} : vector<16xi32>
      %eq3A_588 = vector.broadcast %while3A_558 : i32 to vector<16xi32>
      %eq3A_589 = arith.cmpi eq, %iota3A_587, %eq3A_588 : vector<16xi32>
      %jit3A_590 = arith.constant -2147483648 : i32
      %broadcast_in_dim3A_591 = vector.broadcast %jit3A_590 : i32 to vector<16xi32>
      %select_n3A_592 = arith.select %eq3A_589, %min3A_461, %broadcast_in_dim3A_591 : vector<16xi1>, vector<16xi32>
      %reduce_max3A_593 = arith.constant true
      %reduce_max3A_594 = vector.broadcast %reduce_max3A_593 : i1 to vector<16xi1>
      %reduce_max3A_595 = arith.constant -2147483648 : i32
      %reduce_max3A_596 = vector.broadcast %reduce_max3A_595 : i32 to vector<16xi32>
      %reduce_max3A_597 = arith.xori %select_n3A_592, %reduce_max3A_596 : vector<16xi32>
      %reduce_max3A_598 = tpu.scan <max>, %reduce_max3A_597 masked %reduce_max3A_594 : vector<16xi32>, vector<16xi1> -> vector<16xi32>
      %reduce_max3A_599 = arith.xori %reduce_max3A_598, %reduce_max3A_596 : vector<16xi32>
      %reduce_max3A_600 = vector.extract %reduce_max3A_599[15] : i32 from vector<16xi32>
      %iota3A_601 = tpu.iota {dimensions = array<i32: 0>} : vector<16xi32>
      %eq3A_602 = vector.broadcast %while3A_558 : i32 to vector<16xi32>
      %eq3A_603 = arith.cmpi eq, %iota3A_601, %eq3A_602 : vector<16xi32>
      %jit3A_604 = arith.constant -2147483648 : i32
      %broadcast_in_dim3A_605 = vector.broadcast %jit3A_604 : i32 to vector<16xi32>
      %select_n3A_606 = arith.select %eq3A_603, %min3A_447, %broadcast_in_dim3A_605 : vector<16xi1>, vector<16xi32>
      %reduce_max3A_607 = arith.constant true
      %reduce_max3A_608 = vector.broadcast %reduce_max3A_607 : i1 to vector<16xi1>
      %reduce_max3A_609 = arith.constant -2147483648 : i32
      %reduce_max3A_610 = vector.broadcast %reduce_max3A_609 : i32 to vector<16xi32>
      %reduce_max3A_611 = arith.xori %select_n3A_606, %reduce_max3A_610 : vector<16xi32>
      %reduce_max3A_612 = tpu.scan <max>, %reduce_max3A_611 masked %reduce_max3A_608 : vector<16xi32>, vector<16xi1> -> vector<16xi32>
      %reduce_max3A_613 = arith.xori %reduce_max3A_612, %reduce_max3A_610 : vector<16xi32>
      %reduce_max3A_614 = vector.extract %reduce_max3A_613[15] : i32 from vector<16xi32>
      %iota3A_615 = tpu.iota {dimensions = array<i32: 0>} : vector<16xi32>
      %eq3A_616 = vector.broadcast %while3A_558 : i32 to vector<16xi32>
      %eq3A_617 = arith.cmpi eq, %iota3A_615, %eq3A_616 : vector<16xi32>
      %jit3A_618 = arith.constant -2147483648 : i32
      %broadcast_in_dim3A_619 = vector.broadcast %jit3A_618 : i32 to vector<16xi32>
      %select_n3A_620 = arith.select %eq3A_617, %convert_element_type3A_493, %broadcast_in_dim3A_619 : vector<16xi1>, vector<16xi32>
      %reduce_max3A_621 = arith.constant true
      %reduce_max3A_622 = vector.broadcast %reduce_max3A_621 : i1 to vector<16xi1>
      %reduce_max3A_623 = arith.constant -2147483648 : i32
      %reduce_max3A_624 = vector.broadcast %reduce_max3A_623 : i32 to vector<16xi32>
      %reduce_max3A_625 = arith.xori %select_n3A_620, %reduce_max3A_624 : vector<16xi32>
      %reduce_max3A_626 = tpu.scan <max>, %reduce_max3A_625 masked %reduce_max3A_622 : vector<16xi32>, vector<16xi1> -> vector<16xi32>
      %reduce_max3A_627 = arith.xori %reduce_max3A_626, %reduce_max3A_624 : vector<16xi32>
      %reduce_max3A_628 = vector.extract %reduce_max3A_627[15] : i32 from vector<16xi32>
      %iota3A_629 = tpu.iota {dimensions = array<i32: 0>} : vector<16xi32>
      %eq3A_630 = vector.broadcast %while3A_558 : i32 to vector<16xi32>
      %eq3A_631 = arith.cmpi eq, %iota3A_629, %eq3A_630 : vector<16xi32>
      %jit3A_632 = arith.constant -2147483648 : i32
      %broadcast_in_dim3A_633 = vector.broadcast %jit3A_632 : i32 to vector<16xi32>
      %select_n3A_634 = arith.select %eq3A_631, %convert_element_type3A_477, %broadcast_in_dim3A_633 : vector<16xi1>, vector<16xi32>
      %reduce_max3A_635 = arith.constant true
      %reduce_max3A_636 = vector.broadcast %reduce_max3A_635 : i1 to vector<16xi1>
      %reduce_max3A_637 = arith.constant -2147483648 : i32
      %reduce_max3A_638 = vector.broadcast %reduce_max3A_637 : i32 to vector<16xi32>
      %reduce_max3A_639 = arith.xori %select_n3A_634, %reduce_max3A_638 : vector<16xi32>
      %reduce_max3A_640 = tpu.scan <max>, %reduce_max3A_639 masked %reduce_max3A_636 : vector<16xi32>, vector<16xi1> -> vector<16xi32>
      %reduce_max3A_641 = arith.xori %reduce_max3A_640, %reduce_max3A_638 : vector<16xi32>
      %reduce_max3A_642 = vector.extract %reduce_max3A_641[15] : i32 from vector<16xi32>
      %iota3A_643 = tpu.iota {dimensions = array<i32: 0>} : vector<16xi32>
      %eq3A_644 = vector.broadcast %while3A_558 : i32 to vector<16xi32>
      %eq3A_645 = arith.cmpi eq, %iota3A_643, %eq3A_644 : vector<16xi32>
      %jit3A_646 = arith.constant -2147483648 : i32
      %broadcast_in_dim3A_647 = vector.broadcast %jit3A_646 : i32 to vector<16xi32>
      %select_n3A_648 = arith.select %eq3A_645, %min3A_497, %broadcast_in_dim3A_647 : vector<16xi1>, vector<16xi32>
      %reduce_max3A_649 = arith.constant true
      %reduce_max3A_650 = vector.broadcast %reduce_max3A_649 : i1 to vector<16xi1>
      %reduce_max3A_651 = arith.constant -2147483648 : i32
      %reduce_max3A_652 = vector.broadcast %reduce_max3A_651 : i32 to vector<16xi32>
      %reduce_max3A_653 = arith.xori %select_n3A_648, %reduce_max3A_652 : vector<16xi32>
      %reduce_max3A_654 = tpu.scan <max>, %reduce_max3A_653 masked %reduce_max3A_650 : vector<16xi32>, vector<16xi1> -> vector<16xi32>
      %reduce_max3A_655 = arith.xori %reduce_max3A_654, %reduce_max3A_652 : vector<16xi32>
      %reduce_max3A_656 = vector.extract %reduce_max3A_655[15] : i32 from vector<16xi32>
      %iota3A_657 = tpu.iota {dimensions = array<i32: 0>} : vector<16xi32>
      %eq3A_658 = vector.broadcast %while3A_558 : i32 to vector<16xi32>
      %eq3A_659 = arith.cmpi eq, %iota3A_657, %eq3A_658 : vector<16xi32>
      %jit3A_660 = arith.constant -2147483648 : i32
      %broadcast_in_dim3A_661 = vector.broadcast %jit3A_660 : i32 to vector<16xi32>
      %select_n3A_662 = arith.select %eq3A_659, %min3A_501, %broadcast_in_dim3A_661 : vector<16xi1>, vector<16xi32>
      %reduce_max3A_663 = arith.constant true
      %reduce_max3A_664 = vector.broadcast %reduce_max3A_663 : i1 to vector<16xi1>
      %reduce_max3A_665 = arith.constant -2147483648 : i32
      %reduce_max3A_666 = vector.broadcast %reduce_max3A_665 : i32 to vector<16xi32>
      %reduce_max3A_667 = arith.xori %select_n3A_662, %reduce_max3A_666 : vector<16xi32>
      %reduce_max3A_668 = tpu.scan <max>, %reduce_max3A_667 masked %reduce_max3A_664 : vector<16xi32>, vector<16xi1> -> vector<16xi32>
      %reduce_max3A_669 = arith.xori %reduce_max3A_668, %reduce_max3A_666 : vector<16xi32>
      %reduce_max3A_670 = vector.extract %reduce_max3A_669[15] : i32 from vector<16xi32>
      %iota3A_671 = tpu.iota {dimensions = array<i32: 0>} : vector<16xi32>
      %eq3A_672 = vector.broadcast %while3A_558 : i32 to vector<16xi32>
      %eq3A_673 = arith.cmpi eq, %iota3A_671, %eq3A_672 : vector<16xi32>
      %jit3A_674 = arith.constant -2147483648 : i32
      %broadcast_in_dim3A_675 = vector.broadcast %jit3A_674 : i32 to vector<16xi32>
      %select_n3A_676 = arith.select %eq3A_673, %sub3A_514, %broadcast_in_dim3A_675 : vector<16xi1>, vector<16xi32>
      %reduce_max3A_677 = arith.constant true
      %reduce_max3A_678 = vector.broadcast %reduce_max3A_677 : i1 to vector<16xi1>
      %reduce_max3A_679 = arith.constant -2147483648 : i32
      %reduce_max3A_680 = vector.broadcast %reduce_max3A_679 : i32 to vector<16xi32>
      %reduce_max3A_681 = arith.xori %select_n3A_676, %reduce_max3A_680 : vector<16xi32>
      %reduce_max3A_682 = tpu.scan <max>, %reduce_max3A_681 masked %reduce_max3A_678 : vector<16xi32>, vector<16xi1> -> vector<16xi32>
      %reduce_max3A_683 = arith.xori %reduce_max3A_682, %reduce_max3A_680 : vector<16xi32>
      %reduce_max3A_684 = vector.extract %reduce_max3A_683[15] : i32 from vector<16xi32>
      %max3A_685 = arith.constant 1 : i32
      %max3A_686 = arith.maxsi %reduce_max3A_684, %max3A_685 : i32
      %iota3A_687 = tpu.iota {dimensions = array<i32: 0>} : vector<16xi32>
      %eq3A_688 = vector.broadcast %while3A_558 : i32 to vector<16xi32>
      %eq3A_689 = arith.cmpi eq, %iota3A_687, %eq3A_688 : vector<16xi32>
      %jit3A_690 = arith.constant -2147483648 : i32
      %broadcast_in_dim3A_691 = vector.broadcast %jit3A_690 : i32 to vector<16xi32>
      %select_n3A_692 = arith.select %eq3A_689, %min3A_519, %broadcast_in_dim3A_691 : vector<16xi1>, vector<16xi32>
      %reduce_max3A_693 = arith.constant true
      %reduce_max3A_694 = vector.broadcast %reduce_max3A_693 : i1 to vector<16xi1>
      %reduce_max3A_695 = arith.constant -2147483648 : i32
      %reduce_max3A_696 = vector.broadcast %reduce_max3A_695 : i32 to vector<16xi32>
      %reduce_max3A_697 = arith.xori %select_n3A_692, %reduce_max3A_696 : vector<16xi32>
      %reduce_max3A_698 = tpu.scan <max>, %reduce_max3A_697 masked %reduce_max3A_694 : vector<16xi32>, vector<16xi1> -> vector<16xi32>
      %reduce_max3A_699 = arith.xori %reduce_max3A_698, %reduce_max3A_696 : vector<16xi32>
      %reduce_max3A_700 = vector.extract %reduce_max3A_699[15] : i32 from vector<16xi32>
      %iota3A_701 = tpu.iota {dimensions = array<i32: 0>} : vector<16xi32>
      %eq3A_702 = vector.broadcast %while3A_558 : i32 to vector<16xi32>
      %eq3A_703 = arith.cmpi eq, %iota3A_701, %eq3A_702 : vector<16xi32>
      %jit3A_704 = arith.constant -2147483648 : i32
      %broadcast_in_dim3A_705 = vector.broadcast %jit3A_704 : i32 to vector<16xi32>
      %select_n3A_706 = arith.select %eq3A_703, %select_n3A_539, %broadcast_in_dim3A_705 : vector<16xi1>, vector<16xi32>
      %reduce_max3A_707 = arith.constant true
      %reduce_max3A_708 = vector.broadcast %reduce_max3A_707 : i1 to vector<16xi1>
      %reduce_max3A_709 = arith.constant -2147483648 : i32
      %reduce_max3A_710 = vector.broadcast %reduce_max3A_709 : i32 to vector<16xi32>
      %reduce_max3A_711 = arith.xori %select_n3A_706, %reduce_max3A_710 : vector<16xi32>
      %reduce_max3A_712 = tpu.scan <max>, %reduce_max3A_711 masked %reduce_max3A_708 : vector<16xi32>, vector<16xi1> -> vector<16xi32>
      %reduce_max3A_713 = arith.xori %reduce_max3A_712, %reduce_max3A_710 : vector<16xi32>
      %reduce_max3A_714 = vector.extract %reduce_max3A_713[15] : i32 from vector<16xi32>
      %iota3A_715 = tpu.iota {dimensions = array<i32: 0>} : vector<16xi32>
      %eq3A_716 = vector.broadcast %while3A_558 : i32 to vector<16xi32>
      %eq3A_717 = arith.cmpi eq, %iota3A_715, %eq3A_716 : vector<16xi32>
      %jit3A_718 = arith.constant -2147483648 : i32
      %broadcast_in_dim3A_719 = vector.broadcast %jit3A_718 : i32 to vector<16xi32>
      %select_n3A_720 = arith.select %eq3A_717, %shift_right_arithmetic3A_433, %broadcast_in_dim3A_719 : vector<16xi1>, vector<16xi32>
      %reduce_max3A_721 = arith.constant true
      %reduce_max3A_722 = vector.broadcast %reduce_max3A_721 : i1 to vector<16xi1>
      %reduce_max3A_723 = arith.constant -2147483648 : i32
      %reduce_max3A_724 = vector.broadcast %reduce_max3A_723 : i32 to vector<16xi32>
      %reduce_max3A_725 = arith.xori %select_n3A_720, %reduce_max3A_724 : vector<16xi32>
      %reduce_max3A_726 = tpu.scan <max>, %reduce_max3A_725 masked %reduce_max3A_722 : vector<16xi32>, vector<16xi1> -> vector<16xi32>
      %reduce_max3A_727 = arith.xori %reduce_max3A_726, %reduce_max3A_724 : vector<16xi32>
      %reduce_max3A_728 = vector.extract %reduce_max3A_727[15] : i32 from vector<16xi32>
      %add3A_729 = arith.constant 15 : i32
      %add3A_730 = arith.addi %reduce_max3A_700, %add3A_729 : i32
      %jit3A_731 = arith.constant 16 : i32
      %div3A = arith.divsi %add3A_730, %jit3A_731 : i32
      %sign3A = arith.constant 0 : i32
      %sign3A_732 = arith.cmpi sgt, %add3A_730, %sign3A : i32
      %sign3A_733 = arith.extui %sign3A_732 : i1 to i32
      %sign3A_734 = arith.constant 0 : i32
      %sign3A_735 = arith.cmpi slt, %add3A_730, %sign3A_734 : i32
      %sign3A_736 = arith.extui %sign3A_735 : i1 to i32
      %sign3A_737 = arith.subi %sign3A_733, %sign3A_736 : i32
      %sign3A_738 = arith.constant 0 : i32
      %sign3A_739 = arith.cmpi sgt, %jit3A_731, %sign3A_738 : i32
      %sign3A_740 = arith.extui %sign3A_739 : i1 to i32
      %sign3A_741 = arith.constant 0 : i32
      %sign3A_742 = arith.cmpi slt, %jit3A_731, %sign3A_741 : i32
      %sign3A_743 = arith.extui %sign3A_742 : i1 to i32
      %sign3A_744 = arith.subi %sign3A_740, %sign3A_743 : i32
      %ne3A = arith.cmpi ne, %sign3A_737, %sign3A_744 : i32
      %rem3A = arith.remsi %add3A_730, %jit3A_731 : i32
      %ne3A_745 = arith.constant 0 : i32
      %ne3A_746 = arith.cmpi ne, %rem3A, %ne3A_745 : i32
      %and3A_747 = arith.andi %ne3A, %ne3A_746 : i1
      %sub3A_748 = arith.constant 1 : i32
      %sub3A_749 = arith.subi %div3A, %sub3A_748 : i32
      %select_n3A_750 = arith.select %and3A_747, %sub3A_749, %div3A : i32
      %mul3A_751 = arith.constant 1 : i32
      %mul3A_752 = arith.muli %select_n3A_750, %mul3A_751 : i32
      %while3A_753 = arith.constant 0 : i32
      %while3A_754 = arith.constant 0 : i32
      %while3A_755 = arith.subi %mul3A_752, %while3A_753 : i32
      %while3A_756 = arith.addi %while3A_753, %while3A_755 : i32
      %while3A_757 = arith.constant 1 : i32
      %while3A_758 = arith.divsi %while3A_755, %while3A_757 : i32
      %while3A_759 = arith.muli %while3A_758, %while3A_757 : i32
      %while3A_760 = arith.addi %while3A_753, %while3A_759 : i32
      %while3A_761 = arith.constant 1 : i32
      %while3A_762 = scf.for %while3A_796 = %while3A_753 to %while3A_760 step %while3A_761 iter_args(%while3A_797 = %while3A_754) -> (i32)  : i32 {
        %mul3A_798 = arith.constant 16 : i32
        %mul3A_799 = arith.muli %while3A_796, %mul3A_798 : i32
        %add3A_800 = vector.broadcast %mul3A_799 : i32 to vector<16xi32>
        %add3A_801 = arith.addi %add3A_800, %iota3A : vector<16xi32>
        %div3A_802 = vector.broadcast %max3A_686 : i32 to vector<16xi32>
        %div3A_803 = arith.divsi %add3A_801, %div3A_802 : vector<16xi32>
        %sign3A_804 = arith.constant 0 : i32
        %sign3A_805 = vector.broadcast %sign3A_804 : i32 to vector<16xi32>
        %sign3A_806 = arith.cmpi sgt, %add3A_801, %sign3A_805 : vector<16xi32>
        %sign3A_807 = arith.extui %sign3A_806 : vector<16xi1> to vector<16xi32>
        %sign3A_808 = arith.constant 0 : i32
        %sign3A_809 = vector.broadcast %sign3A_808 : i32 to vector<16xi32>
        %sign3A_810 = arith.cmpi slt, %add3A_801, %sign3A_809 : vector<16xi32>
        %sign3A_811 = arith.extui %sign3A_810 : vector<16xi1> to vector<16xi32>
        %sign3A_812 = arith.subi %sign3A_807, %sign3A_811 : vector<16xi32>
        %sign3A_813 = arith.constant 0 : i32
        %sign3A_814 = arith.cmpi sgt, %max3A_686, %sign3A_813 : i32
        %sign3A_815 = arith.extui %sign3A_814 : i1 to i32
        %sign3A_816 = arith.constant 0 : i32
        %sign3A_817 = arith.cmpi slt, %max3A_686, %sign3A_816 : i32
        %sign3A_818 = arith.extui %sign3A_817 : i1 to i32
        %sign3A_819 = arith.subi %sign3A_815, %sign3A_818 : i32
        %ne3A_820 = vector.broadcast %sign3A_819 : i32 to vector<16xi32>
        %ne3A_821 = arith.cmpi ne, %sign3A_812, %ne3A_820 : vector<16xi32>
        %rem3A_822 = vector.broadcast %max3A_686 : i32 to vector<16xi32>
        %rem3A_823 = arith.remsi %add3A_801, %rem3A_822 : vector<16xi32>
        %ne3A_824 = arith.constant 0 : i32
        %ne3A_825 = vector.broadcast %ne3A_824 : i32 to vector<16xi32>
        %ne3A_826 = arith.cmpi ne, %rem3A_823, %ne3A_825 : vector<16xi32>
        %and3A_827 = arith.andi %ne3A_821, %ne3A_826 : vector<16xi1>
        %sub3A_828 = arith.constant 1 : i32
        %sub3A_829 = vector.broadcast %sub3A_828 : i32 to vector<16xi32>
        %sub3A_830 = arith.subi %div3A_803, %sub3A_829 : vector<16xi32>
        %select_n3A_831 = arith.select %and3A_827, %sub3A_830, %div3A_803 : vector<16xi1>, vector<16xi32>
        %mul3A_832 = vector.broadcast %max3A_686 : i32 to vector<16xi32>
        %mul3A_833 = arith.muli %select_n3A_831, %mul3A_832 : vector<16xi32>
        %sub3A_834 = arith.subi %add3A_801, %mul3A_833 : vector<16xi32>
        %add3A_835 = vector.broadcast %reduce_max3A_656 : i32 to vector<16xi32>
        %add3A_836 = arith.addi %add3A_835, %select_n3A_831 : vector<16xi32>
        %mul3A_837 = vector.broadcast %reduce_max3A_728 : i32 to vector<16xi32>
        %mul3A_838 = arith.muli %add3A_836, %mul3A_837 : vector<16xi32>
        %add3A_839 = vector.broadcast %reduce_max3A_714 : i32 to vector<16xi32>
        %add3A_840 = arith.addi %add3A_839, %mul3A_838 : vector<16xi32>
        %add3A_841 = vector.broadcast %reduce_max3A_670 : i32 to vector<16xi32>
        %add3A_842 = arith.addi %add3A_841, %sub3A_834 : vector<16xi32>
        %add3A_843 = arith.addi %add3A_840, %add3A_842 : vector<16xi32>
        %lt3A = vector.broadcast %reduce_max3A_700 : i32 to vector<16xi32>
        %lt3A_844 = arith.cmpi slt, %add3A_801, %lt3A : vector<16xi32>
        %jit3A_845 = arith.constant 0 : i32
        %broadcast_in_dim3A_846 = vector.broadcast %jit3A_845 : i32 to vector<16xi32>
        %select_n3A_847 = arith.select %lt3A_844, %add3A_843, %broadcast_in_dim3A_846 : vector<16xi1>, vector<16xi32>
        %mul3A_848 = arith.constant 16 : i32
        %mul3A_849 = arith.muli %while3A_796, %mul3A_848 : i32
        %swap3A = arith.index_cast %mul3A_849 : i32 to index
        %swap3A_850 = tpu.vector_load %arg6[%swap3A] {strides = array<i32>} : memref<1152xi32, #tpu.memory_space<vmem>>, vector<16xi32>,
        tpu.vector_store %arg6[%swap3A], %select_n3A_847 {strides = array<i32>} : memref<1152xi32, #tpu.memory_space<vmem>>, vector<16xi32>,
        %while3A_851 = arith.constant 0 : i32
        scf.yield %while3A_851 : i32
      }
      %while3A_763 = arith.constant 1 : i32
      %while3A_764 = scf.for %while3A_796 = %while3A_760 to %while3A_756 step %while3A_763 iter_args(%while3A_797 = %while3A_762) -> (i32)  : i32 {
        %mul3A_798 = arith.constant 16 : i32
        %mul3A_799 = arith.muli %while3A_796, %mul3A_798 : i32
        %add3A_800 = vector.broadcast %mul3A_799 : i32 to vector<16xi32>
        %add3A_801 = arith.addi %add3A_800, %iota3A : vector<16xi32>
        %div3A_802 = vector.broadcast %max3A_686 : i32 to vector<16xi32>
        %div3A_803 = arith.divsi %add3A_801, %div3A_802 : vector<16xi32>
        %sign3A_804 = arith.constant 0 : i32
        %sign3A_805 = vector.broadcast %sign3A_804 : i32 to vector<16xi32>
        %sign3A_806 = arith.cmpi sgt, %add3A_801, %sign3A_805 : vector<16xi32>
        %sign3A_807 = arith.extui %sign3A_806 : vector<16xi1> to vector<16xi32>
        %sign3A_808 = arith.constant 0 : i32
        %sign3A_809 = vector.broadcast %sign3A_808 : i32 to vector<16xi32>
        %sign3A_810 = arith.cmpi slt, %add3A_801, %sign3A_809 : vector<16xi32>
        %sign3A_811 = arith.extui %sign3A_810 : vector<16xi1> to vector<16xi32>
        %sign3A_812 = arith.subi %sign3A_807, %sign3A_811 : vector<16xi32>
        %sign3A_813 = arith.constant 0 : i32
        %sign3A_814 = arith.cmpi sgt, %max3A_686, %sign3A_813 : i32
        %sign3A_815 = arith.extui %sign3A_814 : i1 to i32
        %sign3A_816 = arith.constant 0 : i32
        %sign3A_817 = arith.cmpi slt, %max3A_686, %sign3A_816 : i32
        %sign3A_818 = arith.extui %sign3A_817 : i1 to i32
        %sign3A_819 = arith.subi %sign3A_815, %sign3A_818 : i32
        %ne3A_820 = vector.broadcast %sign3A_819 : i32 to vector<16xi32>
        %ne3A_821 = arith.cmpi ne, %sign3A_812, %ne3A_820 : vector<16xi32>
        %rem3A_822 = vector.broadcast %max3A_686 : i32 to vector<16xi32>
        %rem3A_823 = arith.remsi %add3A_801, %rem3A_822 : vector<16xi32>
        %ne3A_824 = arith.constant 0 : i32
        %ne3A_825 = vector.broadcast %ne3A_824 : i32 to vector<16xi32>
        %ne3A_826 = arith.cmpi ne, %rem3A_823, %ne3A_825 : vector<16xi32>
        %and3A_827 = arith.andi %ne3A_821, %ne3A_826 : vector<16xi1>
        %sub3A_828 = arith.constant 1 : i32
        %sub3A_829 = vector.broadcast %sub3A_828 : i32 to vector<16xi32>
        %sub3A_830 = arith.subi %div3A_803, %sub3A_829 : vector<16xi32>
        %select_n3A_831 = arith.select %and3A_827, %sub3A_830, %div3A_803 : vector<16xi1>, vector<16xi32>
        %mul3A_832 = vector.broadcast %max3A_686 : i32 to vector<16xi32>
        %mul3A_833 = arith.muli %select_n3A_831, %mul3A_832 : vector<16xi32>
        %sub3A_834 = arith.subi %add3A_801, %mul3A_833 : vector<16xi32>
        %add3A_835 = vector.broadcast %reduce_max3A_656 : i32 to vector<16xi32>
        %add3A_836 = arith.addi %add3A_835, %select_n3A_831 : vector<16xi32>
        %mul3A_837 = vector.broadcast %reduce_max3A_728 : i32 to vector<16xi32>
        %mul3A_838 = arith.muli %add3A_836, %mul3A_837 : vector<16xi32>
        %add3A_839 = vector.broadcast %reduce_max3A_714 : i32 to vector<16xi32>
        %add3A_840 = arith.addi %add3A_839, %mul3A_838 : vector<16xi32>
        %add3A_841 = vector.broadcast %reduce_max3A_670 : i32 to vector<16xi32>
        %add3A_842 = arith.addi %add3A_841, %sub3A_834 : vector<16xi32>
        %add3A_843 = arith.addi %add3A_840, %add3A_842 : vector<16xi32>
        %lt3A = vector.broadcast %reduce_max3A_700 : i32 to vector<16xi32>
        %lt3A_844 = arith.cmpi slt, %add3A_801, %lt3A : vector<16xi32>
        %jit3A_845 = arith.constant 0 : i32
        %broadcast_in_dim3A_846 = vector.broadcast %jit3A_845 : i32 to vector<16xi32>
        %select_n3A_847 = arith.select %lt3A_844, %add3A_843, %broadcast_in_dim3A_846 : vector<16xi1>, vector<16xi32>
        %mul3A_848 = arith.constant 16 : i32
        %mul3A_849 = arith.muli %while3A_796, %mul3A_848 : i32
        %swap3A = arith.index_cast %mul3A_849 : i32 to index
        %swap3A_850 = tpu.vector_load %arg6[%swap3A] {strides = array<i32>} : memref<1152xi32, #tpu.memory_space<vmem>>, vector<16xi32>,
        tpu.vector_store %arg6[%swap3A], %select_n3A_847 {strides = array<i32>} : memref<1152xi32, #tpu.memory_space<vmem>>, vector<16xi32>,
        %while3A_851 = arith.constant 0 : i32
        scf.yield %while3A_851 : i32
      }
      %while3A_765 = arith.constant 0 : i32
      %while3A_766 = arith.constant 0 : i32
      %while3A_767 = arith.subi %select_n3A_750, %while3A_765 : i32
      %while3A_768 = arith.addi %while3A_765, %while3A_767 : i32
      %while3A_769 = arith.constant 1 : i32
      %while3A_770 = arith.divsi %while3A_767, %while3A_769 : i32
      %while3A_771 = arith.muli %while3A_770, %while3A_769 : i32
      %while3A_772 = arith.addi %while3A_765, %while3A_771 : i32
      %while3A_773 = arith.constant 1 : i32
      %while3A_774 = scf.for %while3A_796 = %while3A_765 to %while3A_772 step %while3A_773 iter_args(%while3A_797 = %while3A_766) -> (i32)  : i32 {
        %mul3A_798 = arith.constant 16 : i32
        %mul3A_799 = arith.muli %while3A_796, %mul3A_798 : i32
        %mul3A_800 = arith.constant 16 : i32
        %mul3A_801 = arith.muli %while3A_796, %mul3A_800 : i32
        %dma_start3A = arith.constant 0 : i32
        %dma_start3A_802 = tpu.memref_slice %arg7[%mul3A_801, %dma_start3A] : memref<1152x96xf32, #tpu.memory_space<vmem>> -> memref<16x96xf32, #tpu.memory_space<vmem>>
        %dma_start3A_803 = tpu.memref_slice %arg6[%mul3A_799] : memref<1152xi32, #tpu.memory_space<vmem>> -> memref<16xi32, #tpu.memory_space<vmem>>
        %dma_start3A_804 = arith.constant 0 : i32
        %dma_start3A_805 = arith.constant 0 : i32
        %dma_start3A_806 = tpu.memref_slice %arg2[%dma_start3A_804, %dma_start3A_805] : memref<21760x96xf32, #tpu.memory_space<hbm>> -> memref<21760x96xf32, #tpu.memory_space<hbm>>
        tpu.enqueue_indirect_dma source(%dma_start3A_806 : memref<21760x96xf32, #tpu.memory_space<hbm>>) target(%dma_start3A_802 : memref<16x96xf32, #tpu.memory_space<vmem>>) offsets(%dma_start3A_803 : memref<16xi32, #tpu.memory_space<vmem>>) semaphore(%arg9 : memref<!tpu.dma_semaphore, #tpu.memory_space<semaphore_mem>>)
        %while3A_807 = arith.constant 0 : i32
        scf.yield %while3A_807 : i32
      }
      %while3A_775 = arith.constant 1 : i32
      %while3A_776 = scf.for %while3A_796 = %while3A_772 to %while3A_768 step %while3A_775 iter_args(%while3A_797 = %while3A_774) -> (i32)  : i32 {
        %mul3A_798 = arith.constant 16 : i32
        %mul3A_799 = arith.muli %while3A_796, %mul3A_798 : i32
        %mul3A_800 = arith.constant 16 : i32
        %mul3A_801 = arith.muli %while3A_796, %mul3A_800 : i32
        %dma_start3A = arith.constant 0 : i32
        %dma_start3A_802 = tpu.memref_slice %arg7[%mul3A_801, %dma_start3A] : memref<1152x96xf32, #tpu.memory_space<vmem>> -> memref<16x96xf32, #tpu.memory_space<vmem>>
        %dma_start3A_803 = tpu.memref_slice %arg6[%mul3A_799] : memref<1152xi32, #tpu.memory_space<vmem>> -> memref<16xi32, #tpu.memory_space<vmem>>
        %dma_start3A_804 = arith.constant 0 : i32
        %dma_start3A_805 = arith.constant 0 : i32
        %dma_start3A_806 = tpu.memref_slice %arg2[%dma_start3A_804, %dma_start3A_805] : memref<21760x96xf32, #tpu.memory_space<hbm>> -> memref<21760x96xf32, #tpu.memory_space<hbm>>
        tpu.enqueue_indirect_dma source(%dma_start3A_806 : memref<21760x96xf32, #tpu.memory_space<hbm>>) target(%dma_start3A_802 : memref<16x96xf32, #tpu.memory_space<vmem>>) offsets(%dma_start3A_803 : memref<16xi32, #tpu.memory_space<vmem>>) semaphore(%arg9 : memref<!tpu.dma_semaphore, #tpu.memory_space<semaphore_mem>>)
        %while3A_807 = arith.constant 0 : i32
        scf.yield %while3A_807 : i32
      }
      %scan3A = arith.constant 0 : i32
      %scan3A_777 = arith.constant 0 : i32
      %scan3A_778 = arith.constant 7 : i32
      %scan3A_779 = arith.addi %scan3A_777, %scan3A_778 : i32
      %scan3A_780 = arith.constant 1 : i32
      %scan3A_781 = scf.for %scan3A_796 = %scan3A_777 to %scan3A_779 step %scan3A_780 iter_args(%scan3A_797 = %scan3A) -> (i32)  : i32 {
        %mul3A_798 = arith.muli %scan3A_796, %reduce_max3A_600 : i32
        %jit3A_799 = arith.constant 7 : i32
        %div3A_800 = arith.divsi %mul3A_798, %jit3A_799 : i32
        %sign3A_801 = arith.constant 0 : i32
        %sign3A_802 = arith.cmpi sgt, %mul3A_798, %sign3A_801 : i32
        %sign3A_803 = arith.extui %sign3A_802 : i1 to i32
        %sign3A_804 = arith.constant 0 : i32
        %sign3A_805 = arith.cmpi slt, %mul3A_798, %sign3A_804 : i32
        %sign3A_806 = arith.extui %sign3A_805 : i1 to i32
        %sign3A_807 = arith.subi %sign3A_803, %sign3A_806 : i32
        %sign3A_808 = arith.constant 0 : i32
        %sign3A_809 = arith.cmpi sgt, %jit3A_799, %sign3A_808 : i32
        %sign3A_810 = arith.extui %sign3A_809 : i1 to i32
        %sign3A_811 = arith.constant 0 : i32
        %sign3A_812 = arith.cmpi slt, %jit3A_799, %sign3A_811 : i32
        %sign3A_813 = arith.extui %sign3A_812 : i1 to i32
        %sign3A_814 = arith.subi %sign3A_810, %sign3A_813 : i32
        %ne3A_815 = arith.cmpi ne, %sign3A_807, %sign3A_814 : i32
        %rem3A_816 = arith.remsi %mul3A_798, %jit3A_799 : i32
        %ne3A_817 = arith.constant 0 : i32
        %ne3A_818 = arith.cmpi ne, %rem3A_816, %ne3A_817 : i32
        %and3A_819 = arith.andi %ne3A_815, %ne3A_818 : i1
        %sub3A_820 = arith.constant 1 : i32
        %sub3A_821 = arith.subi %div3A_800, %sub3A_820 : i32
        %select_n3A_822 = arith.select %and3A_819, %sub3A_821, %div3A_800 : i32
        %add3A_823 = arith.addi %select_n3A_822, %reduce_max3A_572 : i32
        %jit3A_824 = arith.constant 0 : i32
        %max3A_825 = arith.maxsi %jit3A_824, %add3A_823 : i32
        %min3A_826 = arith.minsi %reduce_max3A_728, %max3A_825 : i32
        %add3A_827 = arith.constant 1 : i32
        %add3A_828 = arith.addi %scan3A_796, %add3A_827 : i32
        %mul3A_829 = arith.muli %add3A_828, %reduce_max3A_600 : i32
        %add3A_830 = arith.constant 6 : i32
        %add3A_831 = arith.addi %mul3A_829, %add3A_830 : i32
        %jit3A_832 = arith.constant 7 : i32
        %div3A_833 = arith.divsi %add3A_831, %jit3A_832 : i32
        %sign3A_834 = arith.constant 0 : i32
        %sign3A_835 = arith.cmpi sgt, %add3A_831, %sign3A_834 : i32
        %sign3A_836 = arith.extui %sign3A_835 : i1 to i32
        %sign3A_837 = arith.constant 0 : i32
        %sign3A_838 = arith.cmpi slt, %add3A_831, %sign3A_837 : i32
        %sign3A_839 = arith.extui %sign3A_838 : i1 to i32
        %sign3A_840 = arith.subi %sign3A_836, %sign3A_839 : i32
        %sign3A_841 = arith.constant 0 : i32
        %sign3A_842 = arith.cmpi sgt, %jit3A_832, %sign3A_841 : i32
        %sign3A_843 = arith.extui %sign3A_842 : i1 to i32
        %sign3A_844 = arith.constant 0 : i32
        %sign3A_845 = arith.cmpi slt, %jit3A_832, %sign3A_844 : i32
        %sign3A_846 = arith.extui %sign3A_845 : i1 to i32
        %sign3A_847 = arith.subi %sign3A_843, %sign3A_846 : i32
        %ne3A_848 = arith.cmpi ne, %sign3A_840, %sign3A_847 : i32
        %rem3A_849 = arith.remsi %add3A_831, %jit3A_832 : i32
        %ne3A_850 = arith.constant 0 : i32
        %ne3A_851 = arith.cmpi ne, %rem3A_849, %ne3A_850 : i32
        %and3A_852 = arith.andi %ne3A_848, %ne3A_851 : i1
        %sub3A_853 = arith.constant 1 : i32
        %sub3A_854 = arith.subi %div3A_833, %sub3A_853 : i32
        %select_n3A_855 = arith.select %and3A_852, %sub3A_854, %div3A_833 : i32
        %eq3A_856 = arith.constant 6 : i32
        %eq3A_857 = arith.cmpi eq, %scan3A_796, %eq3A_856 : i32
        %jit3A_858 = arith.constant 0 : i32
        %select_n3A_859 = arith.select %eq3A_857, %reduce_max3A_628, %jit3A_858 : i32
        %add3A_860 = arith.addi %select_n3A_855, %select_n3A_859 : i32
        %add3A_861 = arith.addi %add3A_860, %reduce_max3A_572 : i32
        %jit3A_862 = arith.constant 0 : i32
        %max3A_863 = arith.maxsi %jit3A_862, %add3A_861 : i32
        %min3A_864 = arith.minsi %reduce_max3A_728, %max3A_863 : i32
        %sub3A_865 = arith.subi %min3A_864, %reduce_max3A_656 : i32
        %mul3A_866 = arith.muli %sub3A_865, %max3A_686 : i32
        %add3A_867 = arith.constant 15 : i32
        %add3A_868 = arith.addi %mul3A_866, %add3A_867 : i32
        %jit3A_869 = arith.constant 16 : i32
        %div3A_870 = arith.divsi %add3A_868, %jit3A_869 : i32
        %sign3A_871 = arith.constant 0 : i32
        %sign3A_872 = arith.cmpi sgt, %add3A_868, %sign3A_871 : i32
        %sign3A_873 = arith.extui %sign3A_872 : i1 to i32
        %sign3A_874 = arith.constant 0 : i32
        %sign3A_875 = arith.cmpi slt, %add3A_868, %sign3A_874 : i32
        %sign3A_876 = arith.extui %sign3A_875 : i1 to i32
        %sign3A_877 = arith.subi %sign3A_873, %sign3A_876 : i32
        %sign3A_878 = arith.constant 0 : i32
        %sign3A_879 = arith.cmpi sgt, %jit3A_869, %sign3A_878 : i32
        %sign3A_880 = arith.extui %sign3A_879 : i1 to i32
        %sign3A_881 = arith.constant 0 : i32
        %sign3A_882 = arith.cmpi slt, %jit3A_869, %sign3A_881 : i32
        %sign3A_883 = arith.extui %sign3A_882 : i1 to i32
        %sign3A_884 = arith.subi %sign3A_880, %sign3A_883 : i32
        %ne3A_885 = arith.cmpi ne, %sign3A_877, %sign3A_884 : i32
        %rem3A_886 = arith.remsi %add3A_868, %jit3A_869 : i32
        %ne3A_887 = arith.constant 0 : i32
        %ne3A_888 = arith.cmpi ne, %rem3A_886, %ne3A_887 : i32
        %and3A_889 = arith.andi %ne3A_885, %ne3A_888 : i1
        %sub3A_890 = arith.constant 1 : i32
        %sub3A_891 = arith.subi %div3A_870, %sub3A_890 : i32
        %select_n3A_892 = arith.select %and3A_889, %sub3A_891, %div3A_870 : i32
        %min3A_893 = arith.minsi %select_n3A_892, %select_n3A_750 : i32
        %sub3A_894 = arith.subi %min3A_893, %scan3A_797 : i32
        %max3A_895 = arith.constant 0 : i32
        %max3A_896 = arith.maxsi %sub3A_894, %max3A_895 : i32
        %while3A_897 = arith.constant 0 : i32
        %while3A_898 = arith.constant 0 : i32
        %while3A_899 = arith.subi %max3A_896, %while3A_898 : i32
        %while3A_900 = arith.addi %while3A_898, %while3A_899 : i32
        %while3A_901 = arith.constant 1 : i32
        %while3A_902 = arith.divsi %while3A_899, %while3A_901 : i32
        %while3A_903 = arith.muli %while3A_902, %while3A_901 : i32
        %while3A_904 = arith.addi %while3A_898, %while3A_903 : i32
        %while3A_905 = arith.constant 1 : i32
        scf.for %while3A_915 = %while3A_898 to %while3A_904 step %while3A_905  : i32 {
          %dma_wait3A = arith.constant 0 : i32
          %dma_wait3A_916 = arith.constant 0 : i32
          %dma_wait3A_917 = tpu.memref_slice %arg7[%dma_wait3A, %dma_wait3A_916] : memref<1152x96xf32, #tpu.memory_space<vmem>> -> memref<16x96xf32, #tpu.memory_space<vmem>>
          %dma_wait3A_918 = arith.constant 0 : i32
          %dma_wait3A_919 = arith.constant 0 : i32
          %dma_wait3A_920 = tpu.memref_slice %arg2[%dma_wait3A_918, %dma_wait3A_919] : memref<21760x96xf32, #tpu.memory_space<hbm>> -> memref<16x96xf32, #tpu.memory_space<hbm>>
          %dma_wait3A_921 = arith.constant 0 : i32
          %dma_wait3A_922 = arith.constant 0 : i32
          %dma_wait3A_923 = tpu.memref_slice %arg7[%dma_wait3A_921, %dma_wait3A_922] : memref<1152x96xf32, #tpu.memory_space<vmem>> -> memref<16x96xf32, #tpu.memory_space<vmem>>
          %dma_wait3A_924 = arith.constant 0 : i32
          %dma_wait3A_925 = arith.constant 0 : i32
          %dma_wait3A_926 = tpu.memref_slice %arg2[%dma_wait3A_924, %dma_wait3A_925] : memref<21760x96xf32, #tpu.memory_space<hbm>> -> memref<16x96xf32, #tpu.memory_space<hbm>>
          tpu.wait_dma2 semaphore(%arg9 : memref<!tpu.dma_semaphore, #tpu.memory_space<semaphore_mem>>) src(%dma_wait3A_926 : memref<16x96xf32, #tpu.memory_space<hbm>>) dst(%dma_wait3A_923 : memref<16x96xf32, #tpu.memory_space<vmem>>)
        }
        %while3A_906 = arith.constant 1 : i32
        scf.for %while3A_915 = %while3A_904 to %while3A_900 step %while3A_906  : i32 {
          %dma_wait3A = arith.constant 0 : i32
          %dma_wait3A_916 = arith.constant 0 : i32
          %dma_wait3A_917 = tpu.memref_slice %arg7[%dma_wait3A, %dma_wait3A_916] : memref<1152x96xf32, #tpu.memory_space<vmem>> -> memref<16x96xf32, #tpu.memory_space<vmem>>
          %dma_wait3A_918 = arith.constant 0 : i32
          %dma_wait3A_919 = arith.constant 0 : i32
          %dma_wait3A_920 = tpu.memref_slice %arg2[%dma_wait3A_918, %dma_wait3A_919] : memref<21760x96xf32, #tpu.memory_space<hbm>> -> memref<16x96xf32, #tpu.memory_space<hbm>>
          %dma_wait3A_921 = arith.constant 0 : i32
          %dma_wait3A_922 = arith.constant 0 : i32
          %dma_wait3A_923 = tpu.memref_slice %arg7[%dma_wait3A_921, %dma_wait3A_922] : memref<1152x96xf32, #tpu.memory_space<vmem>> -> memref<16x96xf32, #tpu.memory_space<vmem>>
          %dma_wait3A_924 = arith.constant 0 : i32
          %dma_wait3A_925 = arith.constant 0 : i32
          %dma_wait3A_926 = tpu.memref_slice %arg2[%dma_wait3A_924, %dma_wait3A_925] : memref<21760x96xf32, #tpu.memory_space<hbm>> -> memref<16x96xf32, #tpu.memory_space<hbm>>
          tpu.wait_dma2 semaphore(%arg9 : memref<!tpu.dma_semaphore, #tpu.memory_space<semaphore_mem>>) src(%dma_wait3A_926 : memref<16x96xf32, #tpu.memory_space<hbm>>) dst(%dma_wait3A_923 : memref<16x96xf32, #tpu.memory_space<vmem>>)
        }
        %max3A_907 = arith.maxsi %scan3A_797, %min3A_893 : i32
        %scan3A_908 = arith.constant 0 : i32
        %scan3A_909 = arith.constant 0 : i32
        %scan3A_910 = arith.constant 7 : i32
        %scan3A_911 = arith.addi %scan3A_909, %scan3A_910 : i32
        %scan3A_912 = arith.constant 1 : i32
        %scan3A_913 = scf.for %scan3A_915 = %scan3A_909 to %scan3A_911 step %scan3A_912 iter_args(%scan3A_916 = %scan3A_908) -> (i32)  : i32 {
          %mul3A_917 = arith.muli %scan3A_915, %reduce_max3A_614 : i32
          %jit3A_918 = arith.constant 7 : i32
          %div3A_919 = arith.divsi %mul3A_917, %jit3A_918 : i32
          %sign3A_920 = arith.constant 0 : i32
          %sign3A_921 = arith.cmpi sgt, %mul3A_917, %sign3A_920 : i32
          %sign3A_922 = arith.extui %sign3A_921 : i1 to i32
          %sign3A_923 = arith.constant 0 : i32
          %sign3A_924 = arith.cmpi slt, %mul3A_917, %sign3A_923 : i32
          %sign3A_925 = arith.extui %sign3A_924 : i1 to i32
          %sign3A_926 = arith.subi %sign3A_922, %sign3A_925 : i32
          %sign3A_927 = arith.constant 0 : i32
          %sign3A_928 = arith.cmpi sgt, %jit3A_918, %sign3A_927 : i32
          %sign3A_929 = arith.extui %sign3A_928 : i1 to i32
          %sign3A_930 = arith.constant 0 : i32
          %sign3A_931 = arith.cmpi slt, %jit3A_918, %sign3A_930 : i32
          %sign3A_932 = arith.extui %sign3A_931 : i1 to i32
          %sign3A_933 = arith.subi %sign3A_929, %sign3A_932 : i32
          %ne3A_934 = arith.cmpi ne, %sign3A_926, %sign3A_933 : i32
          %rem3A_935 = arith.remsi %mul3A_917, %jit3A_918 : i32
          %ne3A_936 = arith.constant 0 : i32
          %ne3A_937 = arith.cmpi ne, %rem3A_935, %ne3A_936 : i32
          %and3A_938 = arith.andi %ne3A_934, %ne3A_937 : i1
          %sub3A_939 = arith.constant 1 : i32
          %sub3A_940 = arith.subi %div3A_919, %sub3A_939 : i32
          %select_n3A_941 = arith.select %and3A_938, %sub3A_940, %div3A_919 : i32
          %add3A_942 = arith.addi %select_n3A_941, %reduce_max3A_586 : i32
          %jit3A_943 = arith.constant 0 : i32
          %max3A_944 = arith.maxsi %jit3A_943, %add3A_942 : i32
          %min3A_945 = arith.minsi %reduce_max3A_728, %max3A_944 : i32
          %add3A_946 = arith.constant 1 : i32
          %add3A_947 = arith.addi %scan3A_915, %add3A_946 : i32
          %mul3A_948 = arith.muli %add3A_947, %reduce_max3A_614 : i32
          %add3A_949 = arith.constant 6 : i32
          %add3A_950 = arith.addi %mul3A_948, %add3A_949 : i32
          %jit3A_951 = arith.constant 7 : i32
          %div3A_952 = arith.divsi %add3A_950, %jit3A_951 : i32
          %sign3A_953 = arith.constant 0 : i32
          %sign3A_954 = arith.cmpi sgt, %add3A_950, %sign3A_953 : i32
          %sign3A_955 = arith.extui %sign3A_954 : i1 to i32
          %sign3A_956 = arith.constant 0 : i32
          %sign3A_957 = arith.cmpi slt, %add3A_950, %sign3A_956 : i32
          %sign3A_958 = arith.extui %sign3A_957 : i1 to i32
          %sign3A_959 = arith.subi %sign3A_955, %sign3A_958 : i32
          %sign3A_960 = arith.constant 0 : i32
          %sign3A_961 = arith.cmpi sgt, %jit3A_951, %sign3A_960 : i32
          %sign3A_962 = arith.extui %sign3A_961 : i1 to i32
          %sign3A_963 = arith.constant 0 : i32
          %sign3A_964 = arith.cmpi slt, %jit3A_951, %sign3A_963 : i32
          %sign3A_965 = arith.extui %sign3A_964 : i1 to i32
          %sign3A_966 = arith.subi %sign3A_962, %sign3A_965 : i32
          %ne3A_967 = arith.cmpi ne, %sign3A_959, %sign3A_966 : i32
          %rem3A_968 = arith.remsi %add3A_950, %jit3A_951 : i32
          %ne3A_969 = arith.constant 0 : i32
          %ne3A_970 = arith.cmpi ne, %rem3A_968, %ne3A_969 : i32
          %and3A_971 = arith.andi %ne3A_967, %ne3A_970 : i1
          %sub3A_972 = arith.constant 1 : i32
          %sub3A_973 = arith.subi %div3A_952, %sub3A_972 : i32
          %select_n3A_974 = arith.select %and3A_971, %sub3A_973, %div3A_952 : i32
          %eq3A_975 = arith.constant 6 : i32
          %eq3A_976 = arith.cmpi eq, %scan3A_915, %eq3A_975 : i32
          %jit3A_977 = arith.constant 0 : i32
          %select_n3A_978 = arith.select %eq3A_976, %reduce_max3A_642, %jit3A_977 : i32
          %add3A_979 = arith.addi %select_n3A_974, %select_n3A_978 : i32
          %add3A_980 = arith.addi %add3A_979, %reduce_max3A_586 : i32
          %jit3A_981 = arith.constant 0 : i32
          %max3A_982 = arith.maxsi %jit3A_981, %add3A_980 : i32
          %min3A_983 = arith.minsi %reduce_max3A_728, %max3A_982 : i32
          %broadcast_in_dim3A_984 = arith.constant 0xFF800000 : f32
          %broadcast_in_dim3A_985 = vector.broadcast %broadcast_in_dim3A_984 : f32 to vector<16xf32>
          %while3A_986 = arith.subi %min3A_864, %min3A_826 : i32
          %while3A_987 = arith.addi %min3A_826, %while3A_986 : i32
          %while3A_988 = arith.constant 1 : i32
          %while3A_989 = arith.divsi %while3A_986, %while3A_988 : i32
          %while3A_990 = arith.muli %while3A_989, %while3A_988 : i32
          %while3A_991 = arith.addi %min3A_826, %while3A_990 : i32
          %while3A_992 = arith.constant 1 : i32
          %while3A_993:6 = scf.for %while3A_1046 = %min3A_826 to %while3A_991 step %while3A_992 iter_args(%while3A_1047 = %broadcast_in_dim3A_985, %while3A_1048 = %broadcast_in_dim3A_985, %while3A_1049 = %broadcast_in_dim3A_985, %while3A_1050 = %broadcast_in_dim3A_985, %while3A_1051 = %broadcast_in_dim3A_985, %while3A_1052 = %broadcast_in_dim3A_985) -> (vector<16xf32>, vector<16xf32>, vector<16xf32>, vector<16xf32>, vector<16xf32>, vector<16xf32>)  : i32 {
            %sub3A_1053 = arith.subi %while3A_1046, %reduce_max3A_656 : i32
            %mul3A_1054 = arith.muli %sub3A_1053, %max3A_686 : i32
            %sub3A_1055 = arith.subi %mul3A_1054, %reduce_max3A_670 : i32
            %while3A_1056 = arith.subi %min3A_983, %min3A_945 : i32
            %while3A_1057 = arith.addi %min3A_945, %while3A_1056 : i32
            %while3A_1058 = arith.constant 1 : i32
            %while3A_1059 = arith.divsi %while3A_1056, %while3A_1058 : i32
            %while3A_1060 = arith.muli %while3A_1059, %while3A_1058 : i32
            %while3A_1061 = arith.addi %min3A_945, %while3A_1060 : i32
            %while3A_1062 = arith.constant 1 : i32
            %while3A_1063:6 = scf.for %while3A_1066 = %min3A_945 to %while3A_1061 step %while3A_1062 iter_args(%while3A_1067 = %while3A_1047, %while3A_1068 = %while3A_1048, %while3A_1069 = %while3A_1049, %while3A_1070 = %while3A_1050, %while3A_1071 = %while3A_1051, %while3A_1072 = %while3A_1052) -> (vector<16xf32>, vector<16xf32>, vector<16xf32>, vector<16xf32>, vector<16xf32>, vector<16xf32>)  : i32 {
              %add3A_1073 = arith.addi %sub3A_1055, %while3A_1066 : i32
              %get3A = arith.index_cast %add3A_1073 : i32 to index
              %get3A_1074 = arith.constant 0 : index
              %get3A_1075 = tpu.vector_load %arg7[%get3A, %get3A_1074] {strides = array<i32>} : memref<1152x96xf32, #tpu.memory_space<vmem>>, vector<16xf32>,
              %max3A_1076 = arith.maximumf %while3A_1067, %get3A_1075 : vector<16xf32>
              %get3A_1077 = arith.index_cast %add3A_1073 : i32 to index
              %get3A_1078 = arith.constant 16 : index
              %get3A_1079 = tpu.vector_load %arg7[%get3A_1077, %get3A_1078] {strides = array<i32>} : memref<1152x96xf32, #tpu.memory_space<vmem>>, vector<16xf32>,
              %max3A_1080 = arith.maximumf %while3A_1068, %get3A_1079 : vector<16xf32>
              %get3A_1081 = arith.index_cast %add3A_1073 : i32 to index
              %get3A_1082 = arith.constant 32 : index
              %get3A_1083 = tpu.vector_load %arg7[%get3A_1081, %get3A_1082] {strides = array<i32>} : memref<1152x96xf32, #tpu.memory_space<vmem>>, vector<16xf32>,
              %max3A_1084 = arith.maximumf %while3A_1069, %get3A_1083 : vector<16xf32>
              %get3A_1085 = arith.index_cast %add3A_1073 : i32 to index
              %get3A_1086 = arith.constant 48 : index
              %get3A_1087 = tpu.vector_load %arg7[%get3A_1085, %get3A_1086] {strides = array<i32>} : memref<1152x96xf32, #tpu.memory_space<vmem>>, vector<16xf32>,
              %max3A_1088 = arith.maximumf %while3A_1070, %get3A_1087 : vector<16xf32>
              %get3A_1089 = arith.index_cast %add3A_1073 : i32 to index
              %get3A_1090 = arith.constant 64 : index
              %get3A_1091 = tpu.vector_load %arg7[%get3A_1089, %get3A_1090] {strides = array<i32>} : memref<1152x96xf32, #tpu.memory_space<vmem>>, vector<16xf32>,
              %max3A_1092 = arith.maximumf %while3A_1071, %get3A_1091 : vector<16xf32>
              %get3A_1093 = arith.index_cast %add3A_1073 : i32 to index
              %get3A_1094 = arith.constant 80 : index
              %get3A_1095 = tpu.vector_load %arg7[%get3A_1093, %get3A_1094] {strides = array<i32>} : memref<1152x96xf32, #tpu.memory_space<vmem>>, vector<16xf32>,
              %max3A_1096 = arith.maximumf %while3A_1072, %get3A_1095 : vector<16xf32>
              scf.yield %max3A_1076, %max3A_1080, %max3A_1084, %max3A_1088, %max3A_1092, %max3A_1096 : vector<16xf32>, vector<16xf32>, vector<16xf32>, vector<16xf32>, vector<16xf32>, vector<16xf32>
            }
            %while3A_1064 = arith.constant 1 : i32
            %while3A_1065:6 = scf.for %while3A_1066 = %while3A_1061 to %while3A_1057 step %while3A_1064 iter_args(%while3A_1067 = %while3A_1063#0, %while3A_1068 = %while3A_1063#1, %while3A_1069 = %while3A_1063#2, %while3A_1070 = %while3A_1063#3, %while3A_1071 = %while3A_1063#4, %while3A_1072 = %while3A_1063#5) -> (vector<16xf32>, vector<16xf32>, vector<16xf32>, vector<16xf32>, vector<16xf32>, vector<16xf32>)  : i32 {
              %add3A_1073 = arith.addi %sub3A_1055, %while3A_1066 : i32
              %get3A = arith.index_cast %add3A_1073 : i32 to index
              %get3A_1074 = arith.constant 0 : index
              %get3A_1075 = tpu.vector_load %arg7[%get3A, %get3A_1074] {strides = array<i32>} : memref<1152x96xf32, #tpu.memory_space<vmem>>, vector<16xf32>,
              %max3A_1076 = arith.maximumf %while3A_1067, %get3A_1075 : vector<16xf32>
              %get3A_1077 = arith.index_cast %add3A_1073 : i32 to index
              %get3A_1078 = arith.constant 16 : index
              %get3A_1079 = tpu.vector_load %arg7[%get3A_1077, %get3A_1078] {strides = array<i32>} : memref<1152x96xf32, #tpu.memory_space<vmem>>, vector<16xf32>,
              %max3A_1080 = arith.maximumf %while3A_1068, %get3A_1079 : vector<16xf32>
              %get3A_1081 = arith.index_cast %add3A_1073 : i32 to index
              %get3A_1082 = arith.constant 32 : index
              %get3A_1083 = tpu.vector_load %arg7[%get3A_1081, %get3A_1082] {strides = array<i32>} : memref<1152x96xf32, #tpu.memory_space<vmem>>, vector<16xf32>,
              %max3A_1084 = arith.maximumf %while3A_1069, %get3A_1083 : vector<16xf32>
              %get3A_1085 = arith.index_cast %add3A_1073 : i32 to index
              %get3A_1086 = arith.constant 48 : index
              %get3A_1087 = tpu.vector_load %arg7[%get3A_1085, %get3A_1086] {strides = array<i32>} : memref<1152x96xf32, #tpu.memory_space<vmem>>, vector<16xf32>,
              %max3A_1088 = arith.maximumf %while3A_1070, %get3A_1087 : vector<16xf32>
              %get3A_1089 = arith.index_cast %add3A_1073 : i32 to index
              %get3A_1090 = arith.constant 64 : index
              %get3A_1091 = tpu.vector_load %arg7[%get3A_1089, %get3A_1090] {strides = array<i32>} : memref<1152x96xf32, #tpu.memory_space<vmem>>, vector<16xf32>,
              %max3A_1092 = arith.maximumf %while3A_1071, %get3A_1091 : vector<16xf32>
              %get3A_1093 = arith.index_cast %add3A_1073 : i32 to index
              %get3A_1094 = arith.constant 80 : index
              %get3A_1095 = tpu.vector_load %arg7[%get3A_1093, %get3A_1094] {strides = array<i32>} : memref<1152x96xf32, #tpu.memory_space<vmem>>, vector<16xf32>,
              %max3A_1096 = arith.maximumf %while3A_1072, %get3A_1095 : vector<16xf32>
              scf.yield %max3A_1076, %max3A_1080, %max3A_1084, %max3A_1088, %max3A_1092, %max3A_1096 : vector<16xf32>, vector<16xf32>, vector<16xf32>, vector<16xf32>, vector<16xf32>, vector<16xf32>
            }
            scf.yield %while3A_1065#0, %while3A_1065#1, %while3A_1065#2, %while3A_1065#3, %while3A_1065#4, %while3A_1065#5 : vector<16xf32>, vector<16xf32>, vector<16xf32>, vector<16xf32>, vector<16xf32>, vector<16xf32>
          }
          %while3A_994 = arith.constant 1 : i32
          %while3A_995:6 = scf.for %while3A_1046 = %while3A_991 to %while3A_987 step %while3A_994 iter_args(%while3A_1047 = %while3A_993#0, %while3A_1048 = %while3A_993#1, %while3A_1049 = %while3A_993#2, %while3A_1050 = %while3A_993#3, %while3A_1051 = %while3A_993#4, %while3A_1052 = %while3A_993#5) -> (vector<16xf32>, vector<16xf32>, vector<16xf32>, vector<16xf32>, vector<16xf32>, vector<16xf32>)  : i32 {
            %sub3A_1053 = arith.subi %while3A_1046, %reduce_max3A_656 : i32
            %mul3A_1054 = arith.muli %sub3A_1053, %max3A_686 : i32
            %sub3A_1055 = arith.subi %mul3A_1054, %reduce_max3A_670 : i32
            %while3A_1056 = arith.subi %min3A_983, %min3A_945 : i32
            %while3A_1057 = arith.addi %min3A_945, %while3A_1056 : i32
            %while3A_1058 = arith.constant 1 : i32
            %while3A_1059 = arith.divsi %while3A_1056, %while3A_1058 : i32
            %while3A_1060 = arith.muli %while3A_1059, %while3A_1058 : i32
            %while3A_1061 = arith.addi %min3A_945, %while3A_1060 : i32
            %while3A_1062 = arith.constant 1 : i32
            %while3A_1063:6 = scf.for %while3A_1066 = %min3A_945 to %while3A_1061 step %while3A_1062 iter_args(%while3A_1067 = %while3A_1047, %while3A_1068 = %while3A_1048, %while3A_1069 = %while3A_1049, %while3A_1070 = %while3A_1050, %while3A_1071 = %while3A_1051, %while3A_1072 = %while3A_1052) -> (vector<16xf32>, vector<16xf32>, vector<16xf32>, vector<16xf32>, vector<16xf32>, vector<16xf32>)  : i32 {
              %add3A_1073 = arith.addi %sub3A_1055, %while3A_1066 : i32
              %get3A = arith.index_cast %add3A_1073 : i32 to index
              %get3A_1074 = arith.constant 0 : index
              %get3A_1075 = tpu.vector_load %arg7[%get3A, %get3A_1074] {strides = array<i32>} : memref<1152x96xf32, #tpu.memory_space<vmem>>, vector<16xf32>,
              %max3A_1076 = arith.maximumf %while3A_1067, %get3A_1075 : vector<16xf32>
              %get3A_1077 = arith.index_cast %add3A_1073 : i32 to index
              %get3A_1078 = arith.constant 16 : index
              %get3A_1079 = tpu.vector_load %arg7[%get3A_1077, %get3A_1078] {strides = array<i32>} : memref<1152x96xf32, #tpu.memory_space<vmem>>, vector<16xf32>,
              %max3A_1080 = arith.maximumf %while3A_1068, %get3A_1079 : vector<16xf32>
              %get3A_1081 = arith.index_cast %add3A_1073 : i32 to index
              %get3A_1082 = arith.constant 32 : index
              %get3A_1083 = tpu.vector_load %arg7[%get3A_1081, %get3A_1082] {strides = array<i32>} : memref<1152x96xf32, #tpu.memory_space<vmem>>, vector<16xf32>,
              %max3A_1084 = arith.maximumf %while3A_1069, %get3A_1083 : vector<16xf32>
              %get3A_1085 = arith.index_cast %add3A_1073 : i32 to index
              %get3A_1086 = arith.constant 48 : index
              %get3A_1087 = tpu.vector_load %arg7[%get3A_1085, %get3A_1086] {strides = array<i32>} : memref<1152x96xf32, #tpu.memory_space<vmem>>, vector<16xf32>,
              %max3A_1088 = arith.maximumf %while3A_1070, %get3A_1087 : vector<16xf32>
              %get3A_1089 = arith.index_cast %add3A_1073 : i32 to index
              %get3A_1090 = arith.constant 64 : index
              %get3A_1091 = tpu.vector_load %arg7[%get3A_1089, %get3A_1090] {strides = array<i32>} : memref<1152x96xf32, #tpu.memory_space<vmem>>, vector<16xf32>,
              %max3A_1092 = arith.maximumf %while3A_1071, %get3A_1091 : vector<16xf32>
              %get3A_1093 = arith.index_cast %add3A_1073 : i32 to index
              %get3A_1094 = arith.constant 80 : index
              %get3A_1095 = tpu.vector_load %arg7[%get3A_1093, %get3A_1094] {strides = array<i32>} : memref<1152x96xf32, #tpu.memory_space<vmem>>, vector<16xf32>,
              %max3A_1096 = arith.maximumf %while3A_1072, %get3A_1095 : vector<16xf32>
              scf.yield %max3A_1076, %max3A_1080, %max3A_1084, %max3A_1088, %max3A_1092, %max3A_1096 : vector<16xf32>, vector<16xf32>, vector<16xf32>, vector<16xf32>, vector<16xf32>, vector<16xf32>
            }
            %while3A_1064 = arith.constant 1 : i32
            %while3A_1065:6 = scf.for %while3A_1066 = %while3A_1061 to %while3A_1057 step %while3A_1064 iter_args(%while3A_1067 = %while3A_1063#0, %while3A_1068 = %while3A_1063#1, %while3A_1069 = %while3A_1063#2, %while3A_1070 = %while3A_1063#3, %while3A_1071 = %while3A_1063#4, %while3A_1072 = %while3A_1063#5) -> (vector<16xf32>, vector<16xf32>, vector<16xf32>, vector<16xf32>, vector<16xf32>, vector<16xf32>)  : i32 {
              %add3A_1073 = arith.addi %sub3A_1055, %while3A_1066 : i32
              %get3A = arith.index_cast %add3A_1073 : i32 to index
              %get3A_1074 = arith.constant 0 : index
              %get3A_1075 = tpu.vector_load %arg7[%get3A, %get3A_1074] {strides = array<i32>} : memref<1152x96xf32, #tpu.memory_space<vmem>>, vector<16xf32>,
              %max3A_1076 = arith.maximumf %while3A_1067, %get3A_1075 : vector<16xf32>
              %get3A_1077 = arith.index_cast %add3A_1073 : i32 to index
              %get3A_1078 = arith.constant 16 : index
              %get3A_1079 = tpu.vector_load %arg7[%get3A_1077, %get3A_1078] {strides = array<i32>} : memref<1152x96xf32, #tpu.memory_space<vmem>>, vector<16xf32>,
              %max3A_1080 = arith.maximumf %while3A_1068, %get3A_1079 : vector<16xf32>
              %get3A_1081 = arith.index_cast %add3A_1073 : i32 to index
              %get3A_1082 = arith.constant 32 : index
              %get3A_1083 = tpu.vector_load %arg7[%get3A_1081, %get3A_1082] {strides = array<i32>} : memref<1152x96xf32, #tpu.memory_space<vmem>>, vector<16xf32>,
              %max3A_1084 = arith.maximumf %while3A_1069, %get3A_1083 : vector<16xf32>
              %get3A_1085 = arith.index_cast %add3A_1073 : i32 to index
              %get3A_1086 = arith.constant 48 : index
              %get3A_1087 = tpu.vector_load %arg7[%get3A_1085, %get3A_1086] {strides = array<i32>} : memref<1152x96xf32, #tpu.memory_space<vmem>>, vector<16xf32>,
              %max3A_1088 = arith.maximumf %while3A_1070, %get3A_1087 : vector<16xf32>
              %get3A_1089 = arith.index_cast %add3A_1073 : i32 to index
              %get3A_1090 = arith.constant 64 : index
              %get3A_1091 = tpu.vector_load %arg7[%get3A_1089, %get3A_1090] {strides = array<i32>} : memref<1152x96xf32, #tpu.memory_space<vmem>>, vector<16xf32>,
              %max3A_1092 = arith.maximumf %while3A_1071, %get3A_1091 : vector<16xf32>
              %get3A_1093 = arith.index_cast %add3A_1073 : i32 to index
              %get3A_1094 = arith.constant 80 : index
              %get3A_1095 = tpu.vector_load %arg7[%get3A_1093, %get3A_1094] {strides = array<i32>} : memref<1152x96xf32, #tpu.memory_space<vmem>>, vector<16xf32>,
              %max3A_1096 = arith.maximumf %while3A_1072, %get3A_1095 : vector<16xf32>
              scf.yield %max3A_1076, %max3A_1080, %max3A_1084, %max3A_1088, %max3A_1092, %max3A_1096 : vector<16xf32>, vector<16xf32>, vector<16xf32>, vector<16xf32>, vector<16xf32>, vector<16xf32>
            }
            scf.yield %while3A_1065#0, %while3A_1065#1, %while3A_1065#2, %while3A_1065#3, %while3A_1065#4, %while3A_1065#5 : vector<16xf32>, vector<16xf32>, vector<16xf32>, vector<16xf32>, vector<16xf32>, vector<16xf32>
          }
          %gt3A_996 = arith.cmpi sgt, %min3A_864, %min3A_826 : i32
          %gt3A_997 = arith.cmpi sgt, %min3A_983, %min3A_945 : i32
          %and3A_998 = arith.andi %gt3A_996, %gt3A_997 : i1
          %mul3A_999 = arith.constant 7 : i32
          %mul3A_1000 = arith.muli %scan3A_796, %mul3A_999 : i32
          %add3A_1001 = arith.addi %mul3A_1000, %scan3A_915 : i32
          %mul3A_1002 = arith.constant 96 : i32
          %mul3A_1003 = arith.muli %add3A_1001, %mul3A_1002 : i32
          %jit3A_1004 = arith.constant 0.000000e+00 : f32
          %broadcast_in_dim3A_1005 = vector.broadcast %jit3A_1004 : f32 to vector<16xf32>
          %select_n3A_1006 = arith.select %and3A_998, %while3A_995#0, %broadcast_in_dim3A_1005 : vector<16xf32>
          %add3A_1007 = arith.constant 0 : i32
          %add3A_1008 = arith.addi %mul3A_1003, %add3A_1007 : i32
          %swap3A = arith.index_cast %add3A_1008 : i32 to index
          %swap3A_1009 = tpu.vector_load %arg8[%swap3A] {strides = array<i32>} : memref<4704xf32, #tpu.memory_space<vmem>>, vector<16xf32>,
          tpu.vector_store %arg8[%swap3A], %select_n3A_1006 {strides = array<i32>} : memref<4704xf32, #tpu.memory_space<vmem>>, vector<16xf32>,
          %jit3A_1010 = arith.constant 0.000000e+00 : f32
          %broadcast_in_dim3A_1011 = vector.broadcast %jit3A_1010 : f32 to vector<16xf32>
          %select_n3A_1012 = arith.select %and3A_998, %while3A_995#1, %broadcast_in_dim3A_1011 : vector<16xf32>
          %add3A_1013 = arith.constant 16 : i32
          %add3A_1014 = arith.addi %mul3A_1003, %add3A_1013 : i32
          %swap3A_1015 = arith.index_cast %add3A_1014 : i32 to index
          %swap3A_1016 = tpu.vector_load %arg8[%swap3A_1015] {strides = array<i32>} : memref<4704xf32, #tpu.memory_space<vmem>>, vector<16xf32>,
          tpu.vector_store %arg8[%swap3A_1015], %select_n3A_1012 {strides = array<i32>} : memref<4704xf32, #tpu.memory_space<vmem>>, vector<16xf32>,
          %jit3A_1017 = arith.constant 0.000000e+00 : f32
          %broadcast_in_dim3A_1018 = vector.broadcast %jit3A_1017 : f32 to vector<16xf32>
          %select_n3A_1019 = arith.select %and3A_998, %while3A_995#2, %broadcast_in_dim3A_1018 : vector<16xf32>
          %add3A_1020 = arith.constant 32 : i32
          %add3A_1021 = arith.addi %mul3A_1003, %add3A_1020 : i32
          %swap3A_1022 = arith.index_cast %add3A_1021 : i32 to index
          %swap3A_1023 = tpu.vector_load %arg8[%swap3A_1022] {strides = array<i32>} : memref<4704xf32, #tpu.memory_space<vmem>>, vector<16xf32>,
          tpu.vector_store %arg8[%swap3A_1022], %select_n3A_1019 {strides = array<i32>} : memref<4704xf32, #tpu.memory_space<vmem>>, vector<16xf32>,
          %jit3A_1024 = arith.constant 0.000000e+00 : f32
          %broadcast_in_dim3A_1025 = vector.broadcast %jit3A_1024 : f32 to vector<16xf32>
          %select_n3A_1026 = arith.select %and3A_998, %while3A_995#3, %broadcast_in_dim3A_1025 : vector<16xf32>
          %add3A_1027 = arith.constant 48 : i32
          %add3A_1028 = arith.addi %mul3A_1003, %add3A_1027 : i32
          %swap3A_1029 = arith.index_cast %add3A_1028 : i32 to index
          %swap3A_1030 = tpu.vector_load %arg8[%swap3A_1029] {strides = array<i32>} : memref<4704xf32, #tpu.memory_space<vmem>>, vector<16xf32>,
          tpu.vector_store %arg8[%swap3A_1029], %select_n3A_1026 {strides = array<i32>} : memref<4704xf32, #tpu.memory_space<vmem>>, vector<16xf32>,
          %jit3A_1031 = arith.constant 0.000000e+00 : f32
          %broadcast_in_dim3A_1032 = vector.broadcast %jit3A_1031 : f32 to vector<16xf32>
          %select_n3A_1033 = arith.select %and3A_998, %while3A_995#4, %broadcast_in_dim3A_1032 : vector<16xf32>
          %add3A_1034 = arith.constant 64 : i32
          %add3A_1035 = arith.addi %mul3A_1003, %add3A_1034 : i32
          %swap3A_1036 = arith.index_cast %add3A_1035 : i32 to index
          %swap3A_1037 = tpu.vector_load %arg8[%swap3A_1036] {strides = array<i32>} : memref<4704xf32, #tpu.memory_space<vmem>>, vector<16xf32>,
          tpu.vector_store %arg8[%swap3A_1036], %select_n3A_1033 {strides = array<i32>} : memref<4704xf32, #tpu.memory_space<vmem>>, vector<16xf32>,
          %jit3A_1038 = arith.constant 0.000000e+00 : f32
          %broadcast_in_dim3A_1039 = vector.broadcast %jit3A_1038 : f32 to vector<16xf32>
          %select_n3A_1040 = arith.select %and3A_998, %while3A_995#5, %broadcast_in_dim3A_1039 : vector<16xf32>
          %add3A_1041 = arith.constant 80 : i32
          %add3A_1042 = arith.addi %mul3A_1003, %add3A_1041 : i32
          %swap3A_1043 = arith.index_cast %add3A_1042 : i32 to index
          %swap3A_1044 = tpu.vector_load %arg8[%swap3A_1043] {strides = array<i32>} : memref<4704xf32, #tpu.memory_space<vmem>>, vector<16xf32>,
          tpu.vector_store %arg8[%swap3A_1043], %select_n3A_1040 {strides = array<i32>} : memref<4704xf32, #tpu.memory_space<vmem>>, vector<16xf32>,
          %scan3A_1045 = arith.constant 0 : i32
          scf.yield %scan3A_1045 : i32
        }
        %scan3A_914 = arith.constant 7 : i32
        scf.yield %max3A_907 : i32
      }
      %scan3A_782 = arith.constant 7 : i32
      %sub3A_783 = arith.subi %select_n3A_750, %scan3A_781 : i32
      %while3A_784 = arith.constant 0 : i32
      %while3A_785 = arith.constant 0 : i32
      %while3A_786 = arith.subi %sub3A_783, %while3A_785 : i32
      %while3A_787 = arith.addi %while3A_785, %while3A_786 : i32
      %while3A_788 = arith.constant 1 : i32
      %while3A_789 = arith.divsi %while3A_786, %while3A_788 : i32
      %while3A_790 = arith.muli %while3A_789, %while3A_788 : i32
      %while3A_791 = arith.addi %while3A_785, %while3A_790 : i32
      %while3A_792 = arith.constant 1 : i32
      scf.for %while3A_796 = %while3A_785 to %while3A_791 step %while3A_792  : i32 {
        %dma_wait3A = arith.constant 0 : i32
        %dma_wait3A_797 = arith.constant 0 : i32
        %dma_wait3A_798 = tpu.memref_slice %arg7[%dma_wait3A, %dma_wait3A_797] : memref<1152x96xf32, #tpu.memory_space<vmem>> -> memref<16x96xf32, #tpu.memory_space<vmem>>
        %dma_wait3A_799 = arith.constant 0 : i32
        %dma_wait3A_800 = arith.constant 0 : i32
        %dma_wait3A_801 = tpu.memref_slice %arg2[%dma_wait3A_799, %dma_wait3A_800] : memref<21760x96xf32, #tpu.memory_space<hbm>> -> memref<16x96xf32, #tpu.memory_space<hbm>>
        %dma_wait3A_802 = arith.constant 0 : i32
        %dma_wait3A_803 = arith.constant 0 : i32
        %dma_wait3A_804 = tpu.memref_slice %arg7[%dma_wait3A_802, %dma_wait3A_803] : memref<1152x96xf32, #tpu.memory_space<vmem>> -> memref<16x96xf32, #tpu.memory_space<vmem>>
        %dma_wait3A_805 = arith.constant 0 : i32
        %dma_wait3A_806 = arith.constant 0 : i32
        %dma_wait3A_807 = tpu.memref_slice %arg2[%dma_wait3A_805, %dma_wait3A_806] : memref<21760x96xf32, #tpu.memory_space<hbm>> -> memref<16x96xf32, #tpu.memory_space<hbm>>
        tpu.wait_dma2 semaphore(%arg9 : memref<!tpu.dma_semaphore, #tpu.memory_space<semaphore_mem>>) src(%dma_wait3A_807 : memref<16x96xf32, #tpu.memory_space<hbm>>) dst(%dma_wait3A_804 : memref<16x96xf32, #tpu.memory_space<vmem>>)
      }
      %while3A_793 = arith.constant 1 : i32
      scf.for %while3A_796 = %while3A_791 to %while3A_787 step %while3A_793  : i32 {
        %dma_wait3A = arith.constant 0 : i32
        %dma_wait3A_797 = arith.constant 0 : i32
        %dma_wait3A_798 = tpu.memref_slice %arg7[%dma_wait3A, %dma_wait3A_797] : memref<1152x96xf32, #tpu.memory_space<vmem>> -> memref<16x96xf32, #tpu.memory_space<vmem>>
        %dma_wait3A_799 = arith.constant 0 : i32
        %dma_wait3A_800 = arith.constant 0 : i32
        %dma_wait3A_801 = tpu.memref_slice %arg2[%dma_wait3A_799, %dma_wait3A_800] : memref<21760x96xf32, #tpu.memory_space<hbm>> -> memref<16x96xf32, #tpu.memory_space<hbm>>
        %dma_wait3A_802 = arith.constant 0 : i32
        %dma_wait3A_803 = arith.constant 0 : i32
        %dma_wait3A_804 = tpu.memref_slice %arg7[%dma_wait3A_802, %dma_wait3A_803] : memref<1152x96xf32, #tpu.memory_space<vmem>> -> memref<16x96xf32, #tpu.memory_space<vmem>>
        %dma_wait3A_805 = arith.constant 0 : i32
        %dma_wait3A_806 = arith.constant 0 : i32
        %dma_wait3A_807 = tpu.memref_slice %arg2[%dma_wait3A_805, %dma_wait3A_806] : memref<21760x96xf32, #tpu.memory_space<hbm>> -> memref<16x96xf32, #tpu.memory_space<hbm>>
        tpu.wait_dma2 semaphore(%arg9 : memref<!tpu.dma_semaphore, #tpu.memory_space<semaphore_mem>>) src(%dma_wait3A_807 : memref<16x96xf32, #tpu.memory_space<hbm>>) dst(%dma_wait3A_804 : memref<16x96xf32, #tpu.memory_space<vmem>>)
      }
      %add3A_794 = arith.addi %add3A_274, %while3A_558 : i32
      "tpu.region"() ({
        %run_scoped3A = tpu.sem_alloc : memref<!tpu.dma_semaphore, #tpu.memory_space<semaphore_mem>>
        %dma_start3A = arith.constant 0 : i32
        %dma_start3A_796 = tpu.memref_slice %arg4[%add3A_794, %dma_start3A] : memref<1000x4704xf32, #tpu.memory_space<hbm>> -> memref<1x4704xf32, #tpu.memory_space<hbm>>
        %dma_start3A_797 = tpu.memref_squeeze %dma_start3A_796 : memref<1x4704xf32, #tpu.memory_space<hbm>> -> memref<4704xf32, #tpu.memory_space<hbm>>
        %dma_start3A_798 = arith.constant 0 : i32
        %dma_start3A_799 = tpu.memref_slice %arg4[%add3A_794, %dma_start3A_798] : memref<1000x4704xf32, #tpu.memory_space<hbm>> -> memref<1x4704xf32, #tpu.memory_space<hbm>>
        %dma_start3A_800 = tpu.memref_squeeze %dma_start3A_799 : memref<1x4704xf32, #tpu.memory_space<hbm>> -> memref<4704xf32, #tpu.memory_space<hbm>>
        tpu.enqueue_dma source(%arg8 : memref<4704xf32, #tpu.memory_space<vmem>>) target(%dma_start3A_800 : memref<4704xf32, #tpu.memory_space<hbm>>) target_semaphore(%run_scoped3A : memref<!tpu.dma_semaphore, #tpu.memory_space<semaphore_mem>>)
        %dma_wait3A = arith.constant 0 : i32
        %dma_wait3A_801 = tpu.memref_slice %arg4[%add3A_794, %dma_wait3A] : memref<1000x4704xf32, #tpu.memory_space<hbm>> -> memref<1x4704xf32, #tpu.memory_space<hbm>>
        %dma_wait3A_802 = tpu.memref_squeeze %dma_wait3A_801 : memref<1x4704xf32, #tpu.memory_space<hbm>> -> memref<4704xf32, #tpu.memory_space<hbm>>
        %dma_wait3A_803 = arith.constant 0 : i32
        %dma_wait3A_804 = tpu.memref_slice %arg4[%add3A_794, %dma_wait3A_803] : memref<1000x4704xf32, #tpu.memory_space<hbm>> -> memref<1x4704xf32, #tpu.memory_space<hbm>>
        %dma_wait3A_805 = tpu.memref_squeeze %dma_wait3A_804 : memref<1x4704xf32, #tpu.memory_space<hbm>> -> memref<4704xf32, #tpu.memory_space<hbm>>
        tpu.wait_dma2 semaphore(%run_scoped3A : memref<!tpu.dma_semaphore, #tpu.memory_space<semaphore_mem>>) src(%arg8 : memref<4704xf32, #tpu.memory_space<vmem>>) dst(%dma_wait3A_805 : memref<4704xf32, #tpu.memory_space<hbm>>)
        tpu.yield
      }) : () -> ()
      %while3A_795 = arith.constant 0 : i32
      scf.yield %while3A_795 : i32
    }
    return
  }
}

</mosaic_0001>

<sc_bundles>
// kernel: kernel.3.cloned.1.call-start
scs
__scs_entry_jumppad:
0x0: {  	(pc) =	sbr.rel $0x88, $3  }
0x1: {  	(tag) =	ssettag $0x0;
	lr =	simm.s32 $0x1  }
0x2: {  	[smem:$0x3F9C] =	sst lr;
	_ =	strace $0xD0000000  }
0x3: {  	_ = 	snop  }
0x4: {  	_ = 	snop  }
0x5: {  	_ = 	snop  }
0x6: {  	_ = 	snop  }
0x7: {  	_ = 	snop  }
__scs_overlays_trampoline_lowered:
0x8: {  	[smem:$0x3FAB] =	sst s0  }
0x9: {  	[smem:$0x3FAC] =	sst s1  }
0xa: {  	[smem:$0x3FAD] =	sst s2  }
0xb: {  	[smem:$0x3FAE] =	sst s3  }
0xc: {  	[smem:$0x3FAF] =	sst s4  }
0xd: {  	[smem:$0x3FB0] =	sst s5  }
0xe: {  	[smem:$0x3FB1] =	sst s6  }
0xf: {  	[smem:$0x3FB2] =	sst s7  }
0x10: {  	[smem:$0x3FB3] =	sst s8  }
0x11: {  	[smem:$0x3FB4] =	sst s9;
	s0 =	simm.s32 @!p0 $0x0  }
0x12: {  	s1 =	sld [smem:$0x3F9A];
	s0 =	simm.s32 @p0 $0x1  }
0x13: {  	[smem:$0x3FB5] =	sst s0;
	s0 =	simm.s32 @!p1 $0x0  }
0x14: {  	s2 =	sld [smem:$0x3F99];
	s0 =	simm.s32 @p1 $0x1  }
0x15: {  	[smem:$0x3FB6] =	sst s0;
	s0 =	simm.s32 @!p2 $0x0  }
0x16: {  	s3 =	sld [smem:$0x3FDB];
	s0 =	simm.s32 @p2 $0x1  }
0x17: {  	s4 =	simm.s32 $0x1BF5;
	[smem:$0x3FB8] =	sst s0  }
0x18: {  	s0 =	sld [smem:$0x3F9B];
	_ =	swait.ge [sflag:s4], $0x0  }
0x19: {  	s7 =	sld [smem:$0x3F9C]  }
0x1a: {  	s8 =	sadd.s32 $0xFFFFE003, lr  }
0x1b: {  	s9 =	sadd.s32 $0xFFFFFEF7, lr;
	s5 =	simm.s32 $0xFFFFFFFF;
	p2 =	slt.u32 s8, $0xFFFFF086  }
0x1c: {  	p1 =	slt.u32 s9, $0xF7A;
	s5 =	simm.s32 @!p2 $0x0  }
0x1d: {  	s5 =	simm.s32 @p1 $0x1;
	p0 =	seq.s32 s7, s2  }
0x1e: {  	s7 =	smul.u32 @!p0 $0xF7A, s2;
	p2 =	seq.s32 @!p0 s5, $0x0  }
0x1f: {  	s9 =	smul.u32 $0xF7A, s1;
	s8 =	simm.s32 @!p0 $0x1BF5;
	p2 =	por !p2, p0  }
0x20: {  	[sflag:s8] =	ssyncset.s32 @!p0 $0xFFFFF086;
	s6 =	sadd.s32 @!p0 s3, s7;
	s7 =	simm.s32 @!p0 $0x108  }
0x21: {  	s3 =	sadd.s32 s3, s9;
	s6 =	sadd.s32 @!p0 $0x88, s6;
	s7 =	simm.s32 @p2 $0x1082  }
0x22: {  	[simem:s7], [sflag:s8] =	dma.local @!p0 [hbm:s6], $0xF7A  }
0x23: {  	s9 =	sor.u32 $0xD0000000, s2;
	s6 =	simm.s32 $0x108;
	_ =	swait.ge @!p0 [sflag:s8], $0x0  }
0x24: {  	s3 =	sadd.s32 $0x88, s3;
	s6 =	simm.s32 @!p1 $0x1082;
	[sflag:s4] =	ssyncset.s32 $0xFFFFF086  }
0x25: {  	[simem:s6], [sflag:s4] =	dma.local [hbm:s3], $0xF7A  }
0x26: {  	[smem:$0x3F9C] =	sst s1;
	(tag) =	ssettag s2;
	_ =	strace s9  }
0x27: {  	s1 =	sld [smem:$0x3FAC]  }
0x28: {  	s2 =	sld [smem:$0x3FAD]  }
0x29: {  	s4 =	sld [smem:$0x3FAF]  }
0x2a: {  	p0 =	seq.s32 s5, $0x0;
	s5 =	sld [smem:$0x3FB0]  }
0x2b: {  	s6 =	sld [smem:$0x3FB1]  }
0x2c: {  	s7 =	sld [smem:$0x3FB2]  }
0x2d: {  	s3 =	simm.s32 $0x108;
	s8 =	sld [smem:$0x3FB3]  }
0x2e: {  	s3 =	simm.s32 @!p0 $0x1082;
	s9 =	sld [smem:$0x3FB4]  }
0x2f: {  	lr =	sadd.s32 s0, s3;
	s0 =	sld [smem:$0x3FAB]  }
0x30: {  	s3 =	sld [smem:$0x3FAE]  }
0x31: {  	[smem:$0x3FB7] =	sst s10  }
0x32: {  	s10 =	sld [smem:$0x3FB5];
	_ =	sdelay $0x3  }
0x33: {  	p0 =	seq.s32 s10, $0x1;
	s10 =	sld [smem:$0x3FB7];
	_ =	sdelay $0x3  }
0x34: {  	[smem:$0x3FB7] =	sst s10  }
0x35: {  	s10 =	sld [smem:$0x3FB6];
	_ =	sdelay $0x3  }
0x36: {  	p1 =	seq.s32 s10, $0x1;
	s10 =	sld [smem:$0x3FB7];
	_ =	sdelay $0x3  }
0x37: {  	[smem:$0x3FB7] =	sst s10  }
0x38: {  	s10 =	sld [smem:$0x3FB8]  }
0x39: {  	_ = 	snop;
	(pc) =	sbr.ind lr, $3  }
0x3a: {  	_ = 	snop  }
0x3b: {  	_ = 	snop  }
0x3c: {  	p2 =	seq.s32 s10, $0x1;
	s10 =	sld [smem:$0x3FB7]  }
0x3d: {  	_ =	shalt  }
0x3e: {  	_ =	shalt  }
0x3f: {  	_ =	shalt  }
0x40: {  	_ =	shalt  }
0x41: {  	_ =	shalt  }
0x42: {  	_ =	shalt  }
0x43: {  	_ =	shalt  }
0x44: {  	_ =	shalt  }
0x45: {  	_ =	shalt  }
0x46: {  	_ =	shalt  }
0x47: {  	_ =	shalt  }
0x48: {  	_ =	shalt  }
0x49: {  	_ =	shalt  }
0x4a: {  	_ =	shalt  }
0x4b: {  	_ =	shalt  }
0x4c: {  	_ =	shalt  }
0x4d: {  	_ =	shalt  }
0x4e: {  	_ =	shalt  }
0x4f: {  	_ =	shalt  }
0x50: {  	_ =	shalt  }
0x51: {  	_ =	shalt  }
0x52: {  	_ =	shalt  }
0x53: {  	_ =	shalt  }
0x54: {  	_ =	shalt  }
0x55: {  	_ =	shalt  }
0x56: {  	_ =	shalt  }
0x57: {  	_ =	shalt  }
0x58: {  	_ =	shalt  }
0x59: {  	_ =	shalt  }
0x5a: {  	_ =	shalt  }
0x5b: {  	_ =	shalt  }
0x5c: {  	_ =	shalt  }
0x5d: {  	_ =	shalt  }
0x5e: {  	_ =	shalt  }
0x5f: {  	_ =	shalt  }
0x60: {  	_ =	shalt  }
0x61: {  	_ =	shalt  }
0x62: {  	_ =	shalt  }
0x63: {  	_ =	shalt  }
0x64: {  	_ =	shalt  }
0x65: {  	_ =	shalt  }
0x66: {  	_ =	shalt  }
0x67: {  	_ =	shalt  }
0x68: {  	_ =	shalt  }
0x69: {  	_ =	shalt  }
0x6a: {  	_ =	shalt  }
0x6b: {  	_ =	shalt  }
0x6c: {  	_ =	shalt  }
0x6d: {  	_ =	shalt  }
0x6e: {  	_ =	shalt  }
0x6f: {  	_ =	shalt  }
0x70: {  	_ =	shalt  }
0x71: {  	_ =	shalt  }
0x72: {  	_ =	shalt  }
0x73: {  	_ =	shalt  }
0x74: {  	_ =	shalt  }
0x75: {  	_ =	shalt  }
0x76: {  	_ =	shalt  }
0x77: {  	_ =	shalt  }
0x78: {  	_ =	shalt  }
0x79: {  	_ =	shalt  }
0x7a: {  	_ =	shalt  }
0x7b: {  	_ =	shalt  }
0x7c: {  	_ =	shalt  }
0x7d: {  	_ =	shalt  }
0x7e: {  	_ =	shalt  }
0x7f: {  	_ =	shalt  }
0x80: {  	_ =	shalt  }
0x81: {  	_ =	shalt  }
0x82: {  	_ =	shalt  }
0x83: {  	_ =	shalt  }
0x84: {  	_ =	shalt  }
0x85: {  	_ =	shalt  }
0x86: {  	_ =	shalt  }
0x87: {  	_ =	shalt  }
.Lfunc_end0:
.L_simem_size_0:
called_computation_lowered:
.L_overlay_start_0:
0x88: {  	s2 =	sld [smem:$0x3FD9]  }
0x89: {  	s3 =	sld [smem:$0x3FFE];
	_ =	sdelay $0x1  }
0x8a: {  	s1 =	srdreg.scid  }
0x8b: {  	s0 =	sand.u32 $0x1, s1  }
0x8c: {  	s17 =	sshll.u32 s0, $0xA;
	s2 =	sadd.s32 s3, s2  }
0x8d: {  	s2 =	sadd.s32 s2, s17  }
0x8e: {  	[smem:$0x3FC3] =	sst s2  }
0x8f: {  	_ = 	snop  }
0x90: {  	s2 =	sld [smem:$0x3FD0];
	(tm) =	ssettm $0x1  }
0x91: {  	s18 =	sld [smem:$0x3FFB];
	_ =	sdelay $0x3  }
0x92: {  	_ =	strace s18  }
0x93: {  	s3 =	sld [smem:$0x3FFC];
	_ =	sdelay $0x3  }
0x94: {  	_ =	strace s3  }
0x95: {  	s3 =	sld [smem:$0x3FFD];
	_ =	sdelay $0x3  }
0x96: {  	_ =	strace s3  }
0x97: {  	_ =	strace $0x8FFFFFFF  }
0x98: {  	s19 =	sld [smem:$0x3FDB];
	_ =	sdelay $0x1  }
0x99: {  	s4 =	simm.s32 $_scs_section_size  }
0x9a: {  	s5 =	simm.s32 $_size__tile_overlayer_lowered;
	s6 =	simm.s32 $_tile_overlayer_lowered  }
0x9b: {  	s22 =	simm.s32 $0x1BFF;
	s21 =	sshll.u32 s6, $0x1;
	s3 =	sadd.s32 s4, s19  }
0x9c: {  	s7 =	simm.s32 $0x0;
	s20 =	sshll.u32 s5, $0x1;
	s5 =	sadd.s32 s21, s3  }
0x9d: {  	[timem:s7], [sflag:s22] =	dma.local [hbm:s5], s20  }
0x9e: {  	_ =	swait.ge [sflag:s22], s20  }
0x9f: {  	s4 =	ssub.s32 $0x0, s20;
	[sflag:s22] =	ssyncset.done $0x0  }
0xa0: {  	[sflag:s22] =	ssyncadd.s32 s4;
	_ =	sdelay $0x1  }
0xa1: {  	s23 =	simm.s32 $0x1B8B  }
0xa2: {  	_ =	swait.ge [sflag:s23], $0x1  }
0xa3: {  	[sflag:s23] =	ssyncset.done $0x0  }
0xa4: {  	s25 =	simm.s32 $0x1B8E;
	s24 =	sld [smem:$0x3FFE];
	[sflag:s23] =	ssyncadd.s32 $0xFFFFFFFF  }
0xa5: {  	s26 =	simm.s32 $execute0_lowered;
	[smem:$0x3FD2] =	sst s25  }
0xa6: {  	s5 =	sshll.u32 s26, $0x1;
	_ =	strace $0x80000046;
	[dreg:$0x1] =	wrdreg $0xFFFFFFFF  }
0xa7: {  	s28 =	simm.s32 $_size_execute0_lowered;
	s3 =	sadd.s32 s3, s5;
	[dreg:$0x0] =	wrdreg $0x0  }
0xa8: {  	s5 =	sshll.u32 s28, $0x1;
	[dreg:$0x2] =	wrdreg s3  }
0xa9: {  	[dreg:$0x3] =	wrdreg s5  }
0xaa: {  	[dreg:$0x4] =	wrdreg $0xC0  }
0xab: {  	_ =	task [dreg:s7], $0x5FFFF  }
0xac: {  	[dreg:$0x1] =	wrdreg $0xFFFFFFFF  }
0xad: {  	[dreg:$0x0] =	wrdreg $0x60  }
0xae: {  	[dreg:$0x2] =	wrdreg s24  }
0xaf: {  	[dreg:$0x3] =	wrdreg s2  }
0xb0: {  	[dreg:$0x4] =	wrdreg $0x9  }
0xb1: {  	_ =	task.clear_ibuf [dreg:s7], $0x5FFFF;
	_ =	strace $0x90000046  }
0xb2: {  	s29 =	simm.s32 $0x9;
	_ =	strace $0x80000048  }
0xb3: {  	_ =	swait.ge [sflag:s29], $0x1  }
0xb4: {  	[sflag:s29] =	ssyncadd.s32 $0xFFFFFFFF  }
0xb5: {  	_ =	strace $0x90000048  }
0xb6: {  	_ =	sfence  }
0xb7: {  	s30 =	sld [smem:$0x0];
	_ =	sdelay $0x2  }
0xb8: {  	s31 =	sshll.u32 s1, $0xD;
	s1 =	sshrl.u32 s1, $0x2  }
0xb9: {  	s3 =	sand.u32 $0x4000, s31;
	s1 =	sadd.s32 s1, s30  }
0xba: {  	s0 =	sor.u32 s3, s0;
	s1 =	sshll.u32 s1, $0x11  }
0xbb: {  	s0 =	sor.u32 s1, s0  }
0xbc: {  	s0 =	sadd.s32 $0x8F2B, s0  }
0xbd: {  	[sflag:s0] =	ssyncadd.remote.s32 $0x1  }
0xbe: {  	_ =	sfence.sel $0xFFFF  }
0xbf: {  	[dreg:$0x0] =	wrdreg $0xFFFFFFFF;
	(pc) =	sbr.abs _section_cstart, $3  }
0xc0: {  	[dreg:$0x1] =	wrdreg $0xFFFFFFFF  }
0xc1: {  	_ =	task.clear_ibuf [dreg:s7], $0x2FFFF;
	_ =	strace $0x9FFFFFFF  }
0xc2: {  	(tm) =	ssettm $0x7FFFFFFF  }
0xc3: {  	_ =	shalt  }
tec
execute0_lowered:
.L_overlay_start_1:
0x0: {  	(tag) =	ssettag $0x1  }
0x1: {  	s0 =	srdreg.scid;
	s1 =	stileid.u32  }
0x2: {  	s26 =	rddreg [dreg:$0x0];
	s28 =	simm.s32 $0x0;
	s0 =	sand.u32 $0x1, s0  }
0x3: {  	s12 =	simm.s32 $0x1;
	s1 =	sshll.u32 s1, $0x6;
	s2 =	sshll.u32 s0, $0x5  }
0x4: {  	v0 =	vlaneseq.u32;
	v9 =	vimm.s32 $0x0;
	[smem:$0x7FF] =	sst s28;
	s0 =	ssub.s32 $0x2, s0;
	s4 =	sor.u32 s2, s1  }
0x5: {  	v10 =	vimm.f32 $3.125000000e-02;
	v11 =	vimm.s32 $0x80;
	v12 =	vimm.s32 $0x80005400;
	s3 =	sshrl.u32 s0, $0x1;
	s1 =	sor.u32 $0x10, s4;
	s2 =	ssub.s32 $0x3D8, s4  }
0x6: {  	vm0 =	vcmask $0x300;
	vm2 =	vcmask $0xB08;
	vm7 =	vcmask $0x1F1C;
	s0 =	ssub.s32 s0, s3;
	s29 =	sxor.u32 $0x3E8, s4;
	[smem:$0x7F7] =	sst s1  }
0x7: {  	vm8 =	vcmask $0x2320;
	v1 =	vor.u32 s4, v0;
	v2 =	vor.u32 s1, v0;
	s1 =	sadd.s32 $0xA00, s26;
	p0 =	sgt.s32 s2, $0x0;
	s3 =	smin.u32 s29, $0x10  }
0x8: {  	vm9 =	vcmask $0x2724;
	vm10 =	vcmask $0x2B28;
	v1 =	vmin.u32 v1, $0x3E7;
	s0 =	smax.u32 s0, $0x1;
	_ =	strace $0x80000047;
	[smem:$0x7F8] =	sst s1  }
.Ltmp0:
0x9: {  	vm11 =	vcmask $0x2F2C;
	v4 =	vmul.u32 $0x5, v1;
	v1 =	vmin.u32 v2, $0x3E7;
	s1 =	smov.u32 s2;
	[smem:$0x7F9] =	sst s4;
	(pc) =	sbr.rel .LBB2_1-.Ltmp0, $4  }
0xa: {  	vm12 =	vcmask $0x3330;
	vm13 =	vcmask $0x3734;
	[smem:$0x7FA] =	sst s3;
	v8 =	vmul.u32 $0x5, v1;
	s1 =	simm.s32 @!p0 $0x0;
	p0 =	sgt.s32 s2, $0x1  }
0xb: {  	vm14 =	vcmask $0x3B38;
	s30 =	sadd.s32 $0xE00, s26;
	[smem:$0x7FC] =	sst s0;
	v1 =	vadd.s32 $0x1, v4;
	v2 =	vadd.s32 $0x2, v4;
	s2 =	simm.s32 @!p0 $0x1  }
0xc: {  	s31 =	simm.s32 $0x10;
	[smem:$0x7FD] =	sst s30;
	v3 =	vadd.s32 $0x3, v4;
	v4 =	vadd.s32 $0x4, v4;
	v5 =	vadd.s32 $0x1, v8;
	s2 =	smin.u32 s2, $0x10  }
0xd: {  	p0 =	seq.s32 s1, $0x0;
	s1 =	simm.s32 $0x0;
	v6 =	vadd.s32 $0x2, v8;
	v7 =	vadd.s32 $0x3, v8;
	v8 =	vadd.s32 $0x4, v8;
	[smem:$0x7FB] =	sst s2  }
.LBB2_64:
0xe: {  	s1 =	sld [smem:$0x7F6]  }
0xf: {  	s0 =	sld [smem:$0x7FC];
	_ =	sdelay $0x1  }
0x10: {  	s1 =	sadd.s32 $0x1, s1  }
0x11: {  	p1 =	sne.s32 s1, s0  }
.Ltmp1:
0x12: {  	_ = 	snop;
	(pc) =	sbr.rel @!p1 .LBB2_65-.Ltmp1, $1  }
0x13: {  	_ =	sdelay $0x3  }
.LBB2_1:
0x14: {  	s28 =	sld [smem:$0x7F8];
	_ =	sdelay $0x1  }
0x15: {  	[smem:$0x7F6] =	sst s1;
	s0 =	simm.s32 $0x0;
	s29 =	simm.s32 $0x2  }
0x16: {  	[tilespmem:s0], [sflag:$0x2] =	stream.linear.gather [hbm4b:s28+s0], $0x1388, $0x38;
	[tilespmem:$0x1DA68] =	vst v63  }
0x17: {  	_ =	swait.ge [sflag:s29], $0x1388  }
0x18: {  	[sflag:s29] =	ssyncset.done $0x0  }
0x19: {  	[sflag:s29] =	ssyncadd.s32 $0xFFFFEC78  }
0x1a: {  	v13 =	vld.idx.msk [tilespmem:v1+s0+$0x0], $0xffff  }
0x1b: {  	v14 =	vld.idx.msk [tilespmem:v2+s0+$0x0], $0xffff  }
0x1c: {  	v15 =	vld.idx.msk [tilespmem:v3+s0+$0x0], $0xffff  }
0x1d: {  	v16 =	vld.idx.msk [tilespmem:v4+s0+$0x0], $0xffff;
	_ =	sdelay $0x4  }
0x1e: {  	v17 =	vsub.f32 v15, v13;
	v18 =	vsub.f32 v16, v14;
	_ =	sdelay $0x1  }
0x1f: {  	v17 =	vadd.f32 $1.000000000e+00, v17;
	v18 =	vadd.f32 $1.000000000e+00, v18;
	_ =	sdelay $0x1  }
0x20: {  	v17 =	vmul.f32 v18, v17;
	_ =	sdelay $0x1  }
0x21: {  	vm15 =	vge.f32 v17, $1.254400000e+04;
	vm1 =	vge.f32 v17, $5.017600000e+04  }
0x22: {  	v18 =	vsel vm15, $0x1, v9;
	v19 =	vsel vm1, $0x1, v9;
	vm15 =	vge.f32 v17, $2.007040000e+05  }
0x23: {  	v17 =	vadd.s32 v19, v18;
	v18 =	vsel vm15, $0x1, v9  }
0x24: {  	v17 =	vadd.s32 v18, v17  }
0x25: {  	v18 =	vimm.s32 $0x0;
	vm15 =	veq.s32 v17, $0x2  }
0x26: {  	v18 =	vsel vm15, $0xFFFFFFFF, v18  }
0x27: {  	vm15 =	veq.s32 v17, $0x1;
	[tilespmem:$0x1FFD0] =	vst v18;
	v18 =	vimm.s32 $0x0  }
0x28: {  	v18 =	vsel vm15, $0xFFFFFFFF, v18  }
0x29: {  	[tilespmem:$0x1FFE0] =	vst v18;
	v18 =	vld [tilespmem:$0x1FFD0];
	_ =	sdelay $0x4  }
0x2a: {  	vm15 =	vnez.u8 v18  }
0x2b: {  	v19 =	vimm.s32 $0x0;
	v18 =	vsel vm15, $0x3D800000, v10;
	vm15 =	veq.s32 v17, $0x0  }
0x2c: {  	v19 =	vsel vm15, $0xFFFFFFFF, v19  }
0x2d: {  	[tilespmem:$0x1FFF0] =	vst v19;
	v19 =	vld [tilespmem:$0x1FFE0];
	_ =	sdelay $0x4  }
0x2e: {  	vm15 =	vnez.u8 v19;
	v19 =	vld [tilespmem:$0x1FFF0];
	_ =	sdelay $0x4  }
0x2f: {  	v18 =	vsel vm15, $0x3E000000, v18;
	vm15 =	vnez.u8 v19  }
0x30: {  	v18 =	vsel vm15, $0x3E800000, v18  }
0x31: {  	v13 =	vmul.f32 v18, v13;
	_ =	sdelay $0x1  }
0x32: {  	v19 =	vtrunc.f32 v13  }
0x33: {  	v19 =	vcvt.f32.s32 v19;
	_ =	sdelay $0x1  }
0x34: {  	v20 =	vcvt.s32.f32 v19;
	_ =	sdelay $0x1  }
0x35: {  	v13 =	vsub.f32 v13, v20;
	_ =	sdelay $0x1  }
0x36: {  	v21 =	vand.u32 $0x1, v19;
	v20 =	vimm.s32 $0x0;
	vm15 =	veq.f32 v13, $5.000000000e-01  }
0x37: {  	v20 =	vsel vm15, $0xFFFFFFFF, v20;
	vm15 =	veq.s32 v21, $0x1;
	v21 =	vimm.s32 $0x0  }
0x38: {  	vm1 =	vgt.f32 v13, $5.000000000e-01;
	v13 =	vimm.s32 $0x0;
	v21 =	vsel vm15, $0xFFFFFFFF, v21  }
0x39: {  	v13 =	vsel vm1, $0xFFFFFFFF, v13;
	[tilespmem:$0x1FE30] =	vst v21  }
0x3a: {  	[tilespmem:$0x1FE50] =	vst v13;
	v13 =	vld [tilespmem:$0x1FE30];
	_ =	sdelay $0x3  }
0x3b: {  	[tilespmem:$0x1FE40] =	vst v20  }
0x3c: {  	v15 =	vmul.f32 v18, v15;
	vm15 =	vnez.u8 v13;
	v13 =	vld [tilespmem:$0x1FE40]  }
0x3d: {  	v14 =	vmul.f32 v18, v14  }
0x3e: {  	v16 =	vmul.f32 v18, v16;
	v20 =	vtrunc.f32 v15;
	v18 =	vld [tilespmem:$0x1FE50]  }
0x3f: {  	v20 =	vcvt.f32.s32 v20  }
0x40: {  	v22 =	vtrunc.f32 v14  }
0x41: {  	v21 =	vcvt.f32.s32 v22;
	vm1 =	vnez.u8 v13;
	v13 =	vcvt.s32.f32 v20  }
0x42: {  	v22 =	vtrunc.f32 v16;
	vm3 =	vmand vm1, vm15  }
0x43: {  	vm15 =	vnez.u8 v18;
	v18 =	vcvt.s32.f32 v21;
	v13 =	vsub.f32 v15, v13  }
0x44: {  	vm15 =	vmor vm15, vm3;
	v15 =	vcvt.f32.s32 v22;
	v22 =	vimm.s32 $0x0  }
0x45: {  	v23 =	vsel vm15, $0x1, v9;
	v14 =	vsub.f32 v14, v18;
	vm15 =	veq.f32 v13, $5.000000000e-01  }
0x46: {  	v22 =	vsel vm15, $0xFFFFFFFF, v22  }
0x47: {  	vm15 =	veq.f32 v14, $5.000000000e-01;
	[tilespmem:$0x1FE60] =	vst v22;
	v22 =	vimm.s32 $0x0  }
0x48: {  	v22 =	vsel vm15, $0xFFFFFFFF, v22  }
0x49: {  	[tilespmem:$0x1FE70] =	vst v22;
	v22 =	vld [tilespmem:$0x1FE60];
	_ =	sdelay $0x3  }
0x4a: {  	v18 =	vand.u32 $0x1, v20  }
0x4b: {  	vm3 =	veq.s32 v18, $0x1;
	vm15 =	vnez.u8 v22  }
0x4c: {  	v18 =	vcvt.s32.f32 v15;
	v22 =	vimm.s32 $0x0;
	vm15 =	vmand vm15, vm3  }
0x4d: {  	v22 =	vsel vm15, $0xFFFFFFFF, v22;
	vm15 =	vgt.f32 v13, $5.000000000e-01;
	v13 =	vimm.s32 $0x0  }
0x4e: {  	v13 =	vsel vm15, $0xFFFFFFFF, v13  }
0x4f: {  	[tilespmem:$0x1FE90] =	vst v13;
	v13 =	vsub.f32 v16, v18;
	v16 =	vld [tilespmem:$0x1FE70];
	_ =	sdelay $0x3  }
0x50: {  	[tilespmem:$0x1FE80] =	vst v22;
	v22 =	vand.u32 $0x1, v21  }
0x51: {  	vm3 =	veq.s32 v22, $0x1;
	vm15 =	vnez.u8 v16  }
0x52: {  	v16 =	vimm.s32 $0x0;
	vm15 =	vmand vm15, vm3  }
0x53: {  	v16 =	vsel vm15, $0xFFFFFFFF, v16  }
0x54: {  	[tilespmem:$0x1FEB0] =	vst v16;
	v16 =	vld [tilespmem:$0x1FE80];
	_ =	sdelay $0x4  }
0x55: {  	vm15 =	vnez.u8 v16;
	v16 =	vld [tilespmem:$0x1FE90];
	_ =	sdelay $0x4  }
0x56: {  	vm3 =	vnez.u8 v16  }
0x57: {  	vm15 =	vmor vm3, vm15  }
0x58: {  	v22 =	vimm.s32 $0x0;
	vm3 =	veq.f32 v13, $5.000000000e-01;
	v18 =	vsel vm15, $0x1, v9  }
0x59: {  	v22 =	vsel vm3, $0xFFFFFFFF, v22;
	vm15 =	vgt.f32 v14, $5.000000000e-01;
	v14 =	vimm.s32 $0x0  }
0x5a: {  	[tilespmem:$0x1FEA0] =	vst v22;
	v14 =	vsel vm15, $0xFFFFFFFF, v14  }
0x5b: {  	[tilespmem:$0x1FEC0] =	vst v14;
	v14 =	vld [tilespmem:$0x1FEA0]  }
0x5c: {  	vm4 =	vgt.f32 v13, $5.000000000e-01;
	v13 =	vld [tilespmem:$0x1FEB0];
	_ =	sdelay $0x2  }
0x5d: {  	v16 =	vand.u32 $0x1, v15  }
0x5e: {  	vm3 =	veq.s32 v16, $0x1;
	vm15 =	vnez.u8 v14  }
0x5f: {  	vm3 =	vmand vm15, vm3;
	vm15 =	vnez.u8 v13;
	v13 =	vld [tilespmem:$0x1FEC0];
	_ =	sdelay $0x3  }
0x60: {  	v14 =	vimm.s32 $0x0  }
0x61: {  	v14 =	vsel vm3, $0xFFFFFFFF, v14;
	vm3 =	vnez.u8 v13  }
0x62: {  	v13 =	vimm.s32 $0x0;
	vm3 =	vmor vm3, vm15  }
0x63: {  	[tilespmem:$0x1FED0] =	vst v14;
	v13 =	vsel vm3, $0xFFFFFFFF, v13  }
0x64: {  	[tilespmem:$0x1FEE0] =	vst v13;
	v13 =	vld [tilespmem:$0x1FED0]  }
0x65: {  	v14 =	vld [tilespmem:$0x1FEE0];
	_ =	sdelay $0x3  }
0x66: {  	v19 =	vadd.s32 v19, v23;
	vm15 =	vnez.u8 v13  }
0x67: {  	v13 =	vadd.s32 v18, v20;
	vm4 =	vmor vm4, vm15;
	vm15 =	vnez.u8 v14  }
0x68: {  	v13 =	vsub.s32 v13, v19;
	v14 =	vsel vm15, $0x1, v9;
	v16 =	vsel vm4, $0x1, v9  }
0x69: {  	v13 =	vadd.s32 $0x1, v13;
	v14 =	vadd.s32 v21, v14;
	v15 =	vadd.s32 v16, v15  }
0x6a: {  	v24 =	vshrl.u32 v11, v17;
	vm15 =	vgt.s32 v13, $0x1;
	v15 =	vsub.s32 v15, v14  }
0x6b: {  	v16 =	vadd.s32 $0x1, v24;
	v13 =	vnsel vm15, $0x1, v13;
	v15 =	vadd.s32 $0x1, v15  }
0x6c: {  	v17 =	vmin.u32 v16, v13;
	vm15 =	vgt.s32 v15, $0x1  }
0x6d: {  	v13 =	vnsel vm15, $0x1, v15;
	vm15 =	veq.s32 v17, $0x1D;
	v15 =	vimm.s32 $0x0  }
0x6e: {  	v15 =	vsel vm15, $0xFFFFFFFF, v15  }
0x6f: {  	[tilespmem:$0x1FEF0] =	vst v15  }
0x70: {  	v15 =	vmin.u32 v16, v13;
	v13 =	vld [tilespmem:$0x1FEF0];
	_ =	sdelay $0x4  }
0x71: {  	vm4 =	veq.s32 v17, $0x3A;
	vm15 =	vnez.u8 v13  }
0x72: {  	v13 =	vimm.s32 $0x0;
	vm15 =	vmor vm15, vm4  }
0x73: {  	v13 =	vsel vm15, $0xFFFFFFFF, v13  }
0x74: {  	vm15 =	veq.s32 v17, $0x74;
	[tilespmem:$0x1FF10] =	vst v13;
	v13 =	vimm.s32 $0x0  }
0x75: {  	v13 =	vsel vm15, $0xFFFFFFFF, v13  }
0x76: {  	vm4 =	veq.s32 v15, $0x3A;
	[tilespmem:$0x1FF00] =	vst v13;
	v13 =	vimm.s32 $0x0  }
0x77: {  	v13 =	vsel vm4, $0xFFFFFFFF, v13  }
0x78: {  	[tilespmem:$0x1FF20] =	vst v13;
	v13 =	vld [tilespmem:$0x1FF00];
	_ =	sdelay $0x4  }
0x79: {  	vm15 =	vnez.u8 v13;
	v13 =	vld [tilespmem:$0x1FF10];
	_ =	sdelay $0x4  }
0x7a: {  	vm4 =	vnez.u8 v13  }
0x7b: {  	v13 =	vimm.s32 $0x0;
	vm15 =	vmor vm15, vm4  }
0x7c: {  	v13 =	vsel vm15, $0xFFFFFFFF, v13  }
0x7d: {  	[tilespmem:$0x1FF40] =	vst v13;
	v13 =	vld [tilespmem:$0x1FF20];
	_ =	sdelay $0x4  }
0x7e: {  	vm5 =	veq.s32 v15, $0x1D;
	vm15 =	vnez.u8 v13  }
0x7f: {  	v13 =	vimm.s32 $0x0;
	vm5 =	vmor vm5, vm15  }
0x80: {  	v13 =	vsel vm5, $0xFFFFFFFF, v13  }
0x81: {  	vm15 =	veq.s32 v17, $0x7B;
	[tilespmem:$0x1FF30] =	vst v13;
	v13 =	vimm.s32 $0x0  }
0x82: {  	v13 =	vsel vm15, $0xFFFFFFFF, v13  }
0x83: {  	[tilespmem:$0x1FF50] =	vst v13;
	v13 =	vld [tilespmem:$0x1FF30];
	_ =	sdelay $0x4  }
0x84: {  	vm5 =	veq.s32 v15, $0x74;
	vm15 =	vnez.u8 v13  }
0x85: {  	v13 =	vimm.s32 $0x0;
	vm5 =	vmor vm5, vm15  }
0x86: {  	v13 =	vsel vm5, $0xFFFFFFFF, v13  }
0x87: {  	vm5 =	veq.s32 v15, $0x7B;
	[tilespmem:$0x1FF60] =	vst v13;
	v13 =	vimm.s32 $0x0  }
0x88: {  	v13 =	vsel vm5, $0xFFFFFFFF, v13  }
0x89: {  	[tilespmem:$0x1FF70] =	vst v13;
	v13 =	vld [tilespmem:$0x1FF40];
	_ =	sdelay $0x4  }
0x8a: {  	vm15 =	vnez.u8 v13;
	v13 =	vld [tilespmem:$0x1FF50];
	_ =	sdelay $0x4  }
0x8b: {  	vm5 =	vnez.u8 v13  }
0x8c: {  	v13 =	vimm.s32 $0x0;
	vm5 =	vmor vm5, vm15  }
0x8d: {  	v13 =	vsel vm5, $0xFFFFFFFF, v13  }
0x8e: {  	[tilespmem:$0x1FF80] =	vst v13;
	v13 =	vld [tilespmem:$0x1FF60];
	_ =	sdelay $0x4  }
0x8f: {  	vm15 =	vnez.u8 v13;
	v13 =	vld [tilespmem:$0x1FF70];
	_ =	sdelay $0x4  }
0x90: {  	vm6 =	vnez.u8 v13  }
0x91: {  	v13 =	vimm.s32 $0x0;
	vm6 =	vmor vm6, vm15  }
0x92: {  	v13 =	vsel vm6, $0xFFFFFFFF, v13  }
0x93: {  	[tilespmem:$0x1FF90] =	vst v13;
	v13 =	vld [tilespmem:$0x1FF80];
	_ =	sdelay $0x4  }
0x94: {  	vm15 =	vnez.u8 v13;
	v13 =	vld [tilespmem:$0x1FF90];
	_ =	sdelay $0x4  }
0x95: {  	v18 =	vsel vm15, $0x1, v9;
	vm15 =	vnez.u8 v13  }
0x96: {  	v13 =	vadd.s32 v14, v15;
	v20 =	vsel vm15, $0x1, v9  }
0x97: {  	vm15 =	vgt.s32 v14, $0x0;
	v13 =	vadd.s32 v20, v13  }
0x98: {  	v22 =	vimm.s32 $0x0;
	v21 =	vnsel vm15, $0x0, v14;
	vm15 =	vgt.s32 v13, $0x0  }
0x99: {  	v22 =	vsel vm15, $0xFFFFFFFF, v22  }
0x9a: {  	vm15 =	vgt.s32 v19, $0x0;
	[tilespmem:$0x1FFA0] =	vst v22;
	v22 =	vimm.s32 $0x0  }
0x9b: {  	v22 =	vsel vm15, $0xFFFFFFFF, v22  }
0x9c: {  	[tilespmem:$0x1FFB0] =	vst v22;
	v22 =	vld [tilespmem:$0x1FFA0];
	_ =	sdelay $0x3  }
0x9d: {  	v16 =	vadd.s32 v19, v17  }
0x9e: {  	v16 =	vadd.s32 v18, v16;
	vm15 =	vnez.u8 v22  }
0x9f: {  	v22 =	vimm.s32 $0x0;
	v13 =	vnsel vm15, $0x0, v13;
	vm15 =	vgt.s32 v16, $0x0  }
0xa0: {  	v22 =	vsel vm15, $0xFFFFFFFF, v22  }
0xa1: {  	[tilespmem:$0x1FFC0] =	vst v22;
	v22 =	vld [tilespmem:$0x1FFB0]  }
0xa2: {  	v23 =	vld [tilespmem:$0x1FFC0];
	_ =	sdelay $0x3  }
0xa3: {  	vm15 =	vnez.u8 v22  }
0xa4: {  	v22 =	vnsel vm15, $0x0, v19;
	vm15 =	vnez.u8 v23  }
0xa5: {  	v21 =	vmin.u32 v24, v21;
	v16 =	vnsel vm15, $0x0, v16  }
0xa6: {  	v13 =	vmin.u32 v24, v13;
	v22 =	vmin.u32 v24, v22;
	v16 =	vmin.u32 v24, v16  }
0xa7: {  	v23 =	vsub.s32 v16, v22;
	v16 =	vor.u32 $0x80000000, v17;
	v17 =	vor.u32 $0x80000000, v20;
	v20 =	vld [tilespmem:$0x1FFD0]  }
0xa8: {  	v13 =	vsub.s32 v13, v21  }
0xa9: {  	v13 =	vmul.u32 v23, v13;
	_ =	sdelay $0x1  }
0xaa: {  	vm15 =	vlt.s32 v13, $0x480  }
0xab: {  	v25 =	vnsel vm15, $0x480, v13;
	vm15 =	vnez.u8 v20;
	v20 =	vor.u32 $0x80000000, v22;
	v22 =	vld [tilespmem:$0x1FFE0];
	_ =	sdelay $0x4  }
0xac: {  	v26 =	vsel vm15, $0x80005000, v12;
	vm15 =	vnez.u8 v22;
	v22 =	vxor.u32 $0x80000000, v25;
	v25 =	vld [tilespmem:$0x1FFF0];
	_ =	sdelay $0x1  }
.Ltmp2:
0xad: {  	vm1 =	vcmask $0x704;
	vm3 =	vcmask $0xF0C;
	vm4 =	vcmask $0x1310;
	(pc) =	sbr.rel .LBB2_2-.Ltmp2, $4  }
0xae: {  	vm5 =	vcmask $0x1714;
	vm6 =	vcmask $0x1B18;
	v18 =	vor.u32 $0x80000000, v18  }
0xaf: {  	v13 =	vxor.u32 $0x80000000, v14;
	v14 =	vxor.u32 $0x80000000, v19;
	v19 =	vor.u32 $0x80000000, v21  }
0xb0: {  	v21 =	vxor.u32 $0x80000000, v23;
	v23 =	vsel vm15, $0x80004000, v26;
	vm15 =	vnez.u8 v25  }
0xb1: {  	s26 =	simm.s32 $0x0;
	v15 =	vor.u32 $0x80000000, v15;
	v24 =	vor.u32 $0x80000000, v24;
	v23 =	vsel vm15, $0x80000000, v23  }
.LBB2_30:
0xb2: {  	[sflag:s12] =	ssyncadd.s32 $0xFFFFFA00  }
.LBB2_31:
0xb3: {  	s0 =	sld [smem:$0x7F9];
	_ =	sdelay $0x2  }
0xb4: {  	s0 =	sadd.s32 s0, s26  }
0xb5: {  	s0 =	smul.u32 $0x24C, s0  }
0xb6: {  	s1 =	rddreg [dreg:$0x1];
	s25 =	simm.s32 $0x0  }
0xb7: {  	s2 =	simm.s32 $0x1C808;
	s28 =	simm.s32 $0x2;
	s0 =	sadd.s32 s1, s0  }
0xb8: {  	[hbm4b:s0+s25] =	stream.linear.scatter [tilespmem:s2], [sflag:$0x2], $0x1260, $0x38;
	[tilespmem:$0x1DA68] =	vst v63  }
0xb9: {  	_ =	swait.ge [sflag:s28], $0x1260  }
0xba: {  	s29 =	sld [smem:$0x7FA];
	_ =	sdelay $0x1  }
0xbb: {  	s26 =	sadd.s32 $0x1, s26  }
0xbc: {  	p1 =	sne.s32 s26, s29  }
.Ltmp3:
0xbd: {  	_ = 	snop;
	(pc) =	sbr.rel @!p1 .LBB2_32-.Ltmp3, $3  }
0xbe: {  	_ =	sdelay $0x1  }
0xbf: {  	[sflag:s28] =	ssyncset.done $0x0  }
0xc0: {  	[sflag:s28] =	ssyncadd.s32 $0xFFFFEDA0  }
.LBB2_2:
0xc1: {  	v25 =	vmov s26  }
0xc2: {  	vm15 =	veq.s32 v25, v0  }
0xc3: {  	v25 =	vnsel vm15, $0x0, v13  }
0xc4: {  	(xrf0) =	vmax.scan.msk.u32 $0xffff, v25;
	v25 =	vnsel vm15, $0x0, v14  }
0xc5: {  	(xrf0) =	vmax.scan.msk.u32 $0xffff, v25;
	v25 =	vnsel vm15, $0x0, v15  }
0xc6: {  	(xrf0) =	vmax.scan.msk.u32 $0xffff, v25;
	v25 =	vnsel vm15, $0x0, v16  }
0xc7: {  	(xrf0) =	vmax.scan.msk.u32 $0xffff, v25;
	v25 =	vnsel vm15, $0x0, v17  }
0xc8: {  	(xrf0) =	vmax.scan.msk.u32 $0xffff, v25;
	v25 =	vnsel vm15, $0x0, v18  }
0xc9: {  	(xrf0) =	vmax.scan.msk.u32 $0xffff, v25;
	v25 =	vnsel vm15, $0x0, v19  }
0xca: {  	v26, _, _ =	vpop (xrf0);
	(xrf0) =	vmax.scan.msk.u32 $0xffff, v25;
	v25 =	vnsel vm15, $0x0, v20  }
0xcb: {  	(v2sf) =	vpush v26, $0xF;
	v26, _, _ =	vpop (xrf0);
	(xrf0) =	vmax.scan.msk.u32 $0xffff, v25;
	v25 =	vnsel vm15, $0x0, v21  }
0xcc: {  	(v2sf) =	vpush v26, $0xF;
	v26, _, _ =	vpop (xrf0);
	(xrf0) =	vmax.scan.msk.u32 $0xffff, v25;
	v25 =	vnsel vm15, $0x0, v22;
	_ =	sdelay $0x1  }
0xcd: {  	(v2sf) =	vpush v26, $0xF;
	v26, _, _ =	vpop (xrf0);
	(xrf0) =	vmax.scan.msk.u32 $0xffff, v25  }
0xce: {  	(v2sf) =	vpush v26, $0xF;
	v25, _, _ =	vpop (xrf0)  }
0xcf: {  	v26, _, _ =	vpop (xrf0);
	(v2sf) =	vpush v25, $0xF  }
0xd0: {  	v25, _, _ =	vpop (xrf0);
	(v2sf) =	vpush v26, $0xF  }
0xd1: {  	v26, _, _ =	vpop (xrf0);
	(v2sf) =	vpush v25, $0xF  }
0xd2: {  	v25, _, _ =	vpop (xrf0);
	(v2sf) =	vpush v26, $0xF  }
0xd3: {  	(v2sf) =	vpush v25, $0xF;
	v25, _, _ =	vpop (xrf0)  }
0xd4: {  	(v2sf) =	vpush v25, $0xF;
	_ =	sdelay $0x2  }
0xd5: {  	v25 =	vnsel vm15, $0x0, v24  }
0xd6: {  	(xrf0) =	vmax.scan.msk.u32 $0xffff, v25;
	_ =	sdelay $0x1  }
0xd7: {  	s6 =	spop (v2sf)  }
0xd8: {  	s7 =	spop (v2sf)  }
0xd9: {  	s9 =	spop (v2sf)  }
0xda: {  	s11 =	spop (v2sf)  }
0xdb: {  	v25, _, _ =	vpop (xrf0);
	s13 =	spop (v2sf)  }
0xdc: {  	(v2sf) =	vpush v25, $0xF;
	s10 =	spop (v2sf)  }
0xdd: {  	s8 =	spop (v2sf)  }
0xde: {  	s17 =	spop (v2sf)  }
0xdf: {  	s1 =	spop (v2sf)  }
0xe0: {  	s0 =	spop (v2sf)  }
0xe1: {  	s2 =	sadd.s32 $0x8000000F, s0  }
0xe2: {  	s3 =	sand.u32 $0xF, s2  }
0xe3: {  	s4 =	sshra.s32 s2, $0x1F;
	p1 =	slt.s32 s2, $0x1;
	p2 =	sne.s32 s3, $0x0  }
0xe4: {  	s23 =	sshrl.u32 s4, $0x1C;
	p1 =	por !p1, !p2  }
0xe5: {  	s3 =	simm.s32 $0x1;
	s2 =	sadd.s32 s23, s2;
	p1 =	por !p1, !p1  }
0xe6: {  	s2 =	sshra.s32 s2, $0x4;
	s3 =	simm.s32 @!p1 $0x0  }
0xe7: {  	s28 =	ssub.s32 s2, s3  }
0xe8: {  	p2 =	slt.s32 s28, $0x1  }
.Ltmp4:
0xe9: {  	_ = 	snop;
	(pc) =	sbr.rel @p2 .LBB2_12-.Ltmp4, $4  }
0xea: {  	_ = 	snop  }
0xeb: {  	s25 =	sxor.u32 $0x80000000, s8;
	s29 =	sxor.u32 $0x80000000, s1;
	s24 =	spop (v2sf)  }
0xec: {  	[smem:$0x7F4] =	sst s25;
	p1 =	sgt.s32 s29, $0x1;
	s1 =	sxor.u32 $0x80000000, s24  }
0xed: {  	s29 =	simm.s32 @!p1 $0x1;
	[smem:$0x7F5] =	sst s1  }
0xee: {  	v25 =	vnsel vm15, $0x0, v23  }
0xef: {  	(xrf0) =	vmax.scan.msk.u32 $0xffff, v25;
	_ =	sdelay $0x5  }
0xf0: {  	v25, _, _ =	vpop (xrf0)  }
0xf1: {  	(v2sf) =	vpush v25, $0xF;
	v25 =	vmov s29  }
0xf2: {  	(v2sf) =	vpush v25, $0xE  }
0xf3: {  	(v2sf) =	vpush v25, $0xD  }
0xf4: {  	(v2sf) =	vpush v25, $0xC  }
0xf5: {  	(v2sf) =	vpush v25, $0xB  }
0xf6: {  	[smem:$0x7CF] =	sst s13;
	(v2sf) =	vpush v25, $0xA  }
0xf7: {  	[smem:$0x7D0] =	sst s11  }
0xf8: {  	[smem:$0x7D1] =	sst s10;
	(v2sf) =	vpush v25, $0x9  }
0xf9: {  	[smem:$0x7D2] =	sst s9  }
0xfa: {  	[smem:$0x7D3] =	sst s7;
	(v2sf) =	vpush v25, $0x8  }
0xfb: {  	[smem:$0x7D4] =	sst s6;
	(v2sf) =	vpush v25, $0x7  }
0xfc: {  	[smem:$0x7D5] =	sst s8;
	(v2sf) =	vpush v25, $0x6  }
0xfd: {  	[smem:$0x7D6] =	sst s26;
	(v2sf) =	vpush v25, $0x5  }
0xfe: {  	[smem:$0x7D7] =	sst s29;
	(v2sf) =	vpush v25, $0x4  }
0xff: {  	s4 =	simm.s32 $0x0;
	s2 =	simm.s32 $0x0;
	[smem:$0x7D9] =	sst s17;
	(v2sf) =	vpush v25, $0x3  }
0x100: {  	s26 =	sxor.u32 $0x80000000, s17;
	s0 =	sxor.u32 $0x80000000, s0;
	(v2sf) =	vpush v25, $0x2;
	s1 =	spop (v2sf)  }
0x101: {  	[smem:$0x7D8] =	sst s2;
	(v2sf) =	vpush v25, $0x1;
	s3 =	spop (v2sf);
	s1 =	sadd.s32 s1, s26  }
0x102: {  	v30 =	vor.u32 s4, v0;
	[smem:$0x7F1] =	sst s0;
	(v2sf) =	vpush v25, $0x0;
	s5 =	spop (v2sf);
	s4 =	sadd.s32 $0x80000000, s1  }
0x103: {  	(v2sf) =	vpush v25, $0xF;
	s9 =	spop (v2sf);
	[smem:$0x7F0] =	sst s4;
	s4 =	sshra.s32 s3, $0x1F  }
0x104: {  	(v2sf) =	vpush v30, $0xE;
	s22 =	sshra.s32 s5, $0x1F;
	s11 =	spop (v2sf);
	s0 =	sshra.s32 s9, $0x1F  }
0x105: {  	(v2sf) =	vpush v30, $0xD;
	s3 =	sxor.u32 s4, s3;
	[dreg:$0x5] =	wrdreg s22;
	s13 =	spop (v2sf)  }
0x106: {  	(v2sf) =	vpush v30, $0xC;
	s18 =	sshra.s32 s11, $0x1F;
	s6 =	sxor.u32 s0, s9;
	[smem:$0x7E7] =	sst s3  }
0x107: {  	(v2sf) =	vpush v30, $0xB;
	s19 =	spop (v2sf);
	s2 =	sshra.s32 s13, $0x1F;
	[smem:$0x7E9] =	sst s6  }
0x108: {  	(v2sf) =	vpush v30, $0xA;
	s25 =	sxor.u32 s18, s11;
	s8 =	sxor.u32 s2, s13;
	[dreg:$0x9] =	wrdreg s2  }
0x109: {  	s10 =	spop (v2sf);
	(v2sf) =	vpush v30, $0x9;
	s26 =	sshra.s32 s19, $0x1F;
	[smem:$0x7E8] =	sst s8  }
0x10a: {  	s21 =	spop (v2sf);
	s6 =	sxor.u32 s26, s19;
	[smem:$0x7EC] =	sst s26  }
0x10b: {  	s23 =	spop (v2sf);
	[smem:$0x7ED] =	sst s6;
	s24 =	sshra.s32 s21, $0x1F  }
0x10c: {  	(v2sf) =	vpush v30, $0x8;
	s14 =	spop (v2sf);
	s29 =	sshra.s32 s23, $0x1F;
	s21 =	sxor.u32 s24, s21  }
0x10d: {  	(v2sf) =	vpush v30, $0x7;
	s15 =	spop (v2sf);
	s9 =	sxor.u32 s29, s23;
	[smem:$0x7EE] =	sst s29  }
0x10e: {  	s6 =	sshra.s32 s14, $0x1F;
	s16 =	spop (v2sf);
	[smem:$0x7EF] =	sst s9  }
0x10f: {  	s13 =	sshra.s32 s15, $0x1F;
	s17 =	spop (v2sf);
	s11 =	sshra.s32 s16, $0x1F  }
0x110: {  	[smem:$0x7DB] =	sst s13;
	s3 =	sxor.u32 s13, s15;
	s12 =	spop (v2sf)  }
0x111: {  	s13 =	smov.u32 s4;
	[smem:$0x7DA] =	sst s11;
	s1 =	spop (v2sf)  }
0x112: {  	s16 =	sxor.u32 s11, s16;
	[smem:$0x7DC] =	sst s3;
	s20 =	spop (v2sf)  }
0x113: {  	s11 =	smov.u32 s24;
	[dreg:$0x3] =	wrdreg s13;
	s19 =	spop (v2sf)  }
0x114: {  	[smem:$0x7EA] =	sst s11;
	s4 =	sshra.s32 s1, $0x1F;
	s9 =	spop (v2sf)  }
0x115: {  	[smem:$0x7DE] =	sst s4;
	s1 =	sxor.u32 s4, s1;
	s8 =	spop (v2sf)  }
0x116: {  	[smem:$0x7DF] =	sst s1;
	s1 =	smov.u32 s28;
	s23 =	spop (v2sf)  }
0x117: {  	[smem:$0x7F2] =	sst s1;
	s1 =	sadd.s32 $0xFFFFFFFF, s1;
	s15 =	spop (v2sf)  }
0x118: {  	s24 =	sxor.u32 s6, s14;
	[smem:$0x7F3] =	sst s1;
	s14 =	spop (v2sf)  }
0x119: {  	[smem:$0x7DD] =	sst s14;
	s14 =	sshra.s32 s12, $0x1F  }
0x11a: {  	[smem:$0x7E0] =	sst s14;
	s4 =	sxor.u32 s14, s12  }
0x11b: {  	(v2sf) =	vpush v30, $0x6;
	s12 =	spop (v2sf);
	[smem:$0x7E1] =	sst s4  }
0x11c: {  	(v2sf) =	vpush v30, $0x5;
	[dreg:$0x18] =	wrdreg s12;
	s14 =	spop (v2sf)  }
0x11d: {  	(v2sf) =	vpush v30, $0x4;
	s4 =	sshra.s32 s17, $0x1F;
	[dreg:$0x1a] =	wrdreg s14  }
0x11e: {  	(v2sf) =	vpush v30, $0x3;
	s12 =	sshra.s32 s20, $0x1F;
	[smem:$0x7E2] =	sst s4  }
0x11f: {  	[smem:$0x7E4] =	sst s12  }
0x120: {  	s5 =	sxor.u32 s22, s5;
	(v2sf) =	vpush v30, $0x2;
	s14 =	sxor.u32 s12, s20;
	s20 =	sld [smem:$0x7E7]  }
0x121: {  	(v2sf) =	vpush v30, $0x1;
	s3 =	sxor.u32 s4, s17;
	s17 =	ssub.s32 s5, s22;
	s22 =	sld [smem:$0x7E8]  }
0x122: {  	(v2sf) =	vpush v30, $0x0;
	[smem:$0x7E3] =	sst s3  }
0x123: {  	s7 =	sshra.s32 s10, $0x1F;
	(v2sf) =	vpush v30, $0xF;
	[smem:$0x7E5] =	sst s14  }
0x124: {  	s10 =	sxor.u32 s7, s10;
	[smem:$0x7E6] =	sst s17  }
0x125: {  	s5 =	smov.u32 s18;
	s17 =	ssub.s32 s25, s18;
	s25 =	sld [smem:$0x7E9]  }
0x126: {  	s3 =	ssub.s32 s21, s11;
	s11 =	ssub.s32 s10, s7;
	s18 =	sld [smem:$0x7ED]  }
0x127: {  	[dreg:$0x1c] =	wrdreg s11  }
0x128: {  	s11 =	sld [smem:$0x7F1]  }
0x129: {  	[dreg:$0x7] =	wrdreg s5  }
0x12a: {  	p1 =	sne.s32 s28, $0x1;
	s14 =	spop (v2sf);
	[smem:$0x7EB] =	sst s3  }
0x12b: {  	s4 =	smov.u32 s0;
	s28 =	spop (v2sf);
	v27 =	vmov s11;
	s11 =	sld [smem:$0x7F4]  }
0x12c: {  	s3 =	sld [smem:$0x7F0];
	s13 =	ssub.s32 s20, s13;
	s20 =	spop (v2sf)  }
0x12d: {  	s12 =	ssub.s32 s25, s4;
	s25 =	sld [smem:$0x7EF];
	s21 =	spop (v2sf)  }
.Ltmp5:
0x12e: {  	p2 =	por $0x0, $0x0;
	v28 =	vmov s11;
	s11 =	sld [smem:$0x7F5];
	(pc) =	sbr.rel @!p1 .LBB2_4-.Ltmp5, $4  }
0x12f: {  	[dreg:$0x15] =	wrdreg s4;
	s10 =	ssub.s32 s18, s26;
	s18 =	spop (v2sf)  }
0x130: {  	s26 =	ssub.s32 s24, s6;
	s24 =	ssub.s32 s25, s29;
	s29 =	spop (v2sf)  }
0x131: {  	s22 =	ssub.s32 s22, s2;
	v26 =	vmov s3;
	s3 =	spop (v2sf);
	v29 =	vmov s11;
	s11 =	simm.s32 $0x10  }
0x132: {  	s25 =	simm.s32 $0x1388;
	[dreg:$0xb] =	wrdreg s11;
	s11 =	spop (v2sf)  }
0x133: {  	s5 =	sld [smem:$0x7E6]  }
0x134: {  	s1 =	sshra.s32 s19, $0x1F;
	s0 =	sshra.s32 s9, $0x1F;
	s30 =	sld [smem:$0x7DE]  }
0x135: {  	s25 =	smov.u32 s7;
	s7 =	sshra.s32 s8, $0x1F;
	[smem:$0x7B7] =	sst s1  }
0x136: {  	s31 =	sshra.s32 s15, $0x1F;
	s2 =	sxor.u32 s1, s19;
	[smem:$0x7B6] =	sst s0  }
0x137: {  	s19 =	sxor.u32 s0, s9;
	s9 =	sxor.u32 s7, s8;
	s8 =	smov.u32 s24  }
0x138: {  	s24 =	smov.u32 s10;
	s15 =	sxor.u32 s31, s15;
	s2 =	ssub.s32 s2, s1  }
0x139: {  	s4 =	ssub.s32 s19, s0;
	s1 =	sshra.s32 s23, $0x1F;
	s0 =	sld [smem:$0x7E4]  }
0x13a: {  	(drf) =	sdiv.u32 s2, s13;
	s13 =	sxor.u32 s1, s23;
	s2 =	ssub.s32 s9, s7  }
0x13b: {  	s23 =	sld [smem:$0x7DF];
	(drf) =	sdiv.u32 s4, s5;
	s10 =	ssub.s32 s13, s1  }
0x13c: {  	s4 =	sld [smem:$0x7E5];
	s13 =	sshra.s32 s29, $0x1F;
	(drf) =	sdiv.u32 s2, s12  }
0x13d: {  	s2 =	ssub.s32 s15, s31;
	s9 =	sxor.u32 s13, s29;
	s29 =	sld [smem:$0x7E0]  }
0x13e: {  	s12 =	sld [smem:$0x7E1];
	(drf) =	sdiv.u32 s10, s17;
	s10 =	sshra.s32 s11, $0x1F  }
0x13f: {  	(drf) =	sdiv.u32 s2, s22;
	s19 =	sxor.u32 s10, s11  }
0x140: {  	s5 =	ssub.s32 s4, s0;
	s11 =	sshra.s32 s3, $0x1F;
	s4 =	ssub.s32 s23, s30  }
0x141: {  	s2 =	ssub.s32 s19, s10;
	s22 =	sxor.u32 s11, s3;
	s15 =	ssub.s32 s12, s29  }
0x142: {  	s12 =	sld [smem:$0x7E2];
	(drf) =	sdiv.u32 s2, s5;
	s2 =	ssub.s32 s22, s11  }
0x143: {  	s5 =	smov.u32 s26;
	s26 =	sld [smem:$0x7DB];
	(drf) =	sdiv.u32 s2, s4  }
0x144: {  	s2 =	ssub.s32 s9, s13;
	s9 =	sshra.s32 s18, $0x1F;
	s4 =	sld [smem:$0x7DC]  }
0x145: {  	s17 =	sxor.u32 s9, s18;
	s18 =	sld [smem:$0x7E3]  }
0x146: {  	(drf) =	sdiv.u32 s2, s15;
	s15 =	sld [smem:$0x7DA]  }
0x147: {  	s10 =	sxor.u32 s0, s10;
	s11 =	sxor.u32 s30, s11;
	s13 =	sxor.u32 s29, s13  }
0x148: {  	s2 =	ssub.s32 s17, s9;
	s19 =	ssub.s32 s18, s12;
	s18 =	sshra.s32 s21, $0x1F  }
0x149: {  	s3 =	ssub.s32 s4, s26;
	s22 =	ssub.s32 s16, s15;
	s21 =	sxor.u32 s18, s21  }
0x14a: {  	(drf) =	sdiv.u32 s2, s19;
	s19 =	sshra.s32 s20, $0x1F;
	s2 =	ssub.s32 s21, s18  }
0x14b: {  	s23 =	sxor.u32 s19, s20;
	s20 =	sshra.s32 s28, $0x1F;
	s21 =	sshra.s32 s14, $0x1F  }
0x14c: {  	(drf) =	sdiv.u32 s2, s22;
	s2 =	ssub.s32 s23, s19;
	s16 =	sxor.u32 s20, s28  }
0x14d: {  	s17 =	sxor.u32 s21, s14;
	s23 =	rddreg [dreg:$0x1a];
	(drf) =	sdiv.u32 s2, s3  }
0x14e: {  	s2 =	ssub.s32 s16, s20;
	s22 =	sshra.s32 s23, $0x1F;
	s16 =	sld [smem:$0x7DD]  }
0x14f: {  	s3 =	ssub.s32 s17, s21;
	(drf) =	sdiv.u32 s2, s5;
	s5 =	sld [smem:$0x7EB]  }
0x150: {  	(v2sf) =	vpush v25, $0xE;
	s4 =	sxor.u32 s22, s23;
	(drf) =	sdiv.u32 s3, s8;
	s8 =	rddreg [dreg:$0x18]  }
0x151: {  	s2 =	ssub.s32 s4, s22;
	s4 =	smov.u32 s6;
	s23 =	sshra.s32 s8, $0x1F  }
0x152: {  	s17 =	sshra.s32 s16, $0x1F;
	(drf) =	sdiv.u32 s2, s5;
	s2 =	spop (drf)  }
0x153: {  	s14 =	sxor.u32 s23, s8;
	s6 =	sxor.u32 s17, s16;
	s3 =	spop (drf)  }
0x154: {  	s16 =	rddreg [dreg:$0x1c];
	s8 =	ssub.s32 s14, s23;
	s5 =	spop (drf)  }
0x155: {  	(v2sf) =	vpush v25, $0xD;
	(drf) =	sdiv.u32 s8, s16;
	s8 =	ssub.s32 s6, s17;
	s16 =	sld [smem:$0x7EC]  }
0x156: {  	s9 =	sxor.u32 s12, s9;
	(drf) =	sdiv.u32 s8, s24;
	s24 =	sld [smem:$0x7EE]  }
0x157: {  	s18 =	sxor.u32 s15, s18;
	s6 =	spop (drf);
	s8 =	sld [smem:$0x7EA]  }
0x158: {  	(v2sf) =	vpush v25, $0xC;
	s19 =	sxor.u32 s26, s19;
	s20 =	sxor.u32 s4, s20;
	s14 =	spop (drf)  }
0x159: {  	s23 =	sxor.u32 s25, s23;
	s21 =	sxor.u32 s24, s21;
	s24 =	spop (drf)  }
0x15a: {  	(v2sf) =	vpush v25, $0xB;
	s17 =	sxor.u32 s16, s17;
	s22 =	sxor.u32 s8, s22;
	s16 =	spop (drf)  }
0x15b: {  	(v2sf) =	vpush v25, $0xA;
	s24 =	sxor.u32 s10, s24;
	s8 =	spop (drf);
	s15 =	sxor.u32 s11, s16  }
0x15c: {  	s24 =	ssub.s32 s24, s10;
	s12 =	spop (drf);
	s30 =	ssub.s32 s15, s11  }
0x15d: {  	(v2sf) =	vpush v25, $0x9;
	s0 =	sxor.u32 s13, s8;
	v32 =	vmov s24;
	s24 =	rddreg [dreg:$0x15];
	s28 =	spop (drf)  }
0x15e: {  	s13 =	ssub.s32 s0, s13;
	s4 =	sxor.u32 s9, s12;
	s29 =	spop (drf)  }
0x15f: {  	(v2sf) =	vpush v25, $0x8;
	v32 =	vsel vm0, s30, v32;
	s7 =	sxor.u32 s24, s7;
	s26 =	ssub.s32 s4, s9;
	s9 =	spop (v2sf)  }
0x160: {  	s12 =	sxor.u32 s18, s28;
	v32 =	vsel vm1, s13, v32;
	s13 =	sld [smem:$0x7F3];
	s25 =	spop (drf)  }
0x161: {  	(v2sf) =	vpush v25, $0x7;
	s18 =	ssub.s32 s12, s18;
	s0 =	sxor.u32 s19, s29;
	s29 =	rddreg [dreg:$0x9]  }
0x162: {  	(v2sf) =	vpush v25, $0x6;
	v32 =	vsel vm2, s26, v32;
	s26 =	sld [smem:$0x7B7];
	s11 =	spop (drf);
	s19 =	ssub.s32 s0, s19  }
0x163: {  	s25 =	sxor.u32 s20, s25;
	s0 =	sxor.u32 s29, s31;
	s8 =	spop (drf)  }
0x164: {  	(v2sf) =	vpush v25, $0x5;
	s20 =	ssub.s32 s25, s20;
	s4 =	sxor.u32 s21, s11;
	s11 =	spop (v2sf)  }
0x165: {  	(v2sf) =	vpush v25, $0x4;
	s14 =	sxor.u32 s0, s14;
	p3 =	sne.s32 s13, $0x1;
	s15 =	spop (drf)  }
0x166: {  	s12 =	ssub.s32 s4, s21;
	s14 =	ssub.s32 s14, s0;
	s0 =	rddreg [dreg:$0x5]  }
0x167: {  	(v2sf) =	vpush v25, $0x3;
	v32 =	vsel vm3, s18, v32;
	s16 =	sxor.u32 s22, s8;
	s25 =	spop (v2sf);
	s4 =	sld [smem:$0x7B6]  }
0x168: {  	v32 =	vsel vm4, s19, v32;
	s28 =	spop (drf);
	s16 =	ssub.s32 s16, s22;
	s8 =	sxor.u32 s23, s15  }
0x169: {  	v32 =	vsel vm5, s20, v32;
	s15 =	simm.s32 $0x10;
	s10 =	spop (v2sf);
	s30 =	sshra.s32 s25, $0x1F  }
0x16a: {  	(v2sf) =	vpush v25, $0x2;
	v32 =	vsel vm6, s12, v32;
	s22 =	ssub.s32 s8, s23;
	s21 =	sxor.u32 s17, s28;
	s28 =	spop (v2sf)  }
0x16b: {  	(v2sf) =	vpush v25, $0x1;
	s8 =	rddreg [dreg:$0x7];
	s31 =	sshra.s32 s10, $0x1F;
	v32 =	vsel vm7, s16, v32;
	s16 =	sxor.u32 s30, s25  }
0x16c: {  	s17 =	ssub.s32 s21, s17;
	s23 =	spop (v2sf);
	s21 =	sxor.u32 s8, s1  }
0x16d: {  	(v2sf) =	vpush v25, $0x0;
	s0 =	sxor.u32 s0, s4;
	s8 =	sxor.u32 s7, s5;
	[smem:$0x7BB] =	sst s16  }
0x16e: {  	(v2sf) =	vpush v25, $0xF;
	v31 =	vor.u32 s15, v0;
	s12 =	sxor.u32 s31, s10;
	s1 =	spop (v2sf);
	s6 =	sxor.u32 s21, s6  }
0x16f: {  	(v2sf) =	vpush v31, $0xE;
	s7 =	ssub.s32 s8, s7;
	s3 =	sxor.u32 s0, s3;
	s16 =	sshra.s32 s23, $0x1F  }
0x170: {  	v32 =	vsel vm8, s22, v32;
	(v2sf) =	vpush v31, $0xD;
	s15 =	spop (v2sf);
	s24 =	ssub.s32 s6, s21;
	s21 =	rddreg [dreg:$0x3]  }
0x171: {  	v32 =	vsel vm9, s17, v32;
	(v2sf) =	vpush v31, $0xC;
	s19 =	ssub.s32 s3, s0;
	s23 =	sxor.u32 s16, s23;
	s29 =	spop (v2sf)  }
0x172: {  	v32 =	vsel vm10, s14, v32;
	(v2sf) =	vpush v31, $0xB;
	s8 =	sxor.u32 s21, s26;
	[smem:$0x7BD] =	sst s23;
	s17 =	sshra.s32 s15, $0x1F  }
0x173: {  	v32 =	vsel vm11, s24, v32;
	(v2sf) =	vpush v31, $0xA;
	s5 =	spop (v2sf);
	s4 =	sxor.u32 s8, s2;
	s2 =	sshra.s32 s28, $0x1F  }
0x174: {  	s25 =	sshra.s32 s29, $0x1F;
	v32 =	vsel vm12, s7, v32;
	s7 =	simm.s32 $0x0;
	s6 =	spop (v2sf)  }
0x175: {  	(v2sf) =	vpush v31, $0x9;
	s26 =	ssub.s32 s4, s8;
	s8 =	sshra.s32 s11, $0x1F;
	s29 =	sxor.u32 s25, s29  }
0x176: {  	(v2sf) =	vpush v31, $0x8;
	s13 =	spop (v2sf);
	s20 =	sxor.u32 s8, s11;
	[smem:$0x7BE] =	sst s29  }
0x177: {  	v32 =	vsel vm13, s19, v32;
	s29 =	smov.u32 s25;
	s11 =	sxor.u32 s17, s15;
	[dreg:$0x5] =	wrdreg s8  }
0x178: {  	v32 =	vsel vm14, s26, v32;
	s26 =	smov.u32 s16;
	s16 =	smov.u32 s17;
	[smem:$0x7B9] =	sst s20  }
0x179: {  	(v2sf) =	vpush v31, $0x7;
	s18 =	spop (v2sf);
	s15 =	sshra.s32 s13, $0x1F;
	[smem:$0x7EA] =	sst s16  }
0x17a: {  	[smem:$0x7EE] =	sst s29;
	(v2sf) =	vpush v31, $0x6;
	s21 =	spop (v2sf);
	s24 =	sxor.u32 s15, s13  }
0x17b: {  	s23 =	smov.u32 s15;
	s13 =	sshra.s32 s6, $0x1F;
	[smem:$0x7C4] =	sst s24  }
0x17c: {  	v33 =	vmov s7;
	s7 =	sshra.s32 s18, $0x1F;
	s22 =	spop (v2sf);
	[smem:$0x7DB] =	sst s13  }
0x17d: {  	s15 =	sshra.s32 s21, $0x1F;
	[smem:$0x7E2] =	sst s7;
	s0 =	spop (v2sf)  }
0x17e: {  	s4 =	sshra.s32 s9, $0x1F;
	(v2sf) =	vpush v31, $0x5;
	[smem:$0x7E0] =	sst s15;
	s10 =	spop (v2sf)  }
0x17f: {  	(v2sf) =	vpush v31, $0x4;
	s15 =	sxor.u32 s15, s21;
	s21 =	sld [smem:$0x7B9];
	s14 =	spop (v2sf)  }
0x180: {  	s20 =	sxor.u32 s4, s9;
	[smem:$0x7CA] =	sst s10;
	s3 =	spop (v2sf)  }
0x181: {  	s9 =	sxor.u32 s2, s28;
	(v2sf) =	vpush v31, $0x3;
	[smem:$0x7CB] =	sst s14;
	s10 =	spop (v2sf)  }
0x182: {  	s28 =	sshra.s32 s1, $0x1F;
	[smem:$0x7B8] =	sst s10;
	s14 =	spop (v2sf)  }
0x183: {  	vm15 =	vgt.s32 v30, $0x0;
	s25 =	sxor.u32 s28, s1;
	(v2sf) =	vpush v31, $0x2;
	s10 =	sshra.s32 s22, $0x1F;
	[smem:$0x7C9] =	sst s14  }
0x184: {  	v34 =	vsel vm15, $0x1, v9;
	v33 =	vshra.s32 v33, $0x1F;
	(v2sf) =	vpush v31, $0x1;
	s24 =	spop (v2sf);
	s14 =	sxor.u32 s10, s22;
	s22 =	sshra.s32 s0, $0x1F  }
0x185: {  	v35 =	vmul.u32 v25, v32;
	v33 =	vadd.s32 v34, v33;
	[smem:$0x7CC] =	sst s3;
	s1 =	spop (v2sf);
	s3 =	sxor.u32 s22, s0  }
0x186: {  	v58 =	vimm.s32 $0x0;
	vm15 =	vne.s32 v33, $0x1;
	(v2sf) =	vpush v31, $0x0;
	s0 =	ssub.s32 s21, s8;
	s8 =	smov.u32 s24;
	s24 =	sld [smem:$0x7BE]  }
0x187: {  	v59 =	vimm.s32 $0x0;
	v33 =	vsel vm15, $0xFFFFFFFF, v58;
	vm15 =	vne.s32 v30, v35;
	[dreg:$0x18] =	wrdreg s1  }
0x188: {  	s17 =	sxor.u32 s13, s6;
	[tilespmem:$0x1FE10] =	vst v33;
	v33 =	vsel vm15, $0xFFFFFFFF, v59;
	(v2sf) =	vpush v31, $0xF;
	s6 =	spop (v2sf);
	[smem:$0x7E6] =	sst s0  }
0x189: {  	[tilespmem:$0x1FE20] =	vst v33;
	v60 =	vld [tilespmem:$0x1FE10];
	[dreg:$0x1a] =	wrdreg s6;
	s13 =	spop (v2sf)  }
0x18a: {  	v61 =	vld [tilespmem:$0x1FE20];
	s6 =	ssub.s32 s9, s2;
	s9 =	ssub.s32 s12, s31;
	s12 =	sld [smem:$0x7BB]  }
0x18b: {  	[dreg:$0x1e] =	wrdreg s13  }
0x18c: {  	s19 =	sshra.s32 s5, $0x1F;
	[smem:$0x7C3] =	sst s6  }
0x18d: {  	s13 =	ssub.s32 s20, s4;
	s1 =	spop (v2sf);
	s20 =	sld [smem:$0x7BD]  }
0x18e: {  	s18 =	sxor.u32 s7, s18;
	[smem:$0x7CD] =	sst s1;
	s7 =	spop (v2sf)  }
0x18f: {  	s5 =	sxor.u32 s19, s5;
	vm15 =	vnez.u8 v60;
	vm2 =	vnez.u8 v61;
	[smem:$0x7BA] =	sst s7  }
0x190: {  	vm15 =	vmand vm15, vm2;
	s7 =	ssub.s32 s12, s30;
	s12 =	ssub.s32 s11, s16;
	s16 =	spop (v2sf)  }
0x191: {  	v62 =	vsel vm15, $0xFFFFFFFF, v9;
	s11 =	ssub.s32 s5, s19;
	s5 =	ssub.s32 s24, s29;
	s24 =	sld [smem:$0x7F3]  }
0x192: {  	v32 =	vadd.s32 v62, v32;
	[smem:$0x7BC] =	sst s16;
	s21 =	spop (v2sf)  }
0x193: {  	v33 =	vmul.u32 v32, v25;
	v32 =	vadd.s32 v28, v32;
	s16 =	simm.s32 $0x20;
	[smem:$0x7C8] =	sst s21;
	s29 =	spop (v2sf)  }
.Ltmp6:
0x194: {  	v63 =	vadd.s32 v30, v26;
	v32 =	vmul.u32 v29, v32;
	s6 =	ssub.s32 s25, s28;
	[dreg:$0xd] =	wrdreg s16;
	(pc) =	sbr.rel @!p3 .LBB2_6-.Ltmp6, $4  }
0x195: {  	v33 =	vsub.s32 v63, v33;
	s25 =	smov.u32 s4;
	[smem:$0x7C5] =	sst s29;
	s4 =	spop (v2sf)  }
0x196: {  	vm15 =	vlt.s32 v30, v27;
	v32 =	vadd.s32 v32, v33;
	s1 =	ssub.s32 s20, s26;
	s29 =	simm.s32 $0x1388;
	[smem:$0x7BF] =	sst s4  }
0x197: {  	v30 =	vnsel vm15, $0x0, v32;
	s20 =	simm.s32 $0x1388;
	s21 =	spop (v2sf);
	[dreg:$0xf] =	wrdreg s29  }
0x198: {  	p2 =	por $0x1, $0x1;
	vm2 =	vcmask $0xB08;
	[tilespmem:s20+$0x0] =	vst v30;
	s4 =	sadd.s32 $0xFFFFFFFF, s24;
	[smem:$0x7C0] =	sst s21  }
.LBB2_7:
0x199: {  	[smem:$0x7E4] =	sst s22  }
0x19a: {  	[dreg:$0x13] =	wrdreg s28  }
0x19b: {  	[smem:$0x79F] =	sst s13  }
0x19c: {  	[smem:$0x7C2] =	sst s9  }
0x19d: {  	[smem:$0x7C1] =	sst s7  }
0x19e: {  	[dreg:$0x16] =	wrdreg s1  }
0x19f: {  	[smem:$0x7EB] =	sst s12  }
0x1a0: {  	[smem:$0x7C6] =	sst s11  }
0x1a1: {  	[smem:$0x7C7] =	sst s5  }
0x1a2: {  	[dreg:$0x1c] =	wrdreg s6  }
0x1a3: {  	[dreg:$0x7] =	wrdreg s31  }
0x1a4: {  	[dreg:$0x15] =	wrdreg s30  }
0x1a5: {  	[dreg:$0x9] =	wrdreg s2  }
0x1a6: {  	[dreg:$0x3] =	wrdreg s25  }
0x1a7: {  	[dreg:$0x11] =	wrdreg s4  }
0x1a8: {  	s0 =	sld [smem:$0x7C4]  }
0x1a9: {  	s5 =	sld [smem:$0x7DB]  }
0x1aa: {  	s21 =	sld [smem:$0x7CA]  }
0x1ab: {  	s7 =	sld [smem:$0x7C9]  }
0x1ac: {  	s29 =	sld [smem:$0x7B8]  }
0x1ad: {  	s31 =	rddreg [dreg:$0x1a]  }
0x1ae: {  	s30 =	rddreg [dreg:$0x18]  }
0x1af: {  	s24 =	sld [smem:$0x7BA]  }
0x1b0: {  	s25 =	sld [smem:$0x7BC]  }
0x1b1: {  	p3 =	sne.s32 s4, $0x1;
	s12 =	ssub.s32 s14, s10;
	s4 =	sld [smem:$0x7BF]  }
0x1b2: {  	[smem:$0x7A1] =	sst s12  }
0x1b3: {  	s1 =	sshra.s32 s31, $0x1F;
	[smem:$0x7DD] =	sst s8  }
0x1b4: {  	[smem:$0x79E] =	sst s1  }
0x1b5: {  	s28 =	smov.u32 s23;
	s0 =	ssub.s32 s0, s23;
	s23 =	sld [smem:$0x7E2]  }
0x1b6: {  	[smem:$0x7BA] =	sst s24  }
0x1b7: {  	s11 =	ssub.s32 s17, s5;
	[smem:$0x7A5] =	sst s0  }
0x1b8: {  	[smem:$0x7A6] =	sst s11  }
0x1b9: {  	s16 =	sshra.s32 s21, $0x1F;
	s11 =	sld [smem:$0x7E0]  }
0x1ba: {  	s17 =	sshra.s32 s7, $0x1F;
	[smem:$0x7B1] =	sst s16  }
0x1bb: {  	s20 =	sshra.s32 s29, $0x1F;
	[smem:$0x79B] =	sst s17  }
0x1bc: {  	[smem:$0x79C] =	sst s20  }
0x1bd: {  	s20 =	sld [smem:$0x7CC]  }
0x1be: {  	s17 =	smov.u32 s19;
	s19 =	sld [smem:$0x7CD]  }
0x1bf: {  	s16 =	sshra.s32 s8, $0x1F;
	s0 =	sshra.s32 s24, $0x1F;
	s24 =	sld [smem:$0x7C5]  }
0x1c0: {  	[smem:$0x79D] =	sst s16  }
0x1c1: {  	[smem:$0x799] =	sst s0;
	s0 =	sshra.s32 s25, $0x1F  }
0x1c2: {  	s26 =	sxor.u32 s26, s16;
	[smem:$0x7A2] =	sst s0  }
0x1c3: {  	[smem:$0x7B0] =	sst s26  }
0x1c4: {  	s14 =	ssub.s32 s18, s23;
	s26 =	sld [smem:$0x7EE]  }
0x1c5: {  	[smem:$0x7A4] =	sst s14  }
0x1c6: {  	s13 =	ssub.s32 s15, s11;
	s15 =	ssub.s32 s3, s22;
	s3 =	sld [smem:$0x7C0]  }
0x1c7: {  	s14 =	rddreg [dreg:$0x1e]  }
0x1c8: {  	[smem:$0x7A3] =	sst s13  }
0x1c9: {  	[smem:$0x7A0] =	sst s15  }
0x1ca: {  	s22 =	sshra.s32 s20, $0x1F;
	s13 =	sld [smem:$0x7CB]  }
0x1cb: {  	[smem:$0x79A] =	sst s22;
	s6 =	sshra.s32 s14, $0x1F  }
0x1cc: {  	s16 =	sxor.u32 s26, s6;
	s26 =	sld [smem:$0x7EA]  }
0x1cd: {  	s22 =	sld [smem:$0x7C8]  }
0x1ce: {  	[smem:$0x7AD] =	sst s16  }
0x1cf: {  	s16 =	sxor.u32 s26, s1;
	s1 =	sxor.u32 s28, s0;
	s28 =	sld [smem:$0x79C]  }
0x1d0: {  	[smem:$0x7AE] =	sst s16  }
0x1d1: {  	s12 =	sshra.s32 s30, $0x1F;
	s15 =	sshra.s32 s19, $0x1F;
	s16 =	rddreg [dreg:$0x13]  }
0x1d2: {  	s26 =	smov.u32 s12;
	s12 =	sxor.u32 s16, s12;
	s16 =	sld [smem:$0x799]  }
0x1d3: {  	s9 =	sshra.s32 s24, $0x1F;
	[smem:$0x7AF] =	sst s12;
	s12 =	sxor.u32 s17, s15  }
0x1d4: {  	s17 =	sxor.u32 s11, s9;
	[smem:$0x7AC] =	sst s12  }
0x1d5: {  	[smem:$0x7A8] =	sst s17  }
0x1d6: {  	s18 =	sshra.s32 s13, $0x1F;
	s17 =	sld [smem:$0x79A];
	s5 =	sxor.u32 s5, s16  }
0x1d7: {  	s2 =	sshra.s32 s22, $0x1F;
	s0 =	smov.u32 s15;
	[smem:$0x7AB] =	sst s5  }
0x1d8: {  	s15 =	sxor.u32 s23, s2;
	s5 =	sxor.u32 s18, s13;
	s13 =	sld [smem:$0x7B1]  }
0x1d9: {  	[smem:$0x7A9] =	sst s15  }
0x1da: {  	s12 =	sld [smem:$0x79B]  }
0x1db: {  	s15 =	sxor.u32 s13, s21;
	s21 =	sxor.u32 s17, s20;
	s20 =	sld [smem:$0x7E4]  }
0x1dc: {  	[smem:$0x7BC] =	sst s25;
	s25 =	sshra.s32 s4, $0x1F;
	s8 =	sshra.s32 s3, $0x1F  }
0x1dd: {  	s23 =	sxor.u32 s10, s25;
	s10 =	sxor.u32 s12, s7;
	s7 =	sld [smem:$0x79D]  }
0x1de: {  	s11 =	sxor.u32 s20, s8;
	s20 =	sxor.u32 s28, s29;
	s29 =	sld [smem:$0x7DD]  }
0x1df: {  	s15 =	ssub.s32 s15, s13;
	s13 =	sld [smem:$0x79F];
	_ =	sdelay $0x1  }
0x1e0: {  	[smem:$0x7AA] =	sst s1;
	s1 =	sxor.u32 s7, s29  }
0x1e1: {  	(drf) =	sdiv.u32 s15, s13;
	[smem:$0x7A7] =	sst s1  }
0x1e2: {  	s15 =	sxor.u32 s6, s14;
	s1 =	smov.u32 s6;
	s6 =	sld [smem:$0x7E6]  }
0x1e3: {  	s13 =	ssub.s32 s20, s28;
	s20 =	sld [smem:$0x7C1]  }
0x1e4: {  	s5 =	ssub.s32 s5, s18  }
0x1e5: {  	s21 =	ssub.s32 s21, s17;
	(drf) =	sdiv.u32 s5, s6  }
0x1e6: {  	s29 =	sld [smem:$0x79E];
	(drf) =	sdiv.u32 s21, s20  }
0x1e7: {  	s21 =	sxor.u32 s8, s3;
	s3 =	ssub.s32 s10, s12;
	s10 =	sld [smem:$0x7C2]  }
0x1e8: {  	s20 =	sxor.u32 s25, s4;
	s4 =	sxor.u32 s2, s22;
	s22 =	sld [smem:$0x7A3]  }
0x1e9: {  	s8 =	ssub.s32 s21, s8;
	s21 =	sld [smem:$0x7C3]  }
0x1ea: {  	s5 =	ssub.s32 s20, s25;
	s25 =	sxor.u32 s9, s24;
	s20 =	sld [smem:$0x7BC]  }
0x1eb: {  	s6 =	ssub.s32 s25, s9;
	s9 =	sld [smem:$0x7A1]  }
0x1ec: {  	(drf) =	sdiv.u32 s13, s10;
	s13 =	sld [smem:$0x7A2]  }
0x1ed: {  	(drf) =	sdiv.u32 s3, s21;
	s3 =	sld [smem:$0x7A0]  }
0x1ee: {  	s25 =	sld [smem:$0x7BA]  }
0x1ef: {  	s14 =	smov.u32 s17;
	s21 =	sxor.u32 s13, s20;
	s20 =	sld [smem:$0x7EB]  }
0x1f0: {  	s17 =	sxor.u32 s0, s19;
	(drf) =	sdiv.u32 s8, s3;
	s3 =	sld [smem:$0x7A4]  }
0x1f1: {  	s19 =	smov.u32 s0;
	s31 =	sxor.u32 s29, s31;
	s8 =	sld [smem:$0x7A5]  }
0x1f2: {  	s24 =	ssub.s32 s21, s13;
	s13 =	ssub.s32 s15, s1;
	s15 =	sld [smem:$0x7C6]  }
0x1f3: {  	s10 =	ssub.s32 s4, s2;
	s21 =	sld [smem:$0x7A7];
	(drf) =	sdiv.u32 s5, s9  }
0x1f4: {  	s5 =	spop (drf);
	s9 =	ssub.s32 s17, s19;
	s17 =	sld [smem:$0x7C7]  }
0x1f5: {  	s2 =	sxor.u32 s16, s25;
	(drf) =	sdiv.u32 s6, s22;
	s4 =	spop (drf)  }
0x1f6: {  	s6 =	ssub.s32 s2, s16;
	(drf) =	sdiv.u32 s10, s3;
	s10 =	sld [smem:$0x7A6]  }
0x1f7: {  	s16 =	ssub.s32 s31, s29;
	s29 =	rddreg [dreg:$0x16];
	s3 =	spop (drf)  }
0x1f8: {  	(drf) =	sdiv.u32 s24, s8;
	s24 =	rddreg [dreg:$0x1c]  }
0x1f9: {  	s0 =	spop (drf);
	(drf) =	sdiv.u32 s6, s10  }
0x1fa: {  	s30 =	sxor.u32 s26, s30;
	s2 =	spop (drf);
	(drf) =	sdiv.u32 s9, s15  }
0x1fb: {  	s6 =	ssub.s32 s21, s7;
	s21 =	sld [smem:$0x7AA];
	(drf) =	sdiv.u32 s13, s17  }
0x1fc: {  	s19 =	ssub.s32 s30, s26;
	(drf) =	sdiv.u32 s16, s20;
	s22 =	spop (drf)  }
0x1fd: {  	s16 =	sld [smem:$0x7A9];
	(drf) =	sdiv.u32 s19, s24  }
0x1fe: {  	s25 =	sxor.u32 s11, s22;
	s26 =	spop (drf);
	(drf) =	sdiv.u32 s6, s29  }
0x1ff: {  	s1 =	ssub.s32 s25, s11;
	s10 =	spop (drf);
	s11 =	sld [smem:$0x7A8]  }
0x200: {  	(v2sf) =	vpush v25, $0xE;
	s9 =	sxor.u32 s23, s26;
	s25 =	sld [smem:$0x7AB];
	s15 =	spop (drf)  }
0x201: {  	s6 =	ssub.s32 s9, s23;
	s9 =	sld [smem:$0x7AC];
	s17 =	sxor.u32 s16, s15  }
0x202: {  	(v2sf) =	vpush v25, $0xD;
	v30 =	vmov s1;
	s19 =	spop (drf);
	s15 =	sld [smem:$0x7AD];
	s13 =	sxor.u32 s11, s10  }
0x203: {  	(v2sf) =	vpush v25, $0xC;
	v30 =	vsel vm0, s6, v30;
	s6 =	sld [smem:$0x7B0];
	s22 =	sxor.u32 s21, s19;
	s1 =	ssub.s32 s13, s11  }
0x204: {  	(v2sf) =	vpush v25, $0xB;
	s20 =	ssub.s32 s17, s16;
	s23 =	spop (drf);
	s24 =	ssub.s32 s22, s21;
	v30 =	vsel vm1, s1, v30  }
0x205: {  	(v2sf) =	vpush v25, $0xA;
	s26 =	sxor.u32 s25, s23;
	s29 =	spop (drf);
	v30 =	vsel vm2, s20, v30;
	s20 =	sld [smem:$0x7AE]  }
0x206: {  	(v2sf) =	vpush v25, $0x9;
	s8 =	ssub.s32 s26, s25;
	s10 =	sxor.u32 s9, s29;
	v30 =	vsel vm3, s24, v30;
	s24 =	sld [smem:$0x7AF]  }
0x207: {  	(v2sf) =	vpush v25, $0x8;
	s11 =	spop (drf);
	s13 =	ssub.s32 s10, s9;
	s10 =	rddreg [dreg:$0x9]  }
0x208: {  	(v2sf) =	vpush v25, $0x7;
	s16 =	sxor.u32 s15, s11;
	s7 =	sxor.u32 s10, s12;
	s12 =	rddreg [dreg:$0x7]  }
0x209: {  	(v2sf) =	vpush v25, $0x6;
	s17 =	spop (drf);
	s19 =	ssub.s32 s16, s15;
	s15 =	rddreg [dreg:$0x15]  }
0x20a: {  	(v2sf) =	vpush v25, $0x5;
	v30 =	vsel vm4, s8, v30;
	s22 =	spop (drf);
	s8 =	rddreg [dreg:$0xd];
	s21 =	sxor.u32 s20, s17  }
0x20b: {  	(v2sf) =	vpush v25, $0x4;
	v30 =	vsel vm5, s13, v30;
	s26 =	spop (drf);
	s2 =	sxor.u32 s7, s2;
	s17 =	rddreg [dreg:$0x5]  }
0x20c: {  	(v2sf) =	vpush v25, $0x3;
	v30 =	vsel vm6, s19, v30;
	s23 =	ssub.s32 s21, s20;
	s25 =	sxor.u32 s24, s22;
	s9 =	sxor.u32 s6, s26  }
0x20d: {  	(v2sf) =	vpush v25, $0x2;
	s13 =	ssub.s32 s2, s7;
	s2 =	sxor.u32 s15, s14;
	v30 =	vsel vm7, s23, v30;
	s29 =	ssub.s32 s25, s24  }
0x20e: {  	(v2sf) =	vpush v25, $0x1;
	s21 =	rddreg [dreg:$0x3];
	s11 =	ssub.s32 s9, s6;
	s6 =	sxor.u32 s12, s28;
	v30 =	vsel vm8, s29, v30  }
0x20f: {  	(v2sf) =	vpush v25, $0x0;
	s22 =	sld [smem:$0x7B1];
	s7 =	spop (v2sf);
	s0 =	sxor.u32 s6, s0;
	v30 =	vsel vm9, s11, v30  }
0x210: {  	(v2sf) =	vpush v25, $0xF;
	s16 =	sxor.u32 s2, s3;
	s23 =	rddreg [dreg:$0xb];
	s0 =	ssub.s32 s0, s6;
	v30 =	vsel vm10, s13, v30  }
0x211: {  	v33 =	vor.u32 s8, v0;
	s3 =	sxor.u32 s17, s18;
	s19 =	ssub.s32 s16, s2;
	v32 =	vmov s23;
	s23 =	spop (v2sf);
	v30 =	vsel vm11, s0, v30  }
0x212: {  	s20 =	sxor.u32 s3, s4;
	s4 =	sxor.u32 s21, s22;
	v30 =	vsel vm12, s19, v30;
	s19 =	spop (v2sf);
	(v2sf) =	vpush v33, $0xE  }
0x213: {  	s25 =	sxor.u32 s4, s5;
	s9 =	spop (v2sf);
	(v2sf) =	vpush v33, $0xD  }
0x214: {  	s26 =	ssub.s32 s25, s4;
	s4 =	spop (v2sf);
	(v2sf) =	vpush v33, $0xC  }
0x215: {  	s22 =	spop (v2sf);
	(v2sf) =	vpush v33, $0xB  }
0x216: {  	s24 =	ssub.s32 s20, s3;
	s3 =	spop (v2sf);
	(v2sf) =	vpush v33, $0xA  }
0x217: {  	s21 =	spop (v2sf);
	(v2sf) =	vpush v33, $0x9  }
0x218: {  	vm15 =	vgt.s32 v31, $0x0;
	v30 =	vsel vm13, s24, v30;
	s20 =	spop (v2sf);
	(v2sf) =	vpush v33, $0x8  }
0x219: {  	v34 =	vsel vm15, $0x1, v9;
	v30 =	vsel vm14, s26, v30;
	s11 =	spop (v2sf);
	(v2sf) =	vpush v33, $0x7  }
0x21a: {  	v32 =	vshra.s32 v32, $0x1F;
	v35 =	vmul.u32 v25, v30;
	s0 =	spop (v2sf);
	(v2sf) =	vpush v33, $0x6  }
0x21b: {  	s1 =	rddreg [dreg:$0xf];
	s29 =	smov.u32 s8;
	v32 =	vadd.s32 v34, v32;
	s17 =	spop (v2sf);
	(v2sf) =	vpush v33, $0x5  }
0x21c: {  	s2 =	sadd.s32 $0x10, s1;
	[dreg:$0xb] =	wrdreg s29;
	vm15 =	vne.s32 v32, $0x1;
	vm0 =	vne.s32 v31, v35;
	s5 =	spop (v2sf);
	(v2sf) =	vpush v33, $0x4  }
0x21d: {  	s8 =	sadd.s32 $0x10, s8;
	[dreg:$0xf] =	wrdreg s2;
	s30 =	sshra.s32 s19, $0x1F;
	vm0 =	vmand vm15, vm0  }
0x21e: {  	v63 =	vadd.s32 v31, v26;
	[dreg:$0xd] =	wrdreg s8;
	s19 =	sxor.u32 s30, s19;
	v62 =	vsel vm0, $0xFFFFFFFF, v9;
	vm0 =	vlt.s32 v31, v27;
	v31 =	vmovc v33;
	s15 =	spop (v2sf)  }
0x21f: {  	[smem:$0x7B3] =	sst s19;
	(v2sf) =	vpush v31, $0x3;
	s13 =	spop (v2sf)  }
0x220: {  	[smem:$0x7B2] =	sst s5;
	s5 =	sshra.s32 s5, $0x1F;
	s1 =	spop (v2sf)  }
0x221: {  	[smem:$0x7E2] =	sst s5;
	s6 =	spop (v2sf)  }
0x222: {  	[smem:$0x7CA] =	sst s6;
	s10 =	spop (v2sf)  }
0x223: {  	(v2sf) =	vpush v31, $0x2;
	[smem:$0x7CB] =	sst s10;
	s12 =	spop (v2sf)  }
0x224: {  	(v2sf) =	vpush v31, $0x1;
	[smem:$0x7CC] =	sst s12;
	s14 =	spop (v2sf)  }
0x225: {  	[smem:$0x7B8] =	sst s14;
	s16 =	spop (v2sf)  }
0x226: {  	(v2sf) =	vpush v31, $0x0;
	[smem:$0x7C9] =	sst s16;
	s18 =	spop (v2sf)  }
0x227: {  	[smem:$0x7DD] =	sst s18;
	s24 =	spop (v2sf)  }
0x228: {  	[dreg:$0x18] =	wrdreg s24;
	s25 =	spop (v2sf)  }
0x229: {  	s31 =	sshra.s32 s9, $0x1F;
	v30 =	vadd.s32 v62, v30;
	[dreg:$0x1a] =	wrdreg s25;
	s26 =	spop (v2sf)  }
0x22a: {  	s9 =	sxor.u32 s31, s9;
	v32 =	vmul.u32 v30, v25;
	v30 =	vadd.s32 v28, v30;
	(v2sf) =	vpush v31, $0xF;
	[dreg:$0x1e] =	wrdreg s26;
	s29 =	spop (v2sf)  }
0x22b: {  	v30 =	vmul.u32 v29, v30;
	s26 =	sshra.s32 s22, $0x1F;
	[smem:$0x7CD] =	sst s29;
	s6 =	spop (v2sf)  }
0x22c: {  	s9 =	ssub.s32 s9, s31;
	v32 =	vsub.s32 v63, v32;
	s22 =	sxor.u32 s26, s22;
	[smem:$0x7BA] =	sst s6  }
0x22d: {  	s8 =	sshra.s32 s3, $0x1F;
	v30 =	vadd.s32 v30, v32;
	s29 =	sshra.s32 s20, $0x1F;
	[smem:$0x7B4] =	sst s22  }
0x22e: {  	s28 =	sshra.s32 s17, $0x1F;
	v30 =	vnsel vm0, $0x0, v30;
	s10 =	spop (v2sf);
	[smem:$0x7EE] =	sst s29  }
0x22f: {  	[tilespmem:s2+$0x0] =	vst v30;
	s2 =	smov.u32 s1;
	s20 =	sxor.u32 s29, s20;
	[smem:$0x7BC] =	sst s10  }
0x230: {  	s25 =	sshra.s32 s7, $0x1F;
	s22 =	sxor.u32 s28, s17;
	[smem:$0x7B5] =	sst s20  }
0x231: {  	s19 =	sxor.u32 s25, s7;
	s6 =	sshra.s32 s4, $0x1F;
	[smem:$0x7C4] =	sst s22  }
0x232: {  	s12 =	spop (v2sf);
	s7 =	sxor.u32 s6, s4;
	s4 =	sld [smem:$0x7B2]  }
0x233: {  	s24 =	sshra.s32 s11, $0x1F;
	[smem:$0x7C8] =	sst s12;
	s14 =	spop (v2sf)  }
0x234: {  	s11 =	sxor.u32 s24, s11;
	s12 =	sshra.s32 s23, $0x1F;
	[smem:$0x7C5] =	sst s14  }
0x235: {  	s11 =	ssub.s32 s11, s24;
	s16 =	spop (v2sf);
	[dreg:$0x5] =	wrdreg s12  }
0x236: {  	s10 =	sshra.s32 s13, $0x1F;
	s14 =	sshra.s32 s0, $0x1F;
	[smem:$0x7BF] =	sst s16  }
0x237: {  	s23 =	sxor.u32 s12, s23;
	[smem:$0x7DB] =	sst s14;
	s17 =	sxor.u32 s14, s0  }
0x238: {  	s14 =	sxor.u32 s10, s13;
	s13 =	ssub.s32 s19, s25;
	s19 =	sld [smem:$0x7B3]  }
0x239: {  	s18 =	spop (v2sf);
	s16 =	sshra.s32 s21, $0x1F;
	s0 =	rddreg [dreg:$0x11]  }
0x23a: {  	[smem:$0x7C0] =	sst s18;
	s18 =	sshra.s32 s1, $0x1F;
	s1 =	smov.u32 s15  }
0x23b: {  	s15 =	sshra.s32 s15, $0x1F;
	s20 =	sxor.u32 s16, s21;
	[smem:$0x7EA] =	sst s16  }
0x23c: {  	s21 =	sxor.u32 s8, s3;
	s22 =	smov.u32 s18;
	[smem:$0x7E0] =	sst s15  }
0x23d: {  	s15 =	sxor.u32 s15, s1;
	s18 =	sxor.u32 s5, s4;
	s5 =	ssub.s32 s23, s12  }
0x23e: {  	s12 =	ssub.s32 s7, s6;
	s3 =	sxor.u32 s22, s2;
	s2 =	smov.u32 s6  }
.Ltmp7:
0x23f: {  	s6 =	ssub.s32 s21, s8;
	s21 =	sld [smem:$0x7B4];
	(pc) =	sbr.rel @p3 .LBB2_7-.Ltmp7, $4  }
0x240: {  	s7 =	ssub.s32 s19, s30;
	s19 =	smov.u32 s24;
	s24 =	sld [smem:$0x7B5]  }
0x241: {  	s23 =	smov.u32 s28;
	s28 =	smov.u32 s8;
	[smem:$0x7E6] =	sst s5  }
0x242: {  	s4 =	sadd.s32 $0xFFFFFFFF, s0;
	[smem:$0x7C3] =	sst s12;
	s12 =	ssub.s32 s20, s16  }
0x243: {  	vm0 =	vcmask $0x300;
	s8 =	sld [smem:$0x7DD];
	s1 =	ssub.s32 s21, s26;
	s5 =	ssub.s32 s24, s29  }
0x244: {  	[smem:$0x7C1] =	sst s7  }
0x245: {  	[smem:$0x7E5] =	sst s3  }
0x246: {  	[smem:$0x7C2] =	sst s9  }
0x247: {  	[smem:$0x7E1] =	sst s15  }
0x248: {  	[smem:$0x7E3] =	sst s18  }
0x249: {  	[smem:$0x7DF] =	sst s14  }
0x24a: {  	[smem:$0x7DC] =	sst s17  }
0x24b: {  	[smem:$0x7C6] =	sst s11  }
0x24c: {  	[smem:$0x7C7] =	sst s5  }
0x24d: {  	s8 =	sld [smem:$0x7B8]  }
0x24e: {  	s21 =	sld [smem:$0x7BC]  }
0x24f: {  	[smem:$0x7EB] =	sst s12  }
0x250: {  	[dreg:$0x1c] =	wrdreg s6  }
0x251: {  	s20 =	sld [smem:$0x7BA]  }
0x252: {  	[dreg:$0x16] =	wrdreg s1  }
0x253: {  	s15 =	sld [smem:$0x7E2]  }
0x254: {  	s18 =	sld [smem:$0x7DB]  }
0x255: {  	s17 =	sld [smem:$0x7E0]  }
0x256: {  	[smem:$0x7CE] =	sst s19  }
0x257: {  	[dreg:$0x13] =	wrdreg s28  }
0x258: {  	[smem:$0x7EC] =	sst s26  }
0x259: {  	[dreg:$0x9] =	wrdreg s2  }
0x25a: {  	[dreg:$0x7] =	wrdreg s31  }
0x25b: {  	[dreg:$0x15] =	wrdreg s30  }
0x25c: {  	[dreg:$0x3] =	wrdreg s25  }
0x25d: {  	s0 =	rddreg [dreg:$0xb]  }
0x25e: {  	s30 =	sld [smem:$0x7FD]  }
0x25f: {  	s3 =	sld [smem:$0x7BF]  }
0x260: {  	s9 =	smov.u32 s22;
	s24 =	smov.u32 s10;
	s11 =	sld [smem:$0x7C0]  }
0x261: {  	v30 =	vmov v31;
	s31 =	simm.s32 $0x10;
	s25 =	simm.s32 $0x1388;
	[smem:$0x7D8] =	sst s0  }
.LBB2_9:
0x262: {  	s0 =	sld [smem:$0x7CA]  }
0x263: {  	s2 =	sld [smem:$0x7CB]  }
0x264: {  	s6 =	sld [smem:$0x7CC]  }
0x265: {  	s4 =	sld [smem:$0x7E6]  }
0x266: {  	s19 =	sld [smem:$0x7E5];
	s29 =	sshra.s32 s0, $0x1F  }
0x267: {  	s28 =	sld [smem:$0x7DF];
	s1 =	sxor.u32 s29, s0;
	s0 =	sshra.s32 s2, $0x1F  }
0x268: {  	s7 =	sshra.s32 s6, $0x1F;
	s2 =	sxor.u32 s0, s2;
	s1 =	ssub.s32 s1, s29  }
0x269: {  	s5 =	ssub.s32 s2, s0;
	s2 =	sxor.u32 s7, s6;
	s6 =	sld [smem:$0x7C1]  }
0x26a: {  	(drf) =	sdiv.u32 s1, s13;
	s1 =	sshra.s32 s8, $0x1F;
	s13 =	sld [smem:$0x7C2]  }
0x26b: {  	(drf) =	sdiv.u32 s5, s4;
	s5 =	sxor.u32 s1, s8;
	s8 =	sld [smem:$0x7C9]  }
0x26c: {  	s14 =	sld [smem:$0x7C3];
	s22 =	ssub.s32 s19, s9;
	s2 =	ssub.s32 s2, s7  }
0x26d: {  	s4 =	ssub.s32 s28, s24;
	s5 =	ssub.s32 s5, s1;
	(drf) =	sdiv.u32 s2, s6  }
0x26e: {  	s10 =	sshra.s32 s8, $0x1F;
	(drf) =	sdiv.u32 s5, s13;
	s5 =	sshra.s32 s11, $0x1F  }
0x26f: {  	s6 =	sld [smem:$0x7C4];
	s12 =	sxor.u32 s10, s8;
	s16 =	sxor.u32 s5, s11  }
0x270: {  	s8 =	sld [smem:$0x7C5];
	s2 =	ssub.s32 s12, s10;
	s12 =	smov.u32 s9  }
0x271: {  	s9 =	sshra.s32 s3, $0x1F;
	(drf) =	sdiv.u32 s2, s14;
	s2 =	ssub.s32 s16, s5  }
0x272: {  	s26 =	sxor.u32 s9, s3;
	s14 =	sld [smem:$0x7E1];
	(drf) =	sdiv.u32 s2, s22  }
0x273: {  	s2 =	ssub.s32 s26, s9;
	s11 =	sshra.s32 s8, $0x1F;
	s26 =	smov.u32 s17  }
0x274: {  	s22 =	sld [smem:$0x7E3];
	(drf) =	sdiv.u32 s2, s4;
	s13 =	sxor.u32 s11, s8  }
0x275: {  	s4 =	smov.u32 s15;
	s16 =	ssub.s32 s14, s17;
	s17 =	sld [smem:$0x7C8]  }
0x276: {  	s8 =	smov.u32 s23;
	s2 =	ssub.s32 s13, s11;
	s14 =	sshra.s32 s21, $0x1F  }
0x277: {  	(drf) =	sdiv.u32 s2, s16;
	s28 =	ssub.s32 s22, s15;
	s3 =	sxor.u32 s14, s21  }
0x278: {  	s15 =	sshra.s32 s20, $0x1F;
	s22 =	sld [smem:$0x7CD];
	s13 =	sshra.s32 s17, $0x1F  }
0x279: {  	s21 =	rddreg [dreg:$0x1e];
	s16 =	ssub.s32 s3, s14;
	s19 =	sxor.u32 s13, s17  }
0x27a: {  	s17 =	sld [smem:$0x7DC];
	s2 =	ssub.s32 s19, s13;
	s19 =	sxor.u32 s15, s20  }
0x27b: {  	(drf) =	sdiv.u32 s2, s28;
	s2 =	ssub.s32 s6, s23;
	s23 =	smov.u32 s18  }
0x27c: {  	s3 =	ssub.s32 s19, s15;
	s19 =	sld [smem:$0x7C6];
	(drf) =	sdiv.u32 s16, s2  }
0x27d: {  	s2 =	ssub.s32 s17, s18;
	s17 =	sshra.s32 s22, $0x1F;
	s18 =	sshra.s32 s21, $0x1F  }
0x27e: {  	s20 =	sxor.u32 s17, s22;
	s28 =	sxor.u32 s18, s21;
	s21 =	sld [smem:$0x7C7]  }
0x27f: {  	(drf) =	sdiv.u32 s3, s2;
	s16 =	ssub.s32 s20, s17;
	s20 =	rddreg [dreg:$0x1a]  }
0x280: {  	(drf) =	sdiv.u32 s16, s19;
	s6 =	sshra.s32 s20, $0x1F;
	s16 =	sld [smem:$0x7DD]  }
0x281: {  	s2 =	ssub.s32 s28, s18;
	s28 =	sxor.u32 s6, s20  }
0x282: {  	(drf) =	sdiv.u32 s2, s21;
	s2 =	ssub.s32 s28, s6;
	s28 =	sld [smem:$0x7EB]  }
0x283: {  	s3 =	rddreg [dreg:$0x18];
	s20 =	sshra.s32 s16, $0x1F  }
0x284: {  	s22 =	rddreg [dreg:$0x1c];
	s19 =	sshra.s32 s3, $0x1F;
	s16 =	sxor.u32 s20, s16  }
0x285: {  	(drf) =	sdiv.u32 s2, s28;
	s2 =	ssub.s32 s16, s20;
	s16 =	sld [smem:$0x7EC]  }
0x286: {  	s3 =	sxor.u32 s19, s3;
	s21 =	sld [smem:$0x7EE]  }
0x287: {  	s3 =	ssub.s32 s3, s19;
	s28 =	rddreg [dreg:$0x16]  }
0x288: {  	(drf) =	sdiv.u32 s3, s22;
	s20 =	sxor.u32 s16, s20;
	s16 =	sld [smem:$0x7EA]  }
0x289: {  	s5 =	sxor.u32 s12, s5;
	(drf) =	sdiv.u32 s2, s28;
	s2 =	spop (drf)  }
0x28a: {  	s9 =	sxor.u32 s24, s9;
	s18 =	sxor.u32 s21, s18;
	s3 =	spop (drf)  }
0x28b: {  	s22 =	rddreg [dreg:$0x13];
	s21 =	sxor.u32 s16, s6;
	s6 =	spop (drf)  }
0x28c: {  	s19 =	sxor.u32 s22, s19;
	s28 =	sld [smem:$0x7CE];
	s22 =	spop (drf)  }
0x28d: {  	s11 =	sxor.u32 s26, s11;
	s14 =	sxor.u32 s8, s14;
	s16 =	spop (drf)  }
0x28e: {  	s13 =	sxor.u32 s4, s13;
	s15 =	sxor.u32 s23, s15;
	s8 =	spop (drf)  }
0x28f: {  	s17 =	sxor.u32 s28, s17;
	s23 =	sxor.u32 s5, s8;
	s12 =	spop (drf)  }
0x290: {  	s5 =	ssub.s32 s23, s5;
	s26 =	sxor.u32 s9, s12;
	s28 =	spop (drf)  }
0x291: {  	s9 =	ssub.s32 s26, s9;
	s4 =	sxor.u32 s11, s28;
	s8 =	spop (drf)  }
0x292: {  	v31 =	vmov s5;
	s5 =	ssub.s32 s4, s11;
	s11 =	sxor.u32 s13, s8;
	s12 =	spop (drf)  }
0x293: {  	s23 =	ssub.s32 s11, s13;
	s24 =	sxor.u32 s14, s12;
	s26 =	spop (drf)  }
0x294: {  	v31 =	vsel vm0, s9, v31;
	s28 =	ssub.s32 s24, s14;
	s4 =	sxor.u32 s15, s26;
	s8 =	spop (drf)  }
0x295: {  	v31 =	vsel vm1, s5, v31;
	s9 =	ssub.s32 s4, s15;
	s12 =	sxor.u32 s17, s8;
	s13 =	spop (drf)  }
0x296: {  	v31 =	vsel vm2, s23, v31;
	s14 =	ssub.s32 s12, s17;
	s15 =	sxor.u32 s18, s13;
	s17 =	spop (drf)  }
0x297: {  	v31 =	vsel vm3, s28, v31;
	s12 =	rddreg [dreg:$0x9];
	s18 =	ssub.s32 s15, s18;
	s23 =	sxor.u32 s21, s17  }
0x298: {  	v31 =	vsel vm4, s9, v31;
	s24 =	spop (drf);
	s9 =	sxor.u32 s12, s10;
	s15 =	rddreg [dreg:$0x7]  }
0x299: {  	v31 =	vsel vm5, s14, v31;
	s26 =	ssub.s32 s23, s21;
	s28 =	sxor.u32 s19, s24;
	s4 =	spop (drf)  }
0x29a: {  	v31 =	vsel vm6, s18, v31;
	s1 =	sxor.u32 s15, s1;
	s16 =	sxor.u32 s9, s16;
	s18 =	rddreg [dreg:$0x15]  }
0x29b: {  	s23 =	rddreg [dreg:$0x3];
	v31 =	vsel vm7, s26, v31;
	s8 =	ssub.s32 s28, s19;
	s13 =	sxor.u32 s20, s4  }
0x29c: {  	s17 =	ssub.s32 s16, s9;
	s7 =	sxor.u32 s18, s7;
	v31 =	vsel vm8, s8, v31;
	s14 =	ssub.s32 s13, s20  }
0x29d: {  	s19 =	sxor.u32 s1, s22;
	s24 =	sxor.u32 s23, s29;
	s20 =	rddreg [dreg:$0x5];
	v31 =	vsel vm9, s14, v31  }
0x29e: {  	s1 =	ssub.s32 s19, s1;
	s21 =	sxor.u32 s7, s6;
	s0 =	sxor.u32 s20, s0;
	v31 =	vsel vm10, s17, v31  }
0x29f: {  	s29 =	sld [smem:$0x7D8];
	s22 =	ssub.s32 s21, s7;
	s3 =	sxor.u32 s0, s3;
	v31 =	vsel vm11, s1, v31  }
0x2a0: {  	s26 =	sxor.u32 s24, s2;
	s0 =	ssub.s32 s3, s0;
	v31 =	vsel vm12, s22, v31  }
0x2a1: {  	s28 =	ssub.s32 s26, s24;
	v31 =	vsel vm13, s0, v31  }
0x2a2: {  	vm0 =	vgt.s32 v30, $0x0;
	v32 =	vmov s29;
	v31 =	vsel vm14, s28, v31  }
0x2a3: {  	v33 =	vsel vm0, $0x1, v9;
	v32 =	vshra.s32 v32, $0x1F;
	v34 =	vmul.u32 v25, v31  }
0x2a4: {  	v32 =	vadd.s32 v33, v32  }
0x2a5: {  	vm0 =	vne.s32 v32, $0x1;
	vm15 =	vne.s32 v30, v34  }
0x2a6: {  	vm0 =	vmand vm0, vm15  }
0x2a7: {  	v63 =	vsel vm0, $0xFFFFFFFF, v9  }
0x2a8: {  	v31 =	vadd.s32 v63, v31  }
0x2a9: {  	v25 =	vmul.u32 v31, v25;
	v28 =	vadd.s32 v28, v31  }
0x2aa: {  	v26 =	vadd.s32 v30, v26;
	v28 =	vmul.u32 v29, v28  }
0x2ab: {  	s0 =	rddreg [dreg:$0xf];
	v25 =	vsub.s32 v26, v25  }
.Ltmp8:
0x2ac: {  	s1 =	simm.s32 $0x1388;
	s0 =	sadd.s32 @p2 $0x10, s0;
	vm0 =	vlt.s32 v30, v27;
	v25 =	vadd.s32 v28, v25;
	(pc) =	sbr.rel @!p1 .LBB2_11-.Ltmp8, $4  }
0x2ad: {  	s1 =	smov.u32 @p2 s0;
	v25 =	vnsel vm0, $0x0, v25  }
0x2ae: {  	[tilespmem:s1+$0x0] =	vst v25;
	s1 =	sld [smem:$0x7F3]  }
0x2af: {  	s0 =	simm.s32 $0x1808  }
0x2b0: {  	[tilespmem:s0], [sflag:$0x1] =	stream.indirect.gather [hbm4b:s30+s31], $0x60, s25, s31, $0xb8;
	[tilespmem:$0x1DA68] =	vst v63  }
.LBB2_10:
0x2b1: {  	p1 =	sne.s32 s1, $0x1  }
.Ltmp9:
0x2b2: {  	_ = 	snop;
	(pc) =	sbr.rel @p1 .LBB2_10-.Ltmp9, $4  }
0x2b3: {  	_ = 	snop  }
0x2b4: {  	s25 =	sadd.s32 $0x10, s25;
	s0 =	sadd.s32 $0x600, s0  }
0x2b5: {  	s1 =	sadd.s32 $0xFFFFFFFF, s1  }
0x2b6: {  	[tilespmem:s0], [sflag:$0x1] =	stream.indirect.gather [hbm4b:s30+s31], $0x60, s25, s31, $0xb8;
	[tilespmem:$0x1DA68] =	vst v63  }
.LBB2_11:
0x2b7: {  	s26 =	sld [smem:$0x7D6]  }
0x2b8: {  	s28 =	sld [smem:$0x7F2]  }
0x2b9: {  	s29 =	sld [smem:$0x7D7]  }
0x2ba: {  	s8 =	sld [smem:$0x7D5]  }
0x2bb: {  	s6 =	sld [smem:$0x7D4]  }
0x2bc: {  	s7 =	sld [smem:$0x7D3]  }
0x2bd: {  	s9 =	sld [smem:$0x7D2]  }
0x2be: {  	s10 =	sld [smem:$0x7D1]  }
0x2bf: {  	s11 =	sld [smem:$0x7D0]  }
0x2c0: {  	s13 =	sld [smem:$0x7CF]  }
0x2c1: {  	vm0 =	vcmask $0x300;
	s17 =	sld [smem:$0x7D9];
	s12 =	simm.s32 $0x1  }
.LBB2_12:
0x2c2: {  	_ = 	snop  }
.Ltmp10:
0x2c3: {  	s0 =	sxor.u32 $0x80000000, s6;
	(pc) =	sbr.rel .LBB2_14-.Ltmp10, $4  }
0x2c4: {  	s1 =	sxor.u32 $0x80000000, s7;
	s2 =	sxor.u32 $0x80000000, s9;
	s5 =	smul.u32 $0xFFFFFE80, s17  }
0x2c5: {  	s3 =	sxor.u32 $0x80000000, s11;
	s7 =	smul.u32 $0x180, s29;
	s8 =	ssub.s32 $0x80000000, s8  }
0x2c6: {  	s9 =	simm.s32 $0x0;
	s15 =	simm.s32 $0x0;
	s25 =	sshra.s32 s5, $0x2  }
0x2c7: {  	s4 =	sxor.u32 $0x80000000, s13;
	s5 =	sxor.u32 $0x80000000, s10;
	s6 =	sadd.s32 $0x1838, s25  }
.LBB2_13:
0x2c8: {  	p1 =	sgt.s32 s9, s13  }
0x2c9: {  	s13 =	smov.u32 @p1 s9;
	p1 =	seq.s32 s10, $0x7  }
.Ltmp11:
0x2ca: {  	_ = 	snop;
	(pc) =	sbr.rel @p1 .LBB2_27-.Ltmp11, $2  }
0x2cb: {  	_ =	sdelay $0x2  }
0x2cc: {  	s15 =	smov.u32 s10;
	s9 =	smov.u32 s13  }
.LBB2_14:
0x2cd: {  	s10 =	sadd.s32 $0x1, s15  }
0x2ce: {  	s11 =	smul.u32 s2, s10;
	_ =	sdelay $0x1  }
0x2cf: {  	s13 =	sadd.s32 $0x6, s11  }
0x2d0: {  	s14 =	smulhi.u32 $0x92492493, s13;
	s16 =	sshra.s32 s13, $0x1F  }
0x2d1: {  	s11 =	ssub.s32 $0xFFFFFFFA, s11;
	s16 =	smul.u32 $0x92492493, s16  }
0x2d2: {  	s14 =	sadd.s32 s11, s14  }
0x2d3: {  	s14 =	sadd.s32 s16, s14  }
0x2d4: {  	s14 =	sadd.s32 s13, s14  }
0x2d5: {  	s21 =	sshrl.u32 s14, $0x1F;
	s14 =	sshra.s32 s14, $0x2  }
0x2d6: {  	s14 =	sadd.s32 s21, s14  }
0x2d7: {  	s16 =	smul.u32 $0xFFFFFFF9, s14  }
0x2d8: {  	p3 =	seq.s32 s15, $0x6  }
0x2d9: {  	p1 =	slt.s32 s13, $0x1;
	p2 =	sne.s32 s16, s11;
	s11 =	smov.u32 s4  }
0x2da: {  	p1 =	por !p1, !p2;
	s11 =	simm.s32 @!p3 $0x0  }
0x2db: {  	s13 =	simm.s32 $0x1;
	p1 =	por !p1, !p1;
	s11 =	sadd.s32 s0, s11  }
0x2dc: {  	s11 =	sadd.s32 s14, s11;
	s13 =	simm.s32 @!p1 $0x0  }
0x2dd: {  	s11 =	ssub.s32 s11, s13;
	s13 =	sld [smem:$0x7F5]  }
0x2de: {  	p1 =	sgt.s32 s11, $0x0  }
0x2df: {  	s22 =	sld [smem:$0x7F4];
	s11 =	simm.s32 @!p1 $0x0  }
0x2e0: {  	p1 =	slt.s32 s13, s11  }
0x2e1: {  	s11 =	smov.u32 @p1 s13  }
0x2e2: {  	s13 =	ssub.s32 s11, s22  }
0x2e3: {  	s13 =	smul.u32 s29, s13;
	_ =	sdelay $0x1  }
0x2e4: {  	s13 =	sadd.s32 $0xF, s13  }
0x2e5: {  	s23 =	sand.u32 $0xF, s13  }
0x2e6: {  	s24 =	sshra.s32 s13, $0x1F;
	p5 =	slt.s32 s13, $0x1;
	p6 =	sne.s32 s23, $0x0  }
0x2e7: {  	s25 =	sshrl.u32 s24, $0x1C;
	p1 =	por !p5, !p6  }
0x2e8: {  	s14 =	simm.s32 $0x1;
	s13 =	sadd.s32 s25, s13;
	p1 =	por !p1, !p1  }
0x2e9: {  	s13 =	sshra.s32 s13, $0x4;
	s14 =	simm.s32 @!p1 $0x0  }
0x2ea: {  	s14 =	ssub.s32 s13, s14  }
0x2eb: {  	s13 =	smov.u32 s28;
	p1 =	slt.s32 s14, s28  }
0x2ec: {  	s13 =	smov.u32 @p1 s14  }
0x2ed: {  	s14 =	ssub.s32 s13, s9  }
0x2ee: {  	p1 =	slt.s32 s14, $0x1  }
.Ltmp12:
0x2ef: {  	_ = 	snop;
	(pc) =	sbr.rel @p1 .LBB2_18-.Ltmp12, $1  }
0x2f0: {  	_ =	sdelay $0x3  }
0x2f1: {  	p1 =	sne.s32 s14, $0x1  }
.Ltmp13:
0x2f2: {  	_ = 	snop;
	(pc) =	sbr.rel @!p1 .LBB2_17-.Ltmp13, $3  }
0x2f3: {  	_ =	sdelay $0x1  }
0x2f4: {  	_ =	swait.ge [sflag:s12], $0x600  }
0x2f5: {  	s14 =	sadd.s32 $0xFFFFFFFF, s14;
	[sflag:s12] =	ssyncset.done $0x0  }
.LBB2_16:
0x2f6: {  	p1 =	sne.s32 s14, $0x1;
	s14 =	sadd.s32 $0xFFFFFFFF, s14;
	[sflag:s12] =	ssyncadd.s32 $0xFFFFFA00  }
.Ltmp14:
0x2f7: {  	(pc) =	sbr.rel @p1 .LBB2_16-.Ltmp14, $3  }
0x2f8: {  	_ =	sdelay $0x1  }
0x2f9: {  	_ =	swait.ge [sflag:s12], $0x600  }
0x2fa: {  	[sflag:s12] =	ssyncset.done $0x0  }
.LBB2_17:
0x2fb: {  	[sflag:s12] =	ssyncadd.s32 $0xFFFFFA00  }
.LBB2_18:
0x2fc: {  	s14 =	smul.u32 s2, s15;
	_ =	sdelay $0x1  }
0x2fd: {  	s16 =	smulhi.u32 $0x92492493, s14;
	s17 =	sshra.s32 s14, $0x1F  }
0x2fe: {  	s17 =	smul.u32 $0x92492493, s17  }
0x2ff: {  	s16 =	ssub.s32 s16, s14  }
0x300: {  	s16 =	sadd.s32 s17, s16  }
0x301: {  	s16 =	sadd.s32 s14, s16  }
0x302: {  	s25 =	sshrl.u32 s16, $0x1F;
	s16 =	sshra.s32 s16, $0x2  }
0x303: {  	s16 =	sadd.s32 s25, s16  }
0x304: {  	s17 =	smul.u32 $0xFFFFFFF9, s16  }
0x305: {  	s18 =	ssub.s32 $0x0, s14  }
0x306: {  	p1 =	slt.s32 s14, $0x1;
	p2 =	sne.s32 s17, s18  }
0x307: {  	p1 =	por !p1, !p2  }
0x308: {  	s14 =	simm.s32 $0x1;
	p1 =	por !p1, !p1  }
0x309: {  	s16 =	sadd.s32 s0, s16;
	s14 =	simm.s32 @!p1 $0x0  }
0x30a: {  	s17 =	ssub.s32 s16, s14;
	s16 =	sld [smem:$0x7F5]  }
0x30b: {  	p1 =	sgt.s32 s17, $0x0  }
0x30c: {  	s17 =	simm.s32 @!p1 $0x0  }
0x30d: {  	p1 =	slt.s32 s16, s17;
	s14 =	smov.u32 s17  }
0x30e: {  	s14 =	smov.u32 @p1 s16  }
.Ltmp15:
0x30f: {  	s16 =	sadd.s32 s14, s8;
	(pc) =	sbr.rel .LBB2_19-.Ltmp15, $3  }
0x310: {  	s16 =	smul.u32 s16, s7;
	_ =	sdelay $0x1  }
0x311: {  	s15 =	smul.u32 $0x7, s15;
	s18 =	simm.s32 $0x0;
	s16 =	sshra.s32 s16, $0x2  }
0x312: {  	p2 =	slt.s32 s17, s11;
	p1 =	sge.s32 s17, s11;
	s16 =	sadd.s32 s16, s6  }
.LBB2_26:
0x313: {  	p3 =	slt.s32 s20, s19;
	s18 =	sadd.s32 s15, s18  }
0x314: {  	p3 =	por !p2, !p3;
	s18 =	smul.u32 $0x180, s18  }
0x315: {  	p3 =	por !p3, !p3  }
0x316: {  	v30 =	vpsel !p3, $0x0, v30;
	s18 =	sshra.s32 s18, $0x2;
	v29 =	vpsel !p3, $0x0, v29;
	v28 =	vpsel !p3, $0x0, v28  }
0x317: {  	v27 =	vpsel !p3, $0x0, v27;
	v26 =	vpsel !p3, $0x0, v26;
	v25 =	vpsel !p3, $0x0, v25;
	p3 =	seq.s32 s17, $0x7;
	[tilespmem:s18+$0x1C808] =	vst v30  }
.Ltmp16:
0x318: {  	[tilespmem:s18+$0x1C818] =	vst v29;
	(pc) =	sbr.rel @p3 .LBB2_13-.Ltmp16, $4  }
0x319: {  	[tilespmem:s18+$0x1C828] =	vst v28  }
0x31a: {  	[tilespmem:s18+$0x1C838] =	vst v27  }
0x31b: {  	[tilespmem:s18+$0x1C848] =	vst v26  }
0x31c: {  	[tilespmem:s18+$0x1C858] =	vst v25;
	s18 =	smov.u32 s17  }
.LBB2_19:
0x31d: {  	s17 =	sadd.s32 $0x1, s18  }
0x31e: {  	s19 =	smul.u32 s3, s17;
	_ =	sdelay $0x1  }
0x31f: {  	s20 =	smul.u32 s3, s18;
	s21 =	sadd.s32 $0x6, s19  }
0x320: {  	s22 =	smulhi.u32 $0x92492493, s21;
	s23 =	sshra.s32 s21, $0x1F  }
0x321: {  	s19 =	ssub.s32 $0xFFFFFFFA, s19;
	s23 =	smul.u32 $0x92492493, s23  }
0x322: {  	s24 =	smulhi.u32 $0x92492493, s20;
	s25 =	sshra.s32 s20, $0x1F;
	s22 =	sadd.s32 s19, s22  }
0x323: {  	s25 =	smul.u32 $0x92492493, s25;
	s22 =	sadd.s32 s23, s22  }
0x324: {  	s24 =	ssub.s32 s24, s20;
	s22 =	sadd.s32 s21, s22  }
0x325: {  	s23 =	sadd.s32 s25, s24;
	s25 =	sshrl.u32 s22, $0x1F;
	s22 =	sshra.s32 s22, $0x2  }
0x326: {  	p6 =	seq.s32 s18, $0x6;
	s23 =	sadd.s32 s20, s23;
	s22 =	sadd.s32 s25, s22  }
0x327: {  	s24 =	sshrl.u32 s23, $0x1F;
	s23 =	sshra.s32 s23, $0x2;
	s25 =	smul.u32 $0xFFFFFFF9, s22  }
0x328: {  	p5 =	slt.s32 s21, $0x1;
	s21 =	smov.u32 s5;
	s23 =	sadd.s32 s24, s23  }
0x329: {  	s21 =	simm.s32 @!p6 $0x0;
	p3 =	sne.s32 s25, s19;
	s25 =	smul.u32 $0xFFFFFFF9, s23  }
0x32a: {  	p4 =	slt.s32 s20, $0x1;
	s20 =	ssub.s32 $0x0, s20;
	s24 =	sadd.s32 s1, s21  }
0x32b: {  	s21 =	simm.s32 $0x1;
	p3 =	por !p5, !p3;
	p6 =	sne.s32 s25, s20  }
0x32c: {  	p3 =	por !p3, !p3;
	s20 =	simm.s32 $0x1;
	p4 =	por !p4, !p6  }
0x32d: {  	s19 =	sadd.s32 s22, s24;
	s20 =	simm.s32 @!p3 $0x0;
	p3 =	por !p4, !p4  }
0x32e: {  	s25 =	sadd.s32 s1, s23;
	s19 =	ssub.s32 s19, s20;
	s21 =	simm.s32 @!p3 $0x0  }
.Ltmp17:
0x32f: {  	s20 =	ssub.s32 s25, s21;
	s21 =	sld [smem:$0x7F5];
	(pc) =	sbr.rel @p1 .LBB2_26-.Ltmp17, $4  }
0x330: {  	p3 =	sgt.s32 s19, $0x0  }
0x331: {  	s19 =	simm.s32 @!p3 $0x0  }
0x332: {  	v30 =	vimm.f32 $-Inf;
	v29 =	vimm.f32 $-Inf;
	v28 =	vimm.f32 $-Inf;
	p3 =	sgt.s32 s20, $0x0;
	p4 =	slt.s32 s21, s19  }
0x333: {  	v27 =	vimm.f32 $-Inf;
	v26 =	vimm.f32 $-Inf;
	v25 =	vimm.f32 $-Inf;
	s20 =	simm.s32 @!p3 $0x0;
	s19 =	smov.u32 @p4 s21  }
0x334: {  	s22 =	sld [smem:$0x7F5];
	_ =	sdelay $0x2  }
0x335: {  	s21 =	smov.u32 s20;
	p3 =	slt.s32 s22, s20  }
.Ltmp18:
0x336: {  	s21 =	smov.u32 @p3 s22;
	(pc) =	sbr.rel .LBB2_21-.Ltmp18, $3  }
0x337: {  	s22 =	smul.u32 $0x180, s21;
	_ =	sdelay $0x1  }
0x338: {  	v25 =	vimm.f32 $-Inf;
	v26 =	vimm.f32 $-Inf;
	v27 =	vimm.f32 $-Inf;
	s22 =	sshra.s32 s22, $0x2  }
0x339: {  	v28 =	vimm.f32 $-Inf;
	v29 =	vimm.f32 $-Inf;
	v30 =	vimm.f32 $-Inf;
	s23 =	smov.u32 s14;
	p3 =	sge.s32 s20, s19;
	s22 =	sadd.s32 s22, s16  }
.LBB2_24:
0x33a: {  	v30 =	vmax.f32 v30, v31;
	v25 =	vmax.f32 v25, v32  }
0x33b: {  	v26 =	vmax.f32 v26, v33;
	v27 =	vmax.f32 v27, v34;
	v29 =	vmax.f32 v29, v35  }
.LBB2_25:
0x33c: {  	s23 =	sadd.s32 $0x1, s23  }
0x33d: {  	p4 =	slt.s32 s23, s11  }
.Ltmp19:
0x33e: {  	_ = 	snop;
	(pc) =	sbr.rel @!p4 .LBB2_26-.Ltmp19, $3  }
0x33f: {  	_ =	sdelay $0x1  }
0x340: {  	s24 =	sshra.s32 s7, $0x2  }
0x341: {  	s22 =	sadd.s32 s24, s22  }
.LBB2_21:
.Ltmp20:
0x342: {  	(pc) =	sbr.rel @p3 .LBB2_25-.Ltmp20, $1  }
0x343: {  	_ =	sdelay $0x3  }
0x344: {  	v36 =	vld [tilespmem:s22+$0xFFFFFFF0]  }
0x345: {  	v31 =	vld [tilespmem:s22+$0xFFFFFFD0]  }
0x346: {  	v32 =	vld [tilespmem:s22+$0x20];
	s24 =	sadd.s32 $0x1, s21  }
0x347: {  	v33 =	vld [tilespmem:s22+$0x10];
	p4 =	slt.s32 s24, s19  }
.Ltmp21:
0x348: {  	v34 =	vld [tilespmem:s22+$0x0];
	(pc) =	sbr.rel @!p4 .LBB2_24-.Ltmp21, $2  }
0x349: {  	v35 =	vld [tilespmem:s22+$0xFFFFFFE0];
	_ =	sdelay $0x2  }
0x34a: {  	s25 =	sadd.s32 $0x60, s22;
	v28 =	vmax.f32 v28, v36  }
.LBB2_23:
0x34b: {  	s24 =	sadd.s32 $0x1, s24  }
0x34c: {  	v36 =	vld [tilespmem:s25+$0xFFFFFFF0];
	v30 =	vmax.f32 v30, v31;
	p4 =	slt.s32 s24, s19  }
.Ltmp22:
0x34d: {  	v25 =	vmax.f32 v25, v32;
	v31 =	vld [tilespmem:s25+$0xFFFFFFD0];
	(pc) =	sbr.rel @p4 .LBB2_23-.Ltmp22, $4  }
0x34e: {  	v26 =	vmax.f32 v26, v33;
	v32 =	vld [tilespmem:s25+$0x20]  }
0x34f: {  	v27 =	vmax.f32 v27, v34;
	v33 =	vld [tilespmem:s25+$0x10]  }
0x350: {  	v29 =	vmax.f32 v29, v35;
	v34 =	vld [tilespmem:s25+$0x0]  }
0x351: {  	v35 =	vld [tilespmem:s25+$0xFFFFFFE0];
	v28 =	vmax.f32 v28, v36;
	s25 =	sadd.s32 $0x60, s25  }
.Ltmp23:
0x352: {  	_ = 	snop;
	(pc) =	sbr.rel .LBB2_24-.Ltmp23, $1  }
0x353: {  	_ =	sdelay $0x3  }
.LBB2_27:
0x354: {  	s0 =	ssub.s32 s28, s13  }
0x355: {  	p1 =	slt.s32 s0, $0x1  }
.Ltmp24:
0x356: {  	_ = 	snop;
	(pc) =	sbr.rel @p1 .LBB2_31-.Ltmp24, $1  }
0x357: {  	_ =	sdelay $0x3  }
0x358: {  	p1 =	sne.s32 s0, $0x1  }
.Ltmp25:
0x359: {  	_ = 	snop;
	(pc) =	sbr.rel @!p1 .LBB2_30-.Ltmp25, $3  }
0x35a: {  	_ =	sdelay $0x1  }
0x35b: {  	_ =	swait.ge [sflag:s12], $0x600  }
0x35c: {  	s0 =	sadd.s32 $0xFFFFFFFF, s0;
	[sflag:s12] =	ssyncset.done $0x0  }
.LBB2_29:
0x35d: {  	p1 =	sne.s32 s0, $0x1;
	s0 =	sadd.s32 $0xFFFFFFFF, s0;
	[sflag:s12] =	ssyncadd.s32 $0xFFFFFA00  }
.Ltmp26:
0x35e: {  	(pc) =	sbr.rel @p1 .LBB2_29-.Ltmp26, $3  }
0x35f: {  	_ =	sdelay $0x1  }
0x360: {  	_ =	swait.ge [sflag:s12], $0x600  }
0x361: {  	[sflag:s12] =	ssyncset.done $0x0  }
.Ltmp27:
0x362: {  	_ = 	snop;
	(pc) =	sbr.rel .LBB2_30-.Ltmp27, $1  }
0x363: {  	_ =	sdelay $0x3  }
.LBB2_4:
0x364: {  	[smem:$0x7C1] =	sst s12  }
0x365: {  	[smem:$0x7C2] =	sst s17  }
0x366: {  	[smem:$0x7C3] =	sst s22  }
0x367: {  	[smem:$0x7C4] =	sst s16  }
0x368: {  	[smem:$0x7C5] =	sst s29  }
0x369: {  	[smem:$0x7C6] =	sst s26  }
0x36a: {  	[smem:$0x7C7] =	sst s24  }
0x36b: {  	[smem:$0x7C8] =	sst s18  }
0x36c: {  	[smem:$0x7C9] =	sst s15  }
0x36d: {  	[smem:$0x7CA] =	sst s19  }
0x36e: {  	[smem:$0x7CB] =	sst s9  }
0x36f: {  	[smem:$0x7CC] =	sst s8  }
0x370: {  	[smem:$0x7CD] =	sst s28  }
0x371: {  	[dreg:$0x1e] =	wrdreg s14  }
0x372: {  	[dreg:$0x16] =	wrdreg s10  }
0x373: {  	s15 =	sld [smem:$0x7E2]  }
0x374: {  	s9 =	sld [smem:$0x7E4]  }
0x375: {  	s18 =	sld [smem:$0x7DB]  }
0x376: {  	s24 =	sld [smem:$0x7DE]  }
.Ltmp28:
0x377: {  	s17 =	sld [smem:$0x7E0];
	(pc) =	sbr.rel .LBB2_9-.Ltmp28, $4  }
0x378: {  	[smem:$0x7CE] =	sst s6  }
0x379: {  	[dreg:$0x13] =	wrdreg s7  }
0x37a: {  	s8 =	smov.u32 s23;
	s0 =	simm.s32 $0x1388;
	s23 =	sld [smem:$0x7DA]  }
0x37b: {  	[dreg:$0xf] =	wrdreg s0  }
.LBB2_6:
0x37c: {  	[smem:$0x7C1] =	sst s7  }
0x37d: {  	[smem:$0x7E5] =	sst s3  }
0x37e: {  	[smem:$0x7C2] =	sst s9  }
0x37f: {  	[smem:$0x7E1] =	sst s15  }
0x380: {  	[smem:$0x7E3] =	sst s18  }
0x381: {  	[smem:$0x7DF] =	sst s14  }
0x382: {  	[smem:$0x7DC] =	sst s17  }
0x383: {  	[smem:$0x7C6] =	sst s11  }
0x384: {  	[smem:$0x7C7] =	sst s5  }
0x385: {  	s16 =	smov.u32 s8;
	s8 =	sld [smem:$0x7B8]  }
0x386: {  	s21 =	sld [smem:$0x7BC]  }
0x387: {  	[smem:$0x7EB] =	sst s12  }
0x388: {  	[dreg:$0x1c] =	wrdreg s6  }
0x389: {  	s20 =	sld [smem:$0x7BA]  }
0x38a: {  	[dreg:$0x16] =	wrdreg s1  }
0x38b: {  	s15 =	sld [smem:$0x7E2]  }
0x38c: {  	s18 =	sld [smem:$0x7DB]  }
0x38d: {  	s17 =	sld [smem:$0x7E0]  }
0x38e: {  	[smem:$0x7CE] =	sst s19  }
0x38f: {  	[dreg:$0x13] =	wrdreg s28  }
0x390: {  	[smem:$0x7EC] =	sst s26  }
0x391: {  	[dreg:$0x9] =	wrdreg s2  }
0x392: {  	[dreg:$0x7] =	wrdreg s31  }
0x393: {  	[dreg:$0x15] =	wrdreg s30  }
0x394: {  	[dreg:$0x3] =	wrdreg s25  }
0x395: {  	s30 =	sld [smem:$0x7FD]  }
.Ltmp29:
0x396: {  	s3 =	sld [smem:$0x7BF];
	(pc) =	sbr.rel .LBB2_9-.Ltmp29, $4  }
0x397: {  	s11 =	sld [smem:$0x7C0]  }
0x398: {  	s9 =	smov.u32 s22;
	s0 =	simm.s32 $0x10;
	[smem:$0x7DD] =	sst s16  }
0x399: {  	s24 =	smov.u32 s10;
	s29 =	simm.s32 $0x1388;
	[smem:$0x7D8] =	sst s0  }
0x39a: {  	v30 =	vmov v31;
	s31 =	simm.s32 $0x10;
	s25 =	simm.s32 $0x1388;
	[dreg:$0xf] =	wrdreg s29  }
.LBB2_32:
.Ltmp30:
0x39b: {  	(pc) =	sbr.rel @p0 .LBB2_64-.Ltmp30, $1  }
0x39c: {  	_ =	sdelay $0x3  }
0x39d: {  	_ =	sdelay $0x2  }
0x39e: {  	s0 =	simm.s32 $0x0  }
0x39f: {  	v13 =	vld.idx.msk [tilespmem:v5+s0+$0x0], $0xffff  }
0x3a0: {  	v14 =	vld.idx.msk [tilespmem:v6+s0+$0x0], $0xffff  }
0x3a1: {  	v15 =	vld.idx.msk [tilespmem:v7+s0+$0x0], $0xffff  }
0x3a2: {  	v16 =	vld.idx.msk [tilespmem:v8+s0+$0x0], $0xffff;
	_ =	sdelay $0x4  }
0x3a3: {  	v17 =	vsub.f32 v15, v13;
	v18 =	vsub.f32 v16, v14;
	_ =	sdelay $0x1  }
0x3a4: {  	v17 =	vadd.f32 $1.000000000e+00, v17;
	v18 =	vadd.f32 $1.000000000e+00, v18;
	_ =	sdelay $0x1  }
0x3a5: {  	v17 =	vmul.f32 v18, v17;
	_ =	sdelay $0x1  }
0x3a6: {  	vm0 =	vge.f32 v17, $1.254400000e+04;
	vm15 =	vge.f32 v17, $5.017600000e+04  }
0x3a7: {  	v18 =	vsel vm0, $0x1, v9;
	v19 =	vsel vm15, $0x1, v9;
	vm0 =	vge.f32 v17, $2.007040000e+05  }
0x3a8: {  	v17 =	vadd.s32 v19, v18;
	v18 =	vsel vm0, $0x1, v9  }
0x3a9: {  	v17 =	vadd.s32 v18, v17  }
0x3aa: {  	v18 =	vimm.s32 $0x0;
	vm0 =	veq.s32 v17, $0x2  }
0x3ab: {  	v18 =	vsel vm0, $0xFFFFFFFF, v18  }
0x3ac: {  	vm15 =	veq.s32 v17, $0x1;
	[tilespmem:$0x1FDE0] =	vst v18;
	v18 =	vimm.s32 $0x0  }
0x3ad: {  	v18 =	vsel vm15, $0xFFFFFFFF, v18  }
0x3ae: {  	[tilespmem:$0x1FDF0] =	vst v18;
	v18 =	vsel vm0, $0x3D800000, v10  }
0x3af: {  	vm0 =	veq.s32 v17, $0x0;
	v18 =	vsel vm15, $0x3E000000, v18  }
0x3b0: {  	v18 =	vsel vm0, $0x3E800000, v18  }
0x3b1: {  	v19 =	vimm.s32 $0x0;
	v16 =	vmul.f32 v18, v16  }
0x3b2: {  	v19 =	vsel vm0, $0xFFFFFFFF, v19  }
0x3b3: {  	[tilespmem:$0x1FE00] =	vst v19;
	v19 =	vtrunc.f32 v16  }
0x3b4: {  	v19 =	vcvt.f32.s32 v19;
	_ =	sdelay $0x1  }
0x3b5: {  	v20 =	vcvt.s32.f32 v19;
	_ =	sdelay $0x1  }
0x3b6: {  	v16 =	vsub.f32 v16, v20;
	_ =	sdelay $0x1  }
0x3b7: {  	v22 =	vimm.s32 $0x0;
	vm0 =	veq.f32 v16, $5.000000000e-01  }
0x3b8: {  	vm15 =	vgt.f32 v16, $5.000000000e-01;
	v16 =	vimm.s32 $0x0;
	v22 =	vsel vm0, $0xFFFFFFFF, v22  }
0x3b9: {  	v16 =	vsel vm15, $0xFFFFFFFF, v16;
	[tilespmem:$0x1FC70] =	vst v22  }
0x3ba: {  	v14 =	vmul.f32 v18, v14;
	[tilespmem:$0x1FC80] =	vst v16;
	v16 =	vld [tilespmem:$0x1FC70];
	_ =	sdelay $0x1  }
0x3bb: {  	v21 =	vtrunc.f32 v14  }
0x3bc: {  	v21 =	vcvt.f32.s32 v21  }
0x3bd: {  	v24 =	vshrl.u32 v11, v17;
	v22 =	vand.u32 $0x1, v19  }
0x3be: {  	v17 =	vcvt.s32.f32 v21;
	vm0 =	veq.s32 v22, $0x1;
	vm15 =	vnez.u8 v16  }
0x3bf: {  	v16 =	vimm.s32 $0x0;
	vm0 =	vmand vm15, vm0  }
0x3c0: {  	v14 =	vsub.f32 v14, v17;
	v16 =	vsel vm0, $0xFFFFFFFF, v16  }
0x3c1: {  	v15 =	vmul.f32 v18, v15;
	[tilespmem:$0x1FC90] =	vst v16;
	v16 =	vand.u32 $0x1, v21  }
0x3c2: {  	v13 =	vmul.f32 v18, v13;
	vm15 =	veq.f32 v14, $5.000000000e-01;
	vm0 =	veq.s32 v16, $0x1  }
0x3c3: {  	v18 =	vimm.s32 $0x0;
	v17 =	vtrunc.f32 v15;
	vm0 =	vmand vm15, vm0  }
0x3c4: {  	v18 =	vsel vm0, $0xFFFFFFFF, v18;
	vm0 =	vgt.f32 v14, $5.000000000e-01;
	v14 =	vimm.s32 $0x0  }
0x3c5: {  	v16 =	vcvt.f32.s32 v17;
	v17 =	vtrunc.f32 v13;
	v14 =	vsel vm0, $0xFFFFFFFF, v14  }
0x3c6: {  	[tilespmem:$0x1FCB0] =	vst v14;
	v14 =	vcvt.f32.s32 v17;
	v17 =	vld [tilespmem:$0x1FC80];
	_ =	sdelay $0x4  }
0x3c7: {  	vm0 =	vnez.u8 v17;
	v17 =	vld [tilespmem:$0x1FC90];
	_ =	sdelay $0x4  }
0x3c8: {  	vm15 =	vnez.u8 v17  }
0x3c9: {  	v17 =	vimm.s32 $0x0;
	vm0 =	vmor vm0, vm15  }
0x3ca: {  	[tilespmem:$0x1FCA0] =	vst v18;
	v17 =	vsel vm0, $0xFFFFFFFF, v17  }
0x3cb: {  	[tilespmem:$0x1FCC0] =	vst v17;
	v17 =	vld [tilespmem:$0x1FCA0];
	_ =	sdelay $0x4  }
0x3cc: {  	vm15 =	vnez.u8 v17;
	v17 =	vld [tilespmem:$0x1FCB0]  }
0x3cd: {  	v18 =	vld [tilespmem:$0x1FCC0];
	_ =	sdelay $0x3  }
0x3ce: {  	vm0 =	vnez.u8 v17  }
0x3cf: {  	v17 =	vcvt.s32.f32 v16;
	vm15 =	vmor vm0, vm15;
	vm0 =	vnez.u8 v18  }
0x3d0: {  	v18 =	vsel vm0, $0x1, v9;
	v22 =	vsel vm15, $0x1, v9  }
0x3d1: {  	v15 =	vsub.f32 v15, v17;
	v18 =	vadd.s32 v18, v19;
	v19 =	vadd.s32 v21, v22  }
0x3d2: {  	v23 =	vcvt.s32.f32 v14;
	v17 =	vsub.s32 v18, v19;
	v18 =	vand.u32 $0x1, v16  }
0x3d3: {  	vm0 =	veq.f32 v15, $5.000000000e-01;
	vm15 =	veq.s32 v18, $0x1  }
0x3d4: {  	v13 =	vsub.f32 v13, v23;
	v21 =	vimm.s32 $0x0;
	vm0 =	vmand vm0, vm15  }
0x3d5: {  	v21 =	vsel vm0, $0xFFFFFFFF, v21  }
0x3d6: {  	vm0 =	veq.f32 v13, $5.000000000e-01;
	[tilespmem:$0x1FCE0] =	vst v21;
	v21 =	vimm.s32 $0x0  }
0x3d7: {  	vm15 =	vgt.f32 v15, $5.000000000e-01;
	v15 =	vimm.s32 $0x0;
	v21 =	vsel vm0, $0xFFFFFFFF, v21  }
0x3d8: {  	v15 =	vsel vm15, $0xFFFFFFFF, v15;
	[tilespmem:$0x1FCD0] =	vst v21  }
0x3d9: {  	[tilespmem:$0x1FCF0] =	vst v15;
	v15 =	vld [tilespmem:$0x1FCD0];
	_ =	sdelay $0x3  }
0x3da: {  	v18 =	vand.u32 $0x1, v14  }
0x3db: {  	vm0 =	veq.s32 v18, $0x1;
	vm15 =	vnez.u8 v15  }
0x3dc: {  	v15 =	vimm.s32 $0x0;
	vm0 =	vmand vm15, vm0  }
0x3dd: {  	v15 =	vsel vm0, $0xFFFFFFFF, v15  }
0x3de: {  	[tilespmem:$0x1FD00] =	vst v15;
	v15 =	vld [tilespmem:$0x1FCE0];
	_ =	sdelay $0x3  }
0x3df: {  	vm0 =	vgt.f32 v13, $5.000000000e-01;
	v13 =	vimm.s32 $0x0  }
0x3e0: {  	v13 =	vsel vm0, $0xFFFFFFFF, v13;
	vm0 =	vnez.u8 v15;
	v15 =	vld [tilespmem:$0x1FCF0];
	_ =	sdelay $0x4  }
0x3e1: {  	vm15 =	vnez.u8 v15  }
0x3e2: {  	v15 =	vimm.s32 $0x0;
	vm0 =	vmor vm15, vm0  }
0x3e3: {  	v15 =	vsel vm0, $0xFFFFFFFF, v15  }
0x3e4: {  	[tilespmem:$0x1FD20] =	vst v15;
	v15 =	vld [tilespmem:$0x1FD00];
	_ =	sdelay $0x3  }
0x3e5: {  	[tilespmem:$0x1FD10] =	vst v13  }
0x3e6: {  	vm15 =	vnez.u8 v15;
	v15 =	vld [tilespmem:$0x1FD10];
	_ =	sdelay $0x4  }
0x3e7: {  	v13 =	vadd.s32 $0x1, v17;
	vm0 =	vnez.u8 v15  }
0x3e8: {  	v15 =	vimm.s32 $0x0;
	vm15 =	vmor vm0, vm15;
	vm0 =	vgt.s32 v13, $0x1  }
0x3e9: {  	v15 =	vsel vm0, $0xFFFFFFFF, v15  }
0x3ea: {  	[tilespmem:$0x1FD30] =	vst v15;
	v15 =	vld [tilespmem:$0x1FD20]  }
0x3eb: {  	v18 =	vld [tilespmem:$0x1FD30];
	_ =	sdelay $0x3  }
0x3ec: {  	vm0 =	vnez.u8 v15  }
0x3ed: {  	v15 =	vsel vm0, $0x1, v9;
	vm0 =	vnez.u8 v18  }
0x3ee: {  	v20 =	vadd.s32 $0x1, v24;
	v17 =	vsel vm15, $0x1, v9;
	v13 =	vnsel vm0, $0x1, v13  }
0x3ef: {  	v14 =	vadd.s32 v14, v17;
	v15 =	vadd.s32 v15, v16;
	v16 =	vmin.u32 v20, v13  }
0x3f0: {  	v17 =	vimm.s32 $0x0;
	v13 =	vsub.s32 v15, v14;
	vm0 =	veq.s32 v16, $0x1D  }
0x3f1: {  	v13 =	vadd.s32 $0x1, v13;
	v17 =	vsel vm0, $0xFFFFFFFF, v17  }
0x3f2: {  	vm0 =	vgt.s32 v13, $0x1;
	[tilespmem:$0x1FD40] =	vst v17;
	v17 =	vimm.s32 $0x0  }
0x3f3: {  	v17 =	vsel vm0, $0xFFFFFFFF, v17  }
0x3f4: {  	vm0 =	veq.s32 v16, $0x74;
	[tilespmem:$0x1FD50] =	vst v17;
	v17 =	vimm.s32 $0x0  }
0x3f5: {  	v17 =	vsel vm0, $0xFFFFFFFF, v17  }
0x3f6: {  	[tilespmem:$0x1FD60] =	vst v17;
	v17 =	vld [tilespmem:$0x1FD40];
	_ =	sdelay $0x4  }
0x3f7: {  	vm0 =	vnez.u8 v17;
	v17 =	vld [tilespmem:$0x1FD50];
	_ =	sdelay $0x3  }
0x3f8: {  	vm15 =	veq.s32 v16, $0x3A  }
0x3f9: {  	vm15 =	vmor vm0, vm15;
	vm0 =	vnez.u8 v17  }
0x3fa: {  	v17 =	vimm.s32 $0x0;
	v13 =	vnsel vm0, $0x1, v13;
	vm0 =	veq.s32 v16, $0x7B  }
0x3fb: {  	v17 =	vsel vm0, $0xFFFFFFFF, v17  }
0x3fc: {  	[tilespmem:$0x1FD70] =	vst v17;
	v17 =	vld [tilespmem:$0x1FD60];
	_ =	sdelay $0x4  }
0x3fd: {  	vm0 =	vnez.u8 v17;
	v17 =	vmin.u32 v20, v13;
	v13 =	vld [tilespmem:$0x1FD70];
	_ =	sdelay $0x4  }
0x3fe: {  	vm15 =	vmor vm0, vm15;
	vm0 =	vnez.u8 v13  }
0x3ff: {  	v13 =	vimm.s32 $0x0;
	vm0 =	vmor vm0, vm15;
	vm15 =	veq.s32 v17, $0x1D  }
0x400: {  	v13 =	vsel vm15, $0xFFFFFFFF, v13  }
0x401: {  	v18 =	vsel vm0, $0x1, v9;
	vm0 =	veq.s32 v17, $0x74;
	[tilespmem:$0x1FD80] =	vst v13;
	v13 =	vimm.s32 $0x0  }
0x402: {  	v13 =	vsel vm0, $0xFFFFFFFF, v13  }
0x403: {  	[tilespmem:$0x1FD90] =	vst v13;
	v13 =	vld [tilespmem:$0x1FD80];
	_ =	sdelay $0x3  }
0x404: {  	v15 =	vadd.s32 v19, v16  }
0x405: {  	vm15 =	veq.s32 v17, $0x3A;
	vm0 =	vnez.u8 v13;
	v13 =	vadd.s32 v18, v15  }
0x406: {  	v15 =	vimm.s32 $0x0;
	vm15 =	vmor vm0, vm15;
	vm0 =	veq.s32 v17, $0x7B  }
0x407: {  	v15 =	vsel vm0, $0xFFFFFFFF, v15  }
0x408: {  	[tilespmem:$0x1FDA0] =	vst v15;
	v15 =	vld [tilespmem:$0x1FD90];
	_ =	sdelay $0x4  }
0x409: {  	vm0 =	vnez.u8 v15  }
0x40a: {  	v15 =	vimm.s32 $0x0;
	vm15 =	vmor vm0, vm15;
	vm0 =	vgt.s32 v13, $0x0  }
0x40b: {  	v15 =	vsel vm0, $0xFFFFFFFF, v15  }
0x40c: {  	[tilespmem:$0x1FDB0] =	vst v15;
	v15 =	vld [tilespmem:$0x1FDA0];
	_ =	sdelay $0x4  }
0x40d: {  	vm0 =	vnez.u8 v15;
	v15 =	vld [tilespmem:$0x1FDB0];
	_ =	sdelay $0x4  }
0x40e: {  	vm15 =	vmor vm0, vm15;
	vm0 =	vnez.u8 v15  }
0x40f: {  	v21 =	vimm.s32 $0x0;
	v13 =	vnsel vm0, $0x0, v13;
	vm0 =	vgt.s32 v19, $0x0  }
0x410: {  	v21 =	vsel vm0, $0xFFFFFFFF, v21  }
0x411: {  	vm0 =	vgt.s32 v14, $0x0;
	[tilespmem:$0x1FDC0] =	vst v21;
	v21 =	vimm.s32 $0x0  }
0x412: {  	v21 =	vsel vm0, $0xFFFFFFFF, v21  }
0x413: {  	[tilespmem:$0x1FDD0] =	vst v21;
	v21 =	vld [tilespmem:$0x1FDC0]  }
0x414: {  	v22 =	vld [tilespmem:$0x1FDD0];
	_ =	sdelay $0x2  }
0x415: {  	v20 =	vsel vm15, $0x1, v9;
	v15 =	vadd.s32 v14, v17  }
0x416: {  	v15 =	vadd.s32 v20, v15;
	vm0 =	vnez.u8 v21  }
0x417: {  	vm15 =	vgt.s32 v15, $0x0;
	v21 =	vnsel vm0, $0x0, v19;
	vm0 =	vnez.u8 v22  }
0x418: {  	v15 =	vnsel vm15, $0x0, v15;
	v22 =	vnsel vm0, $0x0, v14  }
0x419: {  	v15 =	vmin.u32 v24, v15;
	v22 =	vmin.u32 v24, v22  }
0x41a: {  	v23 =	vsub.s32 v15, v22;
	v15 =	vor.u32 $0x80000000, v16  }
0x41b: {  	v16 =	vor.u32 $0x80000000, v17;
	v17 =	vor.u32 $0x80000000, v18;
	v18 =	vor.u32 $0x80000000, v20;
	v20 =	vld [tilespmem:$0x1FDE0];
	_ =	sdelay $0x3  }
0x41c: {  	v13 =	vmin.u32 v24, v13;
	v21 =	vmin.u32 v24, v21  }
0x41d: {  	v13 =	vsub.s32 v13, v21;
	vm15 =	vnez.u8 v20;
	v20 =	vor.u32 $0x80000000, v22;
	v22 =	vld [tilespmem:$0x1FDF0]  }
0x41e: {  	v13 =	vmul.u32 v23, v13;
	_ =	sdelay $0x1  }
0x41f: {  	vm0 =	vlt.s32 v13, $0x480  }
0x420: {  	v25 =	vnsel vm0, $0x480, v13  }
0x421: {  	v26 =	vsel vm15, $0x80005000, v12;
	vm15 =	vnez.u8 v22;
	v22 =	vxor.u32 $0x80000000, v25;
	v25 =	vld [tilespmem:$0x1FE00];
	_ =	sdelay $0x1  }
.Ltmp31:
0x422: {  	_ = 	snop;
	(pc) =	sbr.rel .LBB2_34-.Ltmp31, $4  }
0x423: {  	_ = 	snop  }
0x424: {  	v14 =	vxor.u32 $0x80000000, v14;
	v13 =	vxor.u32 $0x80000000, v19;
	v19 =	vor.u32 $0x80000000, v21  }
0x425: {  	v21 =	vxor.u32 $0x80000000, v23;
	v23 =	vsel vm15, $0x80004000, v26;
	vm15 =	vnez.u8 v25  }
0x426: {  	s26 =	simm.s32 $0x0;
	v24 =	vor.u32 $0x80000000, v24;
	vm0 =	vcmask $0x300;
	v23 =	vsel vm15, $0x80000000, v23  }
.LBB2_62:
0x427: {  	[sflag:s12] =	ssyncadd.s32 $0xFFFFFA00  }
.LBB2_63:
0x428: {  	s0 =	sld [smem:$0x7F7];
	_ =	sdelay $0x2  }
0x429: {  	s0 =	sadd.s32 s0, s26  }
0x42a: {  	s0 =	smul.u32 $0x24C, s0  }
0x42b: {  	s1 =	rddreg [dreg:$0x1];
	s25 =	simm.s32 $0x0  }
0x42c: {  	s2 =	simm.s32 $0x1C808;
	s28 =	simm.s32 $0x2;
	s0 =	sadd.s32 s1, s0  }
0x42d: {  	[hbm4b:s0+s25] =	stream.linear.scatter [tilespmem:s2], [sflag:$0x2], $0x1260, $0x38;
	[tilespmem:$0x1DA68] =	vst v63  }
0x42e: {  	_ =	swait.ge [sflag:s28], $0x1260  }
0x42f: {  	s29 =	sld [smem:$0x7FB];
	_ =	sdelay $0x1  }
0x430: {  	s26 =	sadd.s32 $0x1, s26  }
0x431: {  	p1 =	sne.s32 s26, s29  }
.Ltmp32:
0x432: {  	_ = 	snop;
	(pc) =	sbr.rel @!p1 .LBB2_64-.Ltmp32, $3  }
0x433: {  	_ =	sdelay $0x1  }
0x434: {  	[sflag:s28] =	ssyncset.done $0x0  }
0x435: {  	[sflag:s28] =	ssyncadd.s32 $0xFFFFEDA0  }
.LBB2_34:
0x436: {  	v25 =	vmov s26  }
0x437: {  	vm15 =	veq.s32 v25, v0  }
0x438: {  	v25 =	vnsel vm15, $0x0, v13  }
0x439: {  	(xrf0) =	vmax.scan.msk.u32 $0xffff, v25;
	v25 =	vnsel vm15, $0x0, v14  }
0x43a: {  	(xrf0) =	vmax.scan.msk.u32 $0xffff, v25;
	v25 =	vnsel vm15, $0x0, v15  }
0x43b: {  	(xrf0) =	vmax.scan.msk.u32 $0xffff, v25;
	v25 =	vnsel vm15, $0x0, v16  }
0x43c: {  	(xrf0) =	vmax.scan.msk.u32 $0xffff, v25;
	v25 =	vnsel vm15, $0x0, v17  }
0x43d: {  	(xrf0) =	vmax.scan.msk.u32 $0xffff, v25;
	v25 =	vnsel vm15, $0x0, v18  }
0x43e: {  	(xrf0) =	vmax.scan.msk.u32 $0xffff, v25;
	v25 =	vnsel vm15, $0x0, v19  }
0x43f: {  	v26, _, _ =	vpop (xrf0);
	(xrf0) =	vmax.scan.msk.u32 $0xffff, v25;
	v25 =	vnsel vm15, $0x0, v20  }
0x440: {  	(v2sf) =	vpush v26, $0xF;
	v26, _, _ =	vpop (xrf0);
	(xrf0) =	vmax.scan.msk.u32 $0xffff, v25;
	v25 =	vnsel vm15, $0x0, v21  }
0x441: {  	(v2sf) =	vpush v26, $0xF;
	v26, _, _ =	vpop (xrf0);
	(xrf0) =	vmax.scan.msk.u32 $0xffff, v25;
	v25 =	vnsel vm15, $0x0, v22;
	_ =	sdelay $0x1  }
0x442: {  	(v2sf) =	vpush v26, $0xF;
	v26, _, _ =	vpop (xrf0);
	(xrf0) =	vmax.scan.msk.u32 $0xffff, v25  }
0x443: {  	(v2sf) =	vpush v26, $0xF;
	v25, _, _ =	vpop (xrf0)  }
0x444: {  	v26, _, _ =	vpop (xrf0);
	(v2sf) =	vpush v25, $0xF  }
0x445: {  	v25, _, _ =	vpop (xrf0);
	(v2sf) =	vpush v26, $0xF  }
0x446: {  	v26, _, _ =	vpop (xrf0);
	(v2sf) =	vpush v25, $0xF  }
0x447: {  	v25, _, _ =	vpop (xrf0);
	(v2sf) =	vpush v26, $0xF  }
0x448: {  	(v2sf) =	vpush v25, $0xF;
	v25, _, _ =	vpop (xrf0)  }
0x449: {  	(v2sf) =	vpush v25, $0xF;
	_ =	sdelay $0x2  }
0x44a: {  	v25 =	vnsel vm15, $0x0, v24  }
0x44b: {  	(xrf0) =	vmax.scan.msk.u32 $0xffff, v25;
	_ =	sdelay $0x1  }
0x44c: {  	s6 =	spop (v2sf)  }
0x44d: {  	s7 =	spop (v2sf)  }
0x44e: {  	s9 =	spop (v2sf)  }
0x44f: {  	s11 =	spop (v2sf)  }
0x450: {  	v25, _, _ =	vpop (xrf0);
	s13 =	spop (v2sf)  }
0x451: {  	(v2sf) =	vpush v25, $0xF;
	s10 =	spop (v2sf)  }
0x452: {  	s8 =	spop (v2sf)  }
0x453: {  	s17 =	spop (v2sf)  }
0x454: {  	s1 =	spop (v2sf)  }
0x455: {  	s0 =	spop (v2sf)  }
0x456: {  	s2 =	sadd.s32 $0x8000000F, s0  }
0x457: {  	s3 =	sand.u32 $0xF, s2  }
0x458: {  	s4 =	sshra.s32 s2, $0x1F;
	p1 =	slt.s32 s2, $0x1;
	p2 =	sne.s32 s3, $0x0  }
0x459: {  	s23 =	sshrl.u32 s4, $0x1C;
	p1 =	por !p1, !p2  }
0x45a: {  	s3 =	simm.s32 $0x1;
	s2 =	sadd.s32 s23, s2;
	p1 =	por !p1, !p1  }
0x45b: {  	s2 =	sshra.s32 s2, $0x4;
	s3 =	simm.s32 @!p1 $0x0  }
0x45c: {  	s28 =	ssub.s32 s2, s3  }
0x45d: {  	p2 =	slt.s32 s28, $0x1  }
.Ltmp33:
0x45e: {  	_ = 	snop;
	(pc) =	sbr.rel @p2 .LBB2_44-.Ltmp33, $4  }
0x45f: {  	_ = 	snop  }
0x460: {  	s25 =	sxor.u32 $0x80000000, s8;
	s29 =	sxor.u32 $0x80000000, s1;
	s24 =	spop (v2sf)  }
0x461: {  	[smem:$0x797] =	sst s25;
	p1 =	sgt.s32 s29, $0x1;
	s1 =	sxor.u32 $0x80000000, s24  }
0x462: {  	s29 =	simm.s32 @!p1 $0x1;
	[smem:$0x798] =	sst s1  }
0x463: {  	v25 =	vnsel vm15, $0x0, v23  }
0x464: {  	(xrf0) =	vmax.scan.msk.u32 $0xffff, v25;
	_ =	sdelay $0x5  }
0x465: {  	v25, _, _ =	vpop (xrf0)  }
0x466: {  	(v2sf) =	vpush v25, $0xF;
	v25 =	vmov s29  }
0x467: {  	(v2sf) =	vpush v25, $0xE  }
0x468: {  	(v2sf) =	vpush v25, $0xD  }
0x469: {  	(v2sf) =	vpush v25, $0xC  }
0x46a: {  	(v2sf) =	vpush v25, $0xB  }
0x46b: {  	[smem:$0x770] =	sst s13  }
0x46c: {  	[smem:$0x771] =	sst s11;
	(v2sf) =	vpush v25, $0xA  }
0x46d: {  	[smem:$0x772] =	sst s10;
	(v2sf) =	vpush v25, $0x9  }
0x46e: {  	[smem:$0x773] =	sst s9;
	(v2sf) =	vpush v25, $0x8  }
0x46f: {  	[smem:$0x774] =	sst s7;
	(v2sf) =	vpush v25, $0x7  }
0x470: {  	[smem:$0x775] =	sst s6;
	(v2sf) =	vpush v25, $0x6  }
0x471: {  	[smem:$0x776] =	sst s8;
	(v2sf) =	vpush v25, $0x5  }
0x472: {  	[smem:$0x777] =	sst s26  }
0x473: {  	[smem:$0x778] =	sst s29;
	s4 =	simm.s32 $0x0;
	(v2sf) =	vpush v25, $0x4  }
0x474: {  	s2 =	simm.s32 $0x0;
	[smem:$0x77A] =	sst s17;
	s26 =	sxor.u32 $0x80000000, s17;
	(v2sf) =	vpush v25, $0x3  }
0x475: {  	s0 =	sxor.u32 $0x80000000, s0;
	p1 =	sne.s32 s28, $0x1;
	(v2sf) =	vpush v25, $0x2;
	s1 =	spop (v2sf)  }
0x476: {  	[smem:$0x779] =	sst s2;
	(v2sf) =	vpush v25, $0x1;
	s3 =	spop (v2sf);
	s1 =	sadd.s32 s1, s26  }
0x477: {  	v30 =	vor.u32 s4, v0;
	[smem:$0x794] =	sst s0;
	(v2sf) =	vpush v25, $0x0;
	s5 =	spop (v2sf);
	s4 =	sadd.s32 $0x80000000, s1  }
0x478: {  	(v2sf) =	vpush v25, $0xF;
	s24 =	spop (v2sf);
	[smem:$0x793] =	sst s4;
	s4 =	sshra.s32 s3, $0x1F  }
0x479: {  	(v2sf) =	vpush v30, $0xE;
	s19 =	sshra.s32 s5, $0x1F;
	s25 =	spop (v2sf);
	s0 =	sshra.s32 s24, $0x1F  }
0x47a: {  	(v2sf) =	vpush v30, $0xD;
	s5 =	sxor.u32 s19, s5;
	s3 =	sxor.u32 s4, s3;
	[dreg:$0x6] =	wrdreg s19  }
0x47b: {  	(v2sf) =	vpush v30, $0xC;
	s13 =	spop (v2sf);
	s6 =	sxor.u32 s0, s24;
	[smem:$0x787] =	sst s3  }
0x47c: {  	(v2sf) =	vpush v30, $0xB;
	s21 =	spop (v2sf);
	s2 =	sshra.s32 s13, $0x1F;
	[smem:$0x78A] =	sst s6  }
0x47d: {  	(v2sf) =	vpush v30, $0xA;
	s10 =	spop (v2sf);
	s9 =	sxor.u32 s2, s13;
	[dreg:$0xa] =	wrdreg s2  }
0x47e: {  	(v2sf) =	vpush v30, $0x9;
	s26 =	sshra.s32 s21, $0x1F;
	s11 =	spop (v2sf);
	[smem:$0x789] =	sst s9  }
0x47f: {  	s6 =	sxor.u32 s26, s21;
	[smem:$0x78E] =	sst s26;
	s22 =	spop (v2sf)  }
0x480: {  	[smem:$0x78F] =	sst s6;
	s24 =	sshra.s32 s11, $0x1F;
	s14 =	spop (v2sf)  }
0x481: {  	(v2sf) =	vpush v30, $0x8;
	s29 =	sshra.s32 s22, $0x1F;
	s8 =	sxor.u32 s24, s11;
	s11 =	smov.u32 s24  }
0x482: {  	(v2sf) =	vpush v30, $0x7;
	s15 =	spop (v2sf);
	s21 =	sxor.u32 s29, s22;
	[smem:$0x78C] =	sst s11  }
0x483: {  	s8 =	ssub.s32 s8, s11;
	[smem:$0x791] =	sst s29;
	s16 =	spop (v2sf)  }
0x484: {  	[smem:$0x792] =	sst s21;
	s24 =	sshra.s32 s15, $0x1F;
	s17 =	spop (v2sf)  }
0x485: {  	[smem:$0x78D] =	sst s8;
	s22 =	sshra.s32 s16, $0x1F;
	s23 =	spop (v2sf)  }
0x486: {  	[smem:$0x77D] =	sst s24;
	s13 =	sxor.u32 s24, s15;
	s1 =	spop (v2sf)  }
0x487: {  	[smem:$0x77B] =	sst s22;
	s6 =	sxor.u32 s22, s16;
	s20 =	spop (v2sf)  }
0x488: {  	[smem:$0x77E] =	sst s13;
	s13 =	smov.u32 s4;
	s3 =	spop (v2sf)  }
0x489: {  	[smem:$0x77C] =	sst s6;
	s6 =	sshra.s32 s14, $0x1F;
	s21 =	spop (v2sf)  }
0x48a: {  	[dreg:$0x4] =	wrdreg s13;
	s4 =	sshra.s32 s1, $0x1F;
	s22 =	spop (v2sf)  }
0x48b: {  	s24 =	sxor.u32 s6, s14;
	[smem:$0x780] =	sst s4;
	s9 =	spop (v2sf)  }
0x48c: {  	s14 =	sxor.u32 s4, s1;
	s1 =	smov.u32 s28;
	s15 =	spop (v2sf)  }
0x48d: {  	s28 =	ssub.s32 s5, s19;
	s19 =	sld [smem:$0x787];
	s16 =	spop (v2sf)  }
0x48e: {  	[smem:$0x77F] =	sst s16;
	s16 =	sshra.s32 s23, $0x1F  }
0x48f: {  	(v2sf) =	vpush v30, $0x6;
	[smem:$0x781] =	sst s16;
	s4 =	sxor.u32 s16, s23  }
0x490: {  	(v2sf) =	vpush v30, $0x5;
	s16 =	spop (v2sf);
	[smem:$0x782] =	sst s4  }
0x491: {  	(v2sf) =	vpush v30, $0x4;
	[dreg:$0x19] =	wrdreg s16;
	s23 =	spop (v2sf)  }
0x492: {  	(v2sf) =	vpush v30, $0x3;
	[dreg:$0x1b] =	wrdreg s23;
	s23 =	sshra.s32 s20, $0x1F  }
0x493: {  	s11 =	smov.u32 s6;
	s16 =	sshra.s32 s17, $0x1F;
	[smem:$0x785] =	sst s23  }
0x494: {  	(v2sf) =	vpush v30, $0x2;
	s4 =	sxor.u32 s16, s17;
	s17 =	sxor.u32 s23, s20;
	s23 =	sld [smem:$0x789]  }
0x495: {  	s18 =	sshra.s32 s25, $0x1F;
	[smem:$0x790] =	sst s11;
	(v2sf) =	vpush v30, $0x1  }
0x496: {  	s25 =	sxor.u32 s18, s25;
	s5 =	smov.u32 s18;
	[smem:$0x795] =	sst s1;
	(v2sf) =	vpush v30, $0x0  }
0x497: {  	(v2sf) =	vpush v30, $0xF;
	s18 =	ssub.s32 s23, s2;
	s23 =	ssub.s32 s25, s5;
	s25 =	sld [smem:$0x78A]  }
0x498: {  	[dreg:$0x8] =	wrdreg s5  }
0x499: {  	s7 =	sshra.s32 s10, $0x1F;
	[smem:$0x784] =	sst s4;
	s4 =	smov.u32 s0  }
0x49a: {  	s13 =	ssub.s32 s19, s13;
	s19 =	sld [smem:$0x78F];
	s0 =	ssub.s32 s25, s4  }
0x49b: {  	s10 =	sxor.u32 s7, s10;
	[smem:$0x78B] =	sst s0  }
0x49c: {  	s8 =	ssub.s32 s10, s7;
	s0 =	sld [smem:$0x794]  }
0x49d: {  	s10 =	ssub.s32 s19, s26;
	s26 =	ssub.s32 s24, s11;
	s24 =	sld [smem:$0x792]  }
0x49e: {  	[smem:$0x783] =	sst s16;
	s16 =	spop (v2sf)  }
0x49f: {  	s20 =	spop (v2sf);
	v27 =	vmov s0;
	s0 =	sld [smem:$0x797]  }
0x4a0: {  	[smem:$0x788] =	sst s20;
	s20 =	spop (v2sf)  }
0x4a1: {  	[smem:$0x786] =	sst s17;
	s6 =	spop (v2sf)  }
.Ltmp34:
0x4a2: {  	p2 =	por $0x0, $0x0;
	v28 =	vmov s0;
	s0 =	sld [smem:$0x798];
	(pc) =	sbr.rel @!p1 .LBB2_36-.Ltmp34, $4  }
0x4a3: {  	s1 =	sadd.s32 $0xFFFFFFFF, s1;
	s17 =	spop (v2sf);
	s25 =	sld [smem:$0x793]  }
0x4a4: {  	[smem:$0x796] =	sst s1;
	s24 =	ssub.s32 s24, s29;
	s11 =	spop (v2sf)  }
0x4a5: {  	[dreg:$0x14] =	wrdreg s4;
	s19 =	spop (v2sf);
	v29 =	vmov s0;
	s0 =	simm.s32 $0x10  }
0x4a6: {  	s29 =	spop (v2sf);
	v26 =	vmov s25;
	s25 =	simm.s32 $0x1388;
	[dreg:$0xc] =	wrdreg s0  }
0x4a7: {  	s1 =	sshra.s32 s3, $0x1F;
	s30 =	sld [smem:$0x783]  }
0x4a8: {  	s0 =	sshra.s32 s21, $0x1F;
	s25 =	smov.u32 s7;
	[smem:$0x757] =	sst s1  }
0x4a9: {  	s4 =	sshra.s32 s22, $0x1F;
	s7 =	sshra.s32 s9, $0x1F;
	[smem:$0x756] =	sst s0  }
0x4aa: {  	s31 =	sshra.s32 s15, $0x1F;
	s2 =	sxor.u32 s1, s3;
	[smem:$0x755] =	sst s4  }
0x4ab: {  	s5 =	sxor.u32 s4, s22;
	s22 =	sld [smem:$0x786];
	s2 =	ssub.s32 s2, s1  }
0x4ac: {  	s21 =	sxor.u32 s0, s21;
	(drf) =	sdiv.u32 s2, s13;
	s13 =	sld [smem:$0x78B]  }
0x4ad: {  	s9 =	sxor.u32 s7, s9;
	s3 =	ssub.s32 s21, s0;
	s0 =	sld [smem:$0x785]  }
0x4ae: {  	s15 =	sxor.u32 s31, s15;
	s2 =	ssub.s32 s5, s4;
	(drf) =	sdiv.u32 s3, s28  }
0x4af: {  	s1 =	smov.u32 s10;
	s10 =	ssub.s32 s9, s7;
	(drf) =	sdiv.u32 s2, s13  }
0x4b0: {  	s5 =	ssub.s32 s22, s0;
	s2 =	ssub.s32 s15, s31;
	(drf) =	sdiv.u32 s10, s23  }
0x4b1: {  	s10 =	sshra.s32 s29, $0x1F;
	s23 =	smov.u32 s11;
	s11 =	sshra.s32 s19, $0x1F  }
0x4b2: {  	(drf) =	sdiv.u32 s2, s18;
	s21 =	sxor.u32 s10, s29;
	s29 =	sld [smem:$0x780]  }
0x4b3: {  	s28 =	sxor.u32 s11, s19;
	s13 =	sshra.s32 s23, $0x1F;
	s19 =	sld [smem:$0x784]  }
0x4b4: {  	s2 =	ssub.s32 s21, s10;
	s9 =	sxor.u32 s13, s23;
	s23 =	sld [smem:$0x77C]  }
0x4b5: {  	(drf) =	sdiv.u32 s2, s5;
	s2 =	ssub.s32 s28, s11;
	s28 =	sld [smem:$0x781]  }
0x4b6: {  	s4 =	ssub.s32 s14, s29;
	s14 =	sld [smem:$0x782]  }
0x4b7: {  	s10 =	sxor.u32 s0, s10;
	s5 =	smov.u32 s26;
	s26 =	sld [smem:$0x77D]  }
0x4b8: {  	s21 =	ssub.s32 s19, s30;
	s19 =	sshra.s32 s20, $0x1F;
	(drf) =	sdiv.u32 s2, s4  }
0x4b9: {  	s2 =	ssub.s32 s9, s13;
	s9 =	sshra.s32 s17, $0x1F;
	s15 =	ssub.s32 s14, s28  }
0x4ba: {  	s18 =	sxor.u32 s9, s17;
	(drf) =	sdiv.u32 s2, s15;
	s15 =	sld [smem:$0x77B]  }
0x4bb: {  	s4 =	sxor.u32 s19, s20;
	s2 =	ssub.s32 s18, s9;
	s18 =	sshra.s32 s6, $0x1F  }
0x4bc: {  	s0 =	smov.u32 s28;
	(drf) =	sdiv.u32 s2, s21;
	s22 =	sxor.u32 s18, s6  }
0x4bd: {  	s6 =	sld [smem:$0x77E];
	s2 =	ssub.s32 s22, s18;
	s3 =	ssub.s32 s23, s15  }
0x4be: {  	(drf) =	sdiv.u32 s2, s3;
	s2 =	ssub.s32 s4, s19;
	s4 =	sld [smem:$0x788]  }
0x4bf: {  	s11 =	sxor.u32 s29, s11;
	s13 =	sxor.u32 s0, s13;
	s21 =	sshra.s32 s16, $0x1F  }
0x4c0: {  	s9 =	sxor.u32 s30, s9;
	s17 =	sxor.u32 s21, s16;
	s23 =	rddreg [dreg:$0x1b]  }
0x4c1: {  	s3 =	ssub.s32 s6, s26;
	s22 =	sshra.s32 s23, $0x1F;
	s20 =	sshra.s32 s4, $0x1F  }
0x4c2: {  	s6 =	spop (drf);
	(drf) =	sdiv.u32 s2, s3;
	s14 =	sxor.u32 s20, s4  }
0x4c3: {  	(v2sf) =	vpush v25, $0xE;
	s3 =	ssub.s32 s17, s21;
	s2 =	ssub.s32 s14, s20;
	s14 =	rddreg [dreg:$0x19]  }
0x4c4: {  	s4 =	sxor.u32 s22, s23;
	(drf) =	sdiv.u32 s2, s5;
	s5 =	sld [smem:$0x78D]  }
0x4c5: {  	(v2sf) =	vpush v25, $0xD;
	s23 =	sshra.s32 s14, $0x1F;
	(drf) =	sdiv.u32 s3, s24;
	s24 =	sld [smem:$0x77F]  }
0x4c6: {  	s18 =	sxor.u32 s15, s18;
	[smem:$0x758] =	sst s6;
	s16 =	sxor.u32 s23, s14  }
0x4c7: {  	s2 =	ssub.s32 s4, s22;
	s3 =	spop (drf);
	s16 =	ssub.s32 s16, s23  }
0x4c8: {  	(v2sf) =	vpush v25, $0xC;
	(drf) =	sdiv.u32 s2, s5;
	s5 =	spop (drf);
	s17 =	sshra.s32 s24, $0x1F  }
0x4c9: {  	(drf) =	sdiv.u32 s16, s8;
	s6 =	spop (drf);
	s4 =	sxor.u32 s17, s24  }
0x4ca: {  	s8 =	sld [smem:$0x78C];
	s14 =	spop (drf);
	s24 =	ssub.s32 s4, s17  }
0x4cb: {  	s19 =	sxor.u32 s26, s19;
	s4 =	sld [smem:$0x791];
	(drf) =	sdiv.u32 s24, s1  }
0x4cc: {  	s23 =	sxor.u32 s25, s23;
	s1 =	sld [smem:$0x78E];
	s24 =	spop (drf)  }
0x4cd: {  	(v2sf) =	vpush v25, $0xB;
	s22 =	sxor.u32 s8, s22;
	s8 =	sld [smem:$0x790];
	s25 =	spop (drf)  }
0x4ce: {  	(v2sf) =	vpush v25, $0xA;
	s24 =	sxor.u32 s10, s24;
	s21 =	sxor.u32 s4, s21;
	s16 =	spop (drf)  }
0x4cf: {  	(v2sf) =	vpush v25, $0x9;
	s24 =	ssub.s32 s24, s10;
	s2 =	sxor.u32 s11, s25;
	s15 =	spop (drf)  }
0x4d0: {  	(v2sf) =	vpush v25, $0x8;
	s17 =	sxor.u32 s1, s17;
	s20 =	sxor.u32 s8, s20;
	s1 =	spop (drf)  }
0x4d1: {  	s30 =	ssub.s32 s2, s11;
	s2 =	sxor.u32 s9, s15;
	s29 =	spop (drf)  }
0x4d2: {  	(v2sf) =	vpush v25, $0x7;
	s4 =	sxor.u32 s13, s16;
	v32 =	vmov s24;
	s26 =	ssub.s32 s2, s9;
	s2 =	spop (v2sf)  }
0x4d3: {  	s13 =	ssub.s32 s4, s13;
	v32 =	vsel vm0, s30, v32;
	s10 =	sxor.u32 s18, s1;
	s25 =	spop (drf)  }
0x4d4: {  	v32 =	vsel vm1, s13, v32;
	s13 =	sld [smem:$0x756];
	s0 =	sxor.u32 s19, s29;
	s11 =	spop (v2sf)  }
0x4d5: {  	(v2sf) =	vpush v25, $0x6;
	s18 =	ssub.s32 s10, s18;
	v32 =	vsel vm2, s26, v32;
	s8 =	spop (drf);
	s19 =	ssub.s32 s0, s19  }
0x4d6: {  	s25 =	sxor.u32 s20, s25;
	v32 =	vsel vm3, s18, v32;
	s18 =	sld [smem:$0x758];
	s4 =	spop (drf)  }
0x4d7: {  	(v2sf) =	vpush v25, $0x5;
	s20 =	ssub.s32 s25, s20;
	s8 =	sxor.u32 s21, s8;
	s25 =	spop (v2sf)  }
0x4d8: {  	(v2sf) =	vpush v25, $0x4;
	s15 =	spop (drf);
	s21 =	ssub.s32 s8, s21;
	s16 =	sxor.u32 s22, s4  }
0x4d9: {  	s30 =	sshra.s32 s25, $0x1F;
	s1 =	spop (drf);
	s16 =	ssub.s32 s16, s22  }
0x4da: {  	(v2sf) =	vpush v25, $0x3;
	v32 =	vsel vm4, s19, v32;
	s9 =	sxor.u32 s23, s15;
	s0 =	sxor.u32 s17, s1;
	s1 =	rddreg [dreg:$0xa]  }
0x4db: {  	(v2sf) =	vpush v25, $0x2;
	v32 =	vsel vm5, s20, v32;
	s20 =	sxor.u32 s30, s25;
	s22 =	ssub.s32 s9, s23;
	s9 =	rddreg [dreg:$0x8]  }
0x4dc: {  	(v2sf) =	vpush v25, $0x1;
	s10 =	spop (v2sf);
	s15 =	simm.s32 $0x10;
	[smem:$0x75D] =	sst s20  }
0x4dd: {  	(v2sf) =	vpush v25, $0x0;
	s28 =	spop (v2sf);
	s17 =	ssub.s32 s0, s17;
	s0 =	rddreg [dreg:$0x14]  }
0x4de: {  	s23 =	spop (v2sf);
	s29 =	sxor.u32 s9, s7;
	s7 =	sld [smem:$0x755]  }
0x4df: {  	v32 =	vsel vm6, s21, v32;
	s8 =	sxor.u32 s1, s31;
	s1 =	spop (v2sf);
	s9 =	rddreg [dreg:$0x6]  }
0x4e0: {  	v32 =	vsel vm7, s16, v32;
	s31 =	sshra.s32 s10, $0x1F;
	s16 =	sshra.s32 s23, $0x1F;
	s14 =	sxor.u32 s8, s14  }
0x4e1: {  	(v2sf) =	vpush v25, $0xF;
	v31 =	vor.u32 s15, v0;
	s6 =	sxor.u32 s29, s6;
	s15 =	spop (v2sf);
	s23 =	sxor.u32 s16, s23  }
0x4e2: {  	(v2sf) =	vpush v31, $0xE;
	s14 =	ssub.s32 s14, s8;
	s24 =	ssub.s32 s6, s29;
	[smem:$0x75E] =	sst s23  }
0x4e3: {  	v32 =	vsel vm8, s22, v32;
	(v2sf) =	vpush v31, $0xD;
	s8 =	sxor.u32 s0, s7;
	s0 =	sxor.u32 s9, s13;
	s9 =	rddreg [dreg:$0x4]  }
0x4e4: {  	v32 =	vsel vm9, s17, v32;
	(v2sf) =	vpush v31, $0xC;
	s29 =	spop (v2sf);
	s13 =	sld [smem:$0x757];
	s4 =	sxor.u32 s8, s5  }
0x4e5: {  	v32 =	vsel vm10, s14, v32;
	s25 =	sshra.s32 s29, $0x1F;
	s7 =	ssub.s32 s4, s8;
	s8 =	sld [smem:$0x796]  }
0x4e6: {  	s5 =	spop (v2sf);
	s3 =	sxor.u32 s0, s3;
	v32 =	vsel vm11, s24, v32;
	s24 =	sshra.s32 s1, $0x1F  }
0x4e7: {  	(v2sf) =	vpush v31, $0xB;
	s6 =	spop (v2sf);
	s19 =	ssub.s32 s3, s0;
	s4 =	sshra.s32 s2, $0x1F  }
0x4e8: {  	s2 =	sxor.u32 s4, s2;
	p3 =	sne.s32 s8, $0x1;
	s8 =	sxor.u32 s9, s13  }
0x4e9: {  	(v2sf) =	vpush v31, $0xA;
	[smem:$0x75B] =	sst s2;
	s13 =	spop (v2sf);
	s0 =	sxor.u32 s8, s18  }
0x4ea: {  	s18 =	spop (v2sf);
	s26 =	ssub.s32 s0, s8;
	s0 =	sshra.s32 s11, $0x1F  }
0x4eb: {  	s2 =	sshra.s32 s28, $0x1F;
	s9 =	spop (v2sf);
	s21 =	sxor.u32 s0, s11  }
0x4ec: {  	(v2sf) =	vpush v31, $0x9;
	v32 =	vsel vm12, s7, v32;
	s22 =	spop (v2sf);
	s11 =	sxor.u32 s25, s29;
	[dreg:$0x6] =	wrdreg s0  }
0x4ed: {  	(v2sf) =	vpush v31, $0x8;
	v32 =	vsel vm13, s19, v32;
	s29 =	smov.u32 s25;
	s25 =	sxor.u32 s24, s1;
	[smem:$0x75A] =	sst s21  }
0x4ee: {  	(v2sf) =	vpush v31, $0x7;
	v32 =	vsel vm14, s26, v32;
	s26 =	smov.u32 s16;
	s1 =	sshra.s32 s9, $0x1F;
	[smem:$0x75F] =	sst s11  }
0x4ef: {  	(v2sf) =	vpush v31, $0x6;
	s21 =	sxor.u32 s2, s28;
	s28 =	sshra.s32 s15, $0x1F;
	[smem:$0x781] =	sst s1  }
0x4f0: {  	s8 =	spop (v2sf);
	[smem:$0x791] =	sst s29;
	s16 =	smov.u32 s28  }
0x4f1: {  	s10 =	sxor.u32 s31, s10;
	[smem:$0x78C] =	sst s16;
	s20 =	spop (v2sf)  }
0x4f2: {  	(v2sf) =	vpush v31, $0x5;
	s7 =	sshra.s32 s13, $0x1F;
	[smem:$0x76A] =	sst s20;
	s23 =	spop (v2sf)  }
0x4f3: {  	s19 =	sxor.u32 s7, s13;
	[smem:$0x759] =	sst s23;
	s13 =	spop (v2sf)  }
0x4f4: {  	s20 =	sshra.s32 s5, $0x1F;
	s23 =	sshra.s32 s6, $0x1F;
	[smem:$0x76B] =	sst s13  }
0x4f5: {  	(v2sf) =	vpush v31, $0x4;
	s11 =	sxor.u32 s28, s15;
	s28 =	sxor.u32 s20, s5;
	[smem:$0x77D] =	sst s23  }
0x4f6: {  	s5 =	smov.u32 s24;
	s17 =	spop (v2sf);
	s13 =	sld [smem:$0x75B]  }
0x4f7: {  	s23 =	sxor.u32 s23, s6;
	s6 =	smov.u32 s20;
	[smem:$0x76C] =	sst s17  }
0x4f8: {  	(v2sf) =	vpush v31, $0x3;
	s24 =	spop (v2sf);
	s17 =	sxor.u32 s1, s9;
	s9 =	smov.u32 s7  }
0x4f9: {  	s7 =	smov.u32 s6;
	s6 =	ssub.s32 s10, s31;
	s10 =	sld [smem:$0x75D]  }
0x4fa: {  	s15 =	simm.s32 $0x0;
	[smem:$0x769] =	sst s24  }
0x4fb: {  	(v2sf) =	vpush v31, $0x2;
	s3 =	spop (v2sf);
	s24 =	sshra.s32 s18, $0x1F;
	[smem:$0x763] =	sst s6  }
0x4fc: {  	v33 =	vmov s15;
	s20 =	sshra.s32 s22, $0x1F;
	s15 =	spop (v2sf);
	[smem:$0x783] =	sst s24  }
0x4fd: {  	s14 =	sxor.u32 s20, s22;
	[dreg:$0x19] =	wrdreg s15;
	s22 =	spop (v2sf)  }
0x4fe: {  	(v2sf) =	vpush v31, $0x1;
	[dreg:$0x1b] =	wrdreg s22;
	s1 =	spop (v2sf)  }
0x4ff: {  	s22 =	sshra.s32 s8, $0x1F;
	[dreg:$0x1f] =	wrdreg s1  }
0x500: {  	vm14 =	vmmov vm13;
	(v2sf) =	vpush v31, $0x0;
	s15 =	sxor.u32 s24, s18;
	s18 =	sxor.u32 s22, s8;
	s8 =	sld [smem:$0x75A]  }
0x501: {  	vm13 =	vmmov vm12;
	vm12 =	vmmov vm11;
	(v2sf) =	vpush v31, $0xF;
	s24 =	spop (v2sf);
	s1 =	ssub.s32 s21, s2;
	s21 =	sld [smem:$0x75E]  }
0x502: {  	vm11 =	vmmov vm10;
	vm10 =	vmmov vm9;
	vm9 =	vmmov vm8;
	[smem:$0x788] =	sst s24  }
0x503: {  	vm8 =	vmmov vm7;
	vm7 =	vmmov vm6;
	vm6 =	vmmov vm5;
	[smem:$0x764] =	sst s1;
	s0 =	ssub.s32 s8, s0  }
0x504: {  	vm5 =	vmmov vm4;
	vm4 =	vmmov vm3;
	vm3 =	vmmov vm2;
	s8 =	spop (v2sf);
	[smem:$0x762] =	sst s0  }
0x505: {  	vm2 =	vmmov vm1;
	vm1 =	vmmov vm0;
	vm0 =	vgt.s32 v30, $0x0;
	s0 =	ssub.s32 s13, s4;
	[smem:$0x76E] =	sst s8  }
0x506: {  	v34 =	vsel vm0, $0x1, v9;
	v35 =	vmul.u32 v25, v32;
	v33 =	vshra.s32 v33, $0x1F;
	s13 =	ssub.s32 s11, s16;
	[smem:$0x75C] =	sst s0  }
0x507: {  	v33 =	vadd.s32 v34, v33;
	s16 =	spop (v2sf);
	[smem:$0x78D] =	sst s13  }
0x508: {  	vm15 =	vne.s32 v30, v35;
	vm0 =	vne.s32 v33, $0x1;
	[smem:$0x76D] =	sst s16  }
0x509: {  	vm0 =	vmand vm0, vm15;
	s11 =	simm.s32 $0x20;
	s13 =	ssub.s32 s28, s7;
	s28 =	sld [smem:$0x75F]  }
0x50a: {  	v62 =	vsel vm0, $0xFFFFFFFF, v9;
	s24 =	spop (v2sf);
	[dreg:$0xe] =	wrdreg s11  }
0x50b: {  	v32 =	vadd.s32 v62, v32;
	s6 =	ssub.s32 s10, s30;
	[smem:$0x768] =	sst s24  }
0x50c: {  	v33 =	vmul.u32 v32, v25;
	v32 =	vadd.s32 v28, v32;
	s1 =	ssub.s32 s21, s26;
	s24 =	sld [smem:$0x796];
	s10 =	ssub.s32 s28, s29  }
.Ltmp35:
0x50d: {  	v63 =	vadd.s32 v30, v26;
	v32 =	vmul.u32 v29, v32;
	s29 =	smov.u32 s3;
	s3 =	spop (v2sf);
	(pc) =	sbr.rel @!p3 .LBB2_38-.Ltmp35, $4  }
0x50e: {  	v33 =	vsub.s32 v63, v33;
	s8 =	ssub.s32 s25, s5;
	s28 =	simm.s32 $0x1388;
	[smem:$0x760] =	sst s3  }
0x50f: {  	vm0 =	vlt.s32 v30, v27;
	v32 =	vadd.s32 v32, v33;
	s25 =	smov.u32 s4;
	s4 =	spop (v2sf);
	[dreg:$0x10] =	wrdreg s28  }
0x510: {  	v30 =	vnsel vm0, $0x0, v32;
	s16 =	simm.s32 $0x1388;
	[smem:$0x761] =	sst s4;
	s21 =	spop (v2sf)  }
0x511: {  	p2 =	por $0x1, $0x1;
	[tilespmem:s16+$0x0] =	vst v30;
	s4 =	sadd.s32 $0xFFFFFFFF, s24;
	[smem:$0x765] =	sst s21  }
.LBB2_39:
0x512: {  	[smem:$0x780] =	sst s20  }
0x513: {  	[smem:$0x78B] =	sst s6  }
0x514: {  	[smem:$0x767] =	sst s10  }
0x515: {  	[smem:$0x766] =	sst s13  }
0x516: {  	[dreg:$0x17] =	wrdreg s1  }
0x517: {  	[dreg:$0x1d] =	wrdreg s8  }
0x518: {  	[dreg:$0x8] =	wrdreg s31  }
0x519: {  	[dreg:$0x14] =	wrdreg s30  }
0x51a: {  	[dreg:$0xa] =	wrdreg s2  }
0x51b: {  	[dreg:$0x4] =	wrdreg s25  }
0x51c: {  	[dreg:$0x12] =	wrdreg s4  }
0x51d: {  	s30 =	sld [smem:$0x77D]  }
0x51e: {  	s0 =	ssub.s32 s19, s9;
	s19 =	sld [smem:$0x781]  }
0x51f: {  	s21 =	sld [smem:$0x759]  }
0x520: {  	s24 =	sld [smem:$0x769]  }
0x521: {  	s1 =	ssub.s32 s14, s20;
	s14 =	rddreg [dreg:$0x19]  }
0x522: {  	s13 =	sld [smem:$0x76E]  }
0x523: {  	s31 =	sld [smem:$0x760]  }
0x524: {  	s20 =	sld [smem:$0x768]  }
0x525: {  	s25 =	sld [smem:$0x76D]  }
0x526: {  	[smem:$0x741] =	sst s0  }
0x527: {  	p3 =	sne.s32 s4, $0x1;
	s4 =	ssub.s32 s18, s22;
	[smem:$0x73D] =	sst s1  }
0x528: {  	[smem:$0x73C] =	sst s4  }
0x529: {  	s4 =	sld [smem:$0x76B]  }
0x52a: {  	[smem:$0x77F] =	sst s29  }
0x52b: {  	s16 =	sshra.s32 s29, $0x1F;
	s28 =	ssub.s32 s23, s30;
	s23 =	sld [smem:$0x783]  }
0x52c: {  	[smem:$0x73B] =	sst s16  }
0x52d: {  	[smem:$0x76E] =	sst s13  }
0x52e: {  	s2 =	ssub.s32 s17, s19;
	s17 =	sshra.s32 s13, $0x1F;
	s13 =	rddreg [dreg:$0x1f]  }
0x52f: {  	[smem:$0x768] =	sst s20  }
0x530: {  	[smem:$0x76D] =	sst s25  }
0x531: {  	s0 =	sshra.s32 s20, $0x1F;
	s20 =	smov.u32 s7;
	s7 =	sld [smem:$0x761]  }
0x532: {  	[smem:$0x742] =	sst s28  }
0x533: {  	s8 =	sshra.s32 s24, $0x1F;
	[smem:$0x73F] =	sst s2  }
0x534: {  	[smem:$0x739] =	sst s8  }
0x535: {  	s28 =	sld [smem:$0x76C]  }
0x536: {  	[smem:$0x736] =	sst s17  }
0x537: {  	s17 =	sld [smem:$0x788]  }
0x538: {  	s26 =	sxor.u32 s26, s16;
	[smem:$0x737] =	sst s0  }
0x539: {  	[smem:$0x74E] =	sst s26  }
0x53a: {  	s11 =	sshra.s32 s4, $0x1F;
	s26 =	sld [smem:$0x791]  }
0x53b: {  	s0 =	sshra.s32 s25, $0x1F;
	[smem:$0x738] =	sst s11  }
0x53c: {  	s29 =	sshra.s32 s31, $0x1F;
	[smem:$0x73E] =	sst s0  }
0x53d: {  	s19 =	sxor.u32 s19, s29;
	s11 =	sld [smem:$0x765]  }
0x53e: {  	[smem:$0x746] =	sst s19  }
0x53f: {  	s0 =	sxor.u32 s9, s0;
	s3 =	ssub.s32 s15, s23;
	s15 =	sld [smem:$0x76A]  }
0x540: {  	[smem:$0x748] =	sst s0  }
0x541: {  	s2 =	sshra.s32 s13, $0x1F;
	[smem:$0x740] =	sst s3  }
0x542: {  	s10 =	sshra.s32 s28, $0x1F;
	s16 =	sxor.u32 s26, s2;
	s26 =	sld [smem:$0x78C]  }
0x543: {  	[smem:$0x73A] =	sst s10  }
0x544: {  	s10 =	rddreg [dreg:$0x1b]  }
0x545: {  	[smem:$0x74B] =	sst s16  }
0x546: {  	s6 =	sshra.s32 s15, $0x1F;
	s0 =	sld [smem:$0x73A]  }
0x547: {  	s8 =	sshra.s32 s11, $0x1F;
	s1 =	sshra.s32 s10, $0x1F;
	[smem:$0x74F] =	sst s6  }
0x548: {  	s11 =	sxor.u32 s8, s11;
	s16 =	sxor.u32 s26, s1;
	s26 =	sld [smem:$0x736]  }
0x549: {  	s19 =	sxor.u32 s22, s8;
	s8 =	ssub.s32 s11, s8;
	s11 =	sld [smem:$0x768]  }
0x54a: {  	s3 =	sshra.s32 s17, $0x1F;
	s6 =	sshra.s32 s14, $0x1F;
	[smem:$0x74C] =	sst s16  }
0x54b: {  	s5 =	sxor.u32 s5, s6;
	s22 =	sxor.u32 s6, s14;
	s14 =	sld [smem:$0x73B]  }
0x54c: {  	s16 =	sxor.u32 s20, s3;
	[smem:$0x74D] =	sst s5  }
0x54d: {  	[smem:$0x74A] =	sst s16  }
0x54e: {  	s18 =	sshra.s32 s21, $0x1F;
	s16 =	sld [smem:$0x737]  }
0x54f: {  	s5 =	sxor.u32 s18, s21;
	s21 =	sld [smem:$0x780]  }
0x550: {  	[smem:$0x744] =	sst s22  }
0x551: {  	s22 =	smov.u32 s6;
	s6 =	sld [smem:$0x77F];
	s20 =	sxor.u32 s23, s16  }
0x552: {  	[smem:$0x747] =	sst s20  }
0x553: {  	s9 =	sxor.u32 s30, s26;
	s20 =	sld [smem:$0x738]  }
0x554: {  	[smem:$0x749] =	sst s9  }
0x555: {  	s25 =	sshra.s32 s7, $0x1F;
	s9 =	smov.u32 s18;
	s18 =	sld [smem:$0x74F]  }
0x556: {  	s30 =	sld [smem:$0x739];
	s23 =	sxor.u32 s21, s25;
	s21 =	sxor.u32 s20, s4  }
0x557: {  	s4 =	sxor.u32 s14, s6;
	s6 =	sxor.u32 s1, s10;
	s10 =	sld [smem:$0x75C]  }
0x558: {  	s5 =	ssub.s32 s5, s9;
	s15 =	sxor.u32 s18, s15;
	[smem:$0x745] =	sst s4  }
0x559: {  	s24 =	sxor.u32 s30, s24;
	s15 =	ssub.s32 s15, s18;
	[smem:$0x743] =	sst s6  }
0x55a: {  	s18 =	smov.u32 s1;
	s1 =	smov.u32 s2;
	s6 =	sld [smem:$0x78B]  }
0x55b: {  	(drf) =	sdiv.u32 s15, s10;
	s15 =	sxor.u32 s2, s13;
	s13 =	sld [smem:$0x762]  }
0x55c: {  	s21 =	ssub.s32 s21, s20;
	s10 =	sxor.u32 s3, s17;
	s2 =	sld [smem:$0x764]  }
0x55d: {  	s17 =	ssub.s32 s24, s30;
	s24 =	sxor.u32 s25, s7;
	s7 =	sld [smem:$0x73C]  }
0x55e: {  	s3 =	ssub.s32 s10, s3;
	s10 =	sld [smem:$0x744];
	(drf) =	sdiv.u32 s5, s13  }
0x55f: {  	(drf) =	sdiv.u32 s21, s6;
	s21 =	sld [smem:$0x763]  }
0x560: {  	s28 =	sxor.u32 s0, s28;
	s5 =	ssub.s32 s24, s25;
	s24 =	sld [smem:$0x76D]  }
0x561: {  	s4 =	ssub.s32 s28, s0;
	s13 =	sxor.u32 s16, s11;
	s25 =	sld [smem:$0x73E]  }
0x562: {  	(drf) =	sdiv.u32 s4, s21;
	s21 =	ssub.s32 s13, s16;
	s13 =	sld [smem:$0x76E]  }
0x563: {  	s4 =	sxor.u32 s29, s31;
	(drf) =	sdiv.u32 s17, s2;
	s17 =	sld [smem:$0x73D]  }
0x564: {  	s6 =	ssub.s32 s4, s29;
	s4 =	sxor.u32 s25, s24;
	s24 =	sld [smem:$0x741]  }
0x565: {  	(drf) =	sdiv.u32 s8, s7;
	s7 =	sld [smem:$0x73F]  }
0x566: {  	s11 =	ssub.s32 s4, s25;
	s25 =	sld [smem:$0x742]  }
0x567: {  	s8 =	sld [smem:$0x767]  }
0x568: {  	(drf) =	sdiv.u32 s5, s17;
	s17 =	sld [smem:$0x740]  }
0x569: {  	s16 =	sxor.u32 s26, s13;
	s13 =	sld [smem:$0x745]  }
0x56a: {  	s5 =	spop (drf);
	(drf) =	sdiv.u32 s6, s7  }
0x56b: {  	s6 =	sld [smem:$0x743];
	(drf) =	sdiv.u32 s21, s17  }
0x56c: {  	s21 =	ssub.s32 s16, s26;
	s26 =	ssub.s32 s15, s1;
	s1 =	sld [smem:$0x766]  }
0x56d: {  	s4 =	spop (drf);
	s15 =	rddreg [dreg:$0x1d]  }
0x56e: {  	(drf) =	sdiv.u32 s11, s24;
	s11 =	sld [smem:$0x78D]  }
0x56f: {  	s7 =	ssub.s32 s6, s18;
	s18 =	rddreg [dreg:$0x17];
	(drf) =	sdiv.u32 s21, s25  }
0x570: {  	s24 =	sld [smem:$0x746];
	(drf) =	sdiv.u32 s3, s1  }
0x571: {  	s3 =	spop (drf);
	(drf) =	sdiv.u32 s26, s8  }
0x572: {  	s28 =	smov.u32 s0;
	s0 =	spop (drf);
	(drf) =	sdiv.u32 s7, s11  }
0x573: {  	s1 =	ssub.s32 s10, s22;
	s2 =	spop (drf);
	s7 =	sld [smem:$0x747]  }
0x574: {  	s6 =	ssub.s32 s13, s14;
	s14 =	spop (drf);
	(drf) =	sdiv.u32 s1, s15  }
0x575: {  	s16 =	sxor.u32 s19, s14;
	s17 =	spop (drf);
	s14 =	sld [smem:$0x748]  }
0x576: {  	(drf) =	sdiv.u32 s6, s18;
	s18 =	sld [smem:$0x749]  }
0x577: {  	(v2sf) =	vpush v25, $0xE;
	s21 =	sxor.u32 s23, s17;
	s1 =	ssub.s32 s16, s19;
	s22 =	spop (drf)  }
0x578: {  	s6 =	ssub.s32 s21, s23;
	s25 =	sxor.u32 s24, s22;
	s26 =	spop (drf)  }
0x579: {  	(v2sf) =	vpush v25, $0xD;
	v30 =	vmov s1;
	s23 =	sld [smem:$0x74A];
	s1 =	ssub.s32 s25, s24;
	s11 =	spop (drf)  }
0x57a: {  	v30 =	vsel vm1, s6, v30;
	s8 =	sxor.u32 s7, s26;
	s6 =	sld [smem:$0x74B];
	s15 =	sxor.u32 s14, s11  }
0x57b: {  	(v2sf) =	vpush v25, $0xC;
	v30 =	vsel vm2, s1, v30;
	s13 =	ssub.s32 s8, s7;
	s16 =	spop (drf);
	s17 =	ssub.s32 s15, s14  }
0x57c: {  	(v2sf) =	vpush v25, $0xB;
	v30 =	vsel vm3, s13, v30;
	s19 =	sxor.u32 s18, s16;
	s21 =	spop (drf);
	s13 =	sld [smem:$0x74C]  }
0x57d: {  	(v2sf) =	vpush v25, $0xA;
	v30 =	vsel vm4, s17, v30;
	s22 =	ssub.s32 s19, s18;
	s24 =	sxor.u32 s23, s21;
	s17 =	sld [smem:$0x74D]  }
0x57e: {  	(v2sf) =	vpush v25, $0x9;
	s25 =	spop (drf);
	v30 =	vsel vm5, s22, v30;
	s26 =	ssub.s32 s24, s23;
	s22 =	sld [smem:$0x74E]  }
0x57f: {  	(v2sf) =	vpush v25, $0x8;
	s7 =	sxor.u32 s6, s25;
	s10 =	spop (drf);
	s24 =	rddreg [dreg:$0xa]  }
0x580: {  	(v2sf) =	vpush v25, $0x7;
	v30 =	vsel vm6, s26, v30;
	s11 =	ssub.s32 s7, s6;
	s14 =	sxor.u32 s13, s10;
	s26 =	rddreg [dreg:$0x8]  }
0x581: {  	(v2sf) =	vpush v25, $0x6;
	s15 =	spop (drf);
	s7 =	sxor.u32 s24, s30;
	s10 =	rddreg [dreg:$0x14]  }
0x582: {  	(v2sf) =	vpush v25, $0x5;
	s16 =	ssub.s32 s14, s13;
	s18 =	sxor.u32 s17, s15;
	s19 =	spop (drf)  }
0x583: {  	(v2sf) =	vpush v25, $0x4;
	s2 =	sxor.u32 s7, s2;
	s6 =	sxor.u32 s26, s28;
	s13 =	rddreg [dreg:$0x6]  }
0x584: {  	(v2sf) =	vpush v25, $0x3;
	v30 =	vsel vm7, s11, v30;
	s21 =	ssub.s32 s18, s17;
	s23 =	sxor.u32 s22, s19;
	s8 =	ssub.s32 s2, s7  }
0x585: {  	(v2sf) =	vpush v25, $0x2;
	v30 =	vsel vm8, s16, v30;
	s0 =	sxor.u32 s6, s0;
	s2 =	sxor.u32 s10, s20;
	s16 =	rddreg [dreg:$0x4]  }
0x586: {  	(v2sf) =	vpush v25, $0x1;
	s17 =	sld [smem:$0x74F];
	s7 =	spop (v2sf);
	v30 =	vsel vm9, s21, v30;
	s25 =	ssub.s32 s23, s22  }
0x587: {  	s18 =	rddreg [dreg:$0xc];
	s0 =	ssub.s32 s0, s6;
	s11 =	sxor.u32 s2, s3;
	v30 =	vsel vm10, s25, v30  }
0x588: {  	vm0 =	vcmask $0x3B38;
	(v2sf) =	vpush v25, $0x0;
	s3 =	sxor.u32 s13, s9;
	s6 =	spop (v2sf);
	v30 =	vsel vm11, s8, v30;
	s8 =	rddreg [dreg:$0xe]  }
0x589: {  	(v2sf) =	vpush v25, $0xF;
	s14 =	ssub.s32 s11, s2;
	s15 =	sxor.u32 s3, s4;
	s4 =	sxor.u32 s16, s17;
	v30 =	vsel vm12, s0, v30;
	v33 =	vor.u32 s8, v0  }
0x58a: {  	v32 =	vmov s18;
	s30 =	spop (v2sf);
	s19 =	ssub.s32 s15, s3;
	s20 =	sxor.u32 s4, s5;
	v30 =	vsel vm13, s14, v30;
	(v2sf) =	vpush v33, $0xE  }
0x58b: {  	v32 =	vshra.s32 v32, $0x1F;
	s3 =	spop (v2sf);
	s21 =	ssub.s32 s20, s4;
	v30 =	vsel vm14, s19, v30;
	(v2sf) =	vpush v33, $0xD  }
0x58c: {  	s13 =	spop (v2sf);
	v30 =	vsel vm0, s21, v30;
	vm0 =	vgt.s32 v31, $0x0;
	(v2sf) =	vpush v33, $0xC  }
0x58d: {  	s14 =	spop (v2sf);
	v34 =	vsel vm0, $0x1, v9;
	v35 =	vmul.u32 v25, v30;
	(v2sf) =	vpush v33, $0xB  }
0x58e: {  	s19 =	spop (v2sf);
	v32 =	vadd.s32 v34, v32;
	(v2sf) =	vpush v33, $0xA  }
0x58f: {  	s18 =	spop (v2sf);
	vm0 =	vne.s32 v32, $0x1;
	vm15 =	vne.s32 v31, v35;
	(v2sf) =	vpush v33, $0x9  }
0x590: {  	s23 =	rddreg [dreg:$0x10];
	s21 =	spop (v2sf);
	vm0 =	vmand vm0, vm15;
	(v2sf) =	vpush v33, $0x8  }
0x591: {  	s2 =	sadd.s32 $0x10, s23;
	s11 =	spop (v2sf);
	v62 =	vsel vm0, $0xFFFFFFFF, v9;
	(v2sf) =	vpush v33, $0x7  }
0x592: {  	[dreg:$0x10] =	wrdreg s2;
	s22 =	smov.u32 s8;
	s9 =	spop (v2sf);
	v30 =	vadd.s32 v62, v30  }
0x593: {  	s8 =	sadd.s32 $0x10, s8;
	[dreg:$0xc] =	wrdreg s22;
	s28 =	spop (v2sf);
	(v2sf) =	vpush v33, $0x6;
	v32 =	vmul.u32 v30, v25;
	v30 =	vadd.s32 v28, v30  }
0x594: {  	v63 =	vadd.s32 v31, v26;
	[dreg:$0xe] =	wrdreg s8;
	s10 =	spop (v2sf);
	v30 =	vmul.u32 v29, v30  }
0x595: {  	[smem:$0x750] =	sst s11;
	s17 =	spop (v2sf);
	(v2sf) =	vpush v33, $0x5;
	v32 =	vsub.s32 v63, v32  }
0x596: {  	vm0 =	vlt.s32 v31, v27;
	[smem:$0x751] =	sst s10;
	s0 =	smov.u32 s17;
	s17 =	sshra.s32 s17, $0x1F;
	(v2sf) =	vpush v33, $0x4;
	v30 =	vadd.s32 v30, v32  }
0x597: {  	s29 =	sshra.s32 s21, $0x1F;
	v31 =	vmov v33;
	s20 =	spop (v2sf);
	[smem:$0x781] =	sst s17;
	v30 =	vnsel vm0, $0x0, v30  }
0x598: {  	s17 =	sxor.u32 s17, s0;
	s0 =	smov.u32 s29;
	(v2sf) =	vpush v31, $0x3;
	[tilespmem:s2+$0x0] =	vst v30;
	s2 =	spop (v2sf)  }
0x599: {  	[smem:$0x791] =	sst s0;
	s24 =	spop (v2sf)  }
0x59a: {  	(v2sf) =	vpush v31, $0x2;
	[smem:$0x76A] =	sst s24;
	s25 =	spop (v2sf)  }
0x59b: {  	[smem:$0x759] =	sst s25;
	s26 =	spop (v2sf)  }
0x59c: {  	[smem:$0x76B] =	sst s26;
	s1 =	spop (v2sf)  }
0x59d: {  	(v2sf) =	vpush v31, $0x1;
	[smem:$0x76C] =	sst s1;
	s4 =	spop (v2sf)  }
0x59e: {  	[smem:$0x769] =	sst s4;
	s5 =	spop (v2sf)  }
0x59f: {  	(v2sf) =	vpush v31, $0x0;
	[smem:$0x77F] =	sst s5;
	s15 =	spop (v2sf)  }
0x5a0: {  	[dreg:$0x19] =	wrdreg s15;
	s16 =	spop (v2sf)  }
0x5a1: {  	(v2sf) =	vpush v31, $0xF;
	s15 =	sshra.s32 s10, $0x1F;
	[dreg:$0x1b] =	wrdreg s16  }
0x5a2: {  	s22 =	spop (v2sf);
	[smem:$0x783] =	sst s15  }
0x5a3: {  	s16 =	sshra.s32 s18, $0x1F;
	[dreg:$0x1f] =	wrdreg s22  }
0x5a4: {  	s23 =	spop (v2sf);
	[smem:$0x78C] =	sst s16  }
0x5a5: {  	[smem:$0x788] =	sst s23;
	s24 =	spop (v2sf)  }
0x5a6: {  	s23 =	sshra.s32 s11, $0x1F;
	s11 =	sshra.s32 s9, $0x1F;
	[smem:$0x76E] =	sst s24  }
0x5a7: {  	s25 =	spop (v2sf);
	[smem:$0x77D] =	sst s11  }
0x5a8: {  	s24 =	sshra.s32 s30, $0x1F;
	[smem:$0x76D] =	sst s25  }
0x5a9: {  	s26 =	spop (v2sf);
	[dreg:$0x14] =	wrdreg s24  }
0x5aa: {  	s25 =	sshra.s32 s7, $0x1F;
	s24 =	sxor.u32 s24, s30;
	[smem:$0x768] =	sst s26  }
0x5ab: {  	[smem:$0x752] =	sst s24;
	s24 =	sxor.u32 s25, s7  }
0x5ac: {  	s7 =	sxor.u32 s16, s18;
	s18 =	sld [smem:$0x750];
	s1 =	spop (v2sf)  }
0x5ad: {  	s16 =	ssub.s32 s7, s16;
	[smem:$0x760] =	sst s1  }
0x5ae: {  	s8 =	smov.u32 s6;
	s4 =	spop (v2sf);
	[smem:$0x78D] =	sst s16  }
0x5af: {  	s26 =	sshra.s32 s14, $0x1F;
	s1 =	sshra.s32 s6, $0x1F;
	[smem:$0x761] =	sst s4  }
0x5b0: {  	s5 =	spop (v2sf);
	s30 =	sxor.u32 s1, s8;
	[dreg:$0x6] =	wrdreg s1  }
0x5b1: {  	s8 =	sxor.u32 s26, s14;
	s14 =	sxor.u32 s29, s21;
	s29 =	sld [smem:$0x77F]  }
0x5b2: {  	s10 =	sshra.s32 s20, $0x1F;
	[smem:$0x765] =	sst s5  }
0x5b3: {  	s22 =	sshra.s32 s2, $0x1F;
	s6 =	sshra.s32 s19, $0x1F;
	[smem:$0x753] =	sst s8  }
0x5b4: {  	s4 =	sshra.s32 s28, $0x1F;
	s21 =	sxor.u32 s6, s19;
	[smem:$0x754] =	sst s14  }
0x5b5: {  	s5 =	sshra.s32 s13, $0x1F;
	s19 =	sxor.u32 s4, s28;
	s28 =	sld [smem:$0x751]  }
0x5b6: {  	s14 =	sxor.u32 s10, s20;
	s20 =	smov.u32 s10;
	s10 =	sld [smem:$0x752]  }
0x5b7: {  	s8 =	sxor.u32 s5, s13;
	s13 =	sxor.u32 s11, s9;
	s11 =	sxor.u32 s23, s18  }
0x5b8: {  	s18 =	sxor.u32 s22, s2;
	s2 =	ssub.s32 s30, s1;
	s30 =	rddreg [dreg:$0x14]  }
0x5b9: {  	s9 =	smov.u32 s4;
	s4 =	ssub.s32 s24, s25;
	s24 =	sld [smem:$0x753]  }
0x5ba: {  	s31 =	sshra.s32 s3, $0x1F;
	[smem:$0x762] =	sst s2  }
0x5bb: {  	s3 =	sxor.u32 s31, s3;
	[smem:$0x75C] =	sst s4  }
0x5bc: {  	s2 =	smov.u32 s5;
	s5 =	ssub.s32 s8, s5;
	s4 =	rddreg [dreg:$0x12]  }
.Ltmp36:
0x5bd: {  	s7 =	smov.u32 s23;
	[smem:$0x764] =	sst s5;
	(pc) =	sbr.rel @p3 .LBB2_39-.Ltmp36, $4  }
0x5be: {  	s8 =	ssub.s32 s3, s31;
	s15 =	sxor.u32 s15, s28;
	s28 =	sld [smem:$0x754]  }
0x5bf: {  	s23 =	smov.u32 s13;
	s13 =	ssub.s32 s11, s7;
	[smem:$0x763] =	sst s8  }
0x5c0: {  	s5 =	smov.u32 s6;
	s6 =	ssub.s32 s10, s30;
	s4 =	sadd.s32 $0xFFFFFFFF, s4  }
0x5c1: {  	s8 =	ssub.s32 s21, s5;
	s1 =	ssub.s32 s24, s26;
	s10 =	ssub.s32 s28, s0  }
0x5c2: {  	[smem:$0x77B] =	sst s9  }
0x5c3: {  	[smem:$0x782] =	sst s17  }
0x5c4: {  	[smem:$0x786] =	sst s18  }
0x5c5: {  	[smem:$0x77E] =	sst s23  }
0x5c6: {  	[smem:$0x77C] =	sst s19  }
0x5c7: {  	[smem:$0x766] =	sst s13  }
0x5c8: {  	[smem:$0x767] =	sst s10  }
0x5c9: {  	s21 =	sld [smem:$0x759]  }
0x5ca: {  	[dreg:$0x1d] =	wrdreg s8  }
0x5cb: {  	[dreg:$0x17] =	wrdreg s1  }
0x5cc: {  	s23 =	sld [smem:$0x783]  }
0x5cd: {  	s18 =	sld [smem:$0x77D]  }
0x5ce: {  	s17 =	sld [smem:$0x781]  }
0x5cf: {  	[smem:$0x790] =	sst s7  }
0x5d0: {  	[smem:$0x76F] =	sst s5  }
0x5d1: {  	[smem:$0x78E] =	sst s26  }
0x5d2: {  	[dreg:$0xa] =	wrdreg s2  }
0x5d3: {  	[dreg:$0x8] =	wrdreg s31  }
0x5d4: {  	[dreg:$0x4] =	wrdreg s25  }
0x5d5: {  	s0 =	rddreg [dreg:$0xc]  }
0x5d6: {  	s30 =	sld [smem:$0x7FD];
	vm0 =	vmmov vm1;
	vm1 =	vmmov vm2;
	vm2 =	vmmov vm3  }
0x5d7: {  	vm3 =	vmmov vm4;
	vm4 =	vmmov vm5;
	vm5 =	vmmov vm6;
	s11 =	sld [smem:$0x760]  }
0x5d8: {  	vm6 =	vmmov vm7;
	vm7 =	vmmov vm8;
	vm8 =	vmmov vm9;
	s19 =	sld [smem:$0x761]  }
0x5d9: {  	s24 =	smov.u32 s20;
	vm9 =	vmmov vm10;
	vm10 =	vmmov vm11;
	vm11 =	vmmov vm12;
	s13 =	sld [smem:$0x75C]  }
0x5da: {  	v30 =	vmovc v31;
	s31 =	simm.s32 $0x10;
	vm12 =	vmmov vm13;
	vm13 =	vmmov vm14;
	vm14 =	vcmask $0x3B38;
	s25 =	simm.s32 $0x1388;
	[smem:$0x779] =	sst s0  }
.LBB2_41:
0x5db: {  	s0 =	sld [smem:$0x76A]  }
0x5dc: {  	s4 =	sld [smem:$0x76B]  }
0x5dd: {  	s5 =	sld [smem:$0x762]  }
0x5de: {  	s10 =	sld [smem:$0x76C]  }
0x5df: {  	s20 =	sld [smem:$0x763]  }
0x5e0: {  	s8 =	sshra.s32 s21, $0x1F;
	s28 =	sld [smem:$0x786]  }
0x5e1: {  	s2 =	sxor.u32 s8, s21;
	s21 =	sld [smem:$0x765];
	s3 =	sshra.s32 s0, $0x1F  }
0x5e2: {  	s15 =	ssub.s32 s15, s23;
	s7 =	sshra.s32 s4, $0x1F;
	[smem:$0x735] =	sst s3  }
0x5e3: {  	s1 =	sxor.u32 s3, s0;
	s9 =	sxor.u32 s7, s4;
	s4 =	sld [smem:$0x764]  }
0x5e4: {  	s0 =	smov.u32 s23;
	s23 =	smov.u32 s18;
	s1 =	ssub.s32 s1, s3  }
0x5e5: {  	s3 =	ssub.s32 s2, s8;
	s2 =	ssub.s32 s9, s7;
	s9 =	sshra.s32 s19, $0x1F  }
0x5e6: {  	(drf) =	sdiv.u32 s1, s13;
	s1 =	sshra.s32 s10, $0x1F;
	s13 =	sld [smem:$0x769]  }
0x5e7: {  	(drf) =	sdiv.u32 s3, s5;
	s5 =	sxor.u32 s1, s10;
	s3 =	ssub.s32 s28, s22  }
0x5e8: {  	s28 =	sld [smem:$0x768];
	(drf) =	sdiv.u32 s2, s6;
	s5 =	ssub.s32 s5, s1  }
0x5e9: {  	s10 =	sshra.s32 s13, $0x1F;
	(drf) =	sdiv.u32 s5, s20;
	s5 =	sshra.s32 s21, $0x1F  }
0x5ea: {  	s6 =	sld [smem:$0x76D];
	s16 =	sxor.u32 s10, s13;
	s26 =	sxor.u32 s5, s21  }
0x5eb: {  	s13 =	sxor.u32 s9, s19;
	s19 =	smov.u32 s11;
	s11 =	sshra.s32 s11, $0x1F  }
0x5ec: {  	s21 =	sld [smem:$0x782];
	s2 =	ssub.s32 s16, s10;
	s16 =	ssub.s32 s14, s24  }
0x5ed: {  	s20 =	sxor.u32 s11, s19;
	s14 =	sshra.s32 s6, $0x1F;
	s19 =	sld [smem:$0x76E]  }
0x5ee: {  	(drf) =	sdiv.u32 s2, s4;
	s4 =	smov.u32 s22;
	s2 =	ssub.s32 s26, s5  }
0x5ef: {  	s26 =	smov.u32 s17;
	(drf) =	sdiv.u32 s2, s3;
	s2 =	ssub.s32 s13, s9  }
0x5f0: {  	s22 =	ssub.s32 s21, s17;
	s13 =	sshra.s32 s28, $0x1F;
	s17 =	sld [smem:$0x77C]  }
0x5f1: {  	(drf) =	sdiv.u32 s2, s16;
	s3 =	sxor.u32 s13, s28;
	s28 =	sld [smem:$0x77B]  }
0x5f2: {  	s2 =	ssub.s32 s20, s11;
	s16 =	sxor.u32 s14, s6;
	s20 =	sld [smem:$0x77E]  }
0x5f3: {  	s6 =	sld [smem:$0x788];
	(drf) =	sdiv.u32 s2, s22;
	s2 =	ssub.s32 s3, s13  }
0x5f4: {  	s3 =	ssub.s32 s16, s14;
	(drf) =	sdiv.u32 s2, s15;
	s15 =	sshra.s32 s19, $0x1F  }
0x5f5: {  	s22 =	sld [smem:$0x766];
	s2 =	ssub.s32 s17, s28;
	s21 =	sxor.u32 s15, s19  }
0x5f6: {  	s17 =	sshra.s32 s6, $0x1F;
	s19 =	rddreg [dreg:$0x1f];
	(drf) =	sdiv.u32 s3, s2  }
0x5f7: {  	s2 =	ssub.s32 s20, s18;
	s16 =	sxor.u32 s17, s6;
	s3 =	ssub.s32 s21, s15  }
0x5f8: {  	s18 =	sshra.s32 s19, $0x1F;
	s21 =	ssub.s32 s16, s17;
	s16 =	rddreg [dreg:$0x1b]  }
0x5f9: {  	(drf) =	sdiv.u32 s3, s2;
	s20 =	sxor.u32 s18, s19;
	s19 =	sld [smem:$0x767]  }
0x5fa: {  	(drf) =	sdiv.u32 s21, s22;
	s6 =	sshra.s32 s16, $0x1F;
	s22 =	sld [smem:$0x78D]  }
0x5fb: {  	s2 =	ssub.s32 s20, s18;
	s20 =	sxor.u32 s6, s16  }
0x5fc: {  	s21 =	rddreg [dreg:$0x19];
	(drf) =	sdiv.u32 s2, s19;
	s2 =	ssub.s32 s20, s6  }
0x5fd: {  	s20 =	sshra.s32 s29, $0x1F;
	(drf) =	sdiv.u32 s2, s22;
	s22 =	rddreg [dreg:$0x1d]  }
0x5fe: {  	s19 =	sshra.s32 s21, $0x1F;
	s16 =	sxor.u32 s20, s29;
	s29 =	rddreg [dreg:$0x17]  }
0x5ff: {  	s3 =	sxor.u32 s19, s21;
	s2 =	ssub.s32 s16, s20;
	s16 =	sld [smem:$0x78E]  }
0x600: {  	s21 =	sld [smem:$0x791];
	s3 =	ssub.s32 s3, s19  }
0x601: {  	(drf) =	sdiv.u32 s3, s22;
	s22 =	sld [smem:$0x76F]  }
0x602: {  	s20 =	sxor.u32 s16, s20;
	s16 =	sld [smem:$0x78C]  }
0x603: {  	(drf) =	sdiv.u32 s2, s29;
	s2 =	spop (drf)  }
0x604: {  	s3 =	spop (drf)  }
0x605: {  	s18 =	sxor.u32 s21, s18;
	s21 =	sxor.u32 s16, s6;
	s6 =	spop (drf)  }
0x606: {  	s9 =	sxor.u32 s24, s9;
	s19 =	sxor.u32 s22, s19;
	s22 =	spop (drf)  }
0x607: {  	s15 =	sxor.u32 s23, s15;
	s23 =	sld [smem:$0x790];
	s16 =	spop (drf)  }
0x608: {  	s5 =	sxor.u32 s4, s5;
	s11 =	sxor.u32 s26, s11;
	s24 =	spop (drf)  }
0x609: {  	s13 =	sxor.u32 s0, s13;
	s14 =	sxor.u32 s28, s14;
	s26 =	spop (drf)  }
0x60a: {  	s17 =	sxor.u32 s23, s17;
	s23 =	sxor.u32 s5, s24;
	s29 =	spop (drf)  }
0x60b: {  	s5 =	ssub.s32 s23, s5;
	s28 =	sxor.u32 s9, s26;
	s4 =	spop (drf)  }
0x60c: {  	s9 =	ssub.s32 s28, s9;
	s0 =	sxor.u32 s11, s29;
	s23 =	spop (drf)  }
0x60d: {  	v31 =	vmov s5;
	s5 =	ssub.s32 s0, s11;
	s11 =	sxor.u32 s13, s4;
	s28 =	spop (drf)  }
0x60e: {  	v31 =	vsel vm0, s9, v31;
	s24 =	ssub.s32 s11, s13;
	s26 =	sxor.u32 s14, s23;
	s0 =	sxor.u32 s15, s28  }
0x60f: {  	v31 =	vsel vm1, s5, v31;
	s29 =	ssub.s32 s26, s14;
	s4 =	spop (drf);
	s9 =	ssub.s32 s0, s15  }
0x610: {  	v31 =	vsel vm2, s24, v31;
	s11 =	sxor.u32 s17, s4;
	s13 =	spop (drf);
	s4 =	rddreg [dreg:$0xa]  }
0x611: {  	v31 =	vsel vm3, s29, v31;
	s14 =	ssub.s32 s11, s17;
	s15 =	sxor.u32 s18, s13;
	s17 =	spop (drf)  }
0x612: {  	v31 =	vsel vm4, s9, v31;
	s9 =	sxor.u32 s4, s10;
	s18 =	ssub.s32 s15, s18;
	s23 =	sxor.u32 s21, s17  }
0x613: {  	v31 =	vsel vm5, s14, v31;
	s24 =	spop (drf);
	s14 =	rddreg [dreg:$0x8];
	s15 =	sxor.u32 s9, s16  }
0x614: {  	s17 =	rddreg [dreg:$0x14];
	s26 =	ssub.s32 s23, s21;
	s28 =	sxor.u32 s19, s24  }
0x615: {  	v31 =	vsel vm6, s18, v31;
	s29 =	spop (drf);
	s1 =	sxor.u32 s14, s1;
	s16 =	ssub.s32 s15, s9  }
0x616: {  	s23 =	rddreg [dreg:$0x4];
	v31 =	vsel vm7, s26, v31;
	s0 =	ssub.s32 s28, s19;
	s11 =	sxor.u32 s20, s29  }
0x617: {  	s7 =	sxor.u32 s17, s7;
	s24 =	sld [smem:$0x735];
	v31 =	vsel vm8, s0, v31;
	s13 =	ssub.s32 s11, s20  }
0x618: {  	s18 =	sxor.u32 s1, s22;
	s19 =	rddreg [dreg:$0x6];
	s21 =	sxor.u32 s7, s6;
	v31 =	vsel vm9, s13, v31  }
0x619: {  	s29 =	sld [smem:$0x779];
	s1 =	ssub.s32 s18, s1;
	s20 =	sxor.u32 s19, s8;
	v31 =	vsel vm10, s16, v31  }
0x61a: {  	s22 =	ssub.s32 s21, s7;
	s5 =	sxor.u32 s23, s24;
	s3 =	sxor.u32 s20, s3;
	v31 =	vsel vm11, s1, v31  }
0x61b: {  	s0 =	ssub.s32 s3, s20;
	s26 =	sxor.u32 s5, s2;
	v31 =	vsel vm12, s22, v31  }
0x61c: {  	s28 =	ssub.s32 s26, s5;
	v31 =	vsel vm13, s0, v31  }
0x61d: {  	vm0 =	vgt.s32 v30, $0x0;
	v32 =	vmov s29;
	v31 =	vsel vm14, s28, v31  }
0x61e: {  	v33 =	vsel vm0, $0x1, v9;
	v32 =	vshra.s32 v32, $0x1F;
	v34 =	vmul.u32 v25, v31  }
0x61f: {  	v32 =	vadd.s32 v33, v32  }
0x620: {  	vm0 =	vne.s32 v32, $0x1;
	vm15 =	vne.s32 v30, v34  }
0x621: {  	vm0 =	vmand vm0, vm15  }
0x622: {  	v63 =	vsel vm0, $0xFFFFFFFF, v9  }
0x623: {  	v31 =	vadd.s32 v63, v31  }
0x624: {  	v25 =	vmul.u32 v31, v25;
	v28 =	vadd.s32 v28, v31  }
0x625: {  	v26 =	vadd.s32 v30, v26;
	v28 =	vmul.u32 v29, v28  }
0x626: {  	s0 =	rddreg [dreg:$0x10];
	v25 =	vsub.s32 v26, v25  }
.Ltmp37:
0x627: {  	s1 =	simm.s32 $0x1388;
	s0 =	sadd.s32 @p2 $0x10, s0;
	vm0 =	vlt.s32 v30, v27;
	v25 =	vadd.s32 v28, v25;
	(pc) =	sbr.rel @!p1 .LBB2_43-.Ltmp37, $4  }
0x628: {  	s1 =	smov.u32 @p2 s0;
	v25 =	vnsel vm0, $0x0, v25  }
0x629: {  	[tilespmem:s1+$0x0] =	vst v25;
	s1 =	sld [smem:$0x796]  }
0x62a: {  	s0 =	simm.s32 $0x1808  }
0x62b: {  	[tilespmem:s0], [sflag:$0x1] =	stream.indirect.gather [hbm4b:s30+s31], $0x60, s25, s31, $0xb8;
	[tilespmem:$0x1DA68] =	vst v63  }
.LBB2_42:
0x62c: {  	p1 =	sne.s32 s1, $0x1  }
.Ltmp38:
0x62d: {  	_ = 	snop;
	(pc) =	sbr.rel @p1 .LBB2_42-.Ltmp38, $4  }
0x62e: {  	_ = 	snop  }
0x62f: {  	s25 =	sadd.s32 $0x10, s25;
	s0 =	sadd.s32 $0x600, s0  }
0x630: {  	s1 =	sadd.s32 $0xFFFFFFFF, s1  }
0x631: {  	[tilespmem:s0], [sflag:$0x1] =	stream.indirect.gather [hbm4b:s30+s31], $0x60, s25, s31, $0xb8;
	[tilespmem:$0x1DA68] =	vst v63  }
.LBB2_43:
0x632: {  	s26 =	sld [smem:$0x777]  }
0x633: {  	s28 =	sld [smem:$0x795]  }
0x634: {  	s29 =	sld [smem:$0x778]  }
0x635: {  	s8 =	sld [smem:$0x776]  }
0x636: {  	s6 =	sld [smem:$0x775]  }
0x637: {  	s7 =	sld [smem:$0x774]  }
0x638: {  	s9 =	sld [smem:$0x773]  }
0x639: {  	s10 =	sld [smem:$0x772]  }
0x63a: {  	s11 =	sld [smem:$0x771]  }
0x63b: {  	s13 =	sld [smem:$0x770]  }
0x63c: {  	vm0 =	vcmask $0x300;
	s17 =	sld [smem:$0x77A]  }
.LBB2_44:
0x63d: {  	_ = 	snop  }
.Ltmp39:
0x63e: {  	s0 =	sxor.u32 $0x80000000, s6;
	(pc) =	sbr.rel .LBB2_46-.Ltmp39, $4  }
0x63f: {  	s1 =	sxor.u32 $0x80000000, s7;
	s2 =	sxor.u32 $0x80000000, s9;
	s5 =	smul.u32 $0xFFFFFE80, s17  }
0x640: {  	s3 =	sxor.u32 $0x80000000, s11;
	s7 =	smul.u32 $0x180, s29;
	s8 =	ssub.s32 $0x80000000, s8  }
0x641: {  	s9 =	simm.s32 $0x0;
	s15 =	simm.s32 $0x0;
	s25 =	sshra.s32 s5, $0x2  }
0x642: {  	s4 =	sxor.u32 $0x80000000, s13;
	s5 =	sxor.u32 $0x80000000, s10;
	s6 =	sadd.s32 $0x1838, s25  }
.LBB2_45:
0x643: {  	p1 =	sgt.s32 s9, s13  }
0x644: {  	s13 =	smov.u32 @p1 s9;
	p1 =	seq.s32 s10, $0x7  }
.Ltmp40:
0x645: {  	_ = 	snop;
	(pc) =	sbr.rel @p1 .LBB2_59-.Ltmp40, $2  }
0x646: {  	_ =	sdelay $0x2  }
0x647: {  	s15 =	smov.u32 s10;
	s9 =	smov.u32 s13  }
.LBB2_46:
0x648: {  	s10 =	sadd.s32 $0x1, s15  }
0x649: {  	s11 =	smul.u32 s2, s10;
	_ =	sdelay $0x1  }
0x64a: {  	s13 =	sadd.s32 $0x6, s11  }
0x64b: {  	s14 =	smulhi.u32 $0x92492493, s13;
	s16 =	sshra.s32 s13, $0x1F  }
0x64c: {  	s11 =	ssub.s32 $0xFFFFFFFA, s11;
	s16 =	smul.u32 $0x92492493, s16  }
0x64d: {  	s14 =	sadd.s32 s11, s14  }
0x64e: {  	s14 =	sadd.s32 s16, s14  }
0x64f: {  	s14 =	sadd.s32 s13, s14  }
0x650: {  	s21 =	sshrl.u32 s14, $0x1F;
	s14 =	sshra.s32 s14, $0x2  }
0x651: {  	s14 =	sadd.s32 s21, s14  }
0x652: {  	s16 =	smul.u32 $0xFFFFFFF9, s14  }
0x653: {  	p3 =	seq.s32 s15, $0x6  }
0x654: {  	p1 =	slt.s32 s13, $0x1;
	p2 =	sne.s32 s16, s11;
	s11 =	smov.u32 s4  }
0x655: {  	p1 =	por !p1, !p2;
	s11 =	simm.s32 @!p3 $0x0  }
0x656: {  	s13 =	simm.s32 $0x1;
	p1 =	por !p1, !p1;
	s11 =	sadd.s32 s0, s11  }
0x657: {  	s11 =	sadd.s32 s14, s11;
	s13 =	simm.s32 @!p1 $0x0  }
0x658: {  	s11 =	ssub.s32 s11, s13;
	s13 =	sld [smem:$0x798]  }
0x659: {  	p1 =	sgt.s32 s11, $0x0  }
0x65a: {  	s22 =	sld [smem:$0x797];
	s11 =	simm.s32 @!p1 $0x0  }
0x65b: {  	p1 =	slt.s32 s13, s11  }
0x65c: {  	s11 =	smov.u32 @p1 s13  }
0x65d: {  	s13 =	ssub.s32 s11, s22  }
0x65e: {  	s13 =	smul.u32 s29, s13;
	_ =	sdelay $0x1  }
0x65f: {  	s13 =	sadd.s32 $0xF, s13  }
0x660: {  	s23 =	sand.u32 $0xF, s13  }
0x661: {  	s24 =	sshra.s32 s13, $0x1F;
	p5 =	slt.s32 s13, $0x1;
	p6 =	sne.s32 s23, $0x0  }
0x662: {  	s25 =	sshrl.u32 s24, $0x1C;
	p1 =	por !p5, !p6  }
0x663: {  	s14 =	simm.s32 $0x1;
	s13 =	sadd.s32 s25, s13;
	p1 =	por !p1, !p1  }
0x664: {  	s13 =	sshra.s32 s13, $0x4;
	s14 =	simm.s32 @!p1 $0x0  }
0x665: {  	s14 =	ssub.s32 s13, s14  }
0x666: {  	s13 =	smov.u32 s28;
	p1 =	slt.s32 s14, s28  }
0x667: {  	s13 =	smov.u32 @p1 s14  }
0x668: {  	s14 =	ssub.s32 s13, s9  }
0x669: {  	p1 =	slt.s32 s14, $0x1  }
.Ltmp41:
0x66a: {  	_ = 	snop;
	(pc) =	sbr.rel @p1 .LBB2_50-.Ltmp41, $1  }
0x66b: {  	_ =	sdelay $0x3  }
0x66c: {  	p1 =	sne.s32 s14, $0x1  }
.Ltmp42:
0x66d: {  	_ = 	snop;
	(pc) =	sbr.rel @!p1 .LBB2_49-.Ltmp42, $3  }
0x66e: {  	_ =	sdelay $0x1  }
0x66f: {  	_ =	swait.ge [sflag:s12], $0x600  }
0x670: {  	s14 =	sadd.s32 $0xFFFFFFFF, s14;
	[sflag:s12] =	ssyncset.done $0x0  }
.LBB2_48:
0x671: {  	p1 =	sne.s32 s14, $0x1;
	s14 =	sadd.s32 $0xFFFFFFFF, s14;
	[sflag:s12] =	ssyncadd.s32 $0xFFFFFA00  }
.Ltmp43:
0x672: {  	(pc) =	sbr.rel @p1 .LBB2_48-.Ltmp43, $3  }
0x673: {  	_ =	sdelay $0x1  }
0x674: {  	_ =	swait.ge [sflag:s12], $0x600  }
0x675: {  	[sflag:s12] =	ssyncset.done $0x0  }
.LBB2_49:
0x676: {  	[sflag:s12] =	ssyncadd.s32 $0xFFFFFA00  }
.LBB2_50:
0x677: {  	s14 =	smul.u32 s2, s15;
	_ =	sdelay $0x1  }
0x678: {  	s16 =	smulhi.u32 $0x92492493, s14;
	s17 =	sshra.s32 s14, $0x1F  }
0x679: {  	s17 =	smul.u32 $0x92492493, s17  }
0x67a: {  	s16 =	ssub.s32 s16, s14  }
0x67b: {  	s16 =	sadd.s32 s17, s16  }
0x67c: {  	s16 =	sadd.s32 s14, s16  }
0x67d: {  	s25 =	sshrl.u32 s16, $0x1F;
	s16 =	sshra.s32 s16, $0x2  }
0x67e: {  	s16 =	sadd.s32 s25, s16  }
0x67f: {  	s17 =	smul.u32 $0xFFFFFFF9, s16  }
0x680: {  	s18 =	ssub.s32 $0x0, s14  }
0x681: {  	p1 =	slt.s32 s14, $0x1;
	p2 =	sne.s32 s17, s18  }
0x682: {  	p1 =	por !p1, !p2  }
0x683: {  	s14 =	simm.s32 $0x1;
	p1 =	por !p1, !p1  }
0x684: {  	s16 =	sadd.s32 s0, s16;
	s14 =	simm.s32 @!p1 $0x0  }
0x685: {  	s17 =	ssub.s32 s16, s14;
	s16 =	sld [smem:$0x798]  }
0x686: {  	p1 =	sgt.s32 s17, $0x0  }
0x687: {  	s17 =	simm.s32 @!p1 $0x0  }
0x688: {  	p1 =	slt.s32 s16, s17;
	s14 =	smov.u32 s17  }
0x689: {  	s14 =	smov.u32 @p1 s16  }
.Ltmp44:
0x68a: {  	s16 =	sadd.s32 s14, s8;
	(pc) =	sbr.rel .LBB2_51-.Ltmp44, $3  }
0x68b: {  	s16 =	smul.u32 s16, s7;
	_ =	sdelay $0x1  }
0x68c: {  	s15 =	smul.u32 $0x7, s15;
	s18 =	simm.s32 $0x0;
	s16 =	sshra.s32 s16, $0x2  }
0x68d: {  	p2 =	slt.s32 s17, s11;
	p1 =	sge.s32 s17, s11;
	s16 =	sadd.s32 s16, s6  }
.LBB2_58:
0x68e: {  	p3 =	slt.s32 s20, s19;
	s18 =	sadd.s32 s15, s18  }
0x68f: {  	p3 =	por !p2, !p3;
	s18 =	smul.u32 $0x180, s18  }
0x690: {  	p3 =	por !p3, !p3  }
0x691: {  	v30 =	vpsel !p3, $0x0, v30;
	s18 =	sshra.s32 s18, $0x2;
	v29 =	vpsel !p3, $0x0, v29;
	v28 =	vpsel !p3, $0x0, v28  }
0x692: {  	v27 =	vpsel !p3, $0x0, v27;
	v26 =	vpsel !p3, $0x0, v26;
	v25 =	vpsel !p3, $0x0, v25;
	p3 =	seq.s32 s17, $0x7;
	[tilespmem:s18+$0x1C808] =	vst v30  }
.Ltmp45:
0x693: {  	[tilespmem:s18+$0x1C818] =	vst v29;
	(pc) =	sbr.rel @p3 .LBB2_45-.Ltmp45, $4  }
0x694: {  	[tilespmem:s18+$0x1C828] =	vst v28  }
0x695: {  	[tilespmem:s18+$0x1C838] =	vst v27  }
0x696: {  	[tilespmem:s18+$0x1C848] =	vst v26  }
0x697: {  	[tilespmem:s18+$0x1C858] =	vst v25;
	s18 =	smov.u32 s17  }
.LBB2_51:
0x698: {  	s17 =	sadd.s32 $0x1, s18  }
0x699: {  	s19 =	smul.u32 s3, s17;
	_ =	sdelay $0x1  }
0x69a: {  	s20 =	smul.u32 s3, s18;
	s21 =	sadd.s32 $0x6, s19  }
0x69b: {  	s22 =	smulhi.u32 $0x92492493, s21;
	s23 =	sshra.s32 s21, $0x1F  }
0x69c: {  	s19 =	ssub.s32 $0xFFFFFFFA, s19;
	s23 =	smul.u32 $0x92492493, s23  }
0x69d: {  	s24 =	smulhi.u32 $0x92492493, s20;
	s25 =	sshra.s32 s20, $0x1F;
	s22 =	sadd.s32 s19, s22  }
0x69e: {  	s25 =	smul.u32 $0x92492493, s25;
	s22 =	sadd.s32 s23, s22  }
0x69f: {  	s24 =	ssub.s32 s24, s20;
	s22 =	sadd.s32 s21, s22  }
0x6a0: {  	s23 =	sadd.s32 s25, s24;
	s25 =	sshrl.u32 s22, $0x1F;
	s22 =	sshra.s32 s22, $0x2  }
0x6a1: {  	p6 =	seq.s32 s18, $0x6;
	s23 =	sadd.s32 s20, s23;
	s22 =	sadd.s32 s25, s22  }
0x6a2: {  	s24 =	sshrl.u32 s23, $0x1F;
	s23 =	sshra.s32 s23, $0x2;
	s25 =	smul.u32 $0xFFFFFFF9, s22  }
0x6a3: {  	p5 =	slt.s32 s21, $0x1;
	s21 =	smov.u32 s5;
	s23 =	sadd.s32 s24, s23  }
0x6a4: {  	s21 =	simm.s32 @!p6 $0x0;
	p3 =	sne.s32 s25, s19;
	s25 =	smul.u32 $0xFFFFFFF9, s23  }
0x6a5: {  	p4 =	slt.s32 s20, $0x1;
	s20 =	ssub.s32 $0x0, s20;
	s24 =	sadd.s32 s1, s21  }
0x6a6: {  	s21 =	simm.s32 $0x1;
	p3 =	por !p5, !p3;
	p6 =	sne.s32 s25, s20  }
0x6a7: {  	p3 =	por !p3, !p3;
	s20 =	simm.s32 $0x1;
	p4 =	por !p4, !p6  }
0x6a8: {  	s19 =	sadd.s32 s22, s24;
	s20 =	simm.s32 @!p3 $0x0;
	p3 =	por !p4, !p4  }
0x6a9: {  	s25 =	sadd.s32 s1, s23;
	s19 =	ssub.s32 s19, s20;
	s21 =	simm.s32 @!p3 $0x0  }
.Ltmp46:
0x6aa: {  	s20 =	ssub.s32 s25, s21;
	s21 =	sld [smem:$0x798];
	(pc) =	sbr.rel @p1 .LBB2_58-.Ltmp46, $4  }
0x6ab: {  	p3 =	sgt.s32 s19, $0x0  }
0x6ac: {  	s19 =	simm.s32 @!p3 $0x0  }
0x6ad: {  	v30 =	vimm.f32 $-Inf;
	v29 =	vimm.f32 $-Inf;
	v28 =	vimm.f32 $-Inf;
	p3 =	sgt.s32 s20, $0x0;
	p4 =	slt.s32 s21, s19  }
0x6ae: {  	v27 =	vimm.f32 $-Inf;
	v26 =	vimm.f32 $-Inf;
	v25 =	vimm.f32 $-Inf;
	s20 =	simm.s32 @!p3 $0x0;
	s19 =	smov.u32 @p4 s21  }
0x6af: {  	s22 =	sld [smem:$0x798];
	_ =	sdelay $0x2  }
0x6b0: {  	s21 =	smov.u32 s20;
	p3 =	slt.s32 s22, s20  }
.Ltmp47:
0x6b1: {  	s21 =	smov.u32 @p3 s22;
	(pc) =	sbr.rel .LBB2_53-.Ltmp47, $3  }
0x6b2: {  	s22 =	smul.u32 $0x180, s21;
	_ =	sdelay $0x1  }
0x6b3: {  	v25 =	vimm.f32 $-Inf;
	v26 =	vimm.f32 $-Inf;
	v27 =	vimm.f32 $-Inf;
	s22 =	sshra.s32 s22, $0x2  }
0x6b4: {  	v28 =	vimm.f32 $-Inf;
	v29 =	vimm.f32 $-Inf;
	v30 =	vimm.f32 $-Inf;
	s23 =	smov.u32 s14;
	p3 =	sge.s32 s20, s19;
	s22 =	sadd.s32 s22, s16  }
.LBB2_56:
0x6b5: {  	v30 =	vmax.f32 v30, v31;
	v25 =	vmax.f32 v25, v32  }
0x6b6: {  	v26 =	vmax.f32 v26, v33;
	v27 =	vmax.f32 v27, v34;
	v29 =	vmax.f32 v29, v35  }
.LBB2_57:
0x6b7: {  	s23 =	sadd.s32 $0x1, s23  }
0x6b8: {  	p4 =	slt.s32 s23, s11  }
.Ltmp48:
0x6b9: {  	_ = 	snop;
	(pc) =	sbr.rel @!p4 .LBB2_58-.Ltmp48, $3  }
0x6ba: {  	_ =	sdelay $0x1  }
0x6bb: {  	s24 =	sshra.s32 s7, $0x2  }
0x6bc: {  	s22 =	sadd.s32 s24, s22  }
.LBB2_53:
.Ltmp49:
0x6bd: {  	(pc) =	sbr.rel @p3 .LBB2_57-.Ltmp49, $1  }
0x6be: {  	_ =	sdelay $0x3  }
0x6bf: {  	v36 =	vld [tilespmem:s22+$0xFFFFFFF0]  }
0x6c0: {  	v31 =	vld [tilespmem:s22+$0xFFFFFFD0]  }
0x6c1: {  	v32 =	vld [tilespmem:s22+$0x20];
	s24 =	sadd.s32 $0x1, s21  }
0x6c2: {  	v33 =	vld [tilespmem:s22+$0x10];
	p4 =	slt.s32 s24, s19  }
.Ltmp50:
0x6c3: {  	v34 =	vld [tilespmem:s22+$0x0];
	(pc) =	sbr.rel @!p4 .LBB2_56-.Ltmp50, $2  }
0x6c4: {  	v35 =	vld [tilespmem:s22+$0xFFFFFFE0];
	_ =	sdelay $0x2  }
0x6c5: {  	s25 =	sadd.s32 $0x60, s22;
	v28 =	vmax.f32 v28, v36  }
.LBB2_55:
0x6c6: {  	s24 =	sadd.s32 $0x1, s24  }
0x6c7: {  	v36 =	vld [tilespmem:s25+$0xFFFFFFF0];
	v30 =	vmax.f32 v30, v31;
	p4 =	slt.s32 s24, s19  }
.Ltmp51:
0x6c8: {  	v25 =	vmax.f32 v25, v32;
	v31 =	vld [tilespmem:s25+$0xFFFFFFD0];
	(pc) =	sbr.rel @p4 .LBB2_55-.Ltmp51, $4  }
0x6c9: {  	v26 =	vmax.f32 v26, v33;
	v32 =	vld [tilespmem:s25+$0x20]  }
0x6ca: {  	v27 =	vmax.f32 v27, v34;
	v33 =	vld [tilespmem:s25+$0x10]  }
0x6cb: {  	v29 =	vmax.f32 v29, v35;
	v34 =	vld [tilespmem:s25+$0x0]  }
0x6cc: {  	v35 =	vld [tilespmem:s25+$0xFFFFFFE0];
	v28 =	vmax.f32 v28, v36;
	s25 =	sadd.s32 $0x60, s25  }
.Ltmp52:
0x6cd: {  	_ = 	snop;
	(pc) =	sbr.rel .LBB2_56-.Ltmp52, $1  }
0x6ce: {  	_ =	sdelay $0x3  }
.LBB2_59:
0x6cf: {  	s0 =	ssub.s32 s28, s13  }
0x6d0: {  	p1 =	slt.s32 s0, $0x1  }
.Ltmp53:
0x6d1: {  	_ = 	snop;
	(pc) =	sbr.rel @p1 .LBB2_63-.Ltmp53, $1  }
0x6d2: {  	_ =	sdelay $0x3  }
0x6d3: {  	p1 =	sne.s32 s0, $0x1  }
.Ltmp54:
0x6d4: {  	_ = 	snop;
	(pc) =	sbr.rel @!p1 .LBB2_62-.Ltmp54, $3  }
0x6d5: {  	_ =	sdelay $0x1  }
0x6d6: {  	_ =	swait.ge [sflag:s12], $0x600  }
0x6d7: {  	s0 =	sadd.s32 $0xFFFFFFFF, s0;
	[sflag:s12] =	ssyncset.done $0x0  }
.LBB2_61:
0x6d8: {  	p1 =	sne.s32 s0, $0x1;
	s0 =	sadd.s32 $0xFFFFFFFF, s0;
	[sflag:s12] =	ssyncadd.s32 $0xFFFFFA00  }
.Ltmp55:
0x6d9: {  	(pc) =	sbr.rel @p1 .LBB2_61-.Ltmp55, $3  }
0x6da: {  	_ =	sdelay $0x1  }
0x6db: {  	_ =	swait.ge [sflag:s12], $0x600  }
0x6dc: {  	[sflag:s12] =	ssyncset.done $0x0  }
.Ltmp56:
0x6dd: {  	_ = 	snop;
	(pc) =	sbr.rel .LBB2_62-.Ltmp56, $1  }
0x6de: {  	_ =	sdelay $0x3  }
.LBB2_36:
0x6df: {  	[smem:$0x762] =	sst s28  }
0x6e0: {  	[smem:$0x763] =	sst s23  }
0x6e1: {  	[smem:$0x764] =	sst s18  }
0x6e2: {  	[smem:$0x765] =	sst s29  }
0x6e3: {  	[smem:$0x766] =	sst s26  }
0x6e4: {  	[smem:$0x767] =	sst s24  }
0x6e5: {  	[smem:$0x768] =	sst s17  }
0x6e6: {  	[smem:$0x769] =	sst s15  }
0x6e7: {  	[smem:$0x76A] =	sst s3  }
0x6e8: {  	[smem:$0x76B] =	sst s22  }
0x6e9: {  	[smem:$0x76C] =	sst s9  }
0x6ea: {  	[smem:$0x76D] =	sst s6  }
0x6eb: {  	[dreg:$0x1d] =	wrdreg s8  }
0x6ec: {  	[smem:$0x76E] =	sst s20  }
0x6ed: {  	[dreg:$0x1f] =	wrdreg s16  }
0x6ee: {  	[dreg:$0x17] =	wrdreg s10  }
0x6ef: {  	s23 =	sld [smem:$0x783]  }
0x6f0: {  	s22 =	sld [smem:$0x785]  }
0x6f1: {  	s18 =	sld [smem:$0x77D]  }
0x6f2: {  	s24 =	sld [smem:$0x780]  }
0x6f3: {  	s17 =	sld [smem:$0x781]  }
.Ltmp57:
0x6f4: {  	s29 =	sld [smem:$0x77F];
	(pc) =	sbr.rel .LBB2_41-.Ltmp57, $4  }
0x6f5: {  	[smem:$0x76F] =	sst s7  }
0x6f6: {  	s15 =	sld [smem:$0x784]  }
0x6f7: {  	s0 =	simm.s32 $0x1388;
	s6 =	sld [smem:$0x78B]  }
0x6f8: {  	[dreg:$0x10] =	wrdreg s0  }
.LBB2_38:
0x6f9: {  	[smem:$0x77B] =	sst s9  }
0x6fa: {  	[smem:$0x782] =	sst s17  }
0x6fb: {  	[smem:$0x786] =	sst s18  }
0x6fc: {  	[smem:$0x77E] =	sst s23  }
0x6fd: {  	[smem:$0x77C] =	sst s19  }
0x6fe: {  	[smem:$0x766] =	sst s13  }
0x6ff: {  	[smem:$0x767] =	sst s10  }
0x700: {  	s21 =	sld [smem:$0x759]  }
0x701: {  	[dreg:$0x1d] =	wrdreg s8  }
0x702: {  	[dreg:$0x17] =	wrdreg s1  }
0x703: {  	s23 =	sld [smem:$0x783]  }
0x704: {  	s18 =	sld [smem:$0x77D]  }
0x705: {  	s17 =	sld [smem:$0x781]  }
0x706: {  	[smem:$0x790] =	sst s7  }
0x707: {  	[smem:$0x76F] =	sst s5  }
0x708: {  	[smem:$0x78E] =	sst s26  }
0x709: {  	[dreg:$0xa] =	wrdreg s2  }
0x70a: {  	[dreg:$0x8] =	wrdreg s31  }
0x70b: {  	[dreg:$0x14] =	wrdreg s30  }
0x70c: {  	[dreg:$0x4] =	wrdreg s25  }
0x70d: {  	s30 =	sld [smem:$0x7FD]  }
.Ltmp58:
0x70e: {  	vm0 =	vmmov vm1;
	vm1 =	vmmov vm2;
	vm2 =	vmmov vm3;
	s11 =	sld [smem:$0x760];
	(pc) =	sbr.rel .LBB2_41-.Ltmp58, $4  }
0x70f: {  	vm3 =	vmmov vm4;
	vm4 =	vmmov vm5;
	vm5 =	vmmov vm6;
	s19 =	sld [smem:$0x761]  }
0x710: {  	s0 =	simm.s32 $0x10;
	vm6 =	vmmov vm7;
	vm7 =	vmmov vm8;
	vm8 =	vmmov vm9;
	s13 =	sld [smem:$0x75C]  }
0x711: {  	s24 =	smov.u32 s20;
	s28 =	simm.s32 $0x1388;
	vm9 =	vmmov vm10;
	vm10 =	vmmov vm11;
	vm11 =	vmmov vm12;
	[smem:$0x779] =	sst s0  }
0x712: {  	v30 =	vmovc v31;
	s31 =	simm.s32 $0x10;
	vm12 =	vmmov vm13;
	vm13 =	vmmov vm14;
	vm14 =	vcmask $0x3B38;
	s25 =	simm.s32 $0x1388;
	[dreg:$0x10] =	wrdreg s28  }
.LBB2_65:
0x713: {  	_ =	sfence.sel $0x180000  }
0x714: {  	[bflag:$0x0] =	sbarrier.arrive $0xFFFF  }
0x715: {  	_ =	strace $0x90000047  }
0x716: {  	s0 =	stileid.u32;
	[bflag:$0x2] =	sbarrier.arrive $0xFFFF  }
0x717: {  	p0 =	sne.s32 s0, $0x0;
	s0 =	rddreg [dreg:$0x2]  }
0x718: {  	s0 =	sadd.s32 @!p0 $0x100000, s0  }
0x719: {  	[sflag:s0] =	ssyncadd.tile.s32 @!p0 $0x1;
	_ =	shalt  }
.Lfunc_end2:
_tile_overlayer_lowered:
.L_overlay_start_2:
0x71a: {  	(tag) =	ssettag $0x2  }
0x71b: {  	s0 =	rddreg [dreg:$0x0];
	s2 =	stileid.u32  }
0x71c: {  	s1 =	rddreg [dreg:$0x1];
	p0 =	sne.s32 s2, $0x0  }
0x71d: {  	s3 =	rddreg [dreg:$0x2];
	[bflag:$0x3] =	sbarrier.arrive $0xFFFF;
	s2 =	simm.s32 @!p0 $0x1C02  }
0x71e: {  	[timem:s3], [sflag:s2] =	dma.local @!p0 [hbm:s0], s1  }
0x71f: {  	s0 =	simm.s32 @!p0 $0x2  }
0x720: {  	_ =	swait.ge @!p0 [sflag:s0], s1  }
0x721: {  	s1 =	ssub.s32 @!p0 $0x0, s1;
	[sflag:s0] =	ssyncset.done @!p0 $0x0  }
0x722: {  	[sflag:s0] =	ssyncadd.s32 @!p0 s1  }
0x723: {  	[bflag:$0x3] =	sbarrier.arrive $0xFFFF  }
0x724: {  	_ =	shalt  }

</sc_bundles>
